<compile_context>
chip_gen: v7x
topology: tpu7x:2x2x1
jax: 0.10.2.dev20260603
libtpu: 0.0.44.dev20260713+nightly
codegen_flags: <defaults>
</compile_context>

<pallas_src>
import functools

import jax
import jax.numpy as jnp
from jax import lax
from jax.experimental import pallas as pl
from jax.experimental.pallas import tpu as pltpu
from jax.experimental.pallas import tpu_sc as plsc

_N = 10000
_NP = 10240
_E = 160000
_D = 256

_NC = 2
_NS = 16
_DH = _D // 2
_CH = 80
_EPT = _E // _NS
_NCH = _EPT // _CH
_RPT = _NP // _NS
_ZR = 16
_VL = 16


@functools.partial(
    pl.kernel,
    out_type=(
        jax.ShapeDtypeStruct((_NC, _NP, _DH), jnp.float32),
        jax.ShapeDtypeStruct((_NP,), jnp.float32),
    ),
    mesh=plsc.VectorSubcoreMesh(core_axis_name="c", subcore_axis_name="s"),
    scratch_types=[
        pltpu.VMEM((_CH,), jnp.int32),
        pltpu.VMEM((_CH // 2,), jnp.int32),
        pltpu.VMEM((_CH // 2,), jnp.int32),
        pltpu.VMEM((_CH,), jnp.int32),
        pltpu.VMEM((_CH // 2,), jnp.int32),
        pltpu.VMEM((_CH // 2,), jnp.int32),
        pltpu.VMEM((_CH, _DH), jnp.float32),
        pltpu.VMEM((_CH, _DH), jnp.float32),
        pltpu.VMEM((_CH, _DH), jnp.float32),
        pltpu.VMEM((_CH, _DH), jnp.float32),
        pltpu.VMEM((_CH // 2,), jnp.float32),
        pltpu.VMEM((_ZR, _DH), jnp.float32),
        pltpu.VMEM((_RPT,), jnp.float32),
        pltpu.VMEM_SHARED((_NP, _DH), jnp.float32),
        pltpu.VMEM_SHARED((_NP,), jnp.float32),
        pltpu.SemaphoreType.DMA,
        pltpu.SemaphoreType.DMA,
        pltpu.SemaphoreType.DMA,
        pltpu.SemaphoreType.DMA,
        pltpu.SemaphoreType.DMA,
        pltpu.SemaphoreType.DMA,
        pltpu.SemaphoreType.DMA,
        pltpu.SemaphoreType.DMA,
    ],
)
def _sc_aggregate(xs_hbm, src_hbm, dst_hbm, ea_hbm,
                  msg_hbm, inv_hbm,
                  src_v0, dlo_v0, dhi_v0, src_v1, dlo_v1, dhi_v1,
                  xj_v0, ea_v0, xj_v1, ea_v1,
                  ones_v, zb_v, cnt_v,
                  acc_s, cnt_s,
                  sem_i0, sem_i1, sem_g0, sem_g1, sem_e0, sem_e1,
                  sem_s, sem_z):
    c = lax.axis_index("c")
    s = lax.axis_index("s")

    zero16 = jnp.zeros((_VL,), jnp.float32)
    one16 = jnp.full((_VL,), 1.0, jnp.float32)

    def fill_zb(i, _):
        r = i // (_DH // _VL)
        o = (i % (_DH // _VL)) * _VL
        zb_v[r, pl.ds(o, _VL)] = zero16
        return 0
    lax.fori_loop(0, _ZR * (_DH // _VL), fill_zb, 0)

    ones_v[pl.ds(0, _VL)] = one16
    ones_v[pl.ds(_VL, _VL)] = one16
    ones_v[pl.ds(_CH // 2 - _VL, _VL)] = one16

    row0 = s * _RPT
    zcps = []
    for q in range(_RPT // _ZR):
        zcps.append(pltpu.async_copy(
            zb_v, acc_s.at[pl.ds(row0 + q * _ZR, _ZR), :], sem_z))
    for q in range(_RPT // _DH):
        zcps.append(pltpu.async_copy(
            zb_v.at[0], cnt_s.at[pl.ds(row0 + q * _DH, _DH)], sem_z))
    for cp in zcps:
        cp.wait()

    plsc.subcore_barrier()

    ebase = s * _EPT
    bufs = (
        (src_v0, dlo_v0, xj_v0, ea_v0, sem_i0, sem_g0, sem_e0, dhi_v0),
        (src_v1, dlo_v1, xj_v1, ea_v1, sem_i1, sem_g1, sem_e1, dhi_v1),
    )
    _HC = _CH // 2

    def issue_idx(k, b):
        eb = ebase + k * _CH
        pltpu.async_copy(src_hbm.at[pl.ds(eb, _CH)], b[0], b[4])
        pltpu.async_copy(dst_hbm.at[pl.ds(eb, _HC)], b[1], b[4])
        pltpu.async_copy(dst_hbm.at[pl.ds(eb + _HC, _HC)], b[7], b[4])

    def wait_idx(b):
        pltpu.make_async_copy(src_hbm.at[pl.ds(0, _CH)], b[0], b[4]).wait()
        pltpu.make_async_copy(dst_hbm.at[pl.ds(0, _HC)], b[1], b[4]).wait()
        pltpu.make_async_copy(dst_hbm.at[pl.ds(0, _HC)], b[7], b[4]).wait()

    def issue_ge(k, b):
        eb = ebase + k * _CH
        pltpu.async_copy(xs_hbm.at[c].at[b[0]], b[2], b[5])
        pltpu.async_copy(ea_hbm.at[pl.ds(eb, _CH), pl.ds(c * _DH, _DH)],
                         b[3], b[6])

    def wait_ge(b):
        pltpu.make_async_copy(xs_hbm.at[c].at[b[0]], b[2], b[5]).wait()
        pltpu.make_async_copy(ea_hbm.at[pl.ds(0, _CH), pl.ds(0, _DH)],
                              b[3], b[6]).wait()

    def chunk_step(k, p):
        b = bufs[p]
        bn = bufs[1 - p]

        @pl.when(k + 1 < _NCH)
        def _():
            wait_idx(bn)
            issue_ge(k + 1, bn)

        wait_ge(b)

        xj_v, ea_v = b[2], b[3]

        def crow(r, _):
            for j in range(_DH // _VL):
                o = j * _VL
                v = xj_v[r, pl.ds(o, _VL)] + ea_v[r, pl.ds(o, _VL)]
                xj_v[r, pl.ds(o, _VL)] = v / (1.0 + jnp.exp(-v))
            return 0
        lax.fori_loop(0, _HC, crow, 0)

        s1 = pltpu.async_copy(xj_v.at[pl.ds(0, _HC), :], acc_s.at[b[1]],
                              sem_s, add=True)
        s2 = pltpu.async_copy(ones_v, cnt_s.at[b[1]], sem_s, add=True)

        lax.fori_loop(_HC, _CH, crow, 0)

        s1.wait()
        s2.wait()
        s3 = pltpu.async_copy(xj_v.at[pl.ds(_HC, _HC), :], acc_s.at[b[7]],
                              sem_s, add=True)
        s4 = pltpu.async_copy(ones_v, cnt_s.at[b[7]], sem_s, add=True)
        s3.wait()
        s4.wait()

        @pl.when(k + 2 < _NCH)
        def _():
            issue_idx(k + 2, b)

    pltpu.sync_copy(src_hbm.at[pl.ds(ebase, _CH)], src_v0)
    pltpu.sync_copy(dst_hbm.at[pl.ds(ebase, _HC)], dlo_v0)
    pltpu.sync_copy(dst_hbm.at[pl.ds(ebase + _HC, _HC)], dhi_v0)
    issue_ge(0, bufs[0])
    issue_idx(1, bufs[1])

    def pair(j, _):
        chunk_step(2 * j, 0)
        chunk_step(2 * j + 1, 1)
        return 0
    lax.fori_loop(0, (_NCH - 1) // 2, pair, 0)
    chunk_step(_NCH - 1, 0)

    plsc.subcore_barrier()

    pltpu.sync_copy(acc_s.at[pl.ds(row0, _RPT), :],
                    msg_hbm.at[c, pl.ds(row0, _RPT), :])

    @pl.when(c == 0)
    def _():
        pltpu.sync_copy(cnt_s.at[pl.ds(row0, _RPT)], cnt_v)

        def recip(i, _):
            o = i * _VL
            v = cnt_v[pl.ds(o, _VL)]
            cnt_v[pl.ds(o, _VL)] = 1.0 / jnp.maximum(v, 1.0)
            return 0
        lax.fori_loop(0, _RPT // _VL, recip, 0)

        pltpu.sync_copy(cnt_v, inv_hbm.at[pl.ds(row0, _RPT)])


def _tc_body(x_ref, m0_ref, m1_ref, inv_ref, w1_ref, b1_ref, w2_ref, b2_ref,
             o_ref):
    x = x_ref[...]
    aggr = jnp.concatenate([m0_ref[...], m1_ref[...]], axis=1) * inv_ref[...]
    z = x + aggr
    h = jnp.dot(z, w1_ref[...], preferred_element_type=jnp.float32) + b1_ref[...]
    h = h / (1.0 + jnp.exp(-h))
    h = jnp.dot(h, w2_ref[...], preferred_element_type=jnp.float32) + b2_ref[...]
    o_ref[...] = x + h


_TB = 1000


def _tc_update(x, m0, m1, inv, W1, b1, W2, b2):
    grid = (_N // _TB,)
    return pl.pallas_call(
        _tc_body,
        grid=grid,
        in_specs=[
            pl.BlockSpec((_TB, _D), lambda i: (i, 0)),
            pl.BlockSpec((_TB, _DH), lambda i: (i, 0)),
            pl.BlockSpec((_TB, _DH), lambda i: (i, 0)),
            pl.BlockSpec((_TB, 1), lambda i: (i, 0)),
            pl.BlockSpec((_D, _D), lambda i: (0, 0)),
            pl.BlockSpec((1, _D), lambda i: (0, 0)),
            pl.BlockSpec((_D, _D), lambda i: (0, 0)),
            pl.BlockSpec((1, _D), lambda i: (0, 0)),
        ],
        out_specs=pl.BlockSpec((_TB, _D), lambda i: (i, 0)),
        out_shape=jax.ShapeDtypeStruct((_N, _D), jnp.float32),
    )(x, m0, m1, inv, W1, b1, W2, b2)


def kernel(x, edge_index, edge_attr, ln_scale, ln_bias, W1, b1, W2, b2):
    xs = jnp.transpose(x.reshape(_N, _NC, _DH), (1, 0, 2))
    src = edge_index[0]
    dst = edge_index[1]
    msg, inv = _sc_aggregate(xs, src, dst, edge_attr)
    return _tc_update(x, msg[0], msg[1], inv[:_N, None],
                      W1, b1.reshape(1, _D), W2, b2.reshape(1, _D))

# --- scband reference (transcript-rebuilt; emitter-appended) ---
"""Pipeline reference for scband-ginblock-10428180595294 (READ-ONLY COPY).

The authoritative reference and input builder live on the scoring server;
editing this copy changes nothing except your own understanding.
"""

import jax, jax.numpy as jnp
import numpy as np

N = 10000
E = 160000
D = 256

def setup_inputs(seed: int = 0) -> dict:
    key = jax.random.key(seed)
    ks = jax.random.split(key, 8)
    x = jax.random.normal(ks[0], (N, D), dtype=jnp.float32)
    edge_index = jax.random.randint(ks[1], (2, E), 0, N, dtype=jnp.int32)
    edge_attr = jax.random.normal(ks[2], (E, D), dtype=jnp.float32)
    ln_scale = jnp.ones((D,), dtype=jnp.float32)
    ln_bias = jnp.zeros((D,), dtype=jnp.float32)
    W1 = jax.random.normal(ks[3], (D, D), dtype=jnp.float32) * 0.05
    b1 = jnp.zeros((D,), dtype=jnp.float32)
    W2 = jax.random.normal(ks[4], (D, D), dtype=jnp.float32) * 0.05
    b2 = jnp.zeros((D,), dtype=jnp.float32)
    return {"x": x, "edge_index": edge_index, "edge_attr": edge_attr,
            "ln_scale": ln_scale, "ln_bias": ln_bias,
            "W1": W1, "b1": b1, "W2": W2, "b2": b2}

def _mlp(z, W1, b1, W2, b2):
    # MLP(hidden_dim, [hidden_dim, hidden_dim]) with activate_final=False:
    # linear -> silu -> linear
    z = jax.nn.silu(z @ W1 + b1)
    z = z @ W2 + b2
    return z

def reference(x, edge_index, edge_attr, ln_scale, ln_bias, W1, b1, W2, b2):
    # h = self.ln(x)  -- computed in the original forward but immediately
    # overwritten by the conv output (dead code); reproduced faithfully.
    mu = jnp.mean(x, axis=-1, keepdims=True)
    var = jnp.mean((x - mu) ** 2, axis=-1, keepdims=True)
    _h_ln = (x - mu) / jnp.sqrt(var + 1e-6) * ln_scale + ln_bias

    # GINEConv with aggr='mean', flow='source_to_target':
    # x_j = x[src], message = silu(x_j + edge_attr), mean over dst
    src = edge_index[0]
    dst = edge_index[1]
    x_j = jnp.take(x, src, axis=0)
    msg = jax.nn.silu(x_j + edge_attr)
    msg_sum = jax.ops.segment_sum(msg, dst, num_segments=N)
    cnt = jax.ops.segment_sum(jnp.ones((E, 1), dtype=x.dtype), dst, num_segments=N)
    aggr_out = msg_sum / jnp.maximum(cnt, 1.0)

    # update: out = nn(x + aggr_out)
    h = _mlp(x + aggr_out, W1, b1, W2, b2)

    # residual
    return x + h

if __name__ == "__main__":
    import jax
    _d = setup_inputs()
    print(jax.jit(kernel)(*tuple(_d.values())))

</pallas_src>

<mosaic_0001>
#map = affine_map<(d0, d1) -> (0, 0, 0)>
#map1 = affine_map<(d0, d1) -> (0)>
#map2 = affine_map<(d0, d1) -> (0, 0)>
module attributes {stable_mosaic.version = 14 : i64} {
  func.func @_sc_aggregate(%arg0: i32, %arg1: i32, %arg2: memref<2x10000x128xf32, #tpu.memory_space<hbm>>, %arg3: memref<160000xi32, #tpu.memory_space<hbm>>, %arg4: memref<160000xi32, #tpu.memory_space<hbm>>, %arg5: memref<160000x256xf32, #tpu.memory_space<hbm>>, %arg6: memref<2x10240x128xf32, #tpu.memory_space<hbm>>, %arg7: memref<10240xf32, #tpu.memory_space<hbm>>, %arg8: memref<80xi32, #tpu.memory_space<vmem>>, %arg9: memref<40xi32, #tpu.memory_space<vmem>>, %arg10: memref<40xi32, #tpu.memory_space<vmem>>, %arg11: memref<80xi32, #tpu.memory_space<vmem>>, %arg12: memref<40xi32, #tpu.memory_space<vmem>>, %arg13: memref<40xi32, #tpu.memory_space<vmem>>, %arg14: memref<80x128xf32, #tpu.memory_space<vmem>>, %arg15: memref<80x128xf32, #tpu.memory_space<vmem>>, %arg16: memref<80x128xf32, #tpu.memory_space<vmem>>, %arg17: memref<80x128xf32, #tpu.memory_space<vmem>>, %arg18: memref<40xf32, #tpu.memory_space<vmem>>, %arg19: memref<16x128xf32, #tpu.memory_space<vmem>>, %arg20: memref<640xf32, #tpu.memory_space<vmem>>, %arg21: memref<10240x128xf32, #tpu.memory_space<vmem_shared>>, %arg22: memref<10240xf32, #tpu.memory_space<vmem_shared>>, %arg23: memref<!tpu.dma_semaphore, #tpu.memory_space<semaphore_mem>>, %arg24: memref<!tpu.dma_semaphore, #tpu.memory_space<semaphore_mem>>, %arg25: memref<!tpu.dma_semaphore, #tpu.memory_space<semaphore_mem>>, %arg26: memref<!tpu.dma_semaphore, #tpu.memory_space<semaphore_mem>>, %arg27: memref<!tpu.dma_semaphore, #tpu.memory_space<semaphore_mem>>, %arg28: memref<!tpu.dma_semaphore, #tpu.memory_space<semaphore_mem>>, %arg29: memref<!tpu.dma_semaphore, #tpu.memory_space<semaphore_mem>>, %arg30: memref<!tpu.dma_semaphore, #tpu.memory_space<semaphore_mem>>) attributes {dimension_semantics = [#tpu.dimension_semantics<core_parallel>, #tpu.dimension_semantics<subcore_parallel>], iteration_bounds = array<i64: 2, 16>, scalar_prefetch = 0 : i64, scratch_operands = 23 : i64, tpu.core_type = #tpu.core_type<sc_vector_subcore>, window_params = [{transform_indices = #map}, {transform_indices = #map1}, {transform_indices = #map1}, {transform_indices = #map2}, {transform_indices = #map}, {transform_indices = #map1}]} {
    %broadcast_in_dim3A = arith.constant 0.000000e+00 : f32
    %broadcast_in_dim3A_0 = vector.broadcast %broadcast_in_dim3A : f32 to vector<16xf32>
    %broadcast_in_dim3A_1 = arith.constant 1.000000e+00 : f32
    %broadcast_in_dim3A_2 = vector.broadcast %broadcast_in_dim3A_1 : f32 to vector<16xf32>
    %scan3A = arith.constant 0 : i32
    %scan3A_3 = arith.constant 0 : i32
    %scan3A_4 = arith.constant 128 : i32
    %scan3A_5 = arith.addi %scan3A_3, %scan3A_4 : i32
    %scan3A_6 = arith.constant 1 : i32
    %scan3A_7 = scf.for %scan3A_614 = %scan3A_3 to %scan3A_5 step %scan3A_6 iter_args(%scan3A_615 = %scan3A) -> (i32)  : i32 {
      %jit3A = arith.constant 8 : i32
      %div3A = arith.divsi %scan3A_614, %jit3A : i32
      %sign3A = arith.constant 0 : i32
      %sign3A_616 = arith.cmpi sgt, %scan3A_614, %sign3A : i32
      %sign3A_617 = arith.extui %sign3A_616 : i1 to i32
      %sign3A_618 = arith.constant 0 : i32
      %sign3A_619 = arith.cmpi slt, %scan3A_614, %sign3A_618 : i32
      %sign3A_620 = arith.extui %sign3A_619 : i1 to i32
      %sign3A_621 = arith.subi %sign3A_617, %sign3A_620 : i32
      %sign3A_622 = arith.constant 0 : i32
      %sign3A_623 = arith.cmpi sgt, %jit3A, %sign3A_622 : i32
      %sign3A_624 = arith.extui %sign3A_623 : i1 to i32
      %sign3A_625 = arith.constant 0 : i32
      %sign3A_626 = arith.cmpi slt, %jit3A, %sign3A_625 : i32
      %sign3A_627 = arith.extui %sign3A_626 : i1 to i32
      %sign3A_628 = arith.subi %sign3A_624, %sign3A_627 : i32
      %ne3A = arith.cmpi ne, %sign3A_621, %sign3A_628 : i32
      %rem3A = arith.remsi %scan3A_614, %jit3A : i32
      %ne3A_629 = arith.constant 0 : i32
      %ne3A_630 = arith.cmpi ne, %rem3A, %ne3A_629 : i32
      %and3A = arith.andi %ne3A, %ne3A_630 : i1
      %sub3A = arith.constant 1 : i32
      %sub3A_631 = arith.subi %div3A, %sub3A : i32
      %select_n3A = arith.select %and3A, %sub3A_631, %div3A : i32
      %jit3A_632 = arith.constant 8 : i32
      %eq3A_633 = arith.constant 0 : i32
      %eq3A_634 = arith.cmpi eq, %jit3A_632, %eq3A_633 : i32
      %jit3A_635 = arith.constant 1 : i32
      %select_n3A_636 = arith.select %eq3A_634, %jit3A_635, %jit3A_632 : i32
      %rem3A_637 = arith.remsi %scan3A_614, %select_n3A_636 : i32
      %ne3A_638 = arith.constant 0 : i32
      %ne3A_639 = arith.cmpi ne, %rem3A_637, %ne3A_638 : i32
      %lt3A = arith.constant 0 : i32
      %lt3A_640 = arith.cmpi slt, %rem3A_637, %lt3A : i32
      %lt3A_641 = arith.constant 0 : i32
      %lt3A_642 = arith.cmpi slt, %select_n3A_636, %lt3A_641 : i32
      %ne3A_643 = arith.xori %lt3A_640, %lt3A_642 : i1
      %and3A_644 = arith.andi %ne3A_643, %ne3A_639 : i1
      %add3A_645 = arith.addi %rem3A_637, %select_n3A_636 : i32
      %select_n3A_646 = arith.select %and3A_644, %add3A_645, %rem3A_637 : i32
      %mul3A_647 = arith.constant 16 : i32
      %mul3A_648 = arith.muli %select_n3A_646, %mul3A_647 : i32
      %swap3A_649 = arith.index_cast %select_n3A : i32 to index
      %swap3A_650 = arith.index_cast %mul3A_648 : i32 to index
      %swap3A_651 = tpu.vector_load %arg19[%swap3A_649, %swap3A_650] {strides = array<i32>} : memref<16x128xf32, #tpu.memory_space<vmem>>, vector<1x16xf32>,
      %swap3A_652 = vector.shape_cast %swap3A_651 : vector<1x16xf32> to vector<16xf32>
      %swap3A_653 = vector.shape_cast %broadcast_in_dim3A_0 : vector<16xf32> to vector<1x16xf32>
      tpu.vector_store %arg19[%swap3A_649, %swap3A_650], %swap3A_653 {strides = array<i32>} : memref<16x128xf32, #tpu.memory_space<vmem>>, vector<1x16xf32>,
      %scan3A_654 = arith.constant 0 : i32
      scf.yield %scan3A_654 : i32
    }
    %scan3A_8 = arith.constant 128 : i32
    %swap3A = arith.constant 0 : index
    %swap3A_9 = tpu.vector_load %arg18[%swap3A] {strides = array<i32>} : memref<40xf32, #tpu.memory_space<vmem>>, vector<16xf32>,
    %swap3A_10 = vector.shape_cast %swap3A_9 : vector<16xf32> to vector<16xf32>
    %swap3A_11 = vector.shape_cast %broadcast_in_dim3A_2 : vector<16xf32> to vector<16xf32>
    tpu.vector_store %arg18[%swap3A], %swap3A_11 {strides = array<i32>} : memref<40xf32, #tpu.memory_space<vmem>>, vector<16xf32>,
    %swap3A_12 = arith.constant 16 : index
    %swap3A_13 = tpu.vector_load %arg18[%swap3A_12] {strides = array<i32>} : memref<40xf32, #tpu.memory_space<vmem>>, vector<16xf32>,
    %swap3A_14 = vector.shape_cast %swap3A_13 : vector<16xf32> to vector<16xf32>
    %swap3A_15 = vector.shape_cast %broadcast_in_dim3A_2 : vector<16xf32> to vector<16xf32>
    tpu.vector_store %arg18[%swap3A_12], %swap3A_15 {strides = array<i32>} : memref<40xf32, #tpu.memory_space<vmem>>, vector<16xf32>,
    %swap3A_16 = arith.constant 24 : index
    %swap3A_17 = tpu.vector_load %arg18[%swap3A_16] {strides = array<i32>} : memref<40xf32, #tpu.memory_space<vmem>>, vector<16xf32>,
    %swap3A_18 = vector.shape_cast %swap3A_17 : vector<16xf32> to vector<16xf32>
    %swap3A_19 = vector.shape_cast %broadcast_in_dim3A_2 : vector<16xf32> to vector<16xf32>
    tpu.vector_store %arg18[%swap3A_16], %swap3A_19 {strides = array<i32>} : memref<40xf32, #tpu.memory_space<vmem>>, vector<16xf32>,
    %mul3A = arith.constant 640 : i32
    %mul3A_20 = arith.muli %arg1, %mul3A : i32
    %add3A = arith.constant 0 : i32
    %add3A_21 = arith.addi %mul3A_20, %add3A : i32
    %dma_start3A = arith.constant 0 : i32
    %dma_start3A_22 = tpu.memref_slice %arg21[%add3A_21, %dma_start3A] : memref<10240x128xf32, #tpu.memory_space<vmem_shared>> -> memref<16x128xf32, #tpu.memory_space<vmem_shared>>
    %dma_start3A_23 = arith.constant 0 : i32
    %dma_start3A_24 = tpu.memref_slice %arg21[%add3A_21, %dma_start3A_23] : memref<10240x128xf32, #tpu.memory_space<vmem_shared>> -> memref<16x128xf32, #tpu.memory_space<vmem_shared>>
    tpu.enqueue_dma source(%arg19 : memref<16x128xf32, #tpu.memory_space<vmem>>) target(%dma_start3A_24 : memref<16x128xf32, #tpu.memory_space<vmem_shared>>) target_semaphore(%arg30 : memref<!tpu.dma_semaphore, #tpu.memory_space<semaphore_mem>>)
    %add3A_25 = arith.constant 16 : i32
    %add3A_26 = arith.addi %mul3A_20, %add3A_25 : i32
    %dma_start3A_27 = arith.constant 0 : i32
    %dma_start3A_28 = tpu.memref_slice %arg21[%add3A_26, %dma_start3A_27] : memref<10240x128xf32, #tpu.memory_space<vmem_shared>> -> memref<16x128xf32, #tpu.memory_space<vmem_shared>>
    %dma_start3A_29 = arith.constant 0 : i32
    %dma_start3A_30 = tpu.memref_slice %arg21[%add3A_26, %dma_start3A_29] : memref<10240x128xf32, #tpu.memory_space<vmem_shared>> -> memref<16x128xf32, #tpu.memory_space<vmem_shared>>
    tpu.enqueue_dma source(%arg19 : memref<16x128xf32, #tpu.memory_space<vmem>>) target(%dma_start3A_30 : memref<16x128xf32, #tpu.memory_space<vmem_shared>>) target_semaphore(%arg30 : memref<!tpu.dma_semaphore, #tpu.memory_space<semaphore_mem>>)
    %add3A_31 = arith.constant 32 : i32
    %add3A_32 = arith.addi %mul3A_20, %add3A_31 : i32
    %dma_start3A_33 = arith.constant 0 : i32
    %dma_start3A_34 = tpu.memref_slice %arg21[%add3A_32, %dma_start3A_33] : memref<10240x128xf32, #tpu.memory_space<vmem_shared>> -> memref<16x128xf32, #tpu.memory_space<vmem_shared>>
    %dma_start3A_35 = arith.constant 0 : i32
    %dma_start3A_36 = tpu.memref_slice %arg21[%add3A_32, %dma_start3A_35] : memref<10240x128xf32, #tpu.memory_space<vmem_shared>> -> memref<16x128xf32, #tpu.memory_space<vmem_shared>>
    tpu.enqueue_dma source(%arg19 : memref<16x128xf32, #tpu.memory_space<vmem>>) target(%dma_start3A_36 : memref<16x128xf32, #tpu.memory_space<vmem_shared>>) target_semaphore(%arg30 : memref<!tpu.dma_semaphore, #tpu.memory_space<semaphore_mem>>)
    %add3A_37 = arith.constant 48 : i32
    %add3A_38 = arith.addi %mul3A_20, %add3A_37 : i32
    %dma_start3A_39 = arith.constant 0 : i32
    %dma_start3A_40 = tpu.memref_slice %arg21[%add3A_38, %dma_start3A_39] : memref<10240x128xf32, #tpu.memory_space<vmem_shared>> -> memref<16x128xf32, #tpu.memory_space<vmem_shared>>
    %dma_start3A_41 = arith.constant 0 : i32
    %dma_start3A_42 = tpu.memref_slice %arg21[%add3A_38, %dma_start3A_41] : memref<10240x128xf32, #tpu.memory_space<vmem_shared>> -> memref<16x128xf32, #tpu.memory_space<vmem_shared>>
    tpu.enqueue_dma source(%arg19 : memref<16x128xf32, #tpu.memory_space<vmem>>) target(%dma_start3A_42 : memref<16x128xf32, #tpu.memory_space<vmem_shared>>) target_semaphore(%arg30 : memref<!tpu.dma_semaphore, #tpu.memory_space<semaphore_mem>>)
    %add3A_43 = arith.constant 64 : i32
    %add3A_44 = arith.addi %mul3A_20, %add3A_43 : i32
    %dma_start3A_45 = arith.constant 0 : i32
    %dma_start3A_46 = tpu.memref_slice %arg21[%add3A_44, %dma_start3A_45] : memref<10240x128xf32, #tpu.memory_space<vmem_shared>> -> memref<16x128xf32, #tpu.memory_space<vmem_shared>>
    %dma_start3A_47 = arith.constant 0 : i32
    %dma_start3A_48 = tpu.memref_slice %arg21[%add3A_44, %dma_start3A_47] : memref<10240x128xf32, #tpu.memory_space<vmem_shared>> -> memref<16x128xf32, #tpu.memory_space<vmem_shared>>
    tpu.enqueue_dma source(%arg19 : memref<16x128xf32, #tpu.memory_space<vmem>>) target(%dma_start3A_48 : memref<16x128xf32, #tpu.memory_space<vmem_shared>>) target_semaphore(%arg30 : memref<!tpu.dma_semaphore, #tpu.memory_space<semaphore_mem>>)
    %add3A_49 = arith.constant 80 : i32
    %add3A_50 = arith.addi %mul3A_20, %add3A_49 : i32
    %dma_start3A_51 = arith.constant 0 : i32
    %dma_start3A_52 = tpu.memref_slice %arg21[%add3A_50, %dma_start3A_51] : memref<10240x128xf32, #tpu.memory_space<vmem_shared>> -> memref<16x128xf32, #tpu.memory_space<vmem_shared>>
    %dma_start3A_53 = arith.constant 0 : i32
    %dma_start3A_54 = tpu.memref_slice %arg21[%add3A_50, %dma_start3A_53] : memref<10240x128xf32, #tpu.memory_space<vmem_shared>> -> memref<16x128xf32, #tpu.memory_space<vmem_shared>>
    tpu.enqueue_dma source(%arg19 : memref<16x128xf32, #tpu.memory_space<vmem>>) target(%dma_start3A_54 : memref<16x128xf32, #tpu.memory_space<vmem_shared>>) target_semaphore(%arg30 : memref<!tpu.dma_semaphore, #tpu.memory_space<semaphore_mem>>)
    %add3A_55 = arith.constant 96 : i32
    %add3A_56 = arith.addi %mul3A_20, %add3A_55 : i32
    %dma_start3A_57 = arith.constant 0 : i32
    %dma_start3A_58 = tpu.memref_slice %arg21[%add3A_56, %dma_start3A_57] : memref<10240x128xf32, #tpu.memory_space<vmem_shared>> -> memref<16x128xf32, #tpu.memory_space<vmem_shared>>
    %dma_start3A_59 = arith.constant 0 : i32
    %dma_start3A_60 = tpu.memref_slice %arg21[%add3A_56, %dma_start3A_59] : memref<10240x128xf32, #tpu.memory_space<vmem_shared>> -> memref<16x128xf32, #tpu.memory_space<vmem_shared>>
    tpu.enqueue_dma source(%arg19 : memref<16x128xf32, #tpu.memory_space<vmem>>) target(%dma_start3A_60 : memref<16x128xf32, #tpu.memory_space<vmem_shared>>) target_semaphore(%arg30 : memref<!tpu.dma_semaphore, #tpu.memory_space<semaphore_mem>>)
    %add3A_61 = arith.constant 112 : i32
    %add3A_62 = arith.addi %mul3A_20, %add3A_61 : i32
    %dma_start3A_63 = arith.constant 0 : i32
    %dma_start3A_64 = tpu.memref_slice %arg21[%add3A_62, %dma_start3A_63] : memref<10240x128xf32, #tpu.memory_space<vmem_shared>> -> memref<16x128xf32, #tpu.memory_space<vmem_shared>>
    %dma_start3A_65 = arith.constant 0 : i32
    %dma_start3A_66 = tpu.memref_slice %arg21[%add3A_62, %dma_start3A_65] : memref<10240x128xf32, #tpu.memory_space<vmem_shared>> -> memref<16x128xf32, #tpu.memory_space<vmem_shared>>
    tpu.enqueue_dma source(%arg19 : memref<16x128xf32, #tpu.memory_space<vmem>>) target(%dma_start3A_66 : memref<16x128xf32, #tpu.memory_space<vmem_shared>>) target_semaphore(%arg30 : memref<!tpu.dma_semaphore, #tpu.memory_space<semaphore_mem>>)
    %add3A_67 = arith.constant 128 : i32
    %add3A_68 = arith.addi %mul3A_20, %add3A_67 : i32
    %dma_start3A_69 = arith.constant 0 : i32
    %dma_start3A_70 = tpu.memref_slice %arg21[%add3A_68, %dma_start3A_69] : memref<10240x128xf32, #tpu.memory_space<vmem_shared>> -> memref<16x128xf32, #tpu.memory_space<vmem_shared>>
    %dma_start3A_71 = arith.constant 0 : i32
    %dma_start3A_72 = tpu.memref_slice %arg21[%add3A_68, %dma_start3A_71] : memref<10240x128xf32, #tpu.memory_space<vmem_shared>> -> memref<16x128xf32, #tpu.memory_space<vmem_shared>>
    tpu.enqueue_dma source(%arg19 : memref<16x128xf32, #tpu.memory_space<vmem>>) target(%dma_start3A_72 : memref<16x128xf32, #tpu.memory_space<vmem_shared>>) target_semaphore(%arg30 : memref<!tpu.dma_semaphore, #tpu.memory_space<semaphore_mem>>)
    %add3A_73 = arith.constant 144 : i32
    %add3A_74 = arith.addi %mul3A_20, %add3A_73 : i32
    %dma_start3A_75 = arith.constant 0 : i32
    %dma_start3A_76 = tpu.memref_slice %arg21[%add3A_74, %dma_start3A_75] : memref<10240x128xf32, #tpu.memory_space<vmem_shared>> -> memref<16x128xf32, #tpu.memory_space<vmem_shared>>
    %dma_start3A_77 = arith.constant 0 : i32
    %dma_start3A_78 = tpu.memref_slice %arg21[%add3A_74, %dma_start3A_77] : memref<10240x128xf32, #tpu.memory_space<vmem_shared>> -> memref<16x128xf32, #tpu.memory_space<vmem_shared>>
    tpu.enqueue_dma source(%arg19 : memref<16x128xf32, #tpu.memory_space<vmem>>) target(%dma_start3A_78 : memref<16x128xf32, #tpu.memory_space<vmem_shared>>) target_semaphore(%arg30 : memref<!tpu.dma_semaphore, #tpu.memory_space<semaphore_mem>>)
    %add3A_79 = arith.constant 160 : i32
    %add3A_80 = arith.addi %mul3A_20, %add3A_79 : i32
    %dma_start3A_81 = arith.constant 0 : i32
    %dma_start3A_82 = tpu.memref_slice %arg21[%add3A_80, %dma_start3A_81] : memref<10240x128xf32, #tpu.memory_space<vmem_shared>> -> memref<16x128xf32, #tpu.memory_space<vmem_shared>>
    %dma_start3A_83 = arith.constant 0 : i32
    %dma_start3A_84 = tpu.memref_slice %arg21[%add3A_80, %dma_start3A_83] : memref<10240x128xf32, #tpu.memory_space<vmem_shared>> -> memref<16x128xf32, #tpu.memory_space<vmem_shared>>
    tpu.enqueue_dma source(%arg19 : memref<16x128xf32, #tpu.memory_space<vmem>>) target(%dma_start3A_84 : memref<16x128xf32, #tpu.memory_space<vmem_shared>>) target_semaphore(%arg30 : memref<!tpu.dma_semaphore, #tpu.memory_space<semaphore_mem>>)
    %add3A_85 = arith.constant 176 : i32
    %add3A_86 = arith.addi %mul3A_20, %add3A_85 : i32
    %dma_start3A_87 = arith.constant 0 : i32
    %dma_start3A_88 = tpu.memref_slice %arg21[%add3A_86, %dma_start3A_87] : memref<10240x128xf32, #tpu.memory_space<vmem_shared>> -> memref<16x128xf32, #tpu.memory_space<vmem_shared>>
    %dma_start3A_89 = arith.constant 0 : i32
    %dma_start3A_90 = tpu.memref_slice %arg21[%add3A_86, %dma_start3A_89] : memref<10240x128xf32, #tpu.memory_space<vmem_shared>> -> memref<16x128xf32, #tpu.memory_space<vmem_shared>>
    tpu.enqueue_dma source(%arg19 : memref<16x128xf32, #tpu.memory_space<vmem>>) target(%dma_start3A_90 : memref<16x128xf32, #tpu.memory_space<vmem_shared>>) target_semaphore(%arg30 : memref<!tpu.dma_semaphore, #tpu.memory_space<semaphore_mem>>)
    %add3A_91 = arith.constant 192 : i32
    %add3A_92 = arith.addi %mul3A_20, %add3A_91 : i32
    %dma_start3A_93 = arith.constant 0 : i32
    %dma_start3A_94 = tpu.memref_slice %arg21[%add3A_92, %dma_start3A_93] : memref<10240x128xf32, #tpu.memory_space<vmem_shared>> -> memref<16x128xf32, #tpu.memory_space<vmem_shared>>
    %dma_start3A_95 = arith.constant 0 : i32
    %dma_start3A_96 = tpu.memref_slice %arg21[%add3A_92, %dma_start3A_95] : memref<10240x128xf32, #tpu.memory_space<vmem_shared>> -> memref<16x128xf32, #tpu.memory_space<vmem_shared>>
    tpu.enqueue_dma source(%arg19 : memref<16x128xf32, #tpu.memory_space<vmem>>) target(%dma_start3A_96 : memref<16x128xf32, #tpu.memory_space<vmem_shared>>) target_semaphore(%arg30 : memref<!tpu.dma_semaphore, #tpu.memory_space<semaphore_mem>>)
    %add3A_97 = arith.constant 208 : i32
    %add3A_98 = arith.addi %mul3A_20, %add3A_97 : i32
    %dma_start3A_99 = arith.constant 0 : i32
    %dma_start3A_100 = tpu.memref_slice %arg21[%add3A_98, %dma_start3A_99] : memref<10240x128xf32, #tpu.memory_space<vmem_shared>> -> memref<16x128xf32, #tpu.memory_space<vmem_shared>>
    %dma_start3A_101 = arith.constant 0 : i32
    %dma_start3A_102 = tpu.memref_slice %arg21[%add3A_98, %dma_start3A_101] : memref<10240x128xf32, #tpu.memory_space<vmem_shared>> -> memref<16x128xf32, #tpu.memory_space<vmem_shared>>
    tpu.enqueue_dma source(%arg19 : memref<16x128xf32, #tpu.memory_space<vmem>>) target(%dma_start3A_102 : memref<16x128xf32, #tpu.memory_space<vmem_shared>>) target_semaphore(%arg30 : memref<!tpu.dma_semaphore, #tpu.memory_space<semaphore_mem>>)
    %add3A_103 = arith.constant 224 : i32
    %add3A_104 = arith.addi %mul3A_20, %add3A_103 : i32
    %dma_start3A_105 = arith.constant 0 : i32
    %dma_start3A_106 = tpu.memref_slice %arg21[%add3A_104, %dma_start3A_105] : memref<10240x128xf32, #tpu.memory_space<vmem_shared>> -> memref<16x128xf32, #tpu.memory_space<vmem_shared>>
    %dma_start3A_107 = arith.constant 0 : i32
    %dma_start3A_108 = tpu.memref_slice %arg21[%add3A_104, %dma_start3A_107] : memref<10240x128xf32, #tpu.memory_space<vmem_shared>> -> memref<16x128xf32, #tpu.memory_space<vmem_shared>>
    tpu.enqueue_dma source(%arg19 : memref<16x128xf32, #tpu.memory_space<vmem>>) target(%dma_start3A_108 : memref<16x128xf32, #tpu.memory_space<vmem_shared>>) target_semaphore(%arg30 : memref<!tpu.dma_semaphore, #tpu.memory_space<semaphore_mem>>)
    %add3A_109 = arith.constant 240 : i32
    %add3A_110 = arith.addi %mul3A_20, %add3A_109 : i32
    %dma_start3A_111 = arith.constant 0 : i32
    %dma_start3A_112 = tpu.memref_slice %arg21[%add3A_110, %dma_start3A_111] : memref<10240x128xf32, #tpu.memory_space<vmem_shared>> -> memref<16x128xf32, #tpu.memory_space<vmem_shared>>
    %dma_start3A_113 = arith.constant 0 : i32
    %dma_start3A_114 = tpu.memref_slice %arg21[%add3A_110, %dma_start3A_113] : memref<10240x128xf32, #tpu.memory_space<vmem_shared>> -> memref<16x128xf32, #tpu.memory_space<vmem_shared>>
    tpu.enqueue_dma source(%arg19 : memref<16x128xf32, #tpu.memory_space<vmem>>) target(%dma_start3A_114 : memref<16x128xf32, #tpu.memory_space<vmem_shared>>) target_semaphore(%arg30 : memref<!tpu.dma_semaphore, #tpu.memory_space<semaphore_mem>>)
    %add3A_115 = arith.constant 256 : i32
    %add3A_116 = arith.addi %mul3A_20, %add3A_115 : i32
    %dma_start3A_117 = arith.constant 0 : i32
    %dma_start3A_118 = tpu.memref_slice %arg21[%add3A_116, %dma_start3A_117] : memref<10240x128xf32, #tpu.memory_space<vmem_shared>> -> memref<16x128xf32, #tpu.memory_space<vmem_shared>>
    %dma_start3A_119 = arith.constant 0 : i32
    %dma_start3A_120 = tpu.memref_slice %arg21[%add3A_116, %dma_start3A_119] : memref<10240x128xf32, #tpu.memory_space<vmem_shared>> -> memref<16x128xf32, #tpu.memory_space<vmem_shared>>
    tpu.enqueue_dma source(%arg19 : memref<16x128xf32, #tpu.memory_space<vmem>>) target(%dma_start3A_120 : memref<16x128xf32, #tpu.memory_space<vmem_shared>>) target_semaphore(%arg30 : memref<!tpu.dma_semaphore, #tpu.memory_space<semaphore_mem>>)
    %add3A_121 = arith.constant 272 : i32
    %add3A_122 = arith.addi %mul3A_20, %add3A_121 : i32
    %dma_start3A_123 = arith.constant 0 : i32
    %dma_start3A_124 = tpu.memref_slice %arg21[%add3A_122, %dma_start3A_123] : memref<10240x128xf32, #tpu.memory_space<vmem_shared>> -> memref<16x128xf32, #tpu.memory_space<vmem_shared>>
    %dma_start3A_125 = arith.constant 0 : i32
    %dma_start3A_126 = tpu.memref_slice %arg21[%add3A_122, %dma_start3A_125] : memref<10240x128xf32, #tpu.memory_space<vmem_shared>> -> memref<16x128xf32, #tpu.memory_space<vmem_shared>>
    tpu.enqueue_dma source(%arg19 : memref<16x128xf32, #tpu.memory_space<vmem>>) target(%dma_start3A_126 : memref<16x128xf32, #tpu.memory_space<vmem_shared>>) target_semaphore(%arg30 : memref<!tpu.dma_semaphore, #tpu.memory_space<semaphore_mem>>)
    %add3A_127 = arith.constant 288 : i32
    %add3A_128 = arith.addi %mul3A_20, %add3A_127 : i32
    %dma_start3A_129 = arith.constant 0 : i32
    %dma_start3A_130 = tpu.memref_slice %arg21[%add3A_128, %dma_start3A_129] : memref<10240x128xf32, #tpu.memory_space<vmem_shared>> -> memref<16x128xf32, #tpu.memory_space<vmem_shared>>
    %dma_start3A_131 = arith.constant 0 : i32
    %dma_start3A_132 = tpu.memref_slice %arg21[%add3A_128, %dma_start3A_131] : memref<10240x128xf32, #tpu.memory_space<vmem_shared>> -> memref<16x128xf32, #tpu.memory_space<vmem_shared>>
    tpu.enqueue_dma source(%arg19 : memref<16x128xf32, #tpu.memory_space<vmem>>) target(%dma_start3A_132 : memref<16x128xf32, #tpu.memory_space<vmem_shared>>) target_semaphore(%arg30 : memref<!tpu.dma_semaphore, #tpu.memory_space<semaphore_mem>>)
    %add3A_133 = arith.constant 304 : i32
    %add3A_134 = arith.addi %mul3A_20, %add3A_133 : i32
    %dma_start3A_135 = arith.constant 0 : i32
    %dma_start3A_136 = tpu.memref_slice %arg21[%add3A_134, %dma_start3A_135] : memref<10240x128xf32, #tpu.memory_space<vmem_shared>> -> memref<16x128xf32, #tpu.memory_space<vmem_shared>>
    %dma_start3A_137 = arith.constant 0 : i32
    %dma_start3A_138 = tpu.memref_slice %arg21[%add3A_134, %dma_start3A_137] : memref<10240x128xf32, #tpu.memory_space<vmem_shared>> -> memref<16x128xf32, #tpu.memory_space<vmem_shared>>
    tpu.enqueue_dma source(%arg19 : memref<16x128xf32, #tpu.memory_space<vmem>>) target(%dma_start3A_138 : memref<16x128xf32, #tpu.memory_space<vmem_shared>>) target_semaphore(%arg30 : memref<!tpu.dma_semaphore, #tpu.memory_space<semaphore_mem>>)
    %add3A_139 = arith.constant 320 : i32
    %add3A_140 = arith.addi %mul3A_20, %add3A_139 : i32
    %dma_start3A_141 = arith.constant 0 : i32
    %dma_start3A_142 = tpu.memref_slice %arg21[%add3A_140, %dma_start3A_141] : memref<10240x128xf32, #tpu.memory_space<vmem_shared>> -> memref<16x128xf32, #tpu.memory_space<vmem_shared>>
    %dma_start3A_143 = arith.constant 0 : i32
    %dma_start3A_144 = tpu.memref_slice %arg21[%add3A_140, %dma_start3A_143] : memref<10240x128xf32, #tpu.memory_space<vmem_shared>> -> memref<16x128xf32, #tpu.memory_space<vmem_shared>>
    tpu.enqueue_dma source(%arg19 : memref<16x128xf32, #tpu.memory_space<vmem>>) target(%dma_start3A_144 : memref<16x128xf32, #tpu.memory_space<vmem_shared>>) target_semaphore(%arg30 : memref<!tpu.dma_semaphore, #tpu.memory_space<semaphore_mem>>)
    %add3A_145 = arith.constant 336 : i32
    %add3A_146 = arith.addi %mul3A_20, %add3A_145 : i32
    %dma_start3A_147 = arith.constant 0 : i32
    %dma_start3A_148 = tpu.memref_slice %arg21[%add3A_146, %dma_start3A_147] : memref<10240x128xf32, #tpu.memory_space<vmem_shared>> -> memref<16x128xf32, #tpu.memory_space<vmem_shared>>
    %dma_start3A_149 = arith.constant 0 : i32
    %dma_start3A_150 = tpu.memref_slice %arg21[%add3A_146, %dma_start3A_149] : memref<10240x128xf32, #tpu.memory_space<vmem_shared>> -> memref<16x128xf32, #tpu.memory_space<vmem_shared>>
    tpu.enqueue_dma source(%arg19 : memref<16x128xf32, #tpu.memory_space<vmem>>) target(%dma_start3A_150 : memref<16x128xf32, #tpu.memory_space<vmem_shared>>) target_semaphore(%arg30 : memref<!tpu.dma_semaphore, #tpu.memory_space<semaphore_mem>>)
    %add3A_151 = arith.constant 352 : i32
    %add3A_152 = arith.addi %mul3A_20, %add3A_151 : i32
    %dma_start3A_153 = arith.constant 0 : i32
    %dma_start3A_154 = tpu.memref_slice %arg21[%add3A_152, %dma_start3A_153] : memref<10240x128xf32, #tpu.memory_space<vmem_shared>> -> memref<16x128xf32, #tpu.memory_space<vmem_shared>>
    %dma_start3A_155 = arith.constant 0 : i32
    %dma_start3A_156 = tpu.memref_slice %arg21[%add3A_152, %dma_start3A_155] : memref<10240x128xf32, #tpu.memory_space<vmem_shared>> -> memref<16x128xf32, #tpu.memory_space<vmem_shared>>
    tpu.enqueue_dma source(%arg19 : memref<16x128xf32, #tpu.memory_space<vmem>>) target(%dma_start3A_156 : memref<16x128xf32, #tpu.memory_space<vmem_shared>>) target_semaphore(%arg30 : memref<!tpu.dma_semaphore, #tpu.memory_space<semaphore_mem>>)
    %add3A_157 = arith.constant 368 : i32
    %add3A_158 = arith.addi %mul3A_20, %add3A_157 : i32
    %dma_start3A_159 = arith.constant 0 : i32
    %dma_start3A_160 = tpu.memref_slice %arg21[%add3A_158, %dma_start3A_159] : memref<10240x128xf32, #tpu.memory_space<vmem_shared>> -> memref<16x128xf32, #tpu.memory_space<vmem_shared>>
    %dma_start3A_161 = arith.constant 0 : i32
    %dma_start3A_162 = tpu.memref_slice %arg21[%add3A_158, %dma_start3A_161] : memref<10240x128xf32, #tpu.memory_space<vmem_shared>> -> memref<16x128xf32, #tpu.memory_space<vmem_shared>>
    tpu.enqueue_dma source(%arg19 : memref<16x128xf32, #tpu.memory_space<vmem>>) target(%dma_start3A_162 : memref<16x128xf32, #tpu.memory_space<vmem_shared>>) target_semaphore(%arg30 : memref<!tpu.dma_semaphore, #tpu.memory_space<semaphore_mem>>)
    %add3A_163 = arith.constant 384 : i32
    %add3A_164 = arith.addi %mul3A_20, %add3A_163 : i32
    %dma_start3A_165 = arith.constant 0 : i32
    %dma_start3A_166 = tpu.memref_slice %arg21[%add3A_164, %dma_start3A_165] : memref<10240x128xf32, #tpu.memory_space<vmem_shared>> -> memref<16x128xf32, #tpu.memory_space<vmem_shared>>
    %dma_start3A_167 = arith.constant 0 : i32
    %dma_start3A_168 = tpu.memref_slice %arg21[%add3A_164, %dma_start3A_167] : memref<10240x128xf32, #tpu.memory_space<vmem_shared>> -> memref<16x128xf32, #tpu.memory_space<vmem_shared>>
    tpu.enqueue_dma source(%arg19 : memref<16x128xf32, #tpu.memory_space<vmem>>) target(%dma_start3A_168 : memref<16x128xf32, #tpu.memory_space<vmem_shared>>) target_semaphore(%arg30 : memref<!tpu.dma_semaphore, #tpu.memory_space<semaphore_mem>>)
    %add3A_169 = arith.constant 400 : i32
    %add3A_170 = arith.addi %mul3A_20, %add3A_169 : i32
    %dma_start3A_171 = arith.constant 0 : i32
    %dma_start3A_172 = tpu.memref_slice %arg21[%add3A_170, %dma_start3A_171] : memref<10240x128xf32, #tpu.memory_space<vmem_shared>> -> memref<16x128xf32, #tpu.memory_space<vmem_shared>>
    %dma_start3A_173 = arith.constant 0 : i32
    %dma_start3A_174 = tpu.memref_slice %arg21[%add3A_170, %dma_start3A_173] : memref<10240x128xf32, #tpu.memory_space<vmem_shared>> -> memref<16x128xf32, #tpu.memory_space<vmem_shared>>
    tpu.enqueue_dma source(%arg19 : memref<16x128xf32, #tpu.memory_space<vmem>>) target(%dma_start3A_174 : memref<16x128xf32, #tpu.memory_space<vmem_shared>>) target_semaphore(%arg30 : memref<!tpu.dma_semaphore, #tpu.memory_space<semaphore_mem>>)
    %add3A_175 = arith.constant 416 : i32
    %add3A_176 = arith.addi %mul3A_20, %add3A_175 : i32
    %dma_start3A_177 = arith.constant 0 : i32
    %dma_start3A_178 = tpu.memref_slice %arg21[%add3A_176, %dma_start3A_177] : memref<10240x128xf32, #tpu.memory_space<vmem_shared>> -> memref<16x128xf32, #tpu.memory_space<vmem_shared>>
    %dma_start3A_179 = arith.constant 0 : i32
    %dma_start3A_180 = tpu.memref_slice %arg21[%add3A_176, %dma_start3A_179] : memref<10240x128xf32, #tpu.memory_space<vmem_shared>> -> memref<16x128xf32, #tpu.memory_space<vmem_shared>>
    tpu.enqueue_dma source(%arg19 : memref<16x128xf32, #tpu.memory_space<vmem>>) target(%dma_start3A_180 : memref<16x128xf32, #tpu.memory_space<vmem_shared>>) target_semaphore(%arg30 : memref<!tpu.dma_semaphore, #tpu.memory_space<semaphore_mem>>)
    %add3A_181 = arith.constant 432 : i32
    %add3A_182 = arith.addi %mul3A_20, %add3A_181 : i32
    %dma_start3A_183 = arith.constant 0 : i32
    %dma_start3A_184 = tpu.memref_slice %arg21[%add3A_182, %dma_start3A_183] : memref<10240x128xf32, #tpu.memory_space<vmem_shared>> -> memref<16x128xf32, #tpu.memory_space<vmem_shared>>
    %dma_start3A_185 = arith.constant 0 : i32
    %dma_start3A_186 = tpu.memref_slice %arg21[%add3A_182, %dma_start3A_185] : memref<10240x128xf32, #tpu.memory_space<vmem_shared>> -> memref<16x128xf32, #tpu.memory_space<vmem_shared>>
    tpu.enqueue_dma source(%arg19 : memref<16x128xf32, #tpu.memory_space<vmem>>) target(%dma_start3A_186 : memref<16x128xf32, #tpu.memory_space<vmem_shared>>) target_semaphore(%arg30 : memref<!tpu.dma_semaphore, #tpu.memory_space<semaphore_mem>>)
    %add3A_187 = arith.constant 448 : i32
    %add3A_188 = arith.addi %mul3A_20, %add3A_187 : i32
    %dma_start3A_189 = arith.constant 0 : i32
    %dma_start3A_190 = tpu.memref_slice %arg21[%add3A_188, %dma_start3A_189] : memref<10240x128xf32, #tpu.memory_space<vmem_shared>> -> memref<16x128xf32, #tpu.memory_space<vmem_shared>>
    %dma_start3A_191 = arith.constant 0 : i32
    %dma_start3A_192 = tpu.memref_slice %arg21[%add3A_188, %dma_start3A_191] : memref<10240x128xf32, #tpu.memory_space<vmem_shared>> -> memref<16x128xf32, #tpu.memory_space<vmem_shared>>
    tpu.enqueue_dma source(%arg19 : memref<16x128xf32, #tpu.memory_space<vmem>>) target(%dma_start3A_192 : memref<16x128xf32, #tpu.memory_space<vmem_shared>>) target_semaphore(%arg30 : memref<!tpu.dma_semaphore, #tpu.memory_space<semaphore_mem>>)
    %add3A_193 = arith.constant 464 : i32
    %add3A_194 = arith.addi %mul3A_20, %add3A_193 : i32
    %dma_start3A_195 = arith.constant 0 : i32
    %dma_start3A_196 = tpu.memref_slice %arg21[%add3A_194, %dma_start3A_195] : memref<10240x128xf32, #tpu.memory_space<vmem_shared>> -> memref<16x128xf32, #tpu.memory_space<vmem_shared>>
    %dma_start3A_197 = arith.constant 0 : i32
    %dma_start3A_198 = tpu.memref_slice %arg21[%add3A_194, %dma_start3A_197] : memref<10240x128xf32, #tpu.memory_space<vmem_shared>> -> memref<16x128xf32, #tpu.memory_space<vmem_shared>>
    tpu.enqueue_dma source(%arg19 : memref<16x128xf32, #tpu.memory_space<vmem>>) target(%dma_start3A_198 : memref<16x128xf32, #tpu.memory_space<vmem_shared>>) target_semaphore(%arg30 : memref<!tpu.dma_semaphore, #tpu.memory_space<semaphore_mem>>)
    %add3A_199 = arith.constant 480 : i32
    %add3A_200 = arith.addi %mul3A_20, %add3A_199 : i32
    %dma_start3A_201 = arith.constant 0 : i32
    %dma_start3A_202 = tpu.memref_slice %arg21[%add3A_200, %dma_start3A_201] : memref<10240x128xf32, #tpu.memory_space<vmem_shared>> -> memref<16x128xf32, #tpu.memory_space<vmem_shared>>
    %dma_start3A_203 = arith.constant 0 : i32
    %dma_start3A_204 = tpu.memref_slice %arg21[%add3A_200, %dma_start3A_203] : memref<10240x128xf32, #tpu.memory_space<vmem_shared>> -> memref<16x128xf32, #tpu.memory_space<vmem_shared>>
    tpu.enqueue_dma source(%arg19 : memref<16x128xf32, #tpu.memory_space<vmem>>) target(%dma_start3A_204 : memref<16x128xf32, #tpu.memory_space<vmem_shared>>) target_semaphore(%arg30 : memref<!tpu.dma_semaphore, #tpu.memory_space<semaphore_mem>>)
    %add3A_205 = arith.constant 496 : i32
    %add3A_206 = arith.addi %mul3A_20, %add3A_205 : i32
    %dma_start3A_207 = arith.constant 0 : i32
    %dma_start3A_208 = tpu.memref_slice %arg21[%add3A_206, %dma_start3A_207] : memref<10240x128xf32, #tpu.memory_space<vmem_shared>> -> memref<16x128xf32, #tpu.memory_space<vmem_shared>>
    %dma_start3A_209 = arith.constant 0 : i32
    %dma_start3A_210 = tpu.memref_slice %arg21[%add3A_206, %dma_start3A_209] : memref<10240x128xf32, #tpu.memory_space<vmem_shared>> -> memref<16x128xf32, #tpu.memory_space<vmem_shared>>
    tpu.enqueue_dma source(%arg19 : memref<16x128xf32, #tpu.memory_space<vmem>>) target(%dma_start3A_210 : memref<16x128xf32, #tpu.memory_space<vmem_shared>>) target_semaphore(%arg30 : memref<!tpu.dma_semaphore, #tpu.memory_space<semaphore_mem>>)
    %add3A_211 = arith.constant 512 : i32
    %add3A_212 = arith.addi %mul3A_20, %add3A_211 : i32
    %dma_start3A_213 = arith.constant 0 : i32
    %dma_start3A_214 = tpu.memref_slice %arg21[%add3A_212, %dma_start3A_213] : memref<10240x128xf32, #tpu.memory_space<vmem_shared>> -> memref<16x128xf32, #tpu.memory_space<vmem_shared>>
    %dma_start3A_215 = arith.constant 0 : i32
    %dma_start3A_216 = tpu.memref_slice %arg21[%add3A_212, %dma_start3A_215] : memref<10240x128xf32, #tpu.memory_space<vmem_shared>> -> memref<16x128xf32, #tpu.memory_space<vmem_shared>>
    tpu.enqueue_dma source(%arg19 : memref<16x128xf32, #tpu.memory_space<vmem>>) target(%dma_start3A_216 : memref<16x128xf32, #tpu.memory_space<vmem_shared>>) target_semaphore(%arg30 : memref<!tpu.dma_semaphore, #tpu.memory_space<semaphore_mem>>)
    %add3A_217 = arith.constant 528 : i32
    %add3A_218 = arith.addi %mul3A_20, %add3A_217 : i32
    %dma_start3A_219 = arith.constant 0 : i32
    %dma_start3A_220 = tpu.memref_slice %arg21[%add3A_218, %dma_start3A_219] : memref<10240x128xf32, #tpu.memory_space<vmem_shared>> -> memref<16x128xf32, #tpu.memory_space<vmem_shared>>
    %dma_start3A_221 = arith.constant 0 : i32
    %dma_start3A_222 = tpu.memref_slice %arg21[%add3A_218, %dma_start3A_221] : memref<10240x128xf32, #tpu.memory_space<vmem_shared>> -> memref<16x128xf32, #tpu.memory_space<vmem_shared>>
    tpu.enqueue_dma source(%arg19 : memref<16x128xf32, #tpu.memory_space<vmem>>) target(%dma_start3A_222 : memref<16x128xf32, #tpu.memory_space<vmem_shared>>) target_semaphore(%arg30 : memref<!tpu.dma_semaphore, #tpu.memory_space<semaphore_mem>>)
    %add3A_223 = arith.constant 544 : i32
    %add3A_224 = arith.addi %mul3A_20, %add3A_223 : i32
    %dma_start3A_225 = arith.constant 0 : i32
    %dma_start3A_226 = tpu.memref_slice %arg21[%add3A_224, %dma_start3A_225] : memref<10240x128xf32, #tpu.memory_space<vmem_shared>> -> memref<16x128xf32, #tpu.memory_space<vmem_shared>>
    %dma_start3A_227 = arith.constant 0 : i32
    %dma_start3A_228 = tpu.memref_slice %arg21[%add3A_224, %dma_start3A_227] : memref<10240x128xf32, #tpu.memory_space<vmem_shared>> -> memref<16x128xf32, #tpu.memory_space<vmem_shared>>
    tpu.enqueue_dma source(%arg19 : memref<16x128xf32, #tpu.memory_space<vmem>>) target(%dma_start3A_228 : memref<16x128xf32, #tpu.memory_space<vmem_shared>>) target_semaphore(%arg30 : memref<!tpu.dma_semaphore, #tpu.memory_space<semaphore_mem>>)
    %add3A_229 = arith.constant 560 : i32
    %add3A_230 = arith.addi %mul3A_20, %add3A_229 : i32
    %dma_start3A_231 = arith.constant 0 : i32
    %dma_start3A_232 = tpu.memref_slice %arg21[%add3A_230, %dma_start3A_231] : memref<10240x128xf32, #tpu.memory_space<vmem_shared>> -> memref<16x128xf32, #tpu.memory_space<vmem_shared>>
    %dma_start3A_233 = arith.constant 0 : i32
    %dma_start3A_234 = tpu.memref_slice %arg21[%add3A_230, %dma_start3A_233] : memref<10240x128xf32, #tpu.memory_space<vmem_shared>> -> memref<16x128xf32, #tpu.memory_space<vmem_shared>>
    tpu.enqueue_dma source(%arg19 : memref<16x128xf32, #tpu.memory_space<vmem>>) target(%dma_start3A_234 : memref<16x128xf32, #tpu.memory_space<vmem_shared>>) target_semaphore(%arg30 : memref<!tpu.dma_semaphore, #tpu.memory_space<semaphore_mem>>)
    %add3A_235 = arith.constant 576 : i32
    %add3A_236 = arith.addi %mul3A_20, %add3A_235 : i32
    %dma_start3A_237 = arith.constant 0 : i32
    %dma_start3A_238 = tpu.memref_slice %arg21[%add3A_236, %dma_start3A_237] : memref<10240x128xf32, #tpu.memory_space<vmem_shared>> -> memref<16x128xf32, #tpu.memory_space<vmem_shared>>
    %dma_start3A_239 = arith.constant 0 : i32
    %dma_start3A_240 = tpu.memref_slice %arg21[%add3A_236, %dma_start3A_239] : memref<10240x128xf32, #tpu.memory_space<vmem_shared>> -> memref<16x128xf32, #tpu.memory_space<vmem_shared>>
    tpu.enqueue_dma source(%arg19 : memref<16x128xf32, #tpu.memory_space<vmem>>) target(%dma_start3A_240 : memref<16x128xf32, #tpu.memory_space<vmem_shared>>) target_semaphore(%arg30 : memref<!tpu.dma_semaphore, #tpu.memory_space<semaphore_mem>>)
    %add3A_241 = arith.constant 592 : i32
    %add3A_242 = arith.addi %mul3A_20, %add3A_241 : i32
    %dma_start3A_243 = arith.constant 0 : i32
    %dma_start3A_244 = tpu.memref_slice %arg21[%add3A_242, %dma_start3A_243] : memref<10240x128xf32, #tpu.memory_space<vmem_shared>> -> memref<16x128xf32, #tpu.memory_space<vmem_shared>>
    %dma_start3A_245 = arith.constant 0 : i32
    %dma_start3A_246 = tpu.memref_slice %arg21[%add3A_242, %dma_start3A_245] : memref<10240x128xf32, #tpu.memory_space<vmem_shared>> -> memref<16x128xf32, #tpu.memory_space<vmem_shared>>
    tpu.enqueue_dma source(%arg19 : memref<16x128xf32, #tpu.memory_space<vmem>>) target(%dma_start3A_246 : memref<16x128xf32, #tpu.memory_space<vmem_shared>>) target_semaphore(%arg30 : memref<!tpu.dma_semaphore, #tpu.memory_space<semaphore_mem>>)
    %add3A_247 = arith.constant 608 : i32
    %add3A_248 = arith.addi %mul3A_20, %add3A_247 : i32
    %dma_start3A_249 = arith.constant 0 : i32
    %dma_start3A_250 = tpu.memref_slice %arg21[%add3A_248, %dma_start3A_249] : memref<10240x128xf32, #tpu.memory_space<vmem_shared>> -> memref<16x128xf32, #tpu.memory_space<vmem_shared>>
    %dma_start3A_251 = arith.constant 0 : i32
    %dma_start3A_252 = tpu.memref_slice %arg21[%add3A_248, %dma_start3A_251] : memref<10240x128xf32, #tpu.memory_space<vmem_shared>> -> memref<16x128xf32, #tpu.memory_space<vmem_shared>>
    tpu.enqueue_dma source(%arg19 : memref<16x128xf32, #tpu.memory_space<vmem>>) target(%dma_start3A_252 : memref<16x128xf32, #tpu.memory_space<vmem_shared>>) target_semaphore(%arg30 : memref<!tpu.dma_semaphore, #tpu.memory_space<semaphore_mem>>)
    %add3A_253 = arith.constant 624 : i32
    %add3A_254 = arith.addi %mul3A_20, %add3A_253 : i32
    %dma_start3A_255 = arith.constant 0 : i32
    %dma_start3A_256 = tpu.memref_slice %arg21[%add3A_254, %dma_start3A_255] : memref<10240x128xf32, #tpu.memory_space<vmem_shared>> -> memref<16x128xf32, #tpu.memory_space<vmem_shared>>
    %dma_start3A_257 = arith.constant 0 : i32
    %dma_start3A_258 = tpu.memref_slice %arg21[%add3A_254, %dma_start3A_257] : memref<10240x128xf32, #tpu.memory_space<vmem_shared>> -> memref<16x128xf32, #tpu.memory_space<vmem_shared>>
    tpu.enqueue_dma source(%arg19 : memref<16x128xf32, #tpu.memory_space<vmem>>) target(%dma_start3A_258 : memref<16x128xf32, #tpu.memory_space<vmem_shared>>) target_semaphore(%arg30 : memref<!tpu.dma_semaphore, #tpu.memory_space<semaphore_mem>>)
    %add3A_259 = arith.constant 0 : i32
    %add3A_260 = arith.addi %mul3A_20, %add3A_259 : i32
    %dma_start3A_261 = arith.constant 0 : i32
    %dma_start3A_262 = arith.constant 0 : i32
    %dma_start3A_263 = tpu.memref_slice %arg19[%dma_start3A_261, %dma_start3A_262] : memref<16x128xf32, #tpu.memory_space<vmem>> -> memref<1x128xf32, #tpu.memory_space<vmem>>
    %dma_start3A_264 = tpu.memref_squeeze %dma_start3A_263 : memref<1x128xf32, #tpu.memory_space<vmem>> -> memref<128xf32, #tpu.memory_space<vmem>>
    %dma_start3A_265 = tpu.memref_slice %arg22[%add3A_260] : memref<10240xf32, #tpu.memory_space<vmem_shared>> -> memref<128xf32, #tpu.memory_space<vmem_shared>>
    %dma_start3A_266 = tpu.memref_slice %arg22[%add3A_260] : memref<10240xf32, #tpu.memory_space<vmem_shared>> -> memref<128xf32, #tpu.memory_space<vmem_shared>>
    %dma_start3A_267 = arith.constant 0 : i32
    %dma_start3A_268 = tpu.memref_slice %arg19[%dma_start3A_261, %dma_start3A_267] : memref<16x128xf32, #tpu.memory_space<vmem>> -> memref<1x128xf32, #tpu.memory_space<vmem>>
    %dma_start3A_269 = tpu.memref_squeeze %dma_start3A_268 : memref<1x128xf32, #tpu.memory_space<vmem>> -> memref<128xf32, #tpu.memory_space<vmem>>
    tpu.enqueue_dma source(%dma_start3A_269 : memref<128xf32, #tpu.memory_space<vmem>>) target(%dma_start3A_266 : memref<128xf32, #tpu.memory_space<vmem_shared>>) target_semaphore(%arg30 : memref<!tpu.dma_semaphore, #tpu.memory_space<semaphore_mem>>)
    %add3A_270 = arith.constant 128 : i32
    %add3A_271 = arith.addi %mul3A_20, %add3A_270 : i32
    %dma_start3A_272 = arith.constant 0 : i32
    %dma_start3A_273 = arith.constant 0 : i32
    %dma_start3A_274 = tpu.memref_slice %arg19[%dma_start3A_272, %dma_start3A_273] : memref<16x128xf32, #tpu.memory_space<vmem>> -> memref<1x128xf32, #tpu.memory_space<vmem>>
    %dma_start3A_275 = tpu.memref_squeeze %dma_start3A_274 : memref<1x128xf32, #tpu.memory_space<vmem>> -> memref<128xf32, #tpu.memory_space<vmem>>
    %dma_start3A_276 = tpu.memref_slice %arg22[%add3A_271] : memref<10240xf32, #tpu.memory_space<vmem_shared>> -> memref<128xf32, #tpu.memory_space<vmem_shared>>
    %dma_start3A_277 = tpu.memref_slice %arg22[%add3A_271] : memref<10240xf32, #tpu.memory_space<vmem_shared>> -> memref<128xf32, #tpu.memory_space<vmem_shared>>
    %dma_start3A_278 = arith.constant 0 : i32
    %dma_start3A_279 = tpu.memref_slice %arg19[%dma_start3A_272, %dma_start3A_278] : memref<16x128xf32, #tpu.memory_space<vmem>> -> memref<1x128xf32, #tpu.memory_space<vmem>>
    %dma_start3A_280 = tpu.memref_squeeze %dma_start3A_279 : memref<1x128xf32, #tpu.memory_space<vmem>> -> memref<128xf32, #tpu.memory_space<vmem>>
    tpu.enqueue_dma source(%dma_start3A_280 : memref<128xf32, #tpu.memory_space<vmem>>) target(%dma_start3A_277 : memref<128xf32, #tpu.memory_space<vmem_shared>>) target_semaphore(%arg30 : memref<!tpu.dma_semaphore, #tpu.memory_space<semaphore_mem>>)
    %add3A_281 = arith.constant 256 : i32
    %add3A_282 = arith.addi %mul3A_20, %add3A_281 : i32
    %dma_start3A_283 = arith.constant 0 : i32
    %dma_start3A_284 = arith.constant 0 : i32
    %dma_start3A_285 = tpu.memref_slice %arg19[%dma_start3A_283, %dma_start3A_284] : memref<16x128xf32, #tpu.memory_space<vmem>> -> memref<1x128xf32, #tpu.memory_space<vmem>>
    %dma_start3A_286 = tpu.memref_squeeze %dma_start3A_285 : memref<1x128xf32, #tpu.memory_space<vmem>> -> memref<128xf32, #tpu.memory_space<vmem>>
    %dma_start3A_287 = tpu.memref_slice %arg22[%add3A_282] : memref<10240xf32, #tpu.memory_space<vmem_shared>> -> memref<128xf32, #tpu.memory_space<vmem_shared>>
    %dma_start3A_288 = tpu.memref_slice %arg22[%add3A_282] : memref<10240xf32, #tpu.memory_space<vmem_shared>> -> memref<128xf32, #tpu.memory_space<vmem_shared>>
    %dma_start3A_289 = arith.constant 0 : i32
    %dma_start3A_290 = tpu.memref_slice %arg19[%dma_start3A_283, %dma_start3A_289] : memref<16x128xf32, #tpu.memory_space<vmem>> -> memref<1x128xf32, #tpu.memory_space<vmem>>
    %dma_start3A_291 = tpu.memref_squeeze %dma_start3A_290 : memref<1x128xf32, #tpu.memory_space<vmem>> -> memref<128xf32, #tpu.memory_space<vmem>>
    tpu.enqueue_dma source(%dma_start3A_291 : memref<128xf32, #tpu.memory_space<vmem>>) target(%dma_start3A_288 : memref<128xf32, #tpu.memory_space<vmem_shared>>) target_semaphore(%arg30 : memref<!tpu.dma_semaphore, #tpu.memory_space<semaphore_mem>>)
    %add3A_292 = arith.constant 384 : i32
    %add3A_293 = arith.addi %mul3A_20, %add3A_292 : i32
    %dma_start3A_294 = arith.constant 0 : i32
    %dma_start3A_295 = arith.constant 0 : i32
    %dma_start3A_296 = tpu.memref_slice %arg19[%dma_start3A_294, %dma_start3A_295] : memref<16x128xf32, #tpu.memory_space<vmem>> -> memref<1x128xf32, #tpu.memory_space<vmem>>
    %dma_start3A_297 = tpu.memref_squeeze %dma_start3A_296 : memref<1x128xf32, #tpu.memory_space<vmem>> -> memref<128xf32, #tpu.memory_space<vmem>>
    %dma_start3A_298 = tpu.memref_slice %arg22[%add3A_293] : memref<10240xf32, #tpu.memory_space<vmem_shared>> -> memref<128xf32, #tpu.memory_space<vmem_shared>>
    %dma_start3A_299 = tpu.memref_slice %arg22[%add3A_293] : memref<10240xf32, #tpu.memory_space<vmem_shared>> -> memref<128xf32, #tpu.memory_space<vmem_shared>>
    %dma_start3A_300 = arith.constant 0 : i32
    %dma_start3A_301 = tpu.memref_slice %arg19[%dma_start3A_294, %dma_start3A_300] : memref<16x128xf32, #tpu.memory_space<vmem>> -> memref<1x128xf32, #tpu.memory_space<vmem>>
    %dma_start3A_302 = tpu.memref_squeeze %dma_start3A_301 : memref<1x128xf32, #tpu.memory_space<vmem>> -> memref<128xf32, #tpu.memory_space<vmem>>
    tpu.enqueue_dma source(%dma_start3A_302 : memref<128xf32, #tpu.memory_space<vmem>>) target(%dma_start3A_299 : memref<128xf32, #tpu.memory_space<vmem_shared>>) target_semaphore(%arg30 : memref<!tpu.dma_semaphore, #tpu.memory_space<semaphore_mem>>)
    %add3A_303 = arith.constant 512 : i32
    %add3A_304 = arith.addi %mul3A_20, %add3A_303 : i32
    %dma_start3A_305 = arith.constant 0 : i32
    %dma_start3A_306 = arith.constant 0 : i32
    %dma_start3A_307 = tpu.memref_slice %arg19[%dma_start3A_305, %dma_start3A_306] : memref<16x128xf32, #tpu.memory_space<vmem>> -> memref<1x128xf32, #tpu.memory_space<vmem>>
    %dma_start3A_308 = tpu.memref_squeeze %dma_start3A_307 : memref<1x128xf32, #tpu.memory_space<vmem>> -> memref<128xf32, #tpu.memory_space<vmem>>
    %dma_start3A_309 = tpu.memref_slice %arg22[%add3A_304] : memref<10240xf32, #tpu.memory_space<vmem_shared>> -> memref<128xf32, #tpu.memory_space<vmem_shared>>
    %dma_start3A_310 = tpu.memref_slice %arg22[%add3A_304] : memref<10240xf32, #tpu.memory_space<vmem_shared>> -> memref<128xf32, #tpu.memory_space<vmem_shared>>
    %dma_start3A_311 = arith.constant 0 : i32
    %dma_start3A_312 = tpu.memref_slice %arg19[%dma_start3A_305, %dma_start3A_311] : memref<16x128xf32, #tpu.memory_space<vmem>> -> memref<1x128xf32, #tpu.memory_space<vmem>>
    %dma_start3A_313 = tpu.memref_squeeze %dma_start3A_312 : memref<1x128xf32, #tpu.memory_space<vmem>> -> memref<128xf32, #tpu.memory_space<vmem>>
    tpu.enqueue_dma source(%dma_start3A_313 : memref<128xf32, #tpu.memory_space<vmem>>) target(%dma_start3A_310 : memref<128xf32, #tpu.memory_space<vmem_shared>>) target_semaphore(%arg30 : memref<!tpu.dma_semaphore, #tpu.memory_space<semaphore_mem>>)
    %dma_wait3A = arith.constant 0 : i32
    %dma_wait3A_314 = tpu.memref_slice %arg21[%add3A_21, %dma_wait3A] : memref<10240x128xf32, #tpu.memory_space<vmem_shared>> -> memref<16x128xf32, #tpu.memory_space<vmem_shared>>
    %dma_wait3A_315 = arith.constant 0 : i32
    %dma_wait3A_316 = tpu.memref_slice %arg21[%add3A_21, %dma_wait3A_315] : memref<10240x128xf32, #tpu.memory_space<vmem_shared>> -> memref<16x128xf32, #tpu.memory_space<vmem_shared>>
    tpu.wait_dma2 semaphore(%arg30 : memref<!tpu.dma_semaphore, #tpu.memory_space<semaphore_mem>>) src(%arg19 : memref<16x128xf32, #tpu.memory_space<vmem>>) dst(%dma_wait3A_316 : memref<16x128xf32, #tpu.memory_space<vmem_shared>>)
    %dma_wait3A_317 = arith.constant 0 : i32
    %dma_wait3A_318 = tpu.memref_slice %arg21[%add3A_26, %dma_wait3A_317] : memref<10240x128xf32, #tpu.memory_space<vmem_shared>> -> memref<16x128xf32, #tpu.memory_space<vmem_shared>>
    %dma_wait3A_319 = arith.constant 0 : i32
    %dma_wait3A_320 = tpu.memref_slice %arg21[%add3A_26, %dma_wait3A_319] : memref<10240x128xf32, #tpu.memory_space<vmem_shared>> -> memref<16x128xf32, #tpu.memory_space<vmem_shared>>
    tpu.wait_dma2 semaphore(%arg30 : memref<!tpu.dma_semaphore, #tpu.memory_space<semaphore_mem>>) src(%arg19 : memref<16x128xf32, #tpu.memory_space<vmem>>) dst(%dma_wait3A_320 : memref<16x128xf32, #tpu.memory_space<vmem_shared>>)
    %dma_wait3A_321 = arith.constant 0 : i32
    %dma_wait3A_322 = tpu.memref_slice %arg21[%add3A_32, %dma_wait3A_321] : memref<10240x128xf32, #tpu.memory_space<vmem_shared>> -> memref<16x128xf32, #tpu.memory_space<vmem_shared>>
    %dma_wait3A_323 = arith.constant 0 : i32
    %dma_wait3A_324 = tpu.memref_slice %arg21[%add3A_32, %dma_wait3A_323] : memref<10240x128xf32, #tpu.memory_space<vmem_shared>> -> memref<16x128xf32, #tpu.memory_space<vmem_shared>>
    tpu.wait_dma2 semaphore(%arg30 : memref<!tpu.dma_semaphore, #tpu.memory_space<semaphore_mem>>) src(%arg19 : memref<16x128xf32, #tpu.memory_space<vmem>>) dst(%dma_wait3A_324 : memref<16x128xf32, #tpu.memory_space<vmem_shared>>)
    %dma_wait3A_325 = arith.constant 0 : i32
    %dma_wait3A_326 = tpu.memref_slice %arg21[%add3A_38, %dma_wait3A_325] : memref<10240x128xf32, #tpu.memory_space<vmem_shared>> -> memref<16x128xf32, #tpu.memory_space<vmem_shared>>
    %dma_wait3A_327 = arith.constant 0 : i32
    %dma_wait3A_328 = tpu.memref_slice %arg21[%add3A_38, %dma_wait3A_327] : memref<10240x128xf32, #tpu.memory_space<vmem_shared>> -> memref<16x128xf32, #tpu.memory_space<vmem_shared>>
    tpu.wait_dma2 semaphore(%arg30 : memref<!tpu.dma_semaphore, #tpu.memory_space<semaphore_mem>>) src(%arg19 : memref<16x128xf32, #tpu.memory_space<vmem>>) dst(%dma_wait3A_328 : memref<16x128xf32, #tpu.memory_space<vmem_shared>>)
    %dma_wait3A_329 = arith.constant 0 : i32
    %dma_wait3A_330 = tpu.memref_slice %arg21[%add3A_44, %dma_wait3A_329] : memref<10240x128xf32, #tpu.memory_space<vmem_shared>> -> memref<16x128xf32, #tpu.memory_space<vmem_shared>>
    %dma_wait3A_331 = arith.constant 0 : i32
    %dma_wait3A_332 = tpu.memref_slice %arg21[%add3A_44, %dma_wait3A_331] : memref<10240x128xf32, #tpu.memory_space<vmem_shared>> -> memref<16x128xf32, #tpu.memory_space<vmem_shared>>
    tpu.wait_dma2 semaphore(%arg30 : memref<!tpu.dma_semaphore, #tpu.memory_space<semaphore_mem>>) src(%arg19 : memref<16x128xf32, #tpu.memory_space<vmem>>) dst(%dma_wait3A_332 : memref<16x128xf32, #tpu.memory_space<vmem_shared>>)
    %dma_wait3A_333 = arith.constant 0 : i32
    %dma_wait3A_334 = tpu.memref_slice %arg21[%add3A_50, %dma_wait3A_333] : memref<10240x128xf32, #tpu.memory_space<vmem_shared>> -> memref<16x128xf32, #tpu.memory_space<vmem_shared>>
    %dma_wait3A_335 = arith.constant 0 : i32
    %dma_wait3A_336 = tpu.memref_slice %arg21[%add3A_50, %dma_wait3A_335] : memref<10240x128xf32, #tpu.memory_space<vmem_shared>> -> memref<16x128xf32, #tpu.memory_space<vmem_shared>>
    tpu.wait_dma2 semaphore(%arg30 : memref<!tpu.dma_semaphore, #tpu.memory_space<semaphore_mem>>) src(%arg19 : memref<16x128xf32, #tpu.memory_space<vmem>>) dst(%dma_wait3A_336 : memref<16x128xf32, #tpu.memory_space<vmem_shared>>)
    %dma_wait3A_337 = arith.constant 0 : i32
    %dma_wait3A_338 = tpu.memref_slice %arg21[%add3A_56, %dma_wait3A_337] : memref<10240x128xf32, #tpu.memory_space<vmem_shared>> -> memref<16x128xf32, #tpu.memory_space<vmem_shared>>
    %dma_wait3A_339 = arith.constant 0 : i32
    %dma_wait3A_340 = tpu.memref_slice %arg21[%add3A_56, %dma_wait3A_339] : memref<10240x128xf32, #tpu.memory_space<vmem_shared>> -> memref<16x128xf32, #tpu.memory_space<vmem_shared>>
    tpu.wait_dma2 semaphore(%arg30 : memref<!tpu.dma_semaphore, #tpu.memory_space<semaphore_mem>>) src(%arg19 : memref<16x128xf32, #tpu.memory_space<vmem>>) dst(%dma_wait3A_340 : memref<16x128xf32, #tpu.memory_space<vmem_shared>>)
    %dma_wait3A_341 = arith.constant 0 : i32
    %dma_wait3A_342 = tpu.memref_slice %arg21[%add3A_62, %dma_wait3A_341] : memref<10240x128xf32, #tpu.memory_space<vmem_shared>> -> memref<16x128xf32, #tpu.memory_space<vmem_shared>>
    %dma_wait3A_343 = arith.constant 0 : i32
    %dma_wait3A_344 = tpu.memref_slice %arg21[%add3A_62, %dma_wait3A_343] : memref<10240x128xf32, #tpu.memory_space<vmem_shared>> -> memref<16x128xf32, #tpu.memory_space<vmem_shared>>
    tpu.wait_dma2 semaphore(%arg30 : memref<!tpu.dma_semaphore, #tpu.memory_space<semaphore_mem>>) src(%arg19 : memref<16x128xf32, #tpu.memory_space<vmem>>) dst(%dma_wait3A_344 : memref<16x128xf32, #tpu.memory_space<vmem_shared>>)
    %dma_wait3A_345 = arith.constant 0 : i32
    %dma_wait3A_346 = tpu.memref_slice %arg21[%add3A_68, %dma_wait3A_345] : memref<10240x128xf32, #tpu.memory_space<vmem_shared>> -> memref<16x128xf32, #tpu.memory_space<vmem_shared>>
    %dma_wait3A_347 = arith.constant 0 : i32
    %dma_wait3A_348 = tpu.memref_slice %arg21[%add3A_68, %dma_wait3A_347] : memref<10240x128xf32, #tpu.memory_space<vmem_shared>> -> memref<16x128xf32, #tpu.memory_space<vmem_shared>>
    tpu.wait_dma2 semaphore(%arg30 : memref<!tpu.dma_semaphore, #tpu.memory_space<semaphore_mem>>) src(%arg19 : memref<16x128xf32, #tpu.memory_space<vmem>>) dst(%dma_wait3A_348 : memref<16x128xf32, #tpu.memory_space<vmem_shared>>)
    %dma_wait3A_349 = arith.constant 0 : i32
    %dma_wait3A_350 = tpu.memref_slice %arg21[%add3A_74, %dma_wait3A_349] : memref<10240x128xf32, #tpu.memory_space<vmem_shared>> -> memref<16x128xf32, #tpu.memory_space<vmem_shared>>
    %dma_wait3A_351 = arith.constant 0 : i32
    %dma_wait3A_352 = tpu.memref_slice %arg21[%add3A_74, %dma_wait3A_351] : memref<10240x128xf32, #tpu.memory_space<vmem_shared>> -> memref<16x128xf32, #tpu.memory_space<vmem_shared>>
    tpu.wait_dma2 semaphore(%arg30 : memref<!tpu.dma_semaphore, #tpu.memory_space<semaphore_mem>>) src(%arg19 : memref<16x128xf32, #tpu.memory_space<vmem>>) dst(%dma_wait3A_352 : memref<16x128xf32, #tpu.memory_space<vmem_shared>>)
    %dma_wait3A_353 = arith.constant 0 : i32
    %dma_wait3A_354 = tpu.memref_slice %arg21[%add3A_80, %dma_wait3A_353] : memref<10240x128xf32, #tpu.memory_space<vmem_shared>> -> memref<16x128xf32, #tpu.memory_space<vmem_shared>>
    %dma_wait3A_355 = arith.constant 0 : i32
    %dma_wait3A_356 = tpu.memref_slice %arg21[%add3A_80, %dma_wait3A_355] : memref<10240x128xf32, #tpu.memory_space<vmem_shared>> -> memref<16x128xf32, #tpu.memory_space<vmem_shared>>
    tpu.wait_dma2 semaphore(%arg30 : memref<!tpu.dma_semaphore, #tpu.memory_space<semaphore_mem>>) src(%arg19 : memref<16x128xf32, #tpu.memory_space<vmem>>) dst(%dma_wait3A_356 : memref<16x128xf32, #tpu.memory_space<vmem_shared>>)
    %dma_wait3A_357 = arith.constant 0 : i32
    %dma_wait3A_358 = tpu.memref_slice %arg21[%add3A_86, %dma_wait3A_357] : memref<10240x128xf32, #tpu.memory_space<vmem_shared>> -> memref<16x128xf32, #tpu.memory_space<vmem_shared>>
    %dma_wait3A_359 = arith.constant 0 : i32
    %dma_wait3A_360 = tpu.memref_slice %arg21[%add3A_86, %dma_wait3A_359] : memref<10240x128xf32, #tpu.memory_space<vmem_shared>> -> memref<16x128xf32, #tpu.memory_space<vmem_shared>>
    tpu.wait_dma2 semaphore(%arg30 : memref<!tpu.dma_semaphore, #tpu.memory_space<semaphore_mem>>) src(%arg19 : memref<16x128xf32, #tpu.memory_space<vmem>>) dst(%dma_wait3A_360 : memref<16x128xf32, #tpu.memory_space<vmem_shared>>)
    %dma_wait3A_361 = arith.constant 0 : i32
    %dma_wait3A_362 = tpu.memref_slice %arg21[%add3A_92, %dma_wait3A_361] : memref<10240x128xf32, #tpu.memory_space<vmem_shared>> -> memref<16x128xf32, #tpu.memory_space<vmem_shared>>
    %dma_wait3A_363 = arith.constant 0 : i32
    %dma_wait3A_364 = tpu.memref_slice %arg21[%add3A_92, %dma_wait3A_363] : memref<10240x128xf32, #tpu.memory_space<vmem_shared>> -> memref<16x128xf32, #tpu.memory_space<vmem_shared>>
    tpu.wait_dma2 semaphore(%arg30 : memref<!tpu.dma_semaphore, #tpu.memory_space<semaphore_mem>>) src(%arg19 : memref<16x128xf32, #tpu.memory_space<vmem>>) dst(%dma_wait3A_364 : memref<16x128xf32, #tpu.memory_space<vmem_shared>>)
    %dma_wait3A_365 = arith.constant 0 : i32
    %dma_wait3A_366 = tpu.memref_slice %arg21[%add3A_98, %dma_wait3A_365] : memref<10240x128xf32, #tpu.memory_space<vmem_shared>> -> memref<16x128xf32, #tpu.memory_space<vmem_shared>>
    %dma_wait3A_367 = arith.constant 0 : i32
    %dma_wait3A_368 = tpu.memref_slice %arg21[%add3A_98, %dma_wait3A_367] : memref<10240x128xf32, #tpu.memory_space<vmem_shared>> -> memref<16x128xf32, #tpu.memory_space<vmem_shared>>
    tpu.wait_dma2 semaphore(%arg30 : memref<!tpu.dma_semaphore, #tpu.memory_space<semaphore_mem>>) src(%arg19 : memref<16x128xf32, #tpu.memory_space<vmem>>) dst(%dma_wait3A_368 : memref<16x128xf32, #tpu.memory_space<vmem_shared>>)
    %dma_wait3A_369 = arith.constant 0 : i32
    %dma_wait3A_370 = tpu.memref_slice %arg21[%add3A_104, %dma_wait3A_369] : memref<10240x128xf32, #tpu.memory_space<vmem_shared>> -> memref<16x128xf32, #tpu.memory_space<vmem_shared>>
    %dma_wait3A_371 = arith.constant 0 : i32
    %dma_wait3A_372 = tpu.memref_slice %arg21[%add3A_104, %dma_wait3A_371] : memref<10240x128xf32, #tpu.memory_space<vmem_shared>> -> memref<16x128xf32, #tpu.memory_space<vmem_shared>>
    tpu.wait_dma2 semaphore(%arg30 : memref<!tpu.dma_semaphore, #tpu.memory_space<semaphore_mem>>) src(%arg19 : memref<16x128xf32, #tpu.memory_space<vmem>>) dst(%dma_wait3A_372 : memref<16x128xf32, #tpu.memory_space<vmem_shared>>)
    %dma_wait3A_373 = arith.constant 0 : i32
    %dma_wait3A_374 = tpu.memref_slice %arg21[%add3A_110, %dma_wait3A_373] : memref<10240x128xf32, #tpu.memory_space<vmem_shared>> -> memref<16x128xf32, #tpu.memory_space<vmem_shared>>
    %dma_wait3A_375 = arith.constant 0 : i32
    %dma_wait3A_376 = tpu.memref_slice %arg21[%add3A_110, %dma_wait3A_375] : memref<10240x128xf32, #tpu.memory_space<vmem_shared>> -> memref<16x128xf32, #tpu.memory_space<vmem_shared>>
    tpu.wait_dma2 semaphore(%arg30 : memref<!tpu.dma_semaphore, #tpu.memory_space<semaphore_mem>>) src(%arg19 : memref<16x128xf32, #tpu.memory_space<vmem>>) dst(%dma_wait3A_376 : memref<16x128xf32, #tpu.memory_space<vmem_shared>>)
    %dma_wait3A_377 = arith.constant 0 : i32
    %dma_wait3A_378 = tpu.memref_slice %arg21[%add3A_116, %dma_wait3A_377] : memref<10240x128xf32, #tpu.memory_space<vmem_shared>> -> memref<16x128xf32, #tpu.memory_space<vmem_shared>>
    %dma_wait3A_379 = arith.constant 0 : i32
    %dma_wait3A_380 = tpu.memref_slice %arg21[%add3A_116, %dma_wait3A_379] : memref<10240x128xf32, #tpu.memory_space<vmem_shared>> -> memref<16x128xf32, #tpu.memory_space<vmem_shared>>
    tpu.wait_dma2 semaphore(%arg30 : memref<!tpu.dma_semaphore, #tpu.memory_space<semaphore_mem>>) src(%arg19 : memref<16x128xf32, #tpu.memory_space<vmem>>) dst(%dma_wait3A_380 : memref<16x128xf32, #tpu.memory_space<vmem_shared>>)
    %dma_wait3A_381 = arith.constant 0 : i32
    %dma_wait3A_382 = tpu.memref_slice %arg21[%add3A_122, %dma_wait3A_381] : memref<10240x128xf32, #tpu.memory_space<vmem_shared>> -> memref<16x128xf32, #tpu.memory_space<vmem_shared>>
    %dma_wait3A_383 = arith.constant 0 : i32
    %dma_wait3A_384 = tpu.memref_slice %arg21[%add3A_122, %dma_wait3A_383] : memref<10240x128xf32, #tpu.memory_space<vmem_shared>> -> memref<16x128xf32, #tpu.memory_space<vmem_shared>>
    tpu.wait_dma2 semaphore(%arg30 : memref<!tpu.dma_semaphore, #tpu.memory_space<semaphore_mem>>) src(%arg19 : memref<16x128xf32, #tpu.memory_space<vmem>>) dst(%dma_wait3A_384 : memref<16x128xf32, #tpu.memory_space<vmem_shared>>)
    %dma_wait3A_385 = arith.constant 0 : i32
    %dma_wait3A_386 = tpu.memref_slice %arg21[%add3A_128, %dma_wait3A_385] : memref<10240x128xf32, #tpu.memory_space<vmem_shared>> -> memref<16x128xf32, #tpu.memory_space<vmem_shared>>
    %dma_wait3A_387 = arith.constant 0 : i32
    %dma_wait3A_388 = tpu.memref_slice %arg21[%add3A_128, %dma_wait3A_387] : memref<10240x128xf32, #tpu.memory_space<vmem_shared>> -> memref<16x128xf32, #tpu.memory_space<vmem_shared>>
    tpu.wait_dma2 semaphore(%arg30 : memref<!tpu.dma_semaphore, #tpu.memory_space<semaphore_mem>>) src(%arg19 : memref<16x128xf32, #tpu.memory_space<vmem>>) dst(%dma_wait3A_388 : memref<16x128xf32, #tpu.memory_space<vmem_shared>>)
    %dma_wait3A_389 = arith.constant 0 : i32
    %dma_wait3A_390 = tpu.memref_slice %arg21[%add3A_134, %dma_wait3A_389] : memref<10240x128xf32, #tpu.memory_space<vmem_shared>> -> memref<16x128xf32, #tpu.memory_space<vmem_shared>>
    %dma_wait3A_391 = arith.constant 0 : i32
    %dma_wait3A_392 = tpu.memref_slice %arg21[%add3A_134, %dma_wait3A_391] : memref<10240x128xf32, #tpu.memory_space<vmem_shared>> -> memref<16x128xf32, #tpu.memory_space<vmem_shared>>
    tpu.wait_dma2 semaphore(%arg30 : memref<!tpu.dma_semaphore, #tpu.memory_space<semaphore_mem>>) src(%arg19 : memref<16x128xf32, #tpu.memory_space<vmem>>) dst(%dma_wait3A_392 : memref<16x128xf32, #tpu.memory_space<vmem_shared>>)
    %dma_wait3A_393 = arith.constant 0 : i32
    %dma_wait3A_394 = tpu.memref_slice %arg21[%add3A_140, %dma_wait3A_393] : memref<10240x128xf32, #tpu.memory_space<vmem_shared>> -> memref<16x128xf32, #tpu.memory_space<vmem_shared>>
    %dma_wait3A_395 = arith.constant 0 : i32
    %dma_wait3A_396 = tpu.memref_slice %arg21[%add3A_140, %dma_wait3A_395] : memref<10240x128xf32, #tpu.memory_space<vmem_shared>> -> memref<16x128xf32, #tpu.memory_space<vmem_shared>>
    tpu.wait_dma2 semaphore(%arg30 : memref<!tpu.dma_semaphore, #tpu.memory_space<semaphore_mem>>) src(%arg19 : memref<16x128xf32, #tpu.memory_space<vmem>>) dst(%dma_wait3A_396 : memref<16x128xf32, #tpu.memory_space<vmem_shared>>)
    %dma_wait3A_397 = arith.constant 0 : i32
    %dma_wait3A_398 = tpu.memref_slice %arg21[%add3A_146, %dma_wait3A_397] : memref<10240x128xf32, #tpu.memory_space<vmem_shared>> -> memref<16x128xf32, #tpu.memory_space<vmem_shared>>
    %dma_wait3A_399 = arith.constant 0 : i32
    %dma_wait3A_400 = tpu.memref_slice %arg21[%add3A_146, %dma_wait3A_399] : memref<10240x128xf32, #tpu.memory_space<vmem_shared>> -> memref<16x128xf32, #tpu.memory_space<vmem_shared>>
    tpu.wait_dma2 semaphore(%arg30 : memref<!tpu.dma_semaphore, #tpu.memory_space<semaphore_mem>>) src(%arg19 : memref<16x128xf32, #tpu.memory_space<vmem>>) dst(%dma_wait3A_400 : memref<16x128xf32, #tpu.memory_space<vmem_shared>>)
    %dma_wait3A_401 = arith.constant 0 : i32
    %dma_wait3A_402 = tpu.memref_slice %arg21[%add3A_152, %dma_wait3A_401] : memref<10240x128xf32, #tpu.memory_space<vmem_shared>> -> memref<16x128xf32, #tpu.memory_space<vmem_shared>>
    %dma_wait3A_403 = arith.constant 0 : i32
    %dma_wait3A_404 = tpu.memref_slice %arg21[%add3A_152, %dma_wait3A_403] : memref<10240x128xf32, #tpu.memory_space<vmem_shared>> -> memref<16x128xf32, #tpu.memory_space<vmem_shared>>
    tpu.wait_dma2 semaphore(%arg30 : memref<!tpu.dma_semaphore, #tpu.memory_space<semaphore_mem>>) src(%arg19 : memref<16x128xf32, #tpu.memory_space<vmem>>) dst(%dma_wait3A_404 : memref<16x128xf32, #tpu.memory_space<vmem_shared>>)
    %dma_wait3A_405 = arith.constant 0 : i32
    %dma_wait3A_406 = tpu.memref_slice %arg21[%add3A_158, %dma_wait3A_405] : memref<10240x128xf32, #tpu.memory_space<vmem_shared>> -> memref<16x128xf32, #tpu.memory_space<vmem_shared>>
    %dma_wait3A_407 = arith.constant 0 : i32
    %dma_wait3A_408 = tpu.memref_slice %arg21[%add3A_158, %dma_wait3A_407] : memref<10240x128xf32, #tpu.memory_space<vmem_shared>> -> memref<16x128xf32, #tpu.memory_space<vmem_shared>>
    tpu.wait_dma2 semaphore(%arg30 : memref<!tpu.dma_semaphore, #tpu.memory_space<semaphore_mem>>) src(%arg19 : memref<16x128xf32, #tpu.memory_space<vmem>>) dst(%dma_wait3A_408 : memref<16x128xf32, #tpu.memory_space<vmem_shared>>)
    %dma_wait3A_409 = arith.constant 0 : i32
    %dma_wait3A_410 = tpu.memref_slice %arg21[%add3A_164, %dma_wait3A_409] : memref<10240x128xf32, #tpu.memory_space<vmem_shared>> -> memref<16x128xf32, #tpu.memory_space<vmem_shared>>
    %dma_wait3A_411 = arith.constant 0 : i32
    %dma_wait3A_412 = tpu.memref_slice %arg21[%add3A_164, %dma_wait3A_411] : memref<10240x128xf32, #tpu.memory_space<vmem_shared>> -> memref<16x128xf32, #tpu.memory_space<vmem_shared>>
    tpu.wait_dma2 semaphore(%arg30 : memref<!tpu.dma_semaphore, #tpu.memory_space<semaphore_mem>>) src(%arg19 : memref<16x128xf32, #tpu.memory_space<vmem>>) dst(%dma_wait3A_412 : memref<16x128xf32, #tpu.memory_space<vmem_shared>>)
    %dma_wait3A_413 = arith.constant 0 : i32
    %dma_wait3A_414 = tpu.memref_slice %arg21[%add3A_170, %dma_wait3A_413] : memref<10240x128xf32, #tpu.memory_space<vmem_shared>> -> memref<16x128xf32, #tpu.memory_space<vmem_shared>>
    %dma_wait3A_415 = arith.constant 0 : i32
    %dma_wait3A_416 = tpu.memref_slice %arg21[%add3A_170, %dma_wait3A_415] : memref<10240x128xf32, #tpu.memory_space<vmem_shared>> -> memref<16x128xf32, #tpu.memory_space<vmem_shared>>
    tpu.wait_dma2 semaphore(%arg30 : memref<!tpu.dma_semaphore, #tpu.memory_space<semaphore_mem>>) src(%arg19 : memref<16x128xf32, #tpu.memory_space<vmem>>) dst(%dma_wait3A_416 : memref<16x128xf32, #tpu.memory_space<vmem_shared>>)
    %dma_wait3A_417 = arith.constant 0 : i32
    %dma_wait3A_418 = tpu.memref_slice %arg21[%add3A_176, %dma_wait3A_417] : memref<10240x128xf32, #tpu.memory_space<vmem_shared>> -> memref<16x128xf32, #tpu.memory_space<vmem_shared>>
    %dma_wait3A_419 = arith.constant 0 : i32
    %dma_wait3A_420 = tpu.memref_slice %arg21[%add3A_176, %dma_wait3A_419] : memref<10240x128xf32, #tpu.memory_space<vmem_shared>> -> memref<16x128xf32, #tpu.memory_space<vmem_shared>>
    tpu.wait_dma2 semaphore(%arg30 : memref<!tpu.dma_semaphore, #tpu.memory_space<semaphore_mem>>) src(%arg19 : memref<16x128xf32, #tpu.memory_space<vmem>>) dst(%dma_wait3A_420 : memref<16x128xf32, #tpu.memory_space<vmem_shared>>)
    %dma_wait3A_421 = arith.constant 0 : i32
    %dma_wait3A_422 = tpu.memref_slice %arg21[%add3A_182, %dma_wait3A_421] : memref<10240x128xf32, #tpu.memory_space<vmem_shared>> -> memref<16x128xf32, #tpu.memory_space<vmem_shared>>
    %dma_wait3A_423 = arith.constant 0 : i32
    %dma_wait3A_424 = tpu.memref_slice %arg21[%add3A_182, %dma_wait3A_423] : memref<10240x128xf32, #tpu.memory_space<vmem_shared>> -> memref<16x128xf32, #tpu.memory_space<vmem_shared>>
    tpu.wait_dma2 semaphore(%arg30 : memref<!tpu.dma_semaphore, #tpu.memory_space<semaphore_mem>>) src(%arg19 : memref<16x128xf32, #tpu.memory_space<vmem>>) dst(%dma_wait3A_424 : memref<16x128xf32, #tpu.memory_space<vmem_shared>>)
    %dma_wait3A_425 = arith.constant 0 : i32
    %dma_wait3A_426 = tpu.memref_slice %arg21[%add3A_188, %dma_wait3A_425] : memref<10240x128xf32, #tpu.memory_space<vmem_shared>> -> memref<16x128xf32, #tpu.memory_space<vmem_shared>>
    %dma_wait3A_427 = arith.constant 0 : i32
    %dma_wait3A_428 = tpu.memref_slice %arg21[%add3A_188, %dma_wait3A_427] : memref<10240x128xf32, #tpu.memory_space<vmem_shared>> -> memref<16x128xf32, #tpu.memory_space<vmem_shared>>
    tpu.wait_dma2 semaphore(%arg30 : memref<!tpu.dma_semaphore, #tpu.memory_space<semaphore_mem>>) src(%arg19 : memref<16x128xf32, #tpu.memory_space<vmem>>) dst(%dma_wait3A_428 : memref<16x128xf32, #tpu.memory_space<vmem_shared>>)
    %dma_wait3A_429 = arith.constant 0 : i32
    %dma_wait3A_430 = tpu.memref_slice %arg21[%add3A_194, %dma_wait3A_429] : memref<10240x128xf32, #tpu.memory_space<vmem_shared>> -> memref<16x128xf32, #tpu.memory_space<vmem_shared>>
    %dma_wait3A_431 = arith.constant 0 : i32
    %dma_wait3A_432 = tpu.memref_slice %arg21[%add3A_194, %dma_wait3A_431] : memref<10240x128xf32, #tpu.memory_space<vmem_shared>> -> memref<16x128xf32, #tpu.memory_space<vmem_shared>>
    tpu.wait_dma2 semaphore(%arg30 : memref<!tpu.dma_semaphore, #tpu.memory_space<semaphore_mem>>) src(%arg19 : memref<16x128xf32, #tpu.memory_space<vmem>>) dst(%dma_wait3A_432 : memref<16x128xf32, #tpu.memory_space<vmem_shared>>)
    %dma_wait3A_433 = arith.constant 0 : i32
    %dma_wait3A_434 = tpu.memref_slice %arg21[%add3A_200, %dma_wait3A_433] : memref<10240x128xf32, #tpu.memory_space<vmem_shared>> -> memref<16x128xf32, #tpu.memory_space<vmem_shared>>
    %dma_wait3A_435 = arith.constant 0 : i32
    %dma_wait3A_436 = tpu.memref_slice %arg21[%add3A_200, %dma_wait3A_435] : memref<10240x128xf32, #tpu.memory_space<vmem_shared>> -> memref<16x128xf32, #tpu.memory_space<vmem_shared>>
    tpu.wait_dma2 semaphore(%arg30 : memref<!tpu.dma_semaphore, #tpu.memory_space<semaphore_mem>>) src(%arg19 : memref<16x128xf32, #tpu.memory_space<vmem>>) dst(%dma_wait3A_436 : memref<16x128xf32, #tpu.memory_space<vmem_shared>>)
    %dma_wait3A_437 = arith.constant 0 : i32
    %dma_wait3A_438 = tpu.memref_slice %arg21[%add3A_206, %dma_wait3A_437] : memref<10240x128xf32, #tpu.memory_space<vmem_shared>> -> memref<16x128xf32, #tpu.memory_space<vmem_shared>>
    %dma_wait3A_439 = arith.constant 0 : i32
    %dma_wait3A_440 = tpu.memref_slice %arg21[%add3A_206, %dma_wait3A_439] : memref<10240x128xf32, #tpu.memory_space<vmem_shared>> -> memref<16x128xf32, #tpu.memory_space<vmem_shared>>
    tpu.wait_dma2 semaphore(%arg30 : memref<!tpu.dma_semaphore, #tpu.memory_space<semaphore_mem>>) src(%arg19 : memref<16x128xf32, #tpu.memory_space<vmem>>) dst(%dma_wait3A_440 : memref<16x128xf32, #tpu.memory_space<vmem_shared>>)
    %dma_wait3A_441 = arith.constant 0 : i32
    %dma_wait3A_442 = tpu.memref_slice %arg21[%add3A_212, %dma_wait3A_441] : memref<10240x128xf32, #tpu.memory_space<vmem_shared>> -> memref<16x128xf32, #tpu.memory_space<vmem_shared>>
    %dma_wait3A_443 = arith.constant 0 : i32
    %dma_wait3A_444 = tpu.memref_slice %arg21[%add3A_212, %dma_wait3A_443] : memref<10240x128xf32, #tpu.memory_space<vmem_shared>> -> memref<16x128xf32, #tpu.memory_space<vmem_shared>>
    tpu.wait_dma2 semaphore(%arg30 : memref<!tpu.dma_semaphore, #tpu.memory_space<semaphore_mem>>) src(%arg19 : memref<16x128xf32, #tpu.memory_space<vmem>>) dst(%dma_wait3A_444 : memref<16x128xf32, #tpu.memory_space<vmem_shared>>)
    %dma_wait3A_445 = arith.constant 0 : i32
    %dma_wait3A_446 = tpu.memref_slice %arg21[%add3A_218, %dma_wait3A_445] : memref<10240x128xf32, #tpu.memory_space<vmem_shared>> -> memref<16x128xf32, #tpu.memory_space<vmem_shared>>
    %dma_wait3A_447 = arith.constant 0 : i32
    %dma_wait3A_448 = tpu.memref_slice %arg21[%add3A_218, %dma_wait3A_447] : memref<10240x128xf32, #tpu.memory_space<vmem_shared>> -> memref<16x128xf32, #tpu.memory_space<vmem_shared>>
    tpu.wait_dma2 semaphore(%arg30 : memref<!tpu.dma_semaphore, #tpu.memory_space<semaphore_mem>>) src(%arg19 : memref<16x128xf32, #tpu.memory_space<vmem>>) dst(%dma_wait3A_448 : memref<16x128xf32, #tpu.memory_space<vmem_shared>>)
    %dma_wait3A_449 = arith.constant 0 : i32
    %dma_wait3A_450 = tpu.memref_slice %arg21[%add3A_224, %dma_wait3A_449] : memref<10240x128xf32, #tpu.memory_space<vmem_shared>> -> memref<16x128xf32, #tpu.memory_space<vmem_shared>>
    %dma_wait3A_451 = arith.constant 0 : i32
    %dma_wait3A_452 = tpu.memref_slice %arg21[%add3A_224, %dma_wait3A_451] : memref<10240x128xf32, #tpu.memory_space<vmem_shared>> -> memref<16x128xf32, #tpu.memory_space<vmem_shared>>
    tpu.wait_dma2 semaphore(%arg30 : memref<!tpu.dma_semaphore, #tpu.memory_space<semaphore_mem>>) src(%arg19 : memref<16x128xf32, #tpu.memory_space<vmem>>) dst(%dma_wait3A_452 : memref<16x128xf32, #tpu.memory_space<vmem_shared>>)
    %dma_wait3A_453 = arith.constant 0 : i32
    %dma_wait3A_454 = tpu.memref_slice %arg21[%add3A_230, %dma_wait3A_453] : memref<10240x128xf32, #tpu.memory_space<vmem_shared>> -> memref<16x128xf32, #tpu.memory_space<vmem_shared>>
    %dma_wait3A_455 = arith.constant 0 : i32
    %dma_wait3A_456 = tpu.memref_slice %arg21[%add3A_230, %dma_wait3A_455] : memref<10240x128xf32, #tpu.memory_space<vmem_shared>> -> memref<16x128xf32, #tpu.memory_space<vmem_shared>>
    tpu.wait_dma2 semaphore(%arg30 : memref<!tpu.dma_semaphore, #tpu.memory_space<semaphore_mem>>) src(%arg19 : memref<16x128xf32, #tpu.memory_space<vmem>>) dst(%dma_wait3A_456 : memref<16x128xf32, #tpu.memory_space<vmem_shared>>)
    %dma_wait3A_457 = arith.constant 0 : i32
    %dma_wait3A_458 = tpu.memref_slice %arg21[%add3A_236, %dma_wait3A_457] : memref<10240x128xf32, #tpu.memory_space<vmem_shared>> -> memref<16x128xf32, #tpu.memory_space<vmem_shared>>
    %dma_wait3A_459 = arith.constant 0 : i32
    %dma_wait3A_460 = tpu.memref_slice %arg21[%add3A_236, %dma_wait3A_459] : memref<10240x128xf32, #tpu.memory_space<vmem_shared>> -> memref<16x128xf32, #tpu.memory_space<vmem_shared>>
    tpu.wait_dma2 semaphore(%arg30 : memref<!tpu.dma_semaphore, #tpu.memory_space<semaphore_mem>>) src(%arg19 : memref<16x128xf32, #tpu.memory_space<vmem>>) dst(%dma_wait3A_460 : memref<16x128xf32, #tpu.memory_space<vmem_shared>>)
    %dma_wait3A_461 = arith.constant 0 : i32
    %dma_wait3A_462 = tpu.memref_slice %arg21[%add3A_242, %dma_wait3A_461] : memref<10240x128xf32, #tpu.memory_space<vmem_shared>> -> memref<16x128xf32, #tpu.memory_space<vmem_shared>>
    %dma_wait3A_463 = arith.constant 0 : i32
    %dma_wait3A_464 = tpu.memref_slice %arg21[%add3A_242, %dma_wait3A_463] : memref<10240x128xf32, #tpu.memory_space<vmem_shared>> -> memref<16x128xf32, #tpu.memory_space<vmem_shared>>
    tpu.wait_dma2 semaphore(%arg30 : memref<!tpu.dma_semaphore, #tpu.memory_space<semaphore_mem>>) src(%arg19 : memref<16x128xf32, #tpu.memory_space<vmem>>) dst(%dma_wait3A_464 : memref<16x128xf32, #tpu.memory_space<vmem_shared>>)
    %dma_wait3A_465 = arith.constant 0 : i32
    %dma_wait3A_466 = tpu.memref_slice %arg21[%add3A_248, %dma_wait3A_465] : memref<10240x128xf32, #tpu.memory_space<vmem_shared>> -> memref<16x128xf32, #tpu.memory_space<vmem_shared>>
    %dma_wait3A_467 = arith.constant 0 : i32
    %dma_wait3A_468 = tpu.memref_slice %arg21[%add3A_248, %dma_wait3A_467] : memref<10240x128xf32, #tpu.memory_space<vmem_shared>> -> memref<16x128xf32, #tpu.memory_space<vmem_shared>>
    tpu.wait_dma2 semaphore(%arg30 : memref<!tpu.dma_semaphore, #tpu.memory_space<semaphore_mem>>) src(%arg19 : memref<16x128xf32, #tpu.memory_space<vmem>>) dst(%dma_wait3A_468 : memref<16x128xf32, #tpu.memory_space<vmem_shared>>)
    %dma_wait3A_469 = arith.constant 0 : i32
    %dma_wait3A_470 = tpu.memref_slice %arg21[%add3A_254, %dma_wait3A_469] : memref<10240x128xf32, #tpu.memory_space<vmem_shared>> -> memref<16x128xf32, #tpu.memory_space<vmem_shared>>
    %dma_wait3A_471 = arith.constant 0 : i32
    %dma_wait3A_472 = tpu.memref_slice %arg21[%add3A_254, %dma_wait3A_471] : memref<10240x128xf32, #tpu.memory_space<vmem_shared>> -> memref<16x128xf32, #tpu.memory_space<vmem_shared>>
    tpu.wait_dma2 semaphore(%arg30 : memref<!tpu.dma_semaphore, #tpu.memory_space<semaphore_mem>>) src(%arg19 : memref<16x128xf32, #tpu.memory_space<vmem>>) dst(%dma_wait3A_472 : memref<16x128xf32, #tpu.memory_space<vmem_shared>>)
    %dma_wait3A_473 = arith.constant 0 : i32
    %dma_wait3A_474 = arith.constant 0 : i32
    %dma_wait3A_475 = tpu.memref_slice %arg19[%dma_wait3A_473, %dma_wait3A_474] : memref<16x128xf32, #tpu.memory_space<vmem>> -> memref<1x128xf32, #tpu.memory_space<vmem>>
    %dma_wait3A_476 = tpu.memref_squeeze %dma_wait3A_475 : memref<1x128xf32, #tpu.memory_space<vmem>> -> memref<128xf32, #tpu.memory_space<vmem>>
    %dma_wait3A_477 = tpu.memref_slice %arg22[%add3A_260] : memref<10240xf32, #tpu.memory_space<vmem_shared>> -> memref<128xf32, #tpu.memory_space<vmem_shared>>
    %dma_wait3A_478 = tpu.memref_slice %arg22[%add3A_260] : memref<10240xf32, #tpu.memory_space<vmem_shared>> -> memref<128xf32, #tpu.memory_space<vmem_shared>>
    %dma_wait3A_479 = arith.constant 0 : i32
    %dma_wait3A_480 = tpu.memref_slice %arg19[%dma_wait3A_473, %dma_wait3A_479] : memref<16x128xf32, #tpu.memory_space<vmem>> -> memref<1x128xf32, #tpu.memory_space<vmem>>
    %dma_wait3A_481 = tpu.memref_squeeze %dma_wait3A_480 : memref<1x128xf32, #tpu.memory_space<vmem>> -> memref<128xf32, #tpu.memory_space<vmem>>
    tpu.wait_dma2 semaphore(%arg30 : memref<!tpu.dma_semaphore, #tpu.memory_space<semaphore_mem>>) src(%dma_wait3A_481 : memref<128xf32, #tpu.memory_space<vmem>>) dst(%dma_wait3A_478 : memref<128xf32, #tpu.memory_space<vmem_shared>>)
    %dma_wait3A_482 = arith.constant 0 : i32
    %dma_wait3A_483 = arith.constant 0 : i32
    %dma_wait3A_484 = tpu.memref_slice %arg19[%dma_wait3A_482, %dma_wait3A_483] : memref<16x128xf32, #tpu.memory_space<vmem>> -> memref<1x128xf32, #tpu.memory_space<vmem>>
    %dma_wait3A_485 = tpu.memref_squeeze %dma_wait3A_484 : memref<1x128xf32, #tpu.memory_space<vmem>> -> memref<128xf32, #tpu.memory_space<vmem>>
    %dma_wait3A_486 = tpu.memref_slice %arg22[%add3A_271] : memref<10240xf32, #tpu.memory_space<vmem_shared>> -> memref<128xf32, #tpu.memory_space<vmem_shared>>
    %dma_wait3A_487 = tpu.memref_slice %arg22[%add3A_271] : memref<10240xf32, #tpu.memory_space<vmem_shared>> -> memref<128xf32, #tpu.memory_space<vmem_shared>>
    %dma_wait3A_488 = arith.constant 0 : i32
    %dma_wait3A_489 = tpu.memref_slice %arg19[%dma_wait3A_482, %dma_wait3A_488] : memref<16x128xf32, #tpu.memory_space<vmem>> -> memref<1x128xf32, #tpu.memory_space<vmem>>
    %dma_wait3A_490 = tpu.memref_squeeze %dma_wait3A_489 : memref<1x128xf32, #tpu.memory_space<vmem>> -> memref<128xf32, #tpu.memory_space<vmem>>
    tpu.wait_dma2 semaphore(%arg30 : memref<!tpu.dma_semaphore, #tpu.memory_space<semaphore_mem>>) src(%dma_wait3A_490 : memref<128xf32, #tpu.memory_space<vmem>>) dst(%dma_wait3A_487 : memref<128xf32, #tpu.memory_space<vmem_shared>>)
    %dma_wait3A_491 = arith.constant 0 : i32
    %dma_wait3A_492 = arith.constant 0 : i32
    %dma_wait3A_493 = tpu.memref_slice %arg19[%dma_wait3A_491, %dma_wait3A_492] : memref<16x128xf32, #tpu.memory_space<vmem>> -> memref<1x128xf32, #tpu.memory_space<vmem>>
    %dma_wait3A_494 = tpu.memref_squeeze %dma_wait3A_493 : memref<1x128xf32, #tpu.memory_space<vmem>> -> memref<128xf32, #tpu.memory_space<vmem>>
    %dma_wait3A_495 = tpu.memref_slice %arg22[%add3A_282] : memref<10240xf32, #tpu.memory_space<vmem_shared>> -> memref<128xf32, #tpu.memory_space<vmem_shared>>
    %dma_wait3A_496 = tpu.memref_slice %arg22[%add3A_282] : memref<10240xf32, #tpu.memory_space<vmem_shared>> -> memref<128xf32, #tpu.memory_space<vmem_shared>>
    %dma_wait3A_497 = arith.constant 0 : i32
    %dma_wait3A_498 = tpu.memref_slice %arg19[%dma_wait3A_491, %dma_wait3A_497] : memref<16x128xf32, #tpu.memory_space<vmem>> -> memref<1x128xf32, #tpu.memory_space<vmem>>
    %dma_wait3A_499 = tpu.memref_squeeze %dma_wait3A_498 : memref<1x128xf32, #tpu.memory_space<vmem>> -> memref<128xf32, #tpu.memory_space<vmem>>
    tpu.wait_dma2 semaphore(%arg30 : memref<!tpu.dma_semaphore, #tpu.memory_space<semaphore_mem>>) src(%dma_wait3A_499 : memref<128xf32, #tpu.memory_space<vmem>>) dst(%dma_wait3A_496 : memref<128xf32, #tpu.memory_space<vmem_shared>>)
    %dma_wait3A_500 = arith.constant 0 : i32
    %dma_wait3A_501 = arith.constant 0 : i32
    %dma_wait3A_502 = tpu.memref_slice %arg19[%dma_wait3A_500, %dma_wait3A_501] : memref<16x128xf32, #tpu.memory_space<vmem>> -> memref<1x128xf32, #tpu.memory_space<vmem>>
    %dma_wait3A_503 = tpu.memref_squeeze %dma_wait3A_502 : memref<1x128xf32, #tpu.memory_space<vmem>> -> memref<128xf32, #tpu.memory_space<vmem>>
    %dma_wait3A_504 = tpu.memref_slice %arg22[%add3A_293] : memref<10240xf32, #tpu.memory_space<vmem_shared>> -> memref<128xf32, #tpu.memory_space<vmem_shared>>
    %dma_wait3A_505 = tpu.memref_slice %arg22[%add3A_293] : memref<10240xf32, #tpu.memory_space<vmem_shared>> -> memref<128xf32, #tpu.memory_space<vmem_shared>>
    %dma_wait3A_506 = arith.constant 0 : i32
    %dma_wait3A_507 = tpu.memref_slice %arg19[%dma_wait3A_500, %dma_wait3A_506] : memref<16x128xf32, #tpu.memory_space<vmem>> -> memref<1x128xf32, #tpu.memory_space<vmem>>
    %dma_wait3A_508 = tpu.memref_squeeze %dma_wait3A_507 : memref<1x128xf32, #tpu.memory_space<vmem>> -> memref<128xf32, #tpu.memory_space<vmem>>
    tpu.wait_dma2 semaphore(%arg30 : memref<!tpu.dma_semaphore, #tpu.memory_space<semaphore_mem>>) src(%dma_wait3A_508 : memref<128xf32, #tpu.memory_space<vmem>>) dst(%dma_wait3A_505 : memref<128xf32, #tpu.memory_space<vmem_shared>>)
    %dma_wait3A_509 = arith.constant 0 : i32
    %dma_wait3A_510 = arith.constant 0 : i32
    %dma_wait3A_511 = tpu.memref_slice %arg19[%dma_wait3A_509, %dma_wait3A_510] : memref<16x128xf32, #tpu.memory_space<vmem>> -> memref<1x128xf32, #tpu.memory_space<vmem>>
    %dma_wait3A_512 = tpu.memref_squeeze %dma_wait3A_511 : memref<1x128xf32, #tpu.memory_space<vmem>> -> memref<128xf32, #tpu.memory_space<vmem>>
    %dma_wait3A_513 = tpu.memref_slice %arg22[%add3A_304] : memref<10240xf32, #tpu.memory_space<vmem_shared>> -> memref<128xf32, #tpu.memory_space<vmem_shared>>
    %dma_wait3A_514 = tpu.memref_slice %arg22[%add3A_304] : memref<10240xf32, #tpu.memory_space<vmem_shared>> -> memref<128xf32, #tpu.memory_space<vmem_shared>>
    %dma_wait3A_515 = arith.constant 0 : i32
    %dma_wait3A_516 = tpu.memref_slice %arg19[%dma_wait3A_509, %dma_wait3A_515] : memref<16x128xf32, #tpu.memory_space<vmem>> -> memref<1x128xf32, #tpu.memory_space<vmem>>
    %dma_wait3A_517 = tpu.memref_squeeze %dma_wait3A_516 : memref<1x128xf32, #tpu.memory_space<vmem>> -> memref<128xf32, #tpu.memory_space<vmem>>
    tpu.wait_dma2 semaphore(%arg30 : memref<!tpu.dma_semaphore, #tpu.memory_space<semaphore_mem>>) src(%dma_wait3A_517 : memref<128xf32, #tpu.memory_space<vmem>>) dst(%dma_wait3A_514 : memref<128xf32, #tpu.memory_space<vmem_shared>>)
    %barrier3A = arith.constant 0 : index
    tpu.barrier barrier_id(%barrier3A)
    %mul3A_518 = arith.constant 10000 : i32
    %mul3A_519 = arith.muli %arg1, %mul3A_518 : i32
    "tpu.region"() ({
      %run_scoped3A = tpu.sem_alloc : memref<!tpu.dma_semaphore, #tpu.memory_space<semaphore_mem>>
      %dma_start3A_614 = tpu.memref_slice %arg3[%mul3A_519] : memref<160000xi32, #tpu.memory_space<hbm>> -> memref<80xi32, #tpu.memory_space<hbm>>
      %dma_start3A_615 = tpu.memref_slice %arg3[%mul3A_519] : memref<160000xi32, #tpu.memory_space<hbm>> -> memref<80xi32, #tpu.memory_space<hbm>>
      tpu.enqueue_dma source(%dma_start3A_615 : memref<80xi32, #tpu.memory_space<hbm>>) target(%arg8 : memref<80xi32, #tpu.memory_space<vmem>>) target_semaphore(%run_scoped3A : memref<!tpu.dma_semaphore, #tpu.memory_space<semaphore_mem>>)
      %dma_wait3A_616 = tpu.memref_slice %arg3[%mul3A_519] : memref<160000xi32, #tpu.memory_space<hbm>> -> memref<80xi32, #tpu.memory_space<hbm>>
      %dma_wait3A_617 = tpu.memref_slice %arg3[%mul3A_519] : memref<160000xi32, #tpu.memory_space<hbm>> -> memref<80xi32, #tpu.memory_space<hbm>>
      tpu.wait_dma2 semaphore(%run_scoped3A : memref<!tpu.dma_semaphore, #tpu.memory_space<semaphore_mem>>) src(%dma_wait3A_617 : memref<80xi32, #tpu.memory_space<hbm>>) dst(%arg8 : memref<80xi32, #tpu.memory_space<vmem>>)
      tpu.yield
    }) : () -> ()
    "tpu.region"() ({
      %run_scoped3A = tpu.sem_alloc : memref<!tpu.dma_semaphore, #tpu.memory_space<semaphore_mem>>
      %dma_start3A_614 = tpu.memref_slice %arg4[%mul3A_519] : memref<160000xi32, #tpu.memory_space<hbm>> -> memref<40xi32, #tpu.memory_space<hbm>>
      %dma_start3A_615 = tpu.memref_slice %arg4[%mul3A_519] : memref<160000xi32, #tpu.memory_space<hbm>> -> memref<40xi32, #tpu.memory_space<hbm>>
      tpu.enqueue_dma source(%dma_start3A_615 : memref<40xi32, #tpu.memory_space<hbm>>) target(%arg9 : memref<40xi32, #tpu.memory_space<vmem>>) target_semaphore(%run_scoped3A : memref<!tpu.dma_semaphore, #tpu.memory_space<semaphore_mem>>)
      %dma_wait3A_616 = tpu.memref_slice %arg4[%mul3A_519] : memref<160000xi32, #tpu.memory_space<hbm>> -> memref<40xi32, #tpu.memory_space<hbm>>
      %dma_wait3A_617 = tpu.memref_slice %arg4[%mul3A_519] : memref<160000xi32, #tpu.memory_space<hbm>> -> memref<40xi32, #tpu.memory_space<hbm>>
      tpu.wait_dma2 semaphore(%run_scoped3A : memref<!tpu.dma_semaphore, #tpu.memory_space<semaphore_mem>>) src(%dma_wait3A_617 : memref<40xi32, #tpu.memory_space<hbm>>) dst(%arg9 : memref<40xi32, #tpu.memory_space<vmem>>)
      tpu.yield
    }) : () -> ()
    %add3A_520 = arith.constant 40 : i32
    %add3A_521 = arith.addi %mul3A_519, %add3A_520 : i32
    "tpu.region"() ({
      %run_scoped3A = tpu.sem_alloc : memref<!tpu.dma_semaphore, #tpu.memory_space<semaphore_mem>>
      %dma_start3A_614 = tpu.memref_slice %arg4[%add3A_521] : memref<160000xi32, #tpu.memory_space<hbm>> -> memref<40xi32, #tpu.memory_space<hbm>>
      %dma_start3A_615 = tpu.memref_slice %arg4[%add3A_521] : memref<160000xi32, #tpu.memory_space<hbm>> -> memref<40xi32, #tpu.memory_space<hbm>>
      tpu.enqueue_dma source(%dma_start3A_615 : memref<40xi32, #tpu.memory_space<hbm>>) target(%arg10 : memref<40xi32, #tpu.memory_space<vmem>>) target_semaphore(%run_scoped3A : memref<!tpu.dma_semaphore, #tpu.memory_space<semaphore_mem>>)
      %dma_wait3A_616 = tpu.memref_slice %arg4[%add3A_521] : memref<160000xi32, #tpu.memory_space<hbm>> -> memref<40xi32, #tpu.memory_space<hbm>>
      %dma_wait3A_617 = tpu.memref_slice %arg4[%add3A_521] : memref<160000xi32, #tpu.memory_space<hbm>> -> memref<40xi32, #tpu.memory_space<hbm>>
      tpu.wait_dma2 semaphore(%run_scoped3A : memref<!tpu.dma_semaphore, #tpu.memory_space<semaphore_mem>>) src(%dma_wait3A_617 : memref<40xi32, #tpu.memory_space<hbm>>) dst(%arg10 : memref<40xi32, #tpu.memory_space<vmem>>)
      tpu.yield
    }) : () -> ()
    %add3A_522 = arith.constant 0 : i32
    %add3A_523 = arith.addi %mul3A_519, %add3A_522 : i32
    %dma_start3A_524 = arith.constant 0 : i32
    %dma_start3A_525 = arith.constant 0 : i32
    %dma_start3A_526 = tpu.memref_slice %arg2[%arg0, %dma_start3A_524, %dma_start3A_525] : memref<2x10000x128xf32, #tpu.memory_space<hbm>> -> memref<1x10000x128xf32, #tpu.memory_space<hbm>>
    %dma_start3A_527 = tpu.memref_squeeze %dma_start3A_526 : memref<1x10000x128xf32, #tpu.memory_space<hbm>> -> memref<10000x128xf32, #tpu.memory_space<hbm>>
    %dma_start3A_528 = arith.constant 0 : i32
    %dma_start3A_529 = arith.constant 0 : i32
    %dma_start3A_530 = tpu.memref_slice %dma_start3A_527[%dma_start3A_528, %dma_start3A_529] : memref<10000x128xf32, #tpu.memory_space<hbm>> -> memref<10000x128xf32, #tpu.memory_space<hbm>>
    tpu.enqueue_indirect_dma source(%dma_start3A_530 : memref<10000x128xf32, #tpu.memory_space<hbm>>) target(%arg14 : memref<80x128xf32, #tpu.memory_space<vmem>>) offsets(%arg8 : memref<80xi32, #tpu.memory_space<vmem>>) semaphore(%arg25 : memref<!tpu.dma_semaphore, #tpu.memory_space<semaphore_mem>>)
    %mul3A_531 = arith.constant 128 : i32
    %mul3A_532 = arith.muli %arg0, %mul3A_531 : i32
    %dma_start3A_533 = tpu.memref_slice %arg5[%add3A_523, %mul3A_532] : memref<160000x256xf32, #tpu.memory_space<hbm>> -> memref<80x128xf32, #tpu.memory_space<hbm>>
    %dma_start3A_534 = tpu.memref_slice %arg5[%add3A_523, %mul3A_532] : memref<160000x256xf32, #tpu.memory_space<hbm>> -> memref<80x128xf32, #tpu.memory_space<hbm>>
    tpu.enqueue_dma source(%dma_start3A_534 : memref<80x128xf32, #tpu.memory_space<hbm>>) target(%arg15 : memref<80x128xf32, #tpu.memory_space<vmem>>) target_semaphore(%arg27 : memref<!tpu.dma_semaphore, #tpu.memory_space<semaphore_mem>>)
    %add3A_535 = arith.constant 80 : i32
    %add3A_536 = arith.addi %mul3A_519, %add3A_535 : i32
    %dma_start3A_537 = tpu.memref_slice %arg3[%add3A_536] : memref<160000xi32, #tpu.memory_space<hbm>> -> memref<80xi32, #tpu.memory_space<hbm>>
    %dma_start3A_538 = tpu.memref_slice %arg3[%add3A_536] : memref<160000xi32, #tpu.memory_space<hbm>> -> memref<80xi32, #tpu.memory_space<hbm>>
    tpu.enqueue_dma source(%dma_start3A_538 : memref<80xi32, #tpu.memory_space<hbm>>) target(%arg11 : memref<80xi32, #tpu.memory_space<vmem>>) target_semaphore(%arg24 : memref<!tpu.dma_semaphore, #tpu.memory_space<semaphore_mem>>)
    %dma_start3A_539 = tpu.memref_slice %arg4[%add3A_536] : memref<160000xi32, #tpu.memory_space<hbm>> -> memref<40xi32, #tpu.memory_space<hbm>>
    %dma_start3A_540 = tpu.memref_slice %arg4[%add3A_536] : memref<160000xi32, #tpu.memory_space<hbm>> -> memref<40xi32, #tpu.memory_space<hbm>>
    tpu.enqueue_dma source(%dma_start3A_540 : memref<40xi32, #tpu.memory_space<hbm>>) target(%arg12 : memref<40xi32, #tpu.memory_space<vmem>>) target_semaphore(%arg24 : memref<!tpu.dma_semaphore, #tpu.memory_space<semaphore_mem>>)
    %add3A_541 = arith.constant 40 : i32
    %add3A_542 = arith.addi %add3A_536, %add3A_541 : i32
    %dma_start3A_543 = tpu.memref_slice %arg4[%add3A_542] : memref<160000xi32, #tpu.memory_space<hbm>> -> memref<40xi32, #tpu.memory_space<hbm>>
    %dma_start3A_544 = tpu.memref_slice %arg4[%add3A_542] : memref<160000xi32, #tpu.memory_space<hbm>> -> memref<40xi32, #tpu.memory_space<hbm>>
    tpu.enqueue_dma source(%dma_start3A_544 : memref<40xi32, #tpu.memory_space<hbm>>) target(%arg13 : memref<40xi32, #tpu.memory_space<vmem>>) target_semaphore(%arg24 : memref<!tpu.dma_semaphore, #tpu.memory_space<semaphore_mem>>)
    %scan3A_545 = arith.constant 0 : i32
    %scan3A_546 = arith.constant 0 : i32
    %scan3A_547 = arith.constant 62 : i32
    %scan3A_548 = arith.addi %scan3A_546, %scan3A_547 : i32
    %scan3A_549 = arith.constant 1 : i32
    %scan3A_550 = scf.for %scan3A_614 = %scan3A_546 to %scan3A_548 step %scan3A_549 iter_args(%scan3A_615 = %scan3A_545) -> (i32)  : i32 {
      %mul3A_616 = arith.constant 2 : i32
      %mul3A_617 = arith.muli %mul3A_616, %scan3A_614 : i32
      %add3A_618 = arith.constant 1 : i32
      %add3A_619 = arith.addi %mul3A_617, %add3A_618 : i32
      %lt3A = arith.constant 125 : i32
      %lt3A_620 = arith.cmpi slt, %add3A_619, %lt3A : i32
      %convert_element_type3A_621 = arith.extui %lt3A_620 : i1 to i32
      %cond3A_622 = arith.constant 0 : i32
      %cond3A_623 = arith.cmpi ne, %convert_element_type3A_621, %cond3A_622 : i32
      scf.if %cond3A_623 {
        %dma_wait3A_768 = arith.constant 0 : i32
        %dma_wait3A_769 = tpu.memref_slice %arg3[%dma_wait3A_768] : memref<160000xi32, #tpu.memory_space<hbm>> -> memref<80xi32, #tpu.memory_space<hbm>>
        %dma_wait3A_770 = arith.constant 0 : i32
        %dma_wait3A_771 = tpu.memref_slice %arg3[%dma_wait3A_770] : memref<160000xi32, #tpu.memory_space<hbm>> -> memref<80xi32, #tpu.memory_space<hbm>>
        tpu.wait_dma2 semaphore(%arg24 : memref<!tpu.dma_semaphore, #tpu.memory_space<semaphore_mem>>) src(%dma_wait3A_771 : memref<80xi32, #tpu.memory_space<hbm>>) dst(%arg11 : memref<80xi32, #tpu.memory_space<vmem>>)
        %dma_wait3A_772 = arith.constant 0 : i32
        %dma_wait3A_773 = tpu.memref_slice %arg4[%dma_wait3A_772] : memref<160000xi32, #tpu.memory_space<hbm>> -> memref<40xi32, #tpu.memory_space<hbm>>
        %dma_wait3A_774 = arith.constant 0 : i32
        %dma_wait3A_775 = tpu.memref_slice %arg4[%dma_wait3A_774] : memref<160000xi32, #tpu.memory_space<hbm>> -> memref<40xi32, #tpu.memory_space<hbm>>
        tpu.wait_dma2 semaphore(%arg24 : memref<!tpu.dma_semaphore, #tpu.memory_space<semaphore_mem>>) src(%dma_wait3A_775 : memref<40xi32, #tpu.memory_space<hbm>>) dst(%arg12 : memref<40xi32, #tpu.memory_space<vmem>>)
        %dma_wait3A_776 = arith.constant 0 : i32
        %dma_wait3A_777 = tpu.memref_slice %arg4[%dma_wait3A_776] : memref<160000xi32, #tpu.memory_space<hbm>> -> memref<40xi32, #tpu.memory_space<hbm>>
        %dma_wait3A_778 = arith.constant 0 : i32
        %dma_wait3A_779 = tpu.memref_slice %arg4[%dma_wait3A_778] : memref<160000xi32, #tpu.memory_space<hbm>> -> memref<40xi32, #tpu.memory_space<hbm>>
        tpu.wait_dma2 semaphore(%arg24 : memref<!tpu.dma_semaphore, #tpu.memory_space<semaphore_mem>>) src(%dma_wait3A_779 : memref<40xi32, #tpu.memory_space<hbm>>) dst(%arg13 : memref<40xi32, #tpu.memory_space<vmem>>)
        %add3A_780 = arith.constant 1 : i32
        %add3A_781 = arith.addi %mul3A_617, %add3A_780 : i32
        %mul3A_782 = arith.constant 80 : i32
        %mul3A_783 = arith.muli %add3A_781, %mul3A_782 : i32
        %add3A_784 = arith.addi %mul3A_519, %mul3A_783 : i32
        %dma_start3A_785 = arith.constant 0 : i32
        %dma_start3A_786 = arith.constant 0 : i32
        %dma_start3A_787 = tpu.memref_slice %arg2[%arg0, %dma_start3A_785, %dma_start3A_786] : memref<2x10000x128xf32, #tpu.memory_space<hbm>> -> memref<1x10000x128xf32, #tpu.memory_space<hbm>>
        %dma_start3A_788 = tpu.memref_squeeze %dma_start3A_787 : memref<1x10000x128xf32, #tpu.memory_space<hbm>> -> memref<10000x128xf32, #tpu.memory_space<hbm>>
        %dma_start3A_789 = arith.constant 0 : i32
        %dma_start3A_790 = arith.constant 0 : i32
        %dma_start3A_791 = tpu.memref_slice %dma_start3A_788[%dma_start3A_789, %dma_start3A_790] : memref<10000x128xf32, #tpu.memory_space<hbm>> -> memref<10000x128xf32, #tpu.memory_space<hbm>>
        tpu.enqueue_indirect_dma source(%dma_start3A_791 : memref<10000x128xf32, #tpu.memory_space<hbm>>) target(%arg16 : memref<80x128xf32, #tpu.memory_space<vmem>>) offsets(%arg11 : memref<80xi32, #tpu.memory_space<vmem>>) semaphore(%arg26 : memref<!tpu.dma_semaphore, #tpu.memory_space<semaphore_mem>>)
        %mul3A_792 = arith.constant 128 : i32
        %mul3A_793 = arith.muli %arg0, %mul3A_792 : i32
        %dma_start3A_794 = tpu.memref_slice %arg5[%add3A_784, %mul3A_793] : memref<160000x256xf32, #tpu.memory_space<hbm>> -> memref<80x128xf32, #tpu.memory_space<hbm>>
        %dma_start3A_795 = tpu.memref_slice %arg5[%add3A_784, %mul3A_793] : memref<160000x256xf32, #tpu.memory_space<hbm>> -> memref<80x128xf32, #tpu.memory_space<hbm>>
        tpu.enqueue_dma source(%dma_start3A_795 : memref<80x128xf32, #tpu.memory_space<hbm>>) target(%arg17 : memref<80x128xf32, #tpu.memory_space<vmem>>) target_semaphore(%arg28 : memref<!tpu.dma_semaphore, #tpu.memory_space<semaphore_mem>>)
      } else {
      }
      %dma_wait3A_624 = arith.constant 0 : i32
      %dma_wait3A_625 = arith.constant 0 : i32
      %dma_wait3A_626 = tpu.memref_slice %arg2[%arg0, %dma_wait3A_624, %dma_wait3A_625] : memref<2x10000x128xf32, #tpu.memory_space<hbm>> -> memref<1x10000x128xf32, #tpu.memory_space<hbm>>
      %dma_wait3A_627 = tpu.memref_squeeze %dma_wait3A_626 : memref<1x10000x128xf32, #tpu.memory_space<hbm>> -> memref<10000x128xf32, #tpu.memory_space<hbm>>
      %dma_wait3A_628 = arith.constant 0 : i32
      %dma_wait3A_629 = arith.constant 0 : i32
      %dma_wait3A_630 = tpu.memref_slice %dma_wait3A_627[%dma_wait3A_628, %dma_wait3A_629] : memref<10000x128xf32, #tpu.memory_space<hbm>> -> memref<10000x128xf32, #tpu.memory_space<hbm>>
      tpu.wait_indirect_dma semaphore(%arg25 : memref<!tpu.dma_semaphore, #tpu.memory_space<semaphore_mem>>) src(%dma_wait3A_630 : memref<10000x128xf32, #tpu.memory_space<hbm>>) dst(%arg14 : memref<80x128xf32, #tpu.memory_space<vmem>>)
      %dma_wait3A_631 = arith.constant 0 : i32
      %dma_wait3A_632 = arith.constant 0 : i32
      %dma_wait3A_633 = tpu.memref_slice %arg5[%dma_wait3A_631, %dma_wait3A_632] : memref<160000x256xf32, #tpu.memory_space<hbm>> -> memref<80x128xf32, #tpu.memory_space<hbm>>
      %dma_wait3A_634 = arith.constant 0 : i32
      %dma_wait3A_635 = arith.constant 0 : i32
      %dma_wait3A_636 = tpu.memref_slice %arg5[%dma_wait3A_634, %dma_wait3A_635] : memref<160000x256xf32, #tpu.memory_space<hbm>> -> memref<80x128xf32, #tpu.memory_space<hbm>>
      tpu.wait_dma2 semaphore(%arg27 : memref<!tpu.dma_semaphore, #tpu.memory_space<semaphore_mem>>) src(%dma_wait3A_636 : memref<80x128xf32, #tpu.memory_space<hbm>>) dst(%arg15 : memref<80x128xf32, #tpu.memory_space<vmem>>)
      %scan3A_637 = arith.constant 0 : i32
      %scan3A_638 = arith.constant 0 : i32
      %scan3A_639 = arith.constant 40 : i32
      %scan3A_640 = arith.addi %scan3A_638, %scan3A_639 : i32
      %scan3A_641 = arith.constant 1 : i32
      %scan3A_642 = scf.for %scan3A_768 = %scan3A_638 to %scan3A_640 step %scan3A_641 iter_args(%scan3A_769 = %scan3A_637) -> (i32)  : i32 {
        %get3A = arith.index_cast %scan3A_768 : i32 to index
        %get3A_770 = arith.constant 0 : index
        %get3A_771 = tpu.vector_load %arg14[%get3A, %get3A_770] {strides = array<i32>} : memref<80x128xf32, #tpu.memory_space<vmem>>, vector<1x16xf32>,
        %get3A_772 = vector.shape_cast %get3A_771 : vector<1x16xf32> to vector<16xf32>
        %get3A_773 = arith.index_cast %scan3A_768 : i32 to index
        %get3A_774 = arith.constant 0 : index
        %get3A_775 = tpu.vector_load %arg15[%get3A_773, %get3A_774] {strides = array<i32>} : memref<80x128xf32, #tpu.memory_space<vmem>>, vector<1x16xf32>,
        %get3A_776 = vector.shape_cast %get3A_775 : vector<1x16xf32> to vector<16xf32>
        %add3A_777 = arith.addf %get3A_772, %get3A_776 : vector<16xf32>
        %neg3A = arith.constant 0.000000e+00 : f32
        %neg3A_778 = vector.broadcast %neg3A : f32 to vector<16xf32>
        %neg3A_779 = arith.subf %neg3A_778, %add3A_777 : vector<16xf32>
        %exp3A = math.exp %neg3A_779 : vector<16xf32>
        %add3A_780 = arith.constant 1.000000e+00 : f32
        %add3A_781 = vector.broadcast %add3A_780 : f32 to vector<16xf32>
        %add3A_782 = arith.addf %add3A_781, %exp3A : vector<16xf32>
        %div3A = arith.divf %add3A_777, %add3A_782 : vector<16xf32>
        %swap3A_783 = arith.index_cast %scan3A_768 : i32 to index
        %swap3A_784 = arith.constant 0 : index
        %swap3A_785 = tpu.vector_load %arg14[%swap3A_783, %swap3A_784] {strides = array<i32>} : memref<80x128xf32, #tpu.memory_space<vmem>>, vector<1x16xf32>,
        %swap3A_786 = vector.shape_cast %swap3A_785 : vector<1x16xf32> to vector<16xf32>
        %swap3A_787 = vector.shape_cast %div3A : vector<16xf32> to vector<1x16xf32>
        tpu.vector_store %arg14[%swap3A_783, %swap3A_784], %swap3A_787 {strides = array<i32>} : memref<80x128xf32, #tpu.memory_space<vmem>>, vector<1x16xf32>,
        %get3A_788 = arith.index_cast %scan3A_768 : i32 to index
        %get3A_789 = arith.constant 16 : index
        %get3A_790 = tpu.vector_load %arg14[%get3A_788, %get3A_789] {strides = array<i32>} : memref<80x128xf32, #tpu.memory_space<vmem>>, vector<1x16xf32>,
        %get3A_791 = vector.shape_cast %get3A_790 : vector<1x16xf32> to vector<16xf32>
        %get3A_792 = arith.index_cast %scan3A_768 : i32 to index
        %get3A_793 = arith.constant 16 : index
        %get3A_794 = tpu.vector_load %arg15[%get3A_792, %get3A_793] {strides = array<i32>} : memref<80x128xf32, #tpu.memory_space<vmem>>, vector<1x16xf32>,
        %get3A_795 = vector.shape_cast %get3A_794 : vector<1x16xf32> to vector<16xf32>
        %add3A_796 = arith.addf %get3A_791, %get3A_795 : vector<16xf32>
        %neg3A_797 = arith.constant 0.000000e+00 : f32
        %neg3A_798 = vector.broadcast %neg3A_797 : f32 to vector<16xf32>
        %neg3A_799 = arith.subf %neg3A_798, %add3A_796 : vector<16xf32>
        %exp3A_800 = math.exp %neg3A_799 : vector<16xf32>
        %add3A_801 = arith.constant 1.000000e+00 : f32
        %add3A_802 = vector.broadcast %add3A_801 : f32 to vector<16xf32>
        %add3A_803 = arith.addf %add3A_802, %exp3A_800 : vector<16xf32>
        %div3A_804 = arith.divf %add3A_796, %add3A_803 : vector<16xf32>
        %swap3A_805 = arith.index_cast %scan3A_768 : i32 to index
        %swap3A_806 = arith.constant 16 : index
        %swap3A_807 = tpu.vector_load %arg14[%swap3A_805, %swap3A_806] {strides = array<i32>} : memref<80x128xf32, #tpu.memory_space<vmem>>, vector<1x16xf32>,
        %swap3A_808 = vector.shape_cast %swap3A_807 : vector<1x16xf32> to vector<16xf32>
        %swap3A_809 = vector.shape_cast %div3A_804 : vector<16xf32> to vector<1x16xf32>
        tpu.vector_store %arg14[%swap3A_805, %swap3A_806], %swap3A_809 {strides = array<i32>} : memref<80x128xf32, #tpu.memory_space<vmem>>, vector<1x16xf32>,
        %get3A_810 = arith.index_cast %scan3A_768 : i32 to index
        %get3A_811 = arith.constant 32 : index
        %get3A_812 = tpu.vector_load %arg14[%get3A_810, %get3A_811] {strides = array<i32>} : memref<80x128xf32, #tpu.memory_space<vmem>>, vector<1x16xf32>,
        %get3A_813 = vector.shape_cast %get3A_812 : vector<1x16xf32> to vector<16xf32>
        %get3A_814 = arith.index_cast %scan3A_768 : i32 to index
        %get3A_815 = arith.constant 32 : index
        %get3A_816 = tpu.vector_load %arg15[%get3A_814, %get3A_815] {strides = array<i32>} : memref<80x128xf32, #tpu.memory_space<vmem>>, vector<1x16xf32>,
        %get3A_817 = vector.shape_cast %get3A_816 : vector<1x16xf32> to vector<16xf32>
        %add3A_818 = arith.addf %get3A_813, %get3A_817 : vector<16xf32>
        %neg3A_819 = arith.constant 0.000000e+00 : f32
        %neg3A_820 = vector.broadcast %neg3A_819 : f32 to vector<16xf32>
        %neg3A_821 = arith.subf %neg3A_820, %add3A_818 : vector<16xf32>
        %exp3A_822 = math.exp %neg3A_821 : vector<16xf32>
        %add3A_823 = arith.constant 1.000000e+00 : f32
        %add3A_824 = vector.broadcast %add3A_823 : f32 to vector<16xf32>
        %add3A_825 = arith.addf %add3A_824, %exp3A_822 : vector<16xf32>
        %div3A_826 = arith.divf %add3A_818, %add3A_825 : vector<16xf32>
        %swap3A_827 = arith.index_cast %scan3A_768 : i32 to index
        %swap3A_828 = arith.constant 32 : index
        %swap3A_829 = tpu.vector_load %arg14[%swap3A_827, %swap3A_828] {strides = array<i32>} : memref<80x128xf32, #tpu.memory_space<vmem>>, vector<1x16xf32>,
        %swap3A_830 = vector.shape_cast %swap3A_829 : vector<1x16xf32> to vector<16xf32>
        %swap3A_831 = vector.shape_cast %div3A_826 : vector<16xf32> to vector<1x16xf32>
        tpu.vector_store %arg14[%swap3A_827, %swap3A_828], %swap3A_831 {strides = array<i32>} : memref<80x128xf32, #tpu.memory_space<vmem>>, vector<1x16xf32>,
        %get3A_832 = arith.index_cast %scan3A_768 : i32 to index
        %get3A_833 = arith.constant 48 : index
        %get3A_834 = tpu.vector_load %arg14[%get3A_832, %get3A_833] {strides = array<i32>} : memref<80x128xf32, #tpu.memory_space<vmem>>, vector<1x16xf32>,
        %get3A_835 = vector.shape_cast %get3A_834 : vector<1x16xf32> to vector<16xf32>
        %get3A_836 = arith.index_cast %scan3A_768 : i32 to index
        %get3A_837 = arith.constant 48 : index
        %get3A_838 = tpu.vector_load %arg15[%get3A_836, %get3A_837] {strides = array<i32>} : memref<80x128xf32, #tpu.memory_space<vmem>>, vector<1x16xf32>,
        %get3A_839 = vector.shape_cast %get3A_838 : vector<1x16xf32> to vector<16xf32>
        %add3A_840 = arith.addf %get3A_835, %get3A_839 : vector<16xf32>
        %neg3A_841 = arith.constant 0.000000e+00 : f32
        %neg3A_842 = vector.broadcast %neg3A_841 : f32 to vector<16xf32>
        %neg3A_843 = arith.subf %neg3A_842, %add3A_840 : vector<16xf32>
        %exp3A_844 = math.exp %neg3A_843 : vector<16xf32>
        %add3A_845 = arith.constant 1.000000e+00 : f32
        %add3A_846 = vector.broadcast %add3A_845 : f32 to vector<16xf32>
        %add3A_847 = arith.addf %add3A_846, %exp3A_844 : vector<16xf32>
        %div3A_848 = arith.divf %add3A_840, %add3A_847 : vector<16xf32>
        %swap3A_849 = arith.index_cast %scan3A_768 : i32 to index
        %swap3A_850 = arith.constant 48 : index
        %swap3A_851 = tpu.vector_load %arg14[%swap3A_849, %swap3A_850] {strides = array<i32>} : memref<80x128xf32, #tpu.memory_space<vmem>>, vector<1x16xf32>,
        %swap3A_852 = vector.shape_cast %swap3A_851 : vector<1x16xf32> to vector<16xf32>
        %swap3A_853 = vector.shape_cast %div3A_848 : vector<16xf32> to vector<1x16xf32>
        tpu.vector_store %arg14[%swap3A_849, %swap3A_850], %swap3A_853 {strides = array<i32>} : memref<80x128xf32, #tpu.memory_space<vmem>>, vector<1x16xf32>,
        %get3A_854 = arith.index_cast %scan3A_768 : i32 to index
        %get3A_855 = arith.constant 64 : index
        %get3A_856 = tpu.vector_load %arg14[%get3A_854, %get3A_855] {strides = array<i32>} : memref<80x128xf32, #tpu.memory_space<vmem>>, vector<1x16xf32>,
        %get3A_857 = vector.shape_cast %get3A_856 : vector<1x16xf32> to vector<16xf32>
        %get3A_858 = arith.index_cast %scan3A_768 : i32 to index
        %get3A_859 = arith.constant 64 : index
        %get3A_860 = tpu.vector_load %arg15[%get3A_858, %get3A_859] {strides = array<i32>} : memref<80x128xf32, #tpu.memory_space<vmem>>, vector<1x16xf32>,
        %get3A_861 = vector.shape_cast %get3A_860 : vector<1x16xf32> to vector<16xf32>
        %add3A_862 = arith.addf %get3A_857, %get3A_861 : vector<16xf32>
        %neg3A_863 = arith.constant 0.000000e+00 : f32
        %neg3A_864 = vector.broadcast %neg3A_863 : f32 to vector<16xf32>
        %neg3A_865 = arith.subf %neg3A_864, %add3A_862 : vector<16xf32>
        %exp3A_866 = math.exp %neg3A_865 : vector<16xf32>
        %add3A_867 = arith.constant 1.000000e+00 : f32
        %add3A_868 = vector.broadcast %add3A_867 : f32 to vector<16xf32>
        %add3A_869 = arith.addf %add3A_868, %exp3A_866 : vector<16xf32>
        %div3A_870 = arith.divf %add3A_862, %add3A_869 : vector<16xf32>
        %swap3A_871 = arith.index_cast %scan3A_768 : i32 to index
        %swap3A_872 = arith.constant 64 : index
        %swap3A_873 = tpu.vector_load %arg14[%swap3A_871, %swap3A_872] {strides = array<i32>} : memref<80x128xf32, #tpu.memory_space<vmem>>, vector<1x16xf32>,
        %swap3A_874 = vector.shape_cast %swap3A_873 : vector<1x16xf32> to vector<16xf32>
        %swap3A_875 = vector.shape_cast %div3A_870 : vector<16xf32> to vector<1x16xf32>
        tpu.vector_store %arg14[%swap3A_871, %swap3A_872], %swap3A_875 {strides = array<i32>} : memref<80x128xf32, #tpu.memory_space<vmem>>, vector<1x16xf32>,
        %get3A_876 = arith.index_cast %scan3A_768 : i32 to index
        %get3A_877 = arith.constant 80 : index
        %get3A_878 = tpu.vector_load %arg14[%get3A_876, %get3A_877] {strides = array<i32>} : memref<80x128xf32, #tpu.memory_space<vmem>>, vector<1x16xf32>,
        %get3A_879 = vector.shape_cast %get3A_878 : vector<1x16xf32> to vector<16xf32>
        %get3A_880 = arith.index_cast %scan3A_768 : i32 to index
        %get3A_881 = arith.constant 80 : index
        %get3A_882 = tpu.vector_load %arg15[%get3A_880, %get3A_881] {strides = array<i32>} : memref<80x128xf32, #tpu.memory_space<vmem>>, vector<1x16xf32>,
        %get3A_883 = vector.shape_cast %get3A_882 : vector<1x16xf32> to vector<16xf32>
        %add3A_884 = arith.addf %get3A_879, %get3A_883 : vector<16xf32>
        %neg3A_885 = arith.constant 0.000000e+00 : f32
        %neg3A_886 = vector.broadcast %neg3A_885 : f32 to vector<16xf32>
        %neg3A_887 = arith.subf %neg3A_886, %add3A_884 : vector<16xf32>
        %exp3A_888 = math.exp %neg3A_887 : vector<16xf32>
        %add3A_889 = arith.constant 1.000000e+00 : f32
        %add3A_890 = vector.broadcast %add3A_889 : f32 to vector<16xf32>
        %add3A_891 = arith.addf %add3A_890, %exp3A_888 : vector<16xf32>
        %div3A_892 = arith.divf %add3A_884, %add3A_891 : vector<16xf32>
        %swap3A_893 = arith.index_cast %scan3A_768 : i32 to index
        %swap3A_894 = arith.constant 80 : index
        %swap3A_895 = tpu.vector_load %arg14[%swap3A_893, %swap3A_894] {strides = array<i32>} : memref<80x128xf32, #tpu.memory_space<vmem>>, vector<1x16xf32>,
        %swap3A_896 = vector.shape_cast %swap3A_895 : vector<1x16xf32> to vector<16xf32>
        %swap3A_897 = vector.shape_cast %div3A_892 : vector<16xf32> to vector<1x16xf32>
        tpu.vector_store %arg14[%swap3A_893, %swap3A_894], %swap3A_897 {strides = array<i32>} : memref<80x128xf32, #tpu.memory_space<vmem>>, vector<1x16xf32>,
        %get3A_898 = arith.index_cast %scan3A_768 : i32 to index
        %get3A_899 = arith.constant 96 : index
        %get3A_900 = tpu.vector_load %arg14[%get3A_898, %get3A_899] {strides = array<i32>} : memref<80x128xf32, #tpu.memory_space<vmem>>, vector<1x16xf32>,
        %get3A_901 = vector.shape_cast %get3A_900 : vector<1x16xf32> to vector<16xf32>
        %get3A_902 = arith.index_cast %scan3A_768 : i32 to index
        %get3A_903 = arith.constant 96 : index
        %get3A_904 = tpu.vector_load %arg15[%get3A_902, %get3A_903] {strides = array<i32>} : memref<80x128xf32, #tpu.memory_space<vmem>>, vector<1x16xf32>,
        %get3A_905 = vector.shape_cast %get3A_904 : vector<1x16xf32> to vector<16xf32>
        %add3A_906 = arith.addf %get3A_901, %get3A_905 : vector<16xf32>
        %neg3A_907 = arith.constant 0.000000e+00 : f32
        %neg3A_908 = vector.broadcast %neg3A_907 : f32 to vector<16xf32>
        %neg3A_909 = arith.subf %neg3A_908, %add3A_906 : vector<16xf32>
        %exp3A_910 = math.exp %neg3A_909 : vector<16xf32>
        %add3A_911 = arith.constant 1.000000e+00 : f32
        %add3A_912 = vector.broadcast %add3A_911 : f32 to vector<16xf32>
        %add3A_913 = arith.addf %add3A_912, %exp3A_910 : vector<16xf32>
        %div3A_914 = arith.divf %add3A_906, %add3A_913 : vector<16xf32>
        %swap3A_915 = arith.index_cast %scan3A_768 : i32 to index
        %swap3A_916 = arith.constant 96 : index
        %swap3A_917 = tpu.vector_load %arg14[%swap3A_915, %swap3A_916] {strides = array<i32>} : memref<80x128xf32, #tpu.memory_space<vmem>>, vector<1x16xf32>,
        %swap3A_918 = vector.shape_cast %swap3A_917 : vector<1x16xf32> to vector<16xf32>
        %swap3A_919 = vector.shape_cast %div3A_914 : vector<16xf32> to vector<1x16xf32>
        tpu.vector_store %arg14[%swap3A_915, %swap3A_916], %swap3A_919 {strides = array<i32>} : memref<80x128xf32, #tpu.memory_space<vmem>>, vector<1x16xf32>,
        %get3A_920 = arith.index_cast %scan3A_768 : i32 to index
        %get3A_921 = arith.constant 112 : index
        %get3A_922 = tpu.vector_load %arg14[%get3A_920, %get3A_921] {strides = array<i32>} : memref<80x128xf32, #tpu.memory_space<vmem>>, vector<1x16xf32>,
        %get3A_923 = vector.shape_cast %get3A_922 : vector<1x16xf32> to vector<16xf32>
        %get3A_924 = arith.index_cast %scan3A_768 : i32 to index
        %get3A_925 = arith.constant 112 : index
        %get3A_926 = tpu.vector_load %arg15[%get3A_924, %get3A_925] {strides = array<i32>} : memref<80x128xf32, #tpu.memory_space<vmem>>, vector<1x16xf32>,
        %get3A_927 = vector.shape_cast %get3A_926 : vector<1x16xf32> to vector<16xf32>
        %add3A_928 = arith.addf %get3A_923, %get3A_927 : vector<16xf32>
        %neg3A_929 = arith.constant 0.000000e+00 : f32
        %neg3A_930 = vector.broadcast %neg3A_929 : f32 to vector<16xf32>
        %neg3A_931 = arith.subf %neg3A_930, %add3A_928 : vector<16xf32>
        %exp3A_932 = math.exp %neg3A_931 : vector<16xf32>
        %add3A_933 = arith.constant 1.000000e+00 : f32
        %add3A_934 = vector.broadcast %add3A_933 : f32 to vector<16xf32>
        %add3A_935 = arith.addf %add3A_934, %exp3A_932 : vector<16xf32>
        %div3A_936 = arith.divf %add3A_928, %add3A_935 : vector<16xf32>
        %swap3A_937 = arith.index_cast %scan3A_768 : i32 to index
        %swap3A_938 = arith.constant 112 : index
        %swap3A_939 = tpu.vector_load %arg14[%swap3A_937, %swap3A_938] {strides = array<i32>} : memref<80x128xf32, #tpu.memory_space<vmem>>, vector<1x16xf32>,
        %swap3A_940 = vector.shape_cast %swap3A_939 : vector<1x16xf32> to vector<16xf32>
        %swap3A_941 = vector.shape_cast %div3A_936 : vector<16xf32> to vector<1x16xf32>
        tpu.vector_store %arg14[%swap3A_937, %swap3A_938], %swap3A_941 {strides = array<i32>} : memref<80x128xf32, #tpu.memory_space<vmem>>, vector<1x16xf32>,
        %scan3A_942 = arith.constant 0 : i32
        scf.yield %scan3A_942 : i32
      }
      %scan3A_643 = arith.constant 40 : i32
      %dma_start3A_644 = arith.constant 0 : i32
      %dma_start3A_645 = arith.constant 0 : i32
      %dma_start3A_646 = tpu.memref_slice %arg14[%dma_start3A_644, %dma_start3A_645] : memref<80x128xf32, #tpu.memory_space<vmem>> -> memref<40x128xf32, #tpu.memory_space<vmem>>
      %dma_start3A_647 = arith.constant 0 : i32
      %dma_start3A_648 = arith.constant 0 : i32
      %dma_start3A_649 = tpu.memref_slice %arg21[%dma_start3A_647, %dma_start3A_648] : memref<10240x128xf32, #tpu.memory_space<vmem_shared>> -> memref<10240x128xf32, #tpu.memory_space<vmem_shared>>
      tpu.enqueue_indirect_dma source(%dma_start3A_646 : memref<40x128xf32, #tpu.memory_space<vmem>>) target(%dma_start3A_649 : memref<10240x128xf32, #tpu.memory_space<vmem_shared>>) offsets(%arg9 : memref<40xi32, #tpu.memory_space<vmem>>) semaphore(%arg29 : memref<!tpu.dma_semaphore, #tpu.memory_space<semaphore_mem>>) {add = true}
      %dma_start3A_650 = arith.constant 0 : i32
      %dma_start3A_651 = tpu.memref_slice %arg22[%dma_start3A_650] : memref<10240xf32, #tpu.memory_space<vmem_shared>> -> memref<10240xf32, #tpu.memory_space<vmem_shared>>
      tpu.enqueue_indirect_dma source(%arg18 : memref<40xf32, #tpu.memory_space<vmem>>) target(%dma_start3A_651 : memref<10240xf32, #tpu.memory_space<vmem_shared>>) offsets(%arg9 : memref<40xi32, #tpu.memory_space<vmem>>) semaphore(%arg29 : memref<!tpu.dma_semaphore, #tpu.memory_space<semaphore_mem>>) {add = true}
      %scan3A_652 = arith.constant 0 : i32
      %scan3A_653 = arith.constant 40 : i32
      %scan3A_654 = arith.constant 40 : i32
      %scan3A_655 = arith.addi %scan3A_653, %scan3A_654 : i32
      %scan3A_656 = arith.constant 1 : i32
      %scan3A_657 = scf.for %scan3A_768 = %scan3A_653 to %scan3A_655 step %scan3A_656 iter_args(%scan3A_769 = %scan3A_652) -> (i32)  : i32 {
        %get3A = arith.index_cast %scan3A_768 : i32 to index
        %get3A_770 = arith.constant 0 : index
        %get3A_771 = tpu.vector_load %arg14[%get3A, %get3A_770] {strides = array<i32>} : memref<80x128xf32, #tpu.memory_space<vmem>>, vector<1x16xf32>,
        %get3A_772 = vector.shape_cast %get3A_771 : vector<1x16xf32> to vector<16xf32>
        %get3A_773 = arith.index_cast %scan3A_768 : i32 to index
        %get3A_774 = arith.constant 0 : index
        %get3A_775 = tpu.vector_load %arg15[%get3A_773, %get3A_774] {strides = array<i32>} : memref<80x128xf32, #tpu.memory_space<vmem>>, vector<1x16xf32>,
        %get3A_776 = vector.shape_cast %get3A_775 : vector<1x16xf32> to vector<16xf32>
        %add3A_777 = arith.addf %get3A_772, %get3A_776 : vector<16xf32>
        %neg3A = arith.constant 0.000000e+00 : f32
        %neg3A_778 = vector.broadcast %neg3A : f32 to vector<16xf32>
        %neg3A_779 = arith.subf %neg3A_778, %add3A_777 : vector<16xf32>
        %exp3A = math.exp %neg3A_779 : vector<16xf32>
        %add3A_780 = arith.constant 1.000000e+00 : f32
        %add3A_781 = vector.broadcast %add3A_780 : f32 to vector<16xf32>
        %add3A_782 = arith.addf %add3A_781, %exp3A : vector<16xf32>
        %div3A = arith.divf %add3A_777, %add3A_782 : vector<16xf32>
        %swap3A_783 = arith.index_cast %scan3A_768 : i32 to index
        %swap3A_784 = arith.constant 0 : index
        %swap3A_785 = tpu.vector_load %arg14[%swap3A_783, %swap3A_784] {strides = array<i32>} : memref<80x128xf32, #tpu.memory_space<vmem>>, vector<1x16xf32>,
        %swap3A_786 = vector.shape_cast %swap3A_785 : vector<1x16xf32> to vector<16xf32>
        %swap3A_787 = vector.shape_cast %div3A : vector<16xf32> to vector<1x16xf32>
        tpu.vector_store %arg14[%swap3A_783, %swap3A_784], %swap3A_787 {strides = array<i32>} : memref<80x128xf32, #tpu.memory_space<vmem>>, vector<1x16xf32>,
        %get3A_788 = arith.index_cast %scan3A_768 : i32 to index
        %get3A_789 = arith.constant 16 : index
        %get3A_790 = tpu.vector_load %arg14[%get3A_788, %get3A_789] {strides = array<i32>} : memref<80x128xf32, #tpu.memory_space<vmem>>, vector<1x16xf32>,
        %get3A_791 = vector.shape_cast %get3A_790 : vector<1x16xf32> to vector<16xf32>
        %get3A_792 = arith.index_cast %scan3A_768 : i32 to index
        %get3A_793 = arith.constant 16 : index
        %get3A_794 = tpu.vector_load %arg15[%get3A_792, %get3A_793] {strides = array<i32>} : memref<80x128xf32, #tpu.memory_space<vmem>>, vector<1x16xf32>,
        %get3A_795 = vector.shape_cast %get3A_794 : vector<1x16xf32> to vector<16xf32>
        %add3A_796 = arith.addf %get3A_791, %get3A_795 : vector<16xf32>
        %neg3A_797 = arith.constant 0.000000e+00 : f32
        %neg3A_798 = vector.broadcast %neg3A_797 : f32 to vector<16xf32>
        %neg3A_799 = arith.subf %neg3A_798, %add3A_796 : vector<16xf32>
        %exp3A_800 = math.exp %neg3A_799 : vector<16xf32>
        %add3A_801 = arith.constant 1.000000e+00 : f32
        %add3A_802 = vector.broadcast %add3A_801 : f32 to vector<16xf32>
        %add3A_803 = arith.addf %add3A_802, %exp3A_800 : vector<16xf32>
        %div3A_804 = arith.divf %add3A_796, %add3A_803 : vector<16xf32>
        %swap3A_805 = arith.index_cast %scan3A_768 : i32 to index
        %swap3A_806 = arith.constant 16 : index
        %swap3A_807 = tpu.vector_load %arg14[%swap3A_805, %swap3A_806] {strides = array<i32>} : memref<80x128xf32, #tpu.memory_space<vmem>>, vector<1x16xf32>,
        %swap3A_808 = vector.shape_cast %swap3A_807 : vector<1x16xf32> to vector<16xf32>
        %swap3A_809 = vector.shape_cast %div3A_804 : vector<16xf32> to vector<1x16xf32>
        tpu.vector_store %arg14[%swap3A_805, %swap3A_806], %swap3A_809 {strides = array<i32>} : memref<80x128xf32, #tpu.memory_space<vmem>>, vector<1x16xf32>,
        %get3A_810 = arith.index_cast %scan3A_768 : i32 to index
        %get3A_811 = arith.constant 32 : index
        %get3A_812 = tpu.vector_load %arg14[%get3A_810, %get3A_811] {strides = array<i32>} : memref<80x128xf32, #tpu.memory_space<vmem>>, vector<1x16xf32>,
        %get3A_813 = vector.shape_cast %get3A_812 : vector<1x16xf32> to vector<16xf32>
        %get3A_814 = arith.index_cast %scan3A_768 : i32 to index
        %get3A_815 = arith.constant 32 : index
        %get3A_816 = tpu.vector_load %arg15[%get3A_814, %get3A_815] {strides = array<i32>} : memref<80x128xf32, #tpu.memory_space<vmem>>, vector<1x16xf32>,
        %get3A_817 = vector.shape_cast %get3A_816 : vector<1x16xf32> to vector<16xf32>
        %add3A_818 = arith.addf %get3A_813, %get3A_817 : vector<16xf32>
        %neg3A_819 = arith.constant 0.000000e+00 : f32
        %neg3A_820 = vector.broadcast %neg3A_819 : f32 to vector<16xf32>
        %neg3A_821 = arith.subf %neg3A_820, %add3A_818 : vector<16xf32>
        %exp3A_822 = math.exp %neg3A_821 : vector<16xf32>
        %add3A_823 = arith.constant 1.000000e+00 : f32
        %add3A_824 = vector.broadcast %add3A_823 : f32 to vector<16xf32>
        %add3A_825 = arith.addf %add3A_824, %exp3A_822 : vector<16xf32>
        %div3A_826 = arith.divf %add3A_818, %add3A_825 : vector<16xf32>
        %swap3A_827 = arith.index_cast %scan3A_768 : i32 to index
        %swap3A_828 = arith.constant 32 : index
        %swap3A_829 = tpu.vector_load %arg14[%swap3A_827, %swap3A_828] {strides = array<i32>} : memref<80x128xf32, #tpu.memory_space<vmem>>, vector<1x16xf32>,
        %swap3A_830 = vector.shape_cast %swap3A_829 : vector<1x16xf32> to vector<16xf32>
        %swap3A_831 = vector.shape_cast %div3A_826 : vector<16xf32> to vector<1x16xf32>
        tpu.vector_store %arg14[%swap3A_827, %swap3A_828], %swap3A_831 {strides = array<i32>} : memref<80x128xf32, #tpu.memory_space<vmem>>, vector<1x16xf32>,
        %get3A_832 = arith.index_cast %scan3A_768 : i32 to index
        %get3A_833 = arith.constant 48 : index
        %get3A_834 = tpu.vector_load %arg14[%get3A_832, %get3A_833] {strides = array<i32>} : memref<80x128xf32, #tpu.memory_space<vmem>>, vector<1x16xf32>,
        %get3A_835 = vector.shape_cast %get3A_834 : vector<1x16xf32> to vector<16xf32>
        %get3A_836 = arith.index_cast %scan3A_768 : i32 to index
        %get3A_837 = arith.constant 48 : index
        %get3A_838 = tpu.vector_load %arg15[%get3A_836, %get3A_837] {strides = array<i32>} : memref<80x128xf32, #tpu.memory_space<vmem>>, vector<1x16xf32>,
        %get3A_839 = vector.shape_cast %get3A_838 : vector<1x16xf32> to vector<16xf32>
        %add3A_840 = arith.addf %get3A_835, %get3A_839 : vector<16xf32>
        %neg3A_841 = arith.constant 0.000000e+00 : f32
        %neg3A_842 = vector.broadcast %neg3A_841 : f32 to vector<16xf32>
        %neg3A_843 = arith.subf %neg3A_842, %add3A_840 : vector<16xf32>
        %exp3A_844 = math.exp %neg3A_843 : vector<16xf32>
        %add3A_845 = arith.constant 1.000000e+00 : f32
        %add3A_846 = vector.broadcast %add3A_845 : f32 to vector<16xf32>
        %add3A_847 = arith.addf %add3A_846, %exp3A_844 : vector<16xf32>
        %div3A_848 = arith.divf %add3A_840, %add3A_847 : vector<16xf32>
        %swap3A_849 = arith.index_cast %scan3A_768 : i32 to index
        %swap3A_850 = arith.constant 48 : index
        %swap3A_851 = tpu.vector_load %arg14[%swap3A_849, %swap3A_850] {strides = array<i32>} : memref<80x128xf32, #tpu.memory_space<vmem>>, vector<1x16xf32>,
        %swap3A_852 = vector.shape_cast %swap3A_851 : vector<1x16xf32> to vector<16xf32>
        %swap3A_853 = vector.shape_cast %div3A_848 : vector<16xf32> to vector<1x16xf32>
        tpu.vector_store %arg14[%swap3A_849, %swap3A_850], %swap3A_853 {strides = array<i32>} : memref<80x128xf32, #tpu.memory_space<vmem>>, vector<1x16xf32>,
        %get3A_854 = arith.index_cast %scan3A_768 : i32 to index
        %get3A_855 = arith.constant 64 : index
        %get3A_856 = tpu.vector_load %arg14[%get3A_854, %get3A_855] {strides = array<i32>} : memref<80x128xf32, #tpu.memory_space<vmem>>, vector<1x16xf32>,
        %get3A_857 = vector.shape_cast %get3A_856 : vector<1x16xf32> to vector<16xf32>
        %get3A_858 = arith.index_cast %scan3A_768 : i32 to index
        %get3A_859 = arith.constant 64 : index
        %get3A_860 = tpu.vector_load %arg15[%get3A_858, %get3A_859] {strides = array<i32>} : memref<80x128xf32, #tpu.memory_space<vmem>>, vector<1x16xf32>,
        %get3A_861 = vector.shape_cast %get3A_860 : vector<1x16xf32> to vector<16xf32>
        %add3A_862 = arith.addf %get3A_857, %get3A_861 : vector<16xf32>
        %neg3A_863 = arith.constant 0.000000e+00 : f32
        %neg3A_864 = vector.broadcast %neg3A_863 : f32 to vector<16xf32>
        %neg3A_865 = arith.subf %neg3A_864, %add3A_862 : vector<16xf32>
        %exp3A_866 = math.exp %neg3A_865 : vector<16xf32>
        %add3A_867 = arith.constant 1.000000e+00 : f32
        %add3A_868 = vector.broadcast %add3A_867 : f32 to vector<16xf32>
        %add3A_869 = arith.addf %add3A_868, %exp3A_866 : vector<16xf32>
        %div3A_870 = arith.divf %add3A_862, %add3A_869 : vector<16xf32>
        %swap3A_871 = arith.index_cast %scan3A_768 : i32 to index
        %swap3A_872 = arith.constant 64 : index
        %swap3A_873 = tpu.vector_load %arg14[%swap3A_871, %swap3A_872] {strides = array<i32>} : memref<80x128xf32, #tpu.memory_space<vmem>>, vector<1x16xf32>,
        %swap3A_874 = vector.shape_cast %swap3A_873 : vector<1x16xf32> to vector<16xf32>
        %swap3A_875 = vector.shape_cast %div3A_870 : vector<16xf32> to vector<1x16xf32>
        tpu.vector_store %arg14[%swap3A_871, %swap3A_872], %swap3A_875 {strides = array<i32>} : memref<80x128xf32, #tpu.memory_space<vmem>>, vector<1x16xf32>,
        %get3A_876 = arith.index_cast %scan3A_768 : i32 to index
        %get3A_877 = arith.constant 80 : index
        %get3A_878 = tpu.vector_load %arg14[%get3A_876, %get3A_877] {strides = array<i32>} : memref<80x128xf32, #tpu.memory_space<vmem>>, vector<1x16xf32>,
        %get3A_879 = vector.shape_cast %get3A_878 : vector<1x16xf32> to vector<16xf32>
        %get3A_880 = arith.index_cast %scan3A_768 : i32 to index
        %get3A_881 = arith.constant 80 : index
        %get3A_882 = tpu.vector_load %arg15[%get3A_880, %get3A_881] {strides = array<i32>} : memref<80x128xf32, #tpu.memory_space<vmem>>, vector<1x16xf32>,
        %get3A_883 = vector.shape_cast %get3A_882 : vector<1x16xf32> to vector<16xf32>
        %add3A_884 = arith.addf %get3A_879, %get3A_883 : vector<16xf32>
        %neg3A_885 = arith.constant 0.000000e+00 : f32
        %neg3A_886 = vector.broadcast %neg3A_885 : f32 to vector<16xf32>
        %neg3A_887 = arith.subf %neg3A_886, %add3A_884 : vector<16xf32>
        %exp3A_888 = math.exp %neg3A_887 : vector<16xf32>
        %add3A_889 = arith.constant 1.000000e+00 : f32
        %add3A_890 = vector.broadcast %add3A_889 : f32 to vector<16xf32>
        %add3A_891 = arith.addf %add3A_890, %exp3A_888 : vector<16xf32>
        %div3A_892 = arith.divf %add3A_884, %add3A_891 : vector<16xf32>
        %swap3A_893 = arith.index_cast %scan3A_768 : i32 to index
        %swap3A_894 = arith.constant 80 : index
        %swap3A_895 = tpu.vector_load %arg14[%swap3A_893, %swap3A_894] {strides = array<i32>} : memref<80x128xf32, #tpu.memory_space<vmem>>, vector<1x16xf32>,
        %swap3A_896 = vector.shape_cast %swap3A_895 : vector<1x16xf32> to vector<16xf32>
        %swap3A_897 = vector.shape_cast %div3A_892 : vector<16xf32> to vector<1x16xf32>
        tpu.vector_store %arg14[%swap3A_893, %swap3A_894], %swap3A_897 {strides = array<i32>} : memref<80x128xf32, #tpu.memory_space<vmem>>, vector<1x16xf32>,
        %get3A_898 = arith.index_cast %scan3A_768 : i32 to index
        %get3A_899 = arith.constant 96 : index
        %get3A_900 = tpu.vector_load %arg14[%get3A_898, %get3A_899] {strides = array<i32>} : memref<80x128xf32, #tpu.memory_space<vmem>>, vector<1x16xf32>,
        %get3A_901 = vector.shape_cast %get3A_900 : vector<1x16xf32> to vector<16xf32>
        %get3A_902 = arith.index_cast %scan3A_768 : i32 to index
        %get3A_903 = arith.constant 96 : index
        %get3A_904 = tpu.vector_load %arg15[%get3A_902, %get3A_903] {strides = array<i32>} : memref<80x128xf32, #tpu.memory_space<vmem>>, vector<1x16xf32>,
        %get3A_905 = vector.shape_cast %get3A_904 : vector<1x16xf32> to vector<16xf32>
        %add3A_906 = arith.addf %get3A_901, %get3A_905 : vector<16xf32>
        %neg3A_907 = arith.constant 0.000000e+00 : f32
        %neg3A_908 = vector.broadcast %neg3A_907 : f32 to vector<16xf32>
        %neg3A_909 = arith.subf %neg3A_908, %add3A_906 : vector<16xf32>
        %exp3A_910 = math.exp %neg3A_909 : vector<16xf32>
        %add3A_911 = arith.constant 1.000000e+00 : f32
        %add3A_912 = vector.broadcast %add3A_911 : f32 to vector<16xf32>
        %add3A_913 = arith.addf %add3A_912, %exp3A_910 : vector<16xf32>
        %div3A_914 = arith.divf %add3A_906, %add3A_913 : vector<16xf32>
        %swap3A_915 = arith.index_cast %scan3A_768 : i32 to index
        %swap3A_916 = arith.constant 96 : index
        %swap3A_917 = tpu.vector_load %arg14[%swap3A_915, %swap3A_916] {strides = array<i32>} : memref<80x128xf32, #tpu.memory_space<vmem>>, vector<1x16xf32>,
        %swap3A_918 = vector.shape_cast %swap3A_917 : vector<1x16xf32> to vector<16xf32>
        %swap3A_919 = vector.shape_cast %div3A_914 : vector<16xf32> to vector<1x16xf32>
        tpu.vector_store %arg14[%swap3A_915, %swap3A_916], %swap3A_919 {strides = array<i32>} : memref<80x128xf32, #tpu.memory_space<vmem>>, vector<1x16xf32>,
        %get3A_920 = arith.index_cast %scan3A_768 : i32 to index
        %get3A_921 = arith.constant 112 : index
        %get3A_922 = tpu.vector_load %arg14[%get3A_920, %get3A_921] {strides = array<i32>} : memref<80x128xf32, #tpu.memory_space<vmem>>, vector<1x16xf32>,
        %get3A_923 = vector.shape_cast %get3A_922 : vector<1x16xf32> to vector<16xf32>
        %get3A_924 = arith.index_cast %scan3A_768 : i32 to index
        %get3A_925 = arith.constant 112 : index
        %get3A_926 = tpu.vector_load %arg15[%get3A_924, %get3A_925] {strides = array<i32>} : memref<80x128xf32, #tpu.memory_space<vmem>>, vector<1x16xf32>,
        %get3A_927 = vector.shape_cast %get3A_926 : vector<1x16xf32> to vector<16xf32>
        %add3A_928 = arith.addf %get3A_923, %get3A_927 : vector<16xf32>
        %neg3A_929 = arith.constant 0.000000e+00 : f32
        %neg3A_930 = vector.broadcast %neg3A_929 : f32 to vector<16xf32>
        %neg3A_931 = arith.subf %neg3A_930, %add3A_928 : vector<16xf32>
        %exp3A_932 = math.exp %neg3A_931 : vector<16xf32>
        %add3A_933 = arith.constant 1.000000e+00 : f32
        %add3A_934 = vector.broadcast %add3A_933 : f32 to vector<16xf32>
        %add3A_935 = arith.addf %add3A_934, %exp3A_932 : vector<16xf32>
        %div3A_936 = arith.divf %add3A_928, %add3A_935 : vector<16xf32>
        %swap3A_937 = arith.index_cast %scan3A_768 : i32 to index
        %swap3A_938 = arith.constant 112 : index
        %swap3A_939 = tpu.vector_load %arg14[%swap3A_937, %swap3A_938] {strides = array<i32>} : memref<80x128xf32, #tpu.memory_space<vmem>>, vector<1x16xf32>,
        %swap3A_940 = vector.shape_cast %swap3A_939 : vector<1x16xf32> to vector<16xf32>
        %swap3A_941 = vector.shape_cast %div3A_936 : vector<16xf32> to vector<1x16xf32>
        tpu.vector_store %arg14[%swap3A_937, %swap3A_938], %swap3A_941 {strides = array<i32>} : memref<80x128xf32, #tpu.memory_space<vmem>>, vector<1x16xf32>,
        %scan3A_942 = arith.constant 0 : i32
        scf.yield %scan3A_942 : i32
      }
      %scan3A_658 = arith.constant 40 : i32
      %dma_wait3A_659 = arith.constant 0 : i32
      %dma_wait3A_660 = arith.constant 0 : i32
      %dma_wait3A_661 = tpu.memref_slice %arg14[%dma_wait3A_659, %dma_wait3A_660] : memref<80x128xf32, #tpu.memory_space<vmem>> -> memref<40x128xf32, #tpu.memory_space<vmem>>
      %dma_wait3A_662 = arith.constant 0 : i32
      %dma_wait3A_663 = arith.constant 0 : i32
      %dma_wait3A_664 = tpu.memref_slice %arg21[%dma_wait3A_662, %dma_wait3A_663] : memref<10240x128xf32, #tpu.memory_space<vmem_shared>> -> memref<10240x128xf32, #tpu.memory_space<vmem_shared>>
      tpu.wait_indirect_dma semaphore(%arg29 : memref<!tpu.dma_semaphore, #tpu.memory_space<semaphore_mem>>) src(%dma_wait3A_661 : memref<40x128xf32, #tpu.memory_space<vmem>>) dst(%dma_wait3A_664 : memref<10240x128xf32, #tpu.memory_space<vmem_shared>>)
      %dma_wait3A_665 = arith.constant 0 : i32
      %dma_wait3A_666 = tpu.memref_slice %arg22[%dma_wait3A_665] : memref<10240xf32, #tpu.memory_space<vmem_shared>> -> memref<10240xf32, #tpu.memory_space<vmem_shared>>
      tpu.wait_indirect_dma semaphore(%arg29 : memref<!tpu.dma_semaphore, #tpu.memory_space<semaphore_mem>>) src(%arg18 : memref<40xf32, #tpu.memory_space<vmem>>) dst(%dma_wait3A_666 : memref<10240xf32, #tpu.memory_space<vmem_shared>>)
      %dma_start3A_667 = arith.constant 40 : i32
      %dma_start3A_668 = arith.constant 0 : i32
      %dma_start3A_669 = tpu.memref_slice %arg14[%dma_start3A_667, %dma_start3A_668] : memref<80x128xf32, #tpu.memory_space<vmem>> -> memref<40x128xf32, #tpu.memory_space<vmem>>
      %dma_start3A_670 = arith.constant 0 : i32
      %dma_start3A_671 = arith.constant 0 : i32
      %dma_start3A_672 = tpu.memref_slice %arg21[%dma_start3A_670, %dma_start3A_671] : memref<10240x128xf32, #tpu.memory_space<vmem_shared>> -> memref<10240x128xf32, #tpu.memory_space<vmem_shared>>
      tpu.enqueue_indirect_dma source(%dma_start3A_669 : memref<40x128xf32, #tpu.memory_space<vmem>>) target(%dma_start3A_672 : memref<10240x128xf32, #tpu.memory_space<vmem_shared>>) offsets(%arg10 : memref<40xi32, #tpu.memory_space<vmem>>) semaphore(%arg29 : memref<!tpu.dma_semaphore, #tpu.memory_space<semaphore_mem>>) {add = true}
      %dma_start3A_673 = arith.constant 0 : i32
      %dma_start3A_674 = tpu.memref_slice %arg22[%dma_start3A_673] : memref<10240xf32, #tpu.memory_space<vmem_shared>> -> memref<10240xf32, #tpu.memory_space<vmem_shared>>
      tpu.enqueue_indirect_dma source(%arg18 : memref<40xf32, #tpu.memory_space<vmem>>) target(%dma_start3A_674 : memref<10240xf32, #tpu.memory_space<vmem_shared>>) offsets(%arg10 : memref<40xi32, #tpu.memory_space<vmem>>) semaphore(%arg29 : memref<!tpu.dma_semaphore, #tpu.memory_space<semaphore_mem>>) {add = true}
      %dma_wait3A_675 = arith.constant 40 : i32
      %dma_wait3A_676 = arith.constant 0 : i32
      %dma_wait3A_677 = tpu.memref_slice %arg14[%dma_wait3A_675, %dma_wait3A_676] : memref<80x128xf32, #tpu.memory_space<vmem>> -> memref<40x128xf32, #tpu.memory_space<vmem>>
      %dma_wait3A_678 = arith.constant 0 : i32
      %dma_wait3A_679 = arith.constant 0 : i32
      %dma_wait3A_680 = tpu.memref_slice %arg21[%dma_wait3A_678, %dma_wait3A_679] : memref<10240x128xf32, #tpu.memory_space<vmem_shared>> -> memref<10240x128xf32, #tpu.memory_space<vmem_shared>>
      tpu.wait_indirect_dma semaphore(%arg29 : memref<!tpu.dma_semaphore, #tpu.memory_space<semaphore_mem>>) src(%dma_wait3A_677 : memref<40x128xf32, #tpu.memory_space<vmem>>) dst(%dma_wait3A_680 : memref<10240x128xf32, #tpu.memory_space<vmem_shared>>)
      %dma_wait3A_681 = arith.constant 0 : i32
      %dma_wait3A_682 = tpu.memref_slice %arg22[%dma_wait3A_681] : memref<10240xf32, #tpu.memory_space<vmem_shared>> -> memref<10240xf32, #tpu.memory_space<vmem_shared>>
      tpu.wait_indirect_dma semaphore(%arg29 : memref<!tpu.dma_semaphore, #tpu.memory_space<semaphore_mem>>) src(%arg18 : memref<40xf32, #tpu.memory_space<vmem>>) dst(%dma_wait3A_682 : memref<10240xf32, #tpu.memory_space<vmem_shared>>)
      %add3A_683 = arith.constant 2 : i32
      %add3A_684 = arith.addi %mul3A_617, %add3A_683 : i32
      %lt3A_685 = arith.constant 125 : i32
      %lt3A_686 = arith.cmpi slt, %add3A_684, %lt3A_685 : i32
      %convert_element_type3A_687 = arith.extui %lt3A_686 : i1 to i32
      %cond3A_688 = arith.constant 0 : i32
      %cond3A_689 = arith.cmpi ne, %convert_element_type3A_687, %cond3A_688 : i32
      scf.if %cond3A_689 {
        %add3A_768 = arith.constant 2 : i32
        %add3A_769 = arith.addi %mul3A_617, %add3A_768 : i32
        %mul3A_770 = arith.constant 80 : i32
        %mul3A_771 = arith.muli %add3A_769, %mul3A_770 : i32
        %add3A_772 = arith.addi %mul3A_519, %mul3A_771 : i32
        %dma_start3A_773 = tpu.memref_slice %arg3[%add3A_772] : memref<160000xi32, #tpu.memory_space<hbm>> -> memref<80xi32, #tpu.memory_space<hbm>>
        %dma_start3A_774 = tpu.memref_slice %arg3[%add3A_772] : memref<160000xi32, #tpu.memory_space<hbm>> -> memref<80xi32, #tpu.memory_space<hbm>>
        tpu.enqueue_dma source(%dma_start3A_774 : memref<80xi32, #tpu.memory_space<hbm>>) target(%arg8 : memref<80xi32, #tpu.memory_space<vmem>>) target_semaphore(%arg23 : memref<!tpu.dma_semaphore, #tpu.memory_space<semaphore_mem>>)
        %dma_start3A_775 = tpu.memref_slice %arg4[%add3A_772] : memref<160000xi32, #tpu.memory_space<hbm>> -> memref<40xi32, #tpu.memory_space<hbm>>
        %dma_start3A_776 = tpu.memref_slice %arg4[%add3A_772] : memref<160000xi32, #tpu.memory_space<hbm>> -> memref<40xi32, #tpu.memory_space<hbm>>
        tpu.enqueue_dma source(%dma_start3A_776 : memref<40xi32, #tpu.memory_space<hbm>>) target(%arg9 : memref<40xi32, #tpu.memory_space<vmem>>) target_semaphore(%arg23 : memref<!tpu.dma_semaphore, #tpu.memory_space<semaphore_mem>>)
        %add3A_777 = arith.constant 40 : i32
        %add3A_778 = arith.addi %add3A_772, %add3A_777 : i32
        %dma_start3A_779 = tpu.memref_slice %arg4[%add3A_778] : memref<160000xi32, #tpu.memory_space<hbm>> -> memref<40xi32, #tpu.memory_space<hbm>>
        %dma_start3A_780 = tpu.memref_slice %arg4[%add3A_778] : memref<160000xi32, #tpu.memory_space<hbm>> -> memref<40xi32, #tpu.memory_space<hbm>>
        tpu.enqueue_dma source(%dma_start3A_780 : memref<40xi32, #tpu.memory_space<hbm>>) target(%arg10 : memref<40xi32, #tpu.memory_space<vmem>>) target_semaphore(%arg23 : memref<!tpu.dma_semaphore, #tpu.memory_space<semaphore_mem>>)
      } else {
      }
      %mul3A_690 = arith.constant 2 : i32
      %mul3A_691 = arith.muli %mul3A_690, %scan3A_614 : i32
      %add3A_692 = arith.constant 1 : i32
      %add3A_693 = arith.addi %mul3A_691, %add3A_692 : i32
      %add3A_694 = arith.constant 1 : i32
      %add3A_695 = arith.addi %add3A_693, %add3A_694 : i32
      %lt3A_696 = arith.constant 125 : i32
      %lt3A_697 = arith.cmpi slt, %add3A_695, %lt3A_696 : i32
      %convert_element_type3A_698 = arith.extui %lt3A_697 : i1 to i32
      %cond3A_699 = arith.constant 0 : i32
      %cond3A_700 = arith.cmpi ne, %convert_element_type3A_698, %cond3A_699 : i32
      scf.if %cond3A_700 {
        %dma_wait3A_768 = arith.constant 0 : i32
        %dma_wait3A_769 = tpu.memref_slice %arg3[%dma_wait3A_768] : memref<160000xi32, #tpu.memory_space<hbm>> -> memref<80xi32, #tpu.memory_space<hbm>>
        %dma_wait3A_770 = arith.constant 0 : i32
        %dma_wait3A_771 = tpu.memref_slice %arg3[%dma_wait3A_770] : memref<160000xi32, #tpu.memory_space<hbm>> -> memref<80xi32, #tpu.memory_space<hbm>>
        tpu.wait_dma2 semaphore(%arg23 : memref<!tpu.dma_semaphore, #tpu.memory_space<semaphore_mem>>) src(%dma_wait3A_771 : memref<80xi32, #tpu.memory_space<hbm>>) dst(%arg8 : memref<80xi32, #tpu.memory_space<vmem>>)
        %dma_wait3A_772 = arith.constant 0 : i32
        %dma_wait3A_773 = tpu.memref_slice %arg4[%dma_wait3A_772] : memref<160000xi32, #tpu.memory_space<hbm>> -> memref<40xi32, #tpu.memory_space<hbm>>
        %dma_wait3A_774 = arith.constant 0 : i32
        %dma_wait3A_775 = tpu.memref_slice %arg4[%dma_wait3A_774] : memref<160000xi32, #tpu.memory_space<hbm>> -> memref<40xi32, #tpu.memory_space<hbm>>
        tpu.wait_dma2 semaphore(%arg23 : memref<!tpu.dma_semaphore, #tpu.memory_space<semaphore_mem>>) src(%dma_wait3A_775 : memref<40xi32, #tpu.memory_space<hbm>>) dst(%arg9 : memref<40xi32, #tpu.memory_space<vmem>>)
        %dma_wait3A_776 = arith.constant 0 : i32
        %dma_wait3A_777 = tpu.memref_slice %arg4[%dma_wait3A_776] : memref<160000xi32, #tpu.memory_space<hbm>> -> memref<40xi32, #tpu.memory_space<hbm>>
        %dma_wait3A_778 = arith.constant 0 : i32
        %dma_wait3A_779 = tpu.memref_slice %arg4[%dma_wait3A_778] : memref<160000xi32, #tpu.memory_space<hbm>> -> memref<40xi32, #tpu.memory_space<hbm>>
        tpu.wait_dma2 semaphore(%arg23 : memref<!tpu.dma_semaphore, #tpu.memory_space<semaphore_mem>>) src(%dma_wait3A_779 : memref<40xi32, #tpu.memory_space<hbm>>) dst(%arg10 : memref<40xi32, #tpu.memory_space<vmem>>)
        %add3A_780 = arith.constant 1 : i32
        %add3A_781 = arith.addi %add3A_693, %add3A_780 : i32
        %mul3A_782 = arith.constant 80 : i32
        %mul3A_783 = arith.muli %add3A_781, %mul3A_782 : i32
        %add3A_784 = arith.addi %mul3A_519, %mul3A_783 : i32
        %dma_start3A_785 = arith.constant 0 : i32
        %dma_start3A_786 = arith.constant 0 : i32
        %dma_start3A_787 = tpu.memref_slice %arg2[%arg0, %dma_start3A_785, %dma_start3A_786] : memref<2x10000x128xf32, #tpu.memory_space<hbm>> -> memref<1x10000x128xf32, #tpu.memory_space<hbm>>
        %dma_start3A_788 = tpu.memref_squeeze %dma_start3A_787 : memref<1x10000x128xf32, #tpu.memory_space<hbm>> -> memref<10000x128xf32, #tpu.memory_space<hbm>>
        %dma_start3A_789 = arith.constant 0 : i32
        %dma_start3A_790 = arith.constant 0 : i32
        %dma_start3A_791 = tpu.memref_slice %dma_start3A_788[%dma_start3A_789, %dma_start3A_790] : memref<10000x128xf32, #tpu.memory_space<hbm>> -> memref<10000x128xf32, #tpu.memory_space<hbm>>
        tpu.enqueue_indirect_dma source(%dma_start3A_791 : memref<10000x128xf32, #tpu.memory_space<hbm>>) target(%arg14 : memref<80x128xf32, #tpu.memory_space<vmem>>) offsets(%arg8 : memref<80xi32, #tpu.memory_space<vmem>>) semaphore(%arg25 : memref<!tpu.dma_semaphore, #tpu.memory_space<semaphore_mem>>)
        %mul3A_792 = arith.constant 128 : i32
        %mul3A_793 = arith.muli %arg0, %mul3A_792 : i32
        %dma_start3A_794 = tpu.memref_slice %arg5[%add3A_784, %mul3A_793] : memref<160000x256xf32, #tpu.memory_space<hbm>> -> memref<80x128xf32, #tpu.memory_space<hbm>>
        %dma_start3A_795 = tpu.memref_slice %arg5[%add3A_784, %mul3A_793] : memref<160000x256xf32, #tpu.memory_space<hbm>> -> memref<80x128xf32, #tpu.memory_space<hbm>>
        tpu.enqueue_dma source(%dma_start3A_795 : memref<80x128xf32, #tpu.memory_space<hbm>>) target(%arg15 : memref<80x128xf32, #tpu.memory_space<vmem>>) target_semaphore(%arg27 : memref<!tpu.dma_semaphore, #tpu.memory_space<semaphore_mem>>)
      } else {
      }
      %dma_wait3A_701 = arith.constant 0 : i32
      %dma_wait3A_702 = arith.constant 0 : i32
      %dma_wait3A_703 = tpu.memref_slice %arg2[%arg0, %dma_wait3A_701, %dma_wait3A_702] : memref<2x10000x128xf32, #tpu.memory_space<hbm>> -> memref<1x10000x128xf32, #tpu.memory_space<hbm>>
      %dma_wait3A_704 = tpu.memref_squeeze %dma_wait3A_703 : memref<1x10000x128xf32, #tpu.memory_space<hbm>> -> memref<10000x128xf32, #tpu.memory_space<hbm>>
      %dma_wait3A_705 = arith.constant 0 : i32
      %dma_wait3A_706 = arith.constant 0 : i32
      %dma_wait3A_707 = tpu.memref_slice %dma_wait3A_704[%dma_wait3A_705, %dma_wait3A_706] : memref<10000x128xf32, #tpu.memory_space<hbm>> -> memref<10000x128xf32, #tpu.memory_space<hbm>>
      tpu.wait_indirect_dma semaphore(%arg26 : memref<!tpu.dma_semaphore, #tpu.memory_space<semaphore_mem>>) src(%dma_wait3A_707 : memref<10000x128xf32, #tpu.memory_space<hbm>>) dst(%arg16 : memref<80x128xf32, #tpu.memory_space<vmem>>)
      %dma_wait3A_708 = arith.constant 0 : i32
      %dma_wait3A_709 = arith.constant 0 : i32
      %dma_wait3A_710 = tpu.memref_slice %arg5[%dma_wait3A_708, %dma_wait3A_709] : memref<160000x256xf32, #tpu.memory_space<hbm>> -> memref<80x128xf32, #tpu.memory_space<hbm>>
      %dma_wait3A_711 = arith.constant 0 : i32
      %dma_wait3A_712 = arith.constant 0 : i32
      %dma_wait3A_713 = tpu.memref_slice %arg5[%dma_wait3A_711, %dma_wait3A_712] : memref<160000x256xf32, #tpu.memory_space<hbm>> -> memref<80x128xf32, #tpu.memory_space<hbm>>
      tpu.wait_dma2 semaphore(%arg28 : memref<!tpu.dma_semaphore, #tpu.memory_space<semaphore_mem>>) src(%dma_wait3A_713 : memref<80x128xf32, #tpu.memory_space<hbm>>) dst(%arg17 : memref<80x128xf32, #tpu.memory_space<vmem>>)
      %scan3A_714 = arith.constant 0 : i32
      %scan3A_715 = arith.constant 0 : i32
      %scan3A_716 = arith.constant 40 : i32
      %scan3A_717 = arith.addi %scan3A_715, %scan3A_716 : i32
      %scan3A_718 = arith.constant 1 : i32
      %scan3A_719 = scf.for %scan3A_768 = %scan3A_715 to %scan3A_717 step %scan3A_718 iter_args(%scan3A_769 = %scan3A_714) -> (i32)  : i32 {
        %get3A = arith.index_cast %scan3A_768 : i32 to index
        %get3A_770 = arith.constant 0 : index
        %get3A_771 = tpu.vector_load %arg16[%get3A, %get3A_770] {strides = array<i32>} : memref<80x128xf32, #tpu.memory_space<vmem>>, vector<1x16xf32>,
        %get3A_772 = vector.shape_cast %get3A_771 : vector<1x16xf32> to vector<16xf32>
        %get3A_773 = arith.index_cast %scan3A_768 : i32 to index
        %get3A_774 = arith.constant 0 : index
        %get3A_775 = tpu.vector_load %arg17[%get3A_773, %get3A_774] {strides = array<i32>} : memref<80x128xf32, #tpu.memory_space<vmem>>, vector<1x16xf32>,
        %get3A_776 = vector.shape_cast %get3A_775 : vector<1x16xf32> to vector<16xf32>
        %add3A_777 = arith.addf %get3A_772, %get3A_776 : vector<16xf32>
        %neg3A = arith.constant 0.000000e+00 : f32
        %neg3A_778 = vector.broadcast %neg3A : f32 to vector<16xf32>
        %neg3A_779 = arith.subf %neg3A_778, %add3A_777 : vector<16xf32>
        %exp3A = math.exp %neg3A_779 : vector<16xf32>
        %add3A_780 = arith.constant 1.000000e+00 : f32
        %add3A_781 = vector.broadcast %add3A_780 : f32 to vector<16xf32>
        %add3A_782 = arith.addf %add3A_781, %exp3A : vector<16xf32>
        %div3A = arith.divf %add3A_777, %add3A_782 : vector<16xf32>
        %swap3A_783 = arith.index_cast %scan3A_768 : i32 to index
        %swap3A_784 = arith.constant 0 : index
        %swap3A_785 = tpu.vector_load %arg16[%swap3A_783, %swap3A_784] {strides = array<i32>} : memref<80x128xf32, #tpu.memory_space<vmem>>, vector<1x16xf32>,
        %swap3A_786 = vector.shape_cast %swap3A_785 : vector<1x16xf32> to vector<16xf32>
        %swap3A_787 = vector.shape_cast %div3A : vector<16xf32> to vector<1x16xf32>
        tpu.vector_store %arg16[%swap3A_783, %swap3A_784], %swap3A_787 {strides = array<i32>} : memref<80x128xf32, #tpu.memory_space<vmem>>, vector<1x16xf32>,
        %get3A_788 = arith.index_cast %scan3A_768 : i32 to index
        %get3A_789 = arith.constant 16 : index
        %get3A_790 = tpu.vector_load %arg16[%get3A_788, %get3A_789] {strides = array<i32>} : memref<80x128xf32, #tpu.memory_space<vmem>>, vector<1x16xf32>,
        %get3A_791 = vector.shape_cast %get3A_790 : vector<1x16xf32> to vector<16xf32>
        %get3A_792 = arith.index_cast %scan3A_768 : i32 to index
        %get3A_793 = arith.constant 16 : index
        %get3A_794 = tpu.vector_load %arg17[%get3A_792, %get3A_793] {strides = array<i32>} : memref<80x128xf32, #tpu.memory_space<vmem>>, vector<1x16xf32>,
        %get3A_795 = vector.shape_cast %get3A_794 : vector<1x16xf32> to vector<16xf32>
        %add3A_796 = arith.addf %get3A_791, %get3A_795 : vector<16xf32>
        %neg3A_797 = arith.constant 0.000000e+00 : f32
        %neg3A_798 = vector.broadcast %neg3A_797 : f32 to vector<16xf32>
        %neg3A_799 = arith.subf %neg3A_798, %add3A_796 : vector<16xf32>
        %exp3A_800 = math.exp %neg3A_799 : vector<16xf32>
        %add3A_801 = arith.constant 1.000000e+00 : f32
        %add3A_802 = vector.broadcast %add3A_801 : f32 to vector<16xf32>
        %add3A_803 = arith.addf %add3A_802, %exp3A_800 : vector<16xf32>
        %div3A_804 = arith.divf %add3A_796, %add3A_803 : vector<16xf32>
        %swap3A_805 = arith.index_cast %scan3A_768 : i32 to index
        %swap3A_806 = arith.constant 16 : index
        %swap3A_807 = tpu.vector_load %arg16[%swap3A_805, %swap3A_806] {strides = array<i32>} : memref<80x128xf32, #tpu.memory_space<vmem>>, vector<1x16xf32>,
        %swap3A_808 = vector.shape_cast %swap3A_807 : vector<1x16xf32> to vector<16xf32>
        %swap3A_809 = vector.shape_cast %div3A_804 : vector<16xf32> to vector<1x16xf32>
        tpu.vector_store %arg16[%swap3A_805, %swap3A_806], %swap3A_809 {strides = array<i32>} : memref<80x128xf32, #tpu.memory_space<vmem>>, vector<1x16xf32>,
        %get3A_810 = arith.index_cast %scan3A_768 : i32 to index
        %get3A_811 = arith.constant 32 : index
        %get3A_812 = tpu.vector_load %arg16[%get3A_810, %get3A_811] {strides = array<i32>} : memref<80x128xf32, #tpu.memory_space<vmem>>, vector<1x16xf32>,
        %get3A_813 = vector.shape_cast %get3A_812 : vector<1x16xf32> to vector<16xf32>
        %get3A_814 = arith.index_cast %scan3A_768 : i32 to index
        %get3A_815 = arith.constant 32 : index
        %get3A_816 = tpu.vector_load %arg17[%get3A_814, %get3A_815] {strides = array<i32>} : memref<80x128xf32, #tpu.memory_space<vmem>>, vector<1x16xf32>,
        %get3A_817 = vector.shape_cast %get3A_816 : vector<1x16xf32> to vector<16xf32>
        %add3A_818 = arith.addf %get3A_813, %get3A_817 : vector<16xf32>
        %neg3A_819 = arith.constant 0.000000e+00 : f32
        %neg3A_820 = vector.broadcast %neg3A_819 : f32 to vector<16xf32>
        %neg3A_821 = arith.subf %neg3A_820, %add3A_818 : vector<16xf32>
        %exp3A_822 = math.exp %neg3A_821 : vector<16xf32>
        %add3A_823 = arith.constant 1.000000e+00 : f32
        %add3A_824 = vector.broadcast %add3A_823 : f32 to vector<16xf32>
        %add3A_825 = arith.addf %add3A_824, %exp3A_822 : vector<16xf32>
        %div3A_826 = arith.divf %add3A_818, %add3A_825 : vector<16xf32>
        %swap3A_827 = arith.index_cast %scan3A_768 : i32 to index
        %swap3A_828 = arith.constant 32 : index
        %swap3A_829 = tpu.vector_load %arg16[%swap3A_827, %swap3A_828] {strides = array<i32>} : memref<80x128xf32, #tpu.memory_space<vmem>>, vector<1x16xf32>,
        %swap3A_830 = vector.shape_cast %swap3A_829 : vector<1x16xf32> to vector<16xf32>
        %swap3A_831 = vector.shape_cast %div3A_826 : vector<16xf32> to vector<1x16xf32>
        tpu.vector_store %arg16[%swap3A_827, %swap3A_828], %swap3A_831 {strides = array<i32>} : memref<80x128xf32, #tpu.memory_space<vmem>>, vector<1x16xf32>,
        %get3A_832 = arith.index_cast %scan3A_768 : i32 to index
        %get3A_833 = arith.constant 48 : index
        %get3A_834 = tpu.vector_load %arg16[%get3A_832, %get3A_833] {strides = array<i32>} : memref<80x128xf32, #tpu.memory_space<vmem>>, vector<1x16xf32>,
        %get3A_835 = vector.shape_cast %get3A_834 : vector<1x16xf32> to vector<16xf32>
        %get3A_836 = arith.index_cast %scan3A_768 : i32 to index
        %get3A_837 = arith.constant 48 : index
        %get3A_838 = tpu.vector_load %arg17[%get3A_836, %get3A_837] {strides = array<i32>} : memref<80x128xf32, #tpu.memory_space<vmem>>, vector<1x16xf32>,
        %get3A_839 = vector.shape_cast %get3A_838 : vector<1x16xf32> to vector<16xf32>
        %add3A_840 = arith.addf %get3A_835, %get3A_839 : vector<16xf32>
        %neg3A_841 = arith.constant 0.000000e+00 : f32
        %neg3A_842 = vector.broadcast %neg3A_841 : f32 to vector<16xf32>
        %neg3A_843 = arith.subf %neg3A_842, %add3A_840 : vector<16xf32>
        %exp3A_844 = math.exp %neg3A_843 : vector<16xf32>
        %add3A_845 = arith.constant 1.000000e+00 : f32
        %add3A_846 = vector.broadcast %add3A_845 : f32 to vector<16xf32>
        %add3A_847 = arith.addf %add3A_846, %exp3A_844 : vector<16xf32>
        %div3A_848 = arith.divf %add3A_840, %add3A_847 : vector<16xf32>
        %swap3A_849 = arith.index_cast %scan3A_768 : i32 to index
        %swap3A_850 = arith.constant 48 : index
        %swap3A_851 = tpu.vector_load %arg16[%swap3A_849, %swap3A_850] {strides = array<i32>} : memref<80x128xf32, #tpu.memory_space<vmem>>, vector<1x16xf32>,
        %swap3A_852 = vector.shape_cast %swap3A_851 : vector<1x16xf32> to vector<16xf32>
        %swap3A_853 = vector.shape_cast %div3A_848 : vector<16xf32> to vector<1x16xf32>
        tpu.vector_store %arg16[%swap3A_849, %swap3A_850], %swap3A_853 {strides = array<i32>} : memref<80x128xf32, #tpu.memory_space<vmem>>, vector<1x16xf32>,
        %get3A_854 = arith.index_cast %scan3A_768 : i32 to index
        %get3A_855 = arith.constant 64 : index
        %get3A_856 = tpu.vector_load %arg16[%get3A_854, %get3A_855] {strides = array<i32>} : memref<80x128xf32, #tpu.memory_space<vmem>>, vector<1x16xf32>,
        %get3A_857 = vector.shape_cast %get3A_856 : vector<1x16xf32> to vector<16xf32>
        %get3A_858 = arith.index_cast %scan3A_768 : i32 to index
        %get3A_859 = arith.constant 64 : index
        %get3A_860 = tpu.vector_load %arg17[%get3A_858, %get3A_859] {strides = array<i32>} : memref<80x128xf32, #tpu.memory_space<vmem>>, vector<1x16xf32>,
        %get3A_861 = vector.shape_cast %get3A_860 : vector<1x16xf32> to vector<16xf32>
        %add3A_862 = arith.addf %get3A_857, %get3A_861 : vector<16xf32>
        %neg3A_863 = arith.constant 0.000000e+00 : f32
        %neg3A_864 = vector.broadcast %neg3A_863 : f32 to vector<16xf32>
        %neg3A_865 = arith.subf %neg3A_864, %add3A_862 : vector<16xf32>
        %exp3A_866 = math.exp %neg3A_865 : vector<16xf32>
        %add3A_867 = arith.constant 1.000000e+00 : f32
        %add3A_868 = vector.broadcast %add3A_867 : f32 to vector<16xf32>
        %add3A_869 = arith.addf %add3A_868, %exp3A_866 : vector<16xf32>
        %div3A_870 = arith.divf %add3A_862, %add3A_869 : vector<16xf32>
        %swap3A_871 = arith.index_cast %scan3A_768 : i32 to index
        %swap3A_872 = arith.constant 64 : index
        %swap3A_873 = tpu.vector_load %arg16[%swap3A_871, %swap3A_872] {strides = array<i32>} : memref<80x128xf32, #tpu.memory_space<vmem>>, vector<1x16xf32>,
        %swap3A_874 = vector.shape_cast %swap3A_873 : vector<1x16xf32> to vector<16xf32>
        %swap3A_875 = vector.shape_cast %div3A_870 : vector<16xf32> to vector<1x16xf32>
        tpu.vector_store %arg16[%swap3A_871, %swap3A_872], %swap3A_875 {strides = array<i32>} : memref<80x128xf32, #tpu.memory_space<vmem>>, vector<1x16xf32>,
        %get3A_876 = arith.index_cast %scan3A_768 : i32 to index
        %get3A_877 = arith.constant 80 : index
        %get3A_878 = tpu.vector_load %arg16[%get3A_876, %get3A_877] {strides = array<i32>} : memref<80x128xf32, #tpu.memory_space<vmem>>, vector<1x16xf32>,
        %get3A_879 = vector.shape_cast %get3A_878 : vector<1x16xf32> to vector<16xf32>
        %get3A_880 = arith.index_cast %scan3A_768 : i32 to index
        %get3A_881 = arith.constant 80 : index
        %get3A_882 = tpu.vector_load %arg17[%get3A_880, %get3A_881] {strides = array<i32>} : memref<80x128xf32, #tpu.memory_space<vmem>>, vector<1x16xf32>,
        %get3A_883 = vector.shape_cast %get3A_882 : vector<1x16xf32> to vector<16xf32>
        %add3A_884 = arith.addf %get3A_879, %get3A_883 : vector<16xf32>
        %neg3A_885 = arith.constant 0.000000e+00 : f32
        %neg3A_886 = vector.broadcast %neg3A_885 : f32 to vector<16xf32>
        %neg3A_887 = arith.subf %neg3A_886, %add3A_884 : vector<16xf32>
        %exp3A_888 = math.exp %neg3A_887 : vector<16xf32>
        %add3A_889 = arith.constant 1.000000e+00 : f32
        %add3A_890 = vector.broadcast %add3A_889 : f32 to vector<16xf32>
        %add3A_891 = arith.addf %add3A_890, %exp3A_888 : vector<16xf32>
        %div3A_892 = arith.divf %add3A_884, %add3A_891 : vector<16xf32>
        %swap3A_893 = arith.index_cast %scan3A_768 : i32 to index
        %swap3A_894 = arith.constant 80 : index
        %swap3A_895 = tpu.vector_load %arg16[%swap3A_893, %swap3A_894] {strides = array<i32>} : memref<80x128xf32, #tpu.memory_space<vmem>>, vector<1x16xf32>,
        %swap3A_896 = vector.shape_cast %swap3A_895 : vector<1x16xf32> to vector<16xf32>
        %swap3A_897 = vector.shape_cast %div3A_892 : vector<16xf32> to vector<1x16xf32>
        tpu.vector_store %arg16[%swap3A_893, %swap3A_894], %swap3A_897 {strides = array<i32>} : memref<80x128xf32, #tpu.memory_space<vmem>>, vector<1x16xf32>,
        %get3A_898 = arith.index_cast %scan3A_768 : i32 to index
        %get3A_899 = arith.constant 96 : index
        %get3A_900 = tpu.vector_load %arg16[%get3A_898, %get3A_899] {strides = array<i32>} : memref<80x128xf32, #tpu.memory_space<vmem>>, vector<1x16xf32>,
        %get3A_901 = vector.shape_cast %get3A_900 : vector<1x16xf32> to vector<16xf32>
        %get3A_902 = arith.index_cast %scan3A_768 : i32 to index
        %get3A_903 = arith.constant 96 : index
        %get3A_904 = tpu.vector_load %arg17[%get3A_902, %get3A_903] {strides = array<i32>} : memref<80x128xf32, #tpu.memory_space<vmem>>, vector<1x16xf32>,
        %get3A_905 = vector.shape_cast %get3A_904 : vector<1x16xf32> to vector<16xf32>
        %add3A_906 = arith.addf %get3A_901, %get3A_905 : vector<16xf32>
        %neg3A_907 = arith.constant 0.000000e+00 : f32
        %neg3A_908 = vector.broadcast %neg3A_907 : f32 to vector<16xf32>
        %neg3A_909 = arith.subf %neg3A_908, %add3A_906 : vector<16xf32>
        %exp3A_910 = math.exp %neg3A_909 : vector<16xf32>
        %add3A_911 = arith.constant 1.000000e+00 : f32
        %add3A_912 = vector.broadcast %add3A_911 : f32 to vector<16xf32>
        %add3A_913 = arith.addf %add3A_912, %exp3A_910 : vector<16xf32>
        %div3A_914 = arith.divf %add3A_906, %add3A_913 : vector<16xf32>
        %swap3A_915 = arith.index_cast %scan3A_768 : i32 to index
        %swap3A_916 = arith.constant 96 : index
        %swap3A_917 = tpu.vector_load %arg16[%swap3A_915, %swap3A_916] {strides = array<i32>} : memref<80x128xf32, #tpu.memory_space<vmem>>, vector<1x16xf32>,
        %swap3A_918 = vector.shape_cast %swap3A_917 : vector<1x16xf32> to vector<16xf32>
        %swap3A_919 = vector.shape_cast %div3A_914 : vector<16xf32> to vector<1x16xf32>
        tpu.vector_store %arg16[%swap3A_915, %swap3A_916], %swap3A_919 {strides = array<i32>} : memref<80x128xf32, #tpu.memory_space<vmem>>, vector<1x16xf32>,
        %get3A_920 = arith.index_cast %scan3A_768 : i32 to index
        %get3A_921 = arith.constant 112 : index
        %get3A_922 = tpu.vector_load %arg16[%get3A_920, %get3A_921] {strides = array<i32>} : memref<80x128xf32, #tpu.memory_space<vmem>>, vector<1x16xf32>,
        %get3A_923 = vector.shape_cast %get3A_922 : vector<1x16xf32> to vector<16xf32>
        %get3A_924 = arith.index_cast %scan3A_768 : i32 to index
        %get3A_925 = arith.constant 112 : index
        %get3A_926 = tpu.vector_load %arg17[%get3A_924, %get3A_925] {strides = array<i32>} : memref<80x128xf32, #tpu.memory_space<vmem>>, vector<1x16xf32>,
        %get3A_927 = vector.shape_cast %get3A_926 : vector<1x16xf32> to vector<16xf32>
        %add3A_928 = arith.addf %get3A_923, %get3A_927 : vector<16xf32>
        %neg3A_929 = arith.constant 0.000000e+00 : f32
        %neg3A_930 = vector.broadcast %neg3A_929 : f32 to vector<16xf32>
        %neg3A_931 = arith.subf %neg3A_930, %add3A_928 : vector<16xf32>
        %exp3A_932 = math.exp %neg3A_931 : vector<16xf32>
        %add3A_933 = arith.constant 1.000000e+00 : f32
        %add3A_934 = vector.broadcast %add3A_933 : f32 to vector<16xf32>
        %add3A_935 = arith.addf %add3A_934, %exp3A_932 : vector<16xf32>
        %div3A_936 = arith.divf %add3A_928, %add3A_935 : vector<16xf32>
        %swap3A_937 = arith.index_cast %scan3A_768 : i32 to index
        %swap3A_938 = arith.constant 112 : index
        %swap3A_939 = tpu.vector_load %arg16[%swap3A_937, %swap3A_938] {strides = array<i32>} : memref<80x128xf32, #tpu.memory_space<vmem>>, vector<1x16xf32>,
        %swap3A_940 = vector.shape_cast %swap3A_939 : vector<1x16xf32> to vector<16xf32>
        %swap3A_941 = vector.shape_cast %div3A_936 : vector<16xf32> to vector<1x16xf32>
        tpu.vector_store %arg16[%swap3A_937, %swap3A_938], %swap3A_941 {strides = array<i32>} : memref<80x128xf32, #tpu.memory_space<vmem>>, vector<1x16xf32>,
        %scan3A_942 = arith.constant 0 : i32
        scf.yield %scan3A_942 : i32
      }
      %scan3A_720 = arith.constant 40 : i32
      %dma_start3A_721 = arith.constant 0 : i32
      %dma_start3A_722 = arith.constant 0 : i32
      %dma_start3A_723 = tpu.memref_slice %arg16[%dma_start3A_721, %dma_start3A_722] : memref<80x128xf32, #tpu.memory_space<vmem>> -> memref<40x128xf32, #tpu.memory_space<vmem>>
      %dma_start3A_724 = arith.constant 0 : i32
      %dma_start3A_725 = arith.constant 0 : i32
      %dma_start3A_726 = tpu.memref_slice %arg21[%dma_start3A_724, %dma_start3A_725] : memref<10240x128xf32, #tpu.memory_space<vmem_shared>> -> memref<10240x128xf32, #tpu.memory_space<vmem_shared>>
      tpu.enqueue_indirect_dma source(%dma_start3A_723 : memref<40x128xf32, #tpu.memory_space<vmem>>) target(%dma_start3A_726 : memref<10240x128xf32, #tpu.memory_space<vmem_shared>>) offsets(%arg12 : memref<40xi32, #tpu.memory_space<vmem>>) semaphore(%arg29 : memref<!tpu.dma_semaphore, #tpu.memory_space<semaphore_mem>>) {add = true}
      %dma_start3A_727 = arith.constant 0 : i32
      %dma_start3A_728 = tpu.memref_slice %arg22[%dma_start3A_727] : memref<10240xf32, #tpu.memory_space<vmem_shared>> -> memref<10240xf32, #tpu.memory_space<vmem_shared>>
      tpu.enqueue_indirect_dma source(%arg18 : memref<40xf32, #tpu.memory_space<vmem>>) target(%dma_start3A_728 : memref<10240xf32, #tpu.memory_space<vmem_shared>>) offsets(%arg12 : memref<40xi32, #tpu.memory_space<vmem>>) semaphore(%arg29 : memref<!tpu.dma_semaphore, #tpu.memory_space<semaphore_mem>>) {add = true}
      %scan3A_729 = arith.constant 0 : i32
      %scan3A_730 = arith.constant 40 : i32
      %scan3A_731 = arith.constant 40 : i32
      %scan3A_732 = arith.addi %scan3A_730, %scan3A_731 : i32
      %scan3A_733 = arith.constant 1 : i32
      %scan3A_734 = scf.for %scan3A_768 = %scan3A_730 to %scan3A_732 step %scan3A_733 iter_args(%scan3A_769 = %scan3A_729) -> (i32)  : i32 {
        %get3A = arith.index_cast %scan3A_768 : i32 to index
        %get3A_770 = arith.constant 0 : index
        %get3A_771 = tpu.vector_load %arg16[%get3A, %get3A_770] {strides = array<i32>} : memref<80x128xf32, #tpu.memory_space<vmem>>, vector<1x16xf32>,
        %get3A_772 = vector.shape_cast %get3A_771 : vector<1x16xf32> to vector<16xf32>
        %get3A_773 = arith.index_cast %scan3A_768 : i32 to index
        %get3A_774 = arith.constant 0 : index
        %get3A_775 = tpu.vector_load %arg17[%get3A_773, %get3A_774] {strides = array<i32>} : memref<80x128xf32, #tpu.memory_space<vmem>>, vector<1x16xf32>,
        %get3A_776 = vector.shape_cast %get3A_775 : vector<1x16xf32> to vector<16xf32>
        %add3A_777 = arith.addf %get3A_772, %get3A_776 : vector<16xf32>
        %neg3A = arith.constant 0.000000e+00 : f32
        %neg3A_778 = vector.broadcast %neg3A : f32 to vector<16xf32>
        %neg3A_779 = arith.subf %neg3A_778, %add3A_777 : vector<16xf32>
        %exp3A = math.exp %neg3A_779 : vector<16xf32>
        %add3A_780 = arith.constant 1.000000e+00 : f32
        %add3A_781 = vector.broadcast %add3A_780 : f32 to vector<16xf32>
        %add3A_782 = arith.addf %add3A_781, %exp3A : vector<16xf32>
        %div3A = arith.divf %add3A_777, %add3A_782 : vector<16xf32>
        %swap3A_783 = arith.index_cast %scan3A_768 : i32 to index
        %swap3A_784 = arith.constant 0 : index
        %swap3A_785 = tpu.vector_load %arg16[%swap3A_783, %swap3A_784] {strides = array<i32>} : memref<80x128xf32, #tpu.memory_space<vmem>>, vector<1x16xf32>,
        %swap3A_786 = vector.shape_cast %swap3A_785 : vector<1x16xf32> to vector<16xf32>
        %swap3A_787 = vector.shape_cast %div3A : vector<16xf32> to vector<1x16xf32>
        tpu.vector_store %arg16[%swap3A_783, %swap3A_784], %swap3A_787 {strides = array<i32>} : memref<80x128xf32, #tpu.memory_space<vmem>>, vector<1x16xf32>,
        %get3A_788 = arith.index_cast %scan3A_768 : i32 to index
        %get3A_789 = arith.constant 16 : index
        %get3A_790 = tpu.vector_load %arg16[%get3A_788, %get3A_789] {strides = array<i32>} : memref<80x128xf32, #tpu.memory_space<vmem>>, vector<1x16xf32>,
        %get3A_791 = vector.shape_cast %get3A_790 : vector<1x16xf32> to vector<16xf32>
        %get3A_792 = arith.index_cast %scan3A_768 : i32 to index
        %get3A_793 = arith.constant 16 : index
        %get3A_794 = tpu.vector_load %arg17[%get3A_792, %get3A_793] {strides = array<i32>} : memref<80x128xf32, #tpu.memory_space<vmem>>, vector<1x16xf32>,
        %get3A_795 = vector.shape_cast %get3A_794 : vector<1x16xf32> to vector<16xf32>
        %add3A_796 = arith.addf %get3A_791, %get3A_795 : vector<16xf32>
        %neg3A_797 = arith.constant 0.000000e+00 : f32
        %neg3A_798 = vector.broadcast %neg3A_797 : f32 to vector<16xf32>
        %neg3A_799 = arith.subf %neg3A_798, %add3A_796 : vector<16xf32>
        %exp3A_800 = math.exp %neg3A_799 : vector<16xf32>
        %add3A_801 = arith.constant 1.000000e+00 : f32
        %add3A_802 = vector.broadcast %add3A_801 : f32 to vector<16xf32>
        %add3A_803 = arith.addf %add3A_802, %exp3A_800 : vector<16xf32>
        %div3A_804 = arith.divf %add3A_796, %add3A_803 : vector<16xf32>
        %swap3A_805 = arith.index_cast %scan3A_768 : i32 to index
        %swap3A_806 = arith.constant 16 : index
        %swap3A_807 = tpu.vector_load %arg16[%swap3A_805, %swap3A_806] {strides = array<i32>} : memref<80x128xf32, #tpu.memory_space<vmem>>, vector<1x16xf32>,
        %swap3A_808 = vector.shape_cast %swap3A_807 : vector<1x16xf32> to vector<16xf32>
        %swap3A_809 = vector.shape_cast %div3A_804 : vector<16xf32> to vector<1x16xf32>
        tpu.vector_store %arg16[%swap3A_805, %swap3A_806], %swap3A_809 {strides = array<i32>} : memref<80x128xf32, #tpu.memory_space<vmem>>, vector<1x16xf32>,
        %get3A_810 = arith.index_cast %scan3A_768 : i32 to index
        %get3A_811 = arith.constant 32 : index
        %get3A_812 = tpu.vector_load %arg16[%get3A_810, %get3A_811] {strides = array<i32>} : memref<80x128xf32, #tpu.memory_space<vmem>>, vector<1x16xf32>,
        %get3A_813 = vector.shape_cast %get3A_812 : vector<1x16xf32> to vector<16xf32>
        %get3A_814 = arith.index_cast %scan3A_768 : i32 to index
        %get3A_815 = arith.constant 32 : index
        %get3A_816 = tpu.vector_load %arg17[%get3A_814, %get3A_815] {strides = array<i32>} : memref<80x128xf32, #tpu.memory_space<vmem>>, vector<1x16xf32>,
        %get3A_817 = vector.shape_cast %get3A_816 : vector<1x16xf32> to vector<16xf32>
        %add3A_818 = arith.addf %get3A_813, %get3A_817 : vector<16xf32>
        %neg3A_819 = arith.constant 0.000000e+00 : f32
        %neg3A_820 = vector.broadcast %neg3A_819 : f32 to vector<16xf32>
        %neg3A_821 = arith.subf %neg3A_820, %add3A_818 : vector<16xf32>
        %exp3A_822 = math.exp %neg3A_821 : vector<16xf32>
        %add3A_823 = arith.constant 1.000000e+00 : f32
        %add3A_824 = vector.broadcast %add3A_823 : f32 to vector<16xf32>
        %add3A_825 = arith.addf %add3A_824, %exp3A_822 : vector<16xf32>
        %div3A_826 = arith.divf %add3A_818, %add3A_825 : vector<16xf32>
        %swap3A_827 = arith.index_cast %scan3A_768 : i32 to index
        %swap3A_828 = arith.constant 32 : index
        %swap3A_829 = tpu.vector_load %arg16[%swap3A_827, %swap3A_828] {strides = array<i32>} : memref<80x128xf32, #tpu.memory_space<vmem>>, vector<1x16xf32>,
        %swap3A_830 = vector.shape_cast %swap3A_829 : vector<1x16xf32> to vector<16xf32>
        %swap3A_831 = vector.shape_cast %div3A_826 : vector<16xf32> to vector<1x16xf32>
        tpu.vector_store %arg16[%swap3A_827, %swap3A_828], %swap3A_831 {strides = array<i32>} : memref<80x128xf32, #tpu.memory_space<vmem>>, vector<1x16xf32>,
        %get3A_832 = arith.index_cast %scan3A_768 : i32 to index
        %get3A_833 = arith.constant 48 : index
        %get3A_834 = tpu.vector_load %arg16[%get3A_832, %get3A_833] {strides = array<i32>} : memref<80x128xf32, #tpu.memory_space<vmem>>, vector<1x16xf32>,
        %get3A_835 = vector.shape_cast %get3A_834 : vector<1x16xf32> to vector<16xf32>
        %get3A_836 = arith.index_cast %scan3A_768 : i32 to index
        %get3A_837 = arith.constant 48 : index
        %get3A_838 = tpu.vector_load %arg17[%get3A_836, %get3A_837] {strides = array<i32>} : memref<80x128xf32, #tpu.memory_space<vmem>>, vector<1x16xf32>,
        %get3A_839 = vector.shape_cast %get3A_838 : vector<1x16xf32> to vector<16xf32>
        %add3A_840 = arith.addf %get3A_835, %get3A_839 : vector<16xf32>
        %neg3A_841 = arith.constant 0.000000e+00 : f32
        %neg3A_842 = vector.broadcast %neg3A_841 : f32 to vector<16xf32>
        %neg3A_843 = arith.subf %neg3A_842, %add3A_840 : vector<16xf32>
        %exp3A_844 = math.exp %neg3A_843 : vector<16xf32>
        %add3A_845 = arith.constant 1.000000e+00 : f32
        %add3A_846 = vector.broadcast %add3A_845 : f32 to vector<16xf32>
        %add3A_847 = arith.addf %add3A_846, %exp3A_844 : vector<16xf32>
        %div3A_848 = arith.divf %add3A_840, %add3A_847 : vector<16xf32>
        %swap3A_849 = arith.index_cast %scan3A_768 : i32 to index
        %swap3A_850 = arith.constant 48 : index
        %swap3A_851 = tpu.vector_load %arg16[%swap3A_849, %swap3A_850] {strides = array<i32>} : memref<80x128xf32, #tpu.memory_space<vmem>>, vector<1x16xf32>,
        %swap3A_852 = vector.shape_cast %swap3A_851 : vector<1x16xf32> to vector<16xf32>
        %swap3A_853 = vector.shape_cast %div3A_848 : vector<16xf32> to vector<1x16xf32>
        tpu.vector_store %arg16[%swap3A_849, %swap3A_850], %swap3A_853 {strides = array<i32>} : memref<80x128xf32, #tpu.memory_space<vmem>>, vector<1x16xf32>,
        %get3A_854 = arith.index_cast %scan3A_768 : i32 to index
        %get3A_855 = arith.constant 64 : index
        %get3A_856 = tpu.vector_load %arg16[%get3A_854, %get3A_855] {strides = array<i32>} : memref<80x128xf32, #tpu.memory_space<vmem>>, vector<1x16xf32>,
        %get3A_857 = vector.shape_cast %get3A_856 : vector<1x16xf32> to vector<16xf32>
        %get3A_858 = arith.index_cast %scan3A_768 : i32 to index
        %get3A_859 = arith.constant 64 : index
        %get3A_860 = tpu.vector_load %arg17[%get3A_858, %get3A_859] {strides = array<i32>} : memref<80x128xf32, #tpu.memory_space<vmem>>, vector<1x16xf32>,
        %get3A_861 = vector.shape_cast %get3A_860 : vector<1x16xf32> to vector<16xf32>
        %add3A_862 = arith.addf %get3A_857, %get3A_861 : vector<16xf32>
        %neg3A_863 = arith.constant 0.000000e+00 : f32
        %neg3A_864 = vector.broadcast %neg3A_863 : f32 to vector<16xf32>
        %neg3A_865 = arith.subf %neg3A_864, %add3A_862 : vector<16xf32>
        %exp3A_866 = math.exp %neg3A_865 : vector<16xf32>
        %add3A_867 = arith.constant 1.000000e+00 : f32
        %add3A_868 = vector.broadcast %add3A_867 : f32 to vector<16xf32>
        %add3A_869 = arith.addf %add3A_868, %exp3A_866 : vector<16xf32>
        %div3A_870 = arith.divf %add3A_862, %add3A_869 : vector<16xf32>
        %swap3A_871 = arith.index_cast %scan3A_768 : i32 to index
        %swap3A_872 = arith.constant 64 : index
        %swap3A_873 = tpu.vector_load %arg16[%swap3A_871, %swap3A_872] {strides = array<i32>} : memref<80x128xf32, #tpu.memory_space<vmem>>, vector<1x16xf32>,
        %swap3A_874 = vector.shape_cast %swap3A_873 : vector<1x16xf32> to vector<16xf32>
        %swap3A_875 = vector.shape_cast %div3A_870 : vector<16xf32> to vector<1x16xf32>
        tpu.vector_store %arg16[%swap3A_871, %swap3A_872], %swap3A_875 {strides = array<i32>} : memref<80x128xf32, #tpu.memory_space<vmem>>, vector<1x16xf32>,
        %get3A_876 = arith.index_cast %scan3A_768 : i32 to index
        %get3A_877 = arith.constant 80 : index
        %get3A_878 = tpu.vector_load %arg16[%get3A_876, %get3A_877] {strides = array<i32>} : memref<80x128xf32, #tpu.memory_space<vmem>>, vector<1x16xf32>,
        %get3A_879 = vector.shape_cast %get3A_878 : vector<1x16xf32> to vector<16xf32>
        %get3A_880 = arith.index_cast %scan3A_768 : i32 to index
        %get3A_881 = arith.constant 80 : index
        %get3A_882 = tpu.vector_load %arg17[%get3A_880, %get3A_881] {strides = array<i32>} : memref<80x128xf32, #tpu.memory_space<vmem>>, vector<1x16xf32>,
        %get3A_883 = vector.shape_cast %get3A_882 : vector<1x16xf32> to vector<16xf32>
        %add3A_884 = arith.addf %get3A_879, %get3A_883 : vector<16xf32>
        %neg3A_885 = arith.constant 0.000000e+00 : f32
        %neg3A_886 = vector.broadcast %neg3A_885 : f32 to vector<16xf32>
        %neg3A_887 = arith.subf %neg3A_886, %add3A_884 : vector<16xf32>
        %exp3A_888 = math.exp %neg3A_887 : vector<16xf32>
        %add3A_889 = arith.constant 1.000000e+00 : f32
        %add3A_890 = vector.broadcast %add3A_889 : f32 to vector<16xf32>
        %add3A_891 = arith.addf %add3A_890, %exp3A_888 : vector<16xf32>
        %div3A_892 = arith.divf %add3A_884, %add3A_891 : vector<16xf32>
        %swap3A_893 = arith.index_cast %scan3A_768 : i32 to index
        %swap3A_894 = arith.constant 80 : index
        %swap3A_895 = tpu.vector_load %arg16[%swap3A_893, %swap3A_894] {strides = array<i32>} : memref<80x128xf32, #tpu.memory_space<vmem>>, vector<1x16xf32>,
        %swap3A_896 = vector.shape_cast %swap3A_895 : vector<1x16xf32> to vector<16xf32>
        %swap3A_897 = vector.shape_cast %div3A_892 : vector<16xf32> to vector<1x16xf32>
        tpu.vector_store %arg16[%swap3A_893, %swap3A_894], %swap3A_897 {strides = array<i32>} : memref<80x128xf32, #tpu.memory_space<vmem>>, vector<1x16xf32>,
        %get3A_898 = arith.index_cast %scan3A_768 : i32 to index
        %get3A_899 = arith.constant 96 : index
        %get3A_900 = tpu.vector_load %arg16[%get3A_898, %get3A_899] {strides = array<i32>} : memref<80x128xf32, #tpu.memory_space<vmem>>, vector<1x16xf32>,
        %get3A_901 = vector.shape_cast %get3A_900 : vector<1x16xf32> to vector<16xf32>
        %get3A_902 = arith.index_cast %scan3A_768 : i32 to index
        %get3A_903 = arith.constant 96 : index
        %get3A_904 = tpu.vector_load %arg17[%get3A_902, %get3A_903] {strides = array<i32>} : memref<80x128xf32, #tpu.memory_space<vmem>>, vector<1x16xf32>,
        %get3A_905 = vector.shape_cast %get3A_904 : vector<1x16xf32> to vector<16xf32>
        %add3A_906 = arith.addf %get3A_901, %get3A_905 : vector<16xf32>
        %neg3A_907 = arith.constant 0.000000e+00 : f32
        %neg3A_908 = vector.broadcast %neg3A_907 : f32 to vector<16xf32>
        %neg3A_909 = arith.subf %neg3A_908, %add3A_906 : vector<16xf32>
        %exp3A_910 = math.exp %neg3A_909 : vector<16xf32>
        %add3A_911 = arith.constant 1.000000e+00 : f32
        %add3A_912 = vector.broadcast %add3A_911 : f32 to vector<16xf32>
        %add3A_913 = arith.addf %add3A_912, %exp3A_910 : vector<16xf32>
        %div3A_914 = arith.divf %add3A_906, %add3A_913 : vector<16xf32>
        %swap3A_915 = arith.index_cast %scan3A_768 : i32 to index
        %swap3A_916 = arith.constant 96 : index
        %swap3A_917 = tpu.vector_load %arg16[%swap3A_915, %swap3A_916] {strides = array<i32>} : memref<80x128xf32, #tpu.memory_space<vmem>>, vector<1x16xf32>,
        %swap3A_918 = vector.shape_cast %swap3A_917 : vector<1x16xf32> to vector<16xf32>
        %swap3A_919 = vector.shape_cast %div3A_914 : vector<16xf32> to vector<1x16xf32>
        tpu.vector_store %arg16[%swap3A_915, %swap3A_916], %swap3A_919 {strides = array<i32>} : memref<80x128xf32, #tpu.memory_space<vmem>>, vector<1x16xf32>,
        %get3A_920 = arith.index_cast %scan3A_768 : i32 to index
        %get3A_921 = arith.constant 112 : index
        %get3A_922 = tpu.vector_load %arg16[%get3A_920, %get3A_921] {strides = array<i32>} : memref<80x128xf32, #tpu.memory_space<vmem>>, vector<1x16xf32>,
        %get3A_923 = vector.shape_cast %get3A_922 : vector<1x16xf32> to vector<16xf32>
        %get3A_924 = arith.index_cast %scan3A_768 : i32 to index
        %get3A_925 = arith.constant 112 : index
        %get3A_926 = tpu.vector_load %arg17[%get3A_924, %get3A_925] {strides = array<i32>} : memref<80x128xf32, #tpu.memory_space<vmem>>, vector<1x16xf32>,
        %get3A_927 = vector.shape_cast %get3A_926 : vector<1x16xf32> to vector<16xf32>
        %add3A_928 = arith.addf %get3A_923, %get3A_927 : vector<16xf32>
        %neg3A_929 = arith.constant 0.000000e+00 : f32
        %neg3A_930 = vector.broadcast %neg3A_929 : f32 to vector<16xf32>
        %neg3A_931 = arith.subf %neg3A_930, %add3A_928 : vector<16xf32>
        %exp3A_932 = math.exp %neg3A_931 : vector<16xf32>
        %add3A_933 = arith.constant 1.000000e+00 : f32
        %add3A_934 = vector.broadcast %add3A_933 : f32 to vector<16xf32>
        %add3A_935 = arith.addf %add3A_934, %exp3A_932 : vector<16xf32>
        %div3A_936 = arith.divf %add3A_928, %add3A_935 : vector<16xf32>
        %swap3A_937 = arith.index_cast %scan3A_768 : i32 to index
        %swap3A_938 = arith.constant 112 : index
        %swap3A_939 = tpu.vector_load %arg16[%swap3A_937, %swap3A_938] {strides = array<i32>} : memref<80x128xf32, #tpu.memory_space<vmem>>, vector<1x16xf32>,
        %swap3A_940 = vector.shape_cast %swap3A_939 : vector<1x16xf32> to vector<16xf32>
        %swap3A_941 = vector.shape_cast %div3A_936 : vector<16xf32> to vector<1x16xf32>
        tpu.vector_store %arg16[%swap3A_937, %swap3A_938], %swap3A_941 {strides = array<i32>} : memref<80x128xf32, #tpu.memory_space<vmem>>, vector<1x16xf32>,
        %scan3A_942 = arith.constant 0 : i32
        scf.yield %scan3A_942 : i32
      }
      %scan3A_735 = arith.constant 40 : i32
      %dma_wait3A_736 = arith.constant 0 : i32
      %dma_wait3A_737 = arith.constant 0 : i32
      %dma_wait3A_738 = tpu.memref_slice %arg16[%dma_wait3A_736, %dma_wait3A_737] : memref<80x128xf32, #tpu.memory_space<vmem>> -> memref<40x128xf32, #tpu.memory_space<vmem>>
      %dma_wait3A_739 = arith.constant 0 : i32
      %dma_wait3A_740 = arith.constant 0 : i32
      %dma_wait3A_741 = tpu.memref_slice %arg21[%dma_wait3A_739, %dma_wait3A_740] : memref<10240x128xf32, #tpu.memory_space<vmem_shared>> -> memref<10240x128xf32, #tpu.memory_space<vmem_shared>>
      tpu.wait_indirect_dma semaphore(%arg29 : memref<!tpu.dma_semaphore, #tpu.memory_space<semaphore_mem>>) src(%dma_wait3A_738 : memref<40x128xf32, #tpu.memory_space<vmem>>) dst(%dma_wait3A_741 : memref<10240x128xf32, #tpu.memory_space<vmem_shared>>)
      %dma_wait3A_742 = arith.constant 0 : i32
      %dma_wait3A_743 = tpu.memref_slice %arg22[%dma_wait3A_742] : memref<10240xf32, #tpu.memory_space<vmem_shared>> -> memref<10240xf32, #tpu.memory_space<vmem_shared>>
      tpu.wait_indirect_dma semaphore(%arg29 : memref<!tpu.dma_semaphore, #tpu.memory_space<semaphore_mem>>) src(%arg18 : memref<40xf32, #tpu.memory_space<vmem>>) dst(%dma_wait3A_743 : memref<10240xf32, #tpu.memory_space<vmem_shared>>)
      %dma_start3A_744 = arith.constant 40 : i32
      %dma_start3A_745 = arith.constant 0 : i32
      %dma_start3A_746 = tpu.memref_slice %arg16[%dma_start3A_744, %dma_start3A_745] : memref<80x128xf32, #tpu.memory_space<vmem>> -> memref<40x128xf32, #tpu.memory_space<vmem>>
      %dma_start3A_747 = arith.constant 0 : i32
      %dma_start3A_748 = arith.constant 0 : i32
      %dma_start3A_749 = tpu.memref_slice %arg21[%dma_start3A_747, %dma_start3A_748] : memref<10240x128xf32, #tpu.memory_space<vmem_shared>> -> memref<10240x128xf32, #tpu.memory_space<vmem_shared>>
      tpu.enqueue_indirect_dma source(%dma_start3A_746 : memref<40x128xf32, #tpu.memory_space<vmem>>) target(%dma_start3A_749 : memref<10240x128xf32, #tpu.memory_space<vmem_shared>>) offsets(%arg13 : memref<40xi32, #tpu.memory_space<vmem>>) semaphore(%arg29 : memref<!tpu.dma_semaphore, #tpu.memory_space<semaphore_mem>>) {add = true}
      %dma_start3A_750 = arith.constant 0 : i32
      %dma_start3A_751 = tpu.memref_slice %arg22[%dma_start3A_750] : memref<10240xf32, #tpu.memory_space<vmem_shared>> -> memref<10240xf32, #tpu.memory_space<vmem_shared>>
      tpu.enqueue_indirect_dma source(%arg18 : memref<40xf32, #tpu.memory_space<vmem>>) target(%dma_start3A_751 : memref<10240xf32, #tpu.memory_space<vmem_shared>>) offsets(%arg13 : memref<40xi32, #tpu.memory_space<vmem>>) semaphore(%arg29 : memref<!tpu.dma_semaphore, #tpu.memory_space<semaphore_mem>>) {add = true}
      %dma_wait3A_752 = arith.constant 40 : i32
      %dma_wait3A_753 = arith.constant 0 : i32
      %dma_wait3A_754 = tpu.memref_slice %arg16[%dma_wait3A_752, %dma_wait3A_753] : memref<80x128xf32, #tpu.memory_space<vmem>> -> memref<40x128xf32, #tpu.memory_space<vmem>>
      %dma_wait3A_755 = arith.constant 0 : i32
      %dma_wait3A_756 = arith.constant 0 : i32
      %dma_wait3A_757 = tpu.memref_slice %arg21[%dma_wait3A_755, %dma_wait3A_756] : memref<10240x128xf32, #tpu.memory_space<vmem_shared>> -> memref<10240x128xf32, #tpu.memory_space<vmem_shared>>
      tpu.wait_indirect_dma semaphore(%arg29 : memref<!tpu.dma_semaphore, #tpu.memory_space<semaphore_mem>>) src(%dma_wait3A_754 : memref<40x128xf32, #tpu.memory_space<vmem>>) dst(%dma_wait3A_757 : memref<10240x128xf32, #tpu.memory_space<vmem_shared>>)
      %dma_wait3A_758 = arith.constant 0 : i32
      %dma_wait3A_759 = tpu.memref_slice %arg22[%dma_wait3A_758] : memref<10240xf32, #tpu.memory_space<vmem_shared>> -> memref<10240xf32, #tpu.memory_space<vmem_shared>>
      tpu.wait_indirect_dma semaphore(%arg29 : memref<!tpu.dma_semaphore, #tpu.memory_space<semaphore_mem>>) src(%arg18 : memref<40xf32, #tpu.memory_space<vmem>>) dst(%dma_wait3A_759 : memref<10240xf32, #tpu.memory_space<vmem_shared>>)
      %add3A_760 = arith.constant 2 : i32
      %add3A_761 = arith.addi %add3A_693, %add3A_760 : i32
      %lt3A_762 = arith.constant 125 : i32
      %lt3A_763 = arith.cmpi slt, %add3A_761, %lt3A_762 : i32
      %convert_element_type3A_764 = arith.extui %lt3A_763 : i1 to i32
      %cond3A_765 = arith.constant 0 : i32
      %cond3A_766 = arith.cmpi ne, %convert_element_type3A_764, %cond3A_765 : i32
      scf.if %cond3A_766 {
        %add3A_768 = arith.constant 2 : i32
        %add3A_769 = arith.addi %add3A_693, %add3A_768 : i32
        %mul3A_770 = arith.constant 80 : i32
        %mul3A_771 = arith.muli %add3A_769, %mul3A_770 : i32
        %add3A_772 = arith.addi %mul3A_519, %mul3A_771 : i32
        %dma_start3A_773 = tpu.memref_slice %arg3[%add3A_772] : memref<160000xi32, #tpu.memory_space<hbm>> -> memref<80xi32, #tpu.memory_space<hbm>>
        %dma_start3A_774 = tpu.memref_slice %arg3[%add3A_772] : memref<160000xi32, #tpu.memory_space<hbm>> -> memref<80xi32, #tpu.memory_space<hbm>>
        tpu.enqueue_dma source(%dma_start3A_774 : memref<80xi32, #tpu.memory_space<hbm>>) target(%arg11 : memref<80xi32, #tpu.memory_space<vmem>>) target_semaphore(%arg24 : memref<!tpu.dma_semaphore, #tpu.memory_space<semaphore_mem>>)
        %dma_start3A_775 = tpu.memref_slice %arg4[%add3A_772] : memref<160000xi32, #tpu.memory_space<hbm>> -> memref<40xi32, #tpu.memory_space<hbm>>
        %dma_start3A_776 = tpu.memref_slice %arg4[%add3A_772] : memref<160000xi32, #tpu.memory_space<hbm>> -> memref<40xi32, #tpu.memory_space<hbm>>
        tpu.enqueue_dma source(%dma_start3A_776 : memref<40xi32, #tpu.memory_space<hbm>>) target(%arg12 : memref<40xi32, #tpu.memory_space<vmem>>) target_semaphore(%arg24 : memref<!tpu.dma_semaphore, #tpu.memory_space<semaphore_mem>>)
        %add3A_777 = arith.constant 40 : i32
        %add3A_778 = arith.addi %add3A_772, %add3A_777 : i32
        %dma_start3A_779 = tpu.memref_slice %arg4[%add3A_778] : memref<160000xi32, #tpu.memory_space<hbm>> -> memref<40xi32, #tpu.memory_space<hbm>>
        %dma_start3A_780 = tpu.memref_slice %arg4[%add3A_778] : memref<160000xi32, #tpu.memory_space<hbm>> -> memref<40xi32, #tpu.memory_space<hbm>>
        tpu.enqueue_dma source(%dma_start3A_780 : memref<40xi32, #tpu.memory_space<hbm>>) target(%arg13 : memref<40xi32, #tpu.memory_space<vmem>>) target_semaphore(%arg24 : memref<!tpu.dma_semaphore, #tpu.memory_space<semaphore_mem>>)
      } else {
      }
      %scan3A_767 = arith.constant 0 : i32
      scf.yield %scan3A_767 : i32
    }
    %scan3A_551 = arith.constant 62 : i32
    %dma_wait3A_552 = arith.constant 0 : i32
    %dma_wait3A_553 = arith.constant 0 : i32
    %dma_wait3A_554 = tpu.memref_slice %arg2[%arg0, %dma_wait3A_552, %dma_wait3A_553] : memref<2x10000x128xf32, #tpu.memory_space<hbm>> -> memref<1x10000x128xf32, #tpu.memory_space<hbm>>
    %dma_wait3A_555 = tpu.memref_squeeze %dma_wait3A_554 : memref<1x10000x128xf32, #tpu.memory_space<hbm>> -> memref<10000x128xf32, #tpu.memory_space<hbm>>
    %dma_wait3A_556 = arith.constant 0 : i32
    %dma_wait3A_557 = arith.constant 0 : i32
    %dma_wait3A_558 = tpu.memref_slice %dma_wait3A_555[%dma_wait3A_556, %dma_wait3A_557] : memref<10000x128xf32, #tpu.memory_space<hbm>> -> memref<10000x128xf32, #tpu.memory_space<hbm>>
    tpu.wait_indirect_dma semaphore(%arg25 : memref<!tpu.dma_semaphore, #tpu.memory_space<semaphore_mem>>) src(%dma_wait3A_558 : memref<10000x128xf32, #tpu.memory_space<hbm>>) dst(%arg14 : memref<80x128xf32, #tpu.memory_space<vmem>>)
    %dma_wait3A_559 = arith.constant 0 : i32
    %dma_wait3A_560 = arith.constant 0 : i32
    %dma_wait3A_561 = tpu.memref_slice %arg5[%dma_wait3A_559, %dma_wait3A_560] : memref<160000x256xf32, #tpu.memory_space<hbm>> -> memref<80x128xf32, #tpu.memory_space<hbm>>
    %dma_wait3A_562 = arith.constant 0 : i32
    %dma_wait3A_563 = arith.constant 0 : i32
    %dma_wait3A_564 = tpu.memref_slice %arg5[%dma_wait3A_562, %dma_wait3A_563] : memref<160000x256xf32, #tpu.memory_space<hbm>> -> memref<80x128xf32, #tpu.memory_space<hbm>>
    tpu.wait_dma2 semaphore(%arg27 : memref<!tpu.dma_semaphore, #tpu.memory_space<semaphore_mem>>) src(%dma_wait3A_564 : memref<80x128xf32, #tpu.memory_space<hbm>>) dst(%arg15 : memref<80x128xf32, #tpu.memory_space<vmem>>)
    %scan3A_565 = arith.constant 0 : i32
    %scan3A_566 = arith.constant 0 : i32
    %scan3A_567 = arith.constant 40 : i32
    %scan3A_568 = arith.addi %scan3A_566, %scan3A_567 : i32
    %scan3A_569 = arith.constant 1 : i32
    %scan3A_570 = scf.for %scan3A_614 = %scan3A_566 to %scan3A_568 step %scan3A_569 iter_args(%scan3A_615 = %scan3A_565) -> (i32)  : i32 {
      %get3A = arith.index_cast %scan3A_614 : i32 to index
      %get3A_616 = arith.constant 0 : index
      %get3A_617 = tpu.vector_load %arg14[%get3A, %get3A_616] {strides = array<i32>} : memref<80x128xf32, #tpu.memory_space<vmem>>, vector<1x16xf32>,
      %get3A_618 = vector.shape_cast %get3A_617 : vector<1x16xf32> to vector<16xf32>
      %get3A_619 = arith.index_cast %scan3A_614 : i32 to index
      %get3A_620 = arith.constant 0 : index
      %get3A_621 = tpu.vector_load %arg15[%get3A_619, %get3A_620] {strides = array<i32>} : memref<80x128xf32, #tpu.memory_space<vmem>>, vector<1x16xf32>,
      %get3A_622 = vector.shape_cast %get3A_621 : vector<1x16xf32> to vector<16xf32>
      %add3A_623 = arith.addf %get3A_618, %get3A_622 : vector<16xf32>
      %neg3A = arith.constant 0.000000e+00 : f32
      %neg3A_624 = vector.broadcast %neg3A : f32 to vector<16xf32>
      %neg3A_625 = arith.subf %neg3A_624, %add3A_623 : vector<16xf32>
      %exp3A = math.exp %neg3A_625 : vector<16xf32>
      %add3A_626 = arith.constant 1.000000e+00 : f32
      %add3A_627 = vector.broadcast %add3A_626 : f32 to vector<16xf32>
      %add3A_628 = arith.addf %add3A_627, %exp3A : vector<16xf32>
      %div3A = arith.divf %add3A_623, %add3A_628 : vector<16xf32>
      %swap3A_629 = arith.index_cast %scan3A_614 : i32 to index
      %swap3A_630 = arith.constant 0 : index
      %swap3A_631 = tpu.vector_load %arg14[%swap3A_629, %swap3A_630] {strides = array<i32>} : memref<80x128xf32, #tpu.memory_space<vmem>>, vector<1x16xf32>,
      %swap3A_632 = vector.shape_cast %swap3A_631 : vector<1x16xf32> to vector<16xf32>
      %swap3A_633 = vector.shape_cast %div3A : vector<16xf32> to vector<1x16xf32>
      tpu.vector_store %arg14[%swap3A_629, %swap3A_630], %swap3A_633 {strides = array<i32>} : memref<80x128xf32, #tpu.memory_space<vmem>>, vector<1x16xf32>,
      %get3A_634 = arith.index_cast %scan3A_614 : i32 to index
      %get3A_635 = arith.constant 16 : index
      %get3A_636 = tpu.vector_load %arg14[%get3A_634, %get3A_635] {strides = array<i32>} : memref<80x128xf32, #tpu.memory_space<vmem>>, vector<1x16xf32>,
      %get3A_637 = vector.shape_cast %get3A_636 : vector<1x16xf32> to vector<16xf32>
      %get3A_638 = arith.index_cast %scan3A_614 : i32 to index
      %get3A_639 = arith.constant 16 : index
      %get3A_640 = tpu.vector_load %arg15[%get3A_638, %get3A_639] {strides = array<i32>} : memref<80x128xf32, #tpu.memory_space<vmem>>, vector<1x16xf32>,
      %get3A_641 = vector.shape_cast %get3A_640 : vector<1x16xf32> to vector<16xf32>
      %add3A_642 = arith.addf %get3A_637, %get3A_641 : vector<16xf32>
      %neg3A_643 = arith.constant 0.000000e+00 : f32
      %neg3A_644 = vector.broadcast %neg3A_643 : f32 to vector<16xf32>
      %neg3A_645 = arith.subf %neg3A_644, %add3A_642 : vector<16xf32>
      %exp3A_646 = math.exp %neg3A_645 : vector<16xf32>
      %add3A_647 = arith.constant 1.000000e+00 : f32
      %add3A_648 = vector.broadcast %add3A_647 : f32 to vector<16xf32>
      %add3A_649 = arith.addf %add3A_648, %exp3A_646 : vector<16xf32>
      %div3A_650 = arith.divf %add3A_642, %add3A_649 : vector<16xf32>
      %swap3A_651 = arith.index_cast %scan3A_614 : i32 to index
      %swap3A_652 = arith.constant 16 : index
      %swap3A_653 = tpu.vector_load %arg14[%swap3A_651, %swap3A_652] {strides = array<i32>} : memref<80x128xf32, #tpu.memory_space<vmem>>, vector<1x16xf32>,
      %swap3A_654 = vector.shape_cast %swap3A_653 : vector<1x16xf32> to vector<16xf32>
      %swap3A_655 = vector.shape_cast %div3A_650 : vector<16xf32> to vector<1x16xf32>
      tpu.vector_store %arg14[%swap3A_651, %swap3A_652], %swap3A_655 {strides = array<i32>} : memref<80x128xf32, #tpu.memory_space<vmem>>, vector<1x16xf32>,
      %get3A_656 = arith.index_cast %scan3A_614 : i32 to index
      %get3A_657 = arith.constant 32 : index
      %get3A_658 = tpu.vector_load %arg14[%get3A_656, %get3A_657] {strides = array<i32>} : memref<80x128xf32, #tpu.memory_space<vmem>>, vector<1x16xf32>,
      %get3A_659 = vector.shape_cast %get3A_658 : vector<1x16xf32> to vector<16xf32>
      %get3A_660 = arith.index_cast %scan3A_614 : i32 to index
      %get3A_661 = arith.constant 32 : index
      %get3A_662 = tpu.vector_load %arg15[%get3A_660, %get3A_661] {strides = array<i32>} : memref<80x128xf32, #tpu.memory_space<vmem>>, vector<1x16xf32>,
      %get3A_663 = vector.shape_cast %get3A_662 : vector<1x16xf32> to vector<16xf32>
      %add3A_664 = arith.addf %get3A_659, %get3A_663 : vector<16xf32>
      %neg3A_665 = arith.constant 0.000000e+00 : f32
      %neg3A_666 = vector.broadcast %neg3A_665 : f32 to vector<16xf32>
      %neg3A_667 = arith.subf %neg3A_666, %add3A_664 : vector<16xf32>
      %exp3A_668 = math.exp %neg3A_667 : vector<16xf32>
      %add3A_669 = arith.constant 1.000000e+00 : f32
      %add3A_670 = vector.broadcast %add3A_669 : f32 to vector<16xf32>
      %add3A_671 = arith.addf %add3A_670, %exp3A_668 : vector<16xf32>
      %div3A_672 = arith.divf %add3A_664, %add3A_671 : vector<16xf32>
      %swap3A_673 = arith.index_cast %scan3A_614 : i32 to index
      %swap3A_674 = arith.constant 32 : index
      %swap3A_675 = tpu.vector_load %arg14[%swap3A_673, %swap3A_674] {strides = array<i32>} : memref<80x128xf32, #tpu.memory_space<vmem>>, vector<1x16xf32>,
      %swap3A_676 = vector.shape_cast %swap3A_675 : vector<1x16xf32> to vector<16xf32>
      %swap3A_677 = vector.shape_cast %div3A_672 : vector<16xf32> to vector<1x16xf32>
      tpu.vector_store %arg14[%swap3A_673, %swap3A_674], %swap3A_677 {strides = array<i32>} : memref<80x128xf32, #tpu.memory_space<vmem>>, vector<1x16xf32>,
      %get3A_678 = arith.index_cast %scan3A_614 : i32 to index
      %get3A_679 = arith.constant 48 : index
      %get3A_680 = tpu.vector_load %arg14[%get3A_678, %get3A_679] {strides = array<i32>} : memref<80x128xf32, #tpu.memory_space<vmem>>, vector<1x16xf32>,
      %get3A_681 = vector.shape_cast %get3A_680 : vector<1x16xf32> to vector<16xf32>
      %get3A_682 = arith.index_cast %scan3A_614 : i32 to index
      %get3A_683 = arith.constant 48 : index
      %get3A_684 = tpu.vector_load %arg15[%get3A_682, %get3A_683] {strides = array<i32>} : memref<80x128xf32, #tpu.memory_space<vmem>>, vector<1x16xf32>,
      %get3A_685 = vector.shape_cast %get3A_684 : vector<1x16xf32> to vector<16xf32>
      %add3A_686 = arith.addf %get3A_681, %get3A_685 : vector<16xf32>
      %neg3A_687 = arith.constant 0.000000e+00 : f32
      %neg3A_688 = vector.broadcast %neg3A_687 : f32 to vector<16xf32>
      %neg3A_689 = arith.subf %neg3A_688, %add3A_686 : vector<16xf32>
      %exp3A_690 = math.exp %neg3A_689 : vector<16xf32>
      %add3A_691 = arith.constant 1.000000e+00 : f32
      %add3A_692 = vector.broadcast %add3A_691 : f32 to vector<16xf32>
      %add3A_693 = arith.addf %add3A_692, %exp3A_690 : vector<16xf32>
      %div3A_694 = arith.divf %add3A_686, %add3A_693 : vector<16xf32>
      %swap3A_695 = arith.index_cast %scan3A_614 : i32 to index
      %swap3A_696 = arith.constant 48 : index
      %swap3A_697 = tpu.vector_load %arg14[%swap3A_695, %swap3A_696] {strides = array<i32>} : memref<80x128xf32, #tpu.memory_space<vmem>>, vector<1x16xf32>,
      %swap3A_698 = vector.shape_cast %swap3A_697 : vector<1x16xf32> to vector<16xf32>
      %swap3A_699 = vector.shape_cast %div3A_694 : vector<16xf32> to vector<1x16xf32>
      tpu.vector_store %arg14[%swap3A_695, %swap3A_696], %swap3A_699 {strides = array<i32>} : memref<80x128xf32, #tpu.memory_space<vmem>>, vector<1x16xf32>,
      %get3A_700 = arith.index_cast %scan3A_614 : i32 to index
      %get3A_701 = arith.constant 64 : index
      %get3A_702 = tpu.vector_load %arg14[%get3A_700, %get3A_701] {strides = array<i32>} : memref<80x128xf32, #tpu.memory_space<vmem>>, vector<1x16xf32>,
      %get3A_703 = vector.shape_cast %get3A_702 : vector<1x16xf32> to vector<16xf32>
      %get3A_704 = arith.index_cast %scan3A_614 : i32 to index
      %get3A_705 = arith.constant 64 : index
      %get3A_706 = tpu.vector_load %arg15[%get3A_704, %get3A_705] {strides = array<i32>} : memref<80x128xf32, #tpu.memory_space<vmem>>, vector<1x16xf32>,
      %get3A_707 = vector.shape_cast %get3A_706 : vector<1x16xf32> to vector<16xf32>
      %add3A_708 = arith.addf %get3A_703, %get3A_707 : vector<16xf32>
      %neg3A_709 = arith.constant 0.000000e+00 : f32
      %neg3A_710 = vector.broadcast %neg3A_709 : f32 to vector<16xf32>
      %neg3A_711 = arith.subf %neg3A_710, %add3A_708 : vector<16xf32>
      %exp3A_712 = math.exp %neg3A_711 : vector<16xf32>
      %add3A_713 = arith.constant 1.000000e+00 : f32
      %add3A_714 = vector.broadcast %add3A_713 : f32 to vector<16xf32>
      %add3A_715 = arith.addf %add3A_714, %exp3A_712 : vector<16xf32>
      %div3A_716 = arith.divf %add3A_708, %add3A_715 : vector<16xf32>
      %swap3A_717 = arith.index_cast %scan3A_614 : i32 to index
      %swap3A_718 = arith.constant 64 : index
      %swap3A_719 = tpu.vector_load %arg14[%swap3A_717, %swap3A_718] {strides = array<i32>} : memref<80x128xf32, #tpu.memory_space<vmem>>, vector<1x16xf32>,
      %swap3A_720 = vector.shape_cast %swap3A_719 : vector<1x16xf32> to vector<16xf32>
      %swap3A_721 = vector.shape_cast %div3A_716 : vector<16xf32> to vector<1x16xf32>
      tpu.vector_store %arg14[%swap3A_717, %swap3A_718], %swap3A_721 {strides = array<i32>} : memref<80x128xf32, #tpu.memory_space<vmem>>, vector<1x16xf32>,
      %get3A_722 = arith.index_cast %scan3A_614 : i32 to index
      %get3A_723 = arith.constant 80 : index
      %get3A_724 = tpu.vector_load %arg14[%get3A_722, %get3A_723] {strides = array<i32>} : memref<80x128xf32, #tpu.memory_space<vmem>>, vector<1x16xf32>,
      %get3A_725 = vector.shape_cast %get3A_724 : vector<1x16xf32> to vector<16xf32>
      %get3A_726 = arith.index_cast %scan3A_614 : i32 to index
      %get3A_727 = arith.constant 80 : index
      %get3A_728 = tpu.vector_load %arg15[%get3A_726, %get3A_727] {strides = array<i32>} : memref<80x128xf32, #tpu.memory_space<vmem>>, vector<1x16xf32>,
      %get3A_729 = vector.shape_cast %get3A_728 : vector<1x16xf32> to vector<16xf32>
      %add3A_730 = arith.addf %get3A_725, %get3A_729 : vector<16xf32>
      %neg3A_731 = arith.constant 0.000000e+00 : f32
      %neg3A_732 = vector.broadcast %neg3A_731 : f32 to vector<16xf32>
      %neg3A_733 = arith.subf %neg3A_732, %add3A_730 : vector<16xf32>
      %exp3A_734 = math.exp %neg3A_733 : vector<16xf32>
      %add3A_735 = arith.constant 1.000000e+00 : f32
      %add3A_736 = vector.broadcast %add3A_735 : f32 to vector<16xf32>
      %add3A_737 = arith.addf %add3A_736, %exp3A_734 : vector<16xf32>
      %div3A_738 = arith.divf %add3A_730, %add3A_737 : vector<16xf32>
      %swap3A_739 = arith.index_cast %scan3A_614 : i32 to index
      %swap3A_740 = arith.constant 80 : index
      %swap3A_741 = tpu.vector_load %arg14[%swap3A_739, %swap3A_740] {strides = array<i32>} : memref<80x128xf32, #tpu.memory_space<vmem>>, vector<1x16xf32>,
      %swap3A_742 = vector.shape_cast %swap3A_741 : vector<1x16xf32> to vector<16xf32>
      %swap3A_743 = vector.shape_cast %div3A_738 : vector<16xf32> to vector<1x16xf32>
      tpu.vector_store %arg14[%swap3A_739, %swap3A_740], %swap3A_743 {strides = array<i32>} : memref<80x128xf32, #tpu.memory_space<vmem>>, vector<1x16xf32>,
      %get3A_744 = arith.index_cast %scan3A_614 : i32 to index
      %get3A_745 = arith.constant 96 : index
      %get3A_746 = tpu.vector_load %arg14[%get3A_744, %get3A_745] {strides = array<i32>} : memref<80x128xf32, #tpu.memory_space<vmem>>, vector<1x16xf32>,
      %get3A_747 = vector.shape_cast %get3A_746 : vector<1x16xf32> to vector<16xf32>
      %get3A_748 = arith.index_cast %scan3A_614 : i32 to index
      %get3A_749 = arith.constant 96 : index
      %get3A_750 = tpu.vector_load %arg15[%get3A_748, %get3A_749] {strides = array<i32>} : memref<80x128xf32, #tpu.memory_space<vmem>>, vector<1x16xf32>,
      %get3A_751 = vector.shape_cast %get3A_750 : vector<1x16xf32> to vector<16xf32>
      %add3A_752 = arith.addf %get3A_747, %get3A_751 : vector<16xf32>
      %neg3A_753 = arith.constant 0.000000e+00 : f32
      %neg3A_754 = vector.broadcast %neg3A_753 : f32 to vector<16xf32>
      %neg3A_755 = arith.subf %neg3A_754, %add3A_752 : vector<16xf32>
      %exp3A_756 = math.exp %neg3A_755 : vector<16xf32>
      %add3A_757 = arith.constant 1.000000e+00 : f32
      %add3A_758 = vector.broadcast %add3A_757 : f32 to vector<16xf32>
      %add3A_759 = arith.addf %add3A_758, %exp3A_756 : vector<16xf32>
      %div3A_760 = arith.divf %add3A_752, %add3A_759 : vector<16xf32>
      %swap3A_761 = arith.index_cast %scan3A_614 : i32 to index
      %swap3A_762 = arith.constant 96 : index
      %swap3A_763 = tpu.vector_load %arg14[%swap3A_761, %swap3A_762] {strides = array<i32>} : memref<80x128xf32, #tpu.memory_space<vmem>>, vector<1x16xf32>,
      %swap3A_764 = vector.shape_cast %swap3A_763 : vector<1x16xf32> to vector<16xf32>
      %swap3A_765 = vector.shape_cast %div3A_760 : vector<16xf32> to vector<1x16xf32>
      tpu.vector_store %arg14[%swap3A_761, %swap3A_762], %swap3A_765 {strides = array<i32>} : memref<80x128xf32, #tpu.memory_space<vmem>>, vector<1x16xf32>,
      %get3A_766 = arith.index_cast %scan3A_614 : i32 to index
      %get3A_767 = arith.constant 112 : index
      %get3A_768 = tpu.vector_load %arg14[%get3A_766, %get3A_767] {strides = array<i32>} : memref<80x128xf32, #tpu.memory_space<vmem>>, vector<1x16xf32>,
      %get3A_769 = vector.shape_cast %get3A_768 : vector<1x16xf32> to vector<16xf32>
      %get3A_770 = arith.index_cast %scan3A_614 : i32 to index
      %get3A_771 = arith.constant 112 : index
      %get3A_772 = tpu.vector_load %arg15[%get3A_770, %get3A_771] {strides = array<i32>} : memref<80x128xf32, #tpu.memory_space<vmem>>, vector<1x16xf32>,
      %get3A_773 = vector.shape_cast %get3A_772 : vector<1x16xf32> to vector<16xf32>
      %add3A_774 = arith.addf %get3A_769, %get3A_773 : vector<16xf32>
      %neg3A_775 = arith.constant 0.000000e+00 : f32
      %neg3A_776 = vector.broadcast %neg3A_775 : f32 to vector<16xf32>
      %neg3A_777 = arith.subf %neg3A_776, %add3A_774 : vector<16xf32>
      %exp3A_778 = math.exp %neg3A_777 : vector<16xf32>
      %add3A_779 = arith.constant 1.000000e+00 : f32
      %add3A_780 = vector.broadcast %add3A_779 : f32 to vector<16xf32>
      %add3A_781 = arith.addf %add3A_780, %exp3A_778 : vector<16xf32>
      %div3A_782 = arith.divf %add3A_774, %add3A_781 : vector<16xf32>
      %swap3A_783 = arith.index_cast %scan3A_614 : i32 to index
      %swap3A_784 = arith.constant 112 : index
      %swap3A_785 = tpu.vector_load %arg14[%swap3A_783, %swap3A_784] {strides = array<i32>} : memref<80x128xf32, #tpu.memory_space<vmem>>, vector<1x16xf32>,
      %swap3A_786 = vector.shape_cast %swap3A_785 : vector<1x16xf32> to vector<16xf32>
      %swap3A_787 = vector.shape_cast %div3A_782 : vector<16xf32> to vector<1x16xf32>
      tpu.vector_store %arg14[%swap3A_783, %swap3A_784], %swap3A_787 {strides = array<i32>} : memref<80x128xf32, #tpu.memory_space<vmem>>, vector<1x16xf32>,
      %scan3A_788 = arith.constant 0 : i32
      scf.yield %scan3A_788 : i32
    }
    %scan3A_571 = arith.constant 40 : i32
    %dma_start3A_572 = arith.constant 0 : i32
    %dma_start3A_573 = arith.constant 0 : i32
    %dma_start3A_574 = tpu.memref_slice %arg14[%dma_start3A_572, %dma_start3A_573] : memref<80x128xf32, #tpu.memory_space<vmem>> -> memref<40x128xf32, #tpu.memory_space<vmem>>
    %dma_start3A_575 = arith.constant 0 : i32
    %dma_start3A_576 = arith.constant 0 : i32
    %dma_start3A_577 = tpu.memref_slice %arg21[%dma_start3A_575, %dma_start3A_576] : memref<10240x128xf32, #tpu.memory_space<vmem_shared>> -> memref<10240x128xf32, #tpu.memory_space<vmem_shared>>
    tpu.enqueue_indirect_dma source(%dma_start3A_574 : memref<40x128xf32, #tpu.memory_space<vmem>>) target(%dma_start3A_577 : memref<10240x128xf32, #tpu.memory_space<vmem_shared>>) offsets(%arg9 : memref<40xi32, #tpu.memory_space<vmem>>) semaphore(%arg29 : memref<!tpu.dma_semaphore, #tpu.memory_space<semaphore_mem>>) {add = true}
    %dma_start3A_578 = arith.constant 0 : i32
    %dma_start3A_579 = tpu.memref_slice %arg22[%dma_start3A_578] : memref<10240xf32, #tpu.memory_space<vmem_shared>> -> memref<10240xf32, #tpu.memory_space<vmem_shared>>
    tpu.enqueue_indirect_dma source(%arg18 : memref<40xf32, #tpu.memory_space<vmem>>) target(%dma_start3A_579 : memref<10240xf32, #tpu.memory_space<vmem_shared>>) offsets(%arg9 : memref<40xi32, #tpu.memory_space<vmem>>) semaphore(%arg29 : memref<!tpu.dma_semaphore, #tpu.memory_space<semaphore_mem>>) {add = true}
    %scan3A_580 = arith.constant 0 : i32
    %scan3A_581 = arith.constant 40 : i32
    %scan3A_582 = arith.constant 40 : i32
    %scan3A_583 = arith.addi %scan3A_581, %scan3A_582 : i32
    %scan3A_584 = arith.constant 1 : i32
    %scan3A_585 = scf.for %scan3A_614 = %scan3A_581 to %scan3A_583 step %scan3A_584 iter_args(%scan3A_615 = %scan3A_580) -> (i32)  : i32 {
      %get3A = arith.index_cast %scan3A_614 : i32 to index
      %get3A_616 = arith.constant 0 : index
      %get3A_617 = tpu.vector_load %arg14[%get3A, %get3A_616] {strides = array<i32>} : memref<80x128xf32, #tpu.memory_space<vmem>>, vector<1x16xf32>,
      %get3A_618 = vector.shape_cast %get3A_617 : vector<1x16xf32> to vector<16xf32>
      %get3A_619 = arith.index_cast %scan3A_614 : i32 to index
      %get3A_620 = arith.constant 0 : index
      %get3A_621 = tpu.vector_load %arg15[%get3A_619, %get3A_620] {strides = array<i32>} : memref<80x128xf32, #tpu.memory_space<vmem>>, vector<1x16xf32>,
      %get3A_622 = vector.shape_cast %get3A_621 : vector<1x16xf32> to vector<16xf32>
      %add3A_623 = arith.addf %get3A_618, %get3A_622 : vector<16xf32>
      %neg3A = arith.constant 0.000000e+00 : f32
      %neg3A_624 = vector.broadcast %neg3A : f32 to vector<16xf32>
      %neg3A_625 = arith.subf %neg3A_624, %add3A_623 : vector<16xf32>
      %exp3A = math.exp %neg3A_625 : vector<16xf32>
      %add3A_626 = arith.constant 1.000000e+00 : f32
      %add3A_627 = vector.broadcast %add3A_626 : f32 to vector<16xf32>
      %add3A_628 = arith.addf %add3A_627, %exp3A : vector<16xf32>
      %div3A = arith.divf %add3A_623, %add3A_628 : vector<16xf32>
      %swap3A_629 = arith.index_cast %scan3A_614 : i32 to index
      %swap3A_630 = arith.constant 0 : index
      %swap3A_631 = tpu.vector_load %arg14[%swap3A_629, %swap3A_630] {strides = array<i32>} : memref<80x128xf32, #tpu.memory_space<vmem>>, vector<1x16xf32>,
      %swap3A_632 = vector.shape_cast %swap3A_631 : vector<1x16xf32> to vector<16xf32>
      %swap3A_633 = vector.shape_cast %div3A : vector<16xf32> to vector<1x16xf32>
      tpu.vector_store %arg14[%swap3A_629, %swap3A_630], %swap3A_633 {strides = array<i32>} : memref<80x128xf32, #tpu.memory_space<vmem>>, vector<1x16xf32>,
      %get3A_634 = arith.index_cast %scan3A_614 : i32 to index
      %get3A_635 = arith.constant 16 : index
      %get3A_636 = tpu.vector_load %arg14[%get3A_634, %get3A_635] {strides = array<i32>} : memref<80x128xf32, #tpu.memory_space<vmem>>, vector<1x16xf32>,
      %get3A_637 = vector.shape_cast %get3A_636 : vector<1x16xf32> to vector<16xf32>
      %get3A_638 = arith.index_cast %scan3A_614 : i32 to index
      %get3A_639 = arith.constant 16 : index
      %get3A_640 = tpu.vector_load %arg15[%get3A_638, %get3A_639] {strides = array<i32>} : memref<80x128xf32, #tpu.memory_space<vmem>>, vector<1x16xf32>,
      %get3A_641 = vector.shape_cast %get3A_640 : vector<1x16xf32> to vector<16xf32>
      %add3A_642 = arith.addf %get3A_637, %get3A_641 : vector<16xf32>
      %neg3A_643 = arith.constant 0.000000e+00 : f32
      %neg3A_644 = vector.broadcast %neg3A_643 : f32 to vector<16xf32>
      %neg3A_645 = arith.subf %neg3A_644, %add3A_642 : vector<16xf32>
      %exp3A_646 = math.exp %neg3A_645 : vector<16xf32>
      %add3A_647 = arith.constant 1.000000e+00 : f32
      %add3A_648 = vector.broadcast %add3A_647 : f32 to vector<16xf32>
      %add3A_649 = arith.addf %add3A_648, %exp3A_646 : vector<16xf32>
      %div3A_650 = arith.divf %add3A_642, %add3A_649 : vector<16xf32>
      %swap3A_651 = arith.index_cast %scan3A_614 : i32 to index
      %swap3A_652 = arith.constant 16 : index
      %swap3A_653 = tpu.vector_load %arg14[%swap3A_651, %swap3A_652] {strides = array<i32>} : memref<80x128xf32, #tpu.memory_space<vmem>>, vector<1x16xf32>,
      %swap3A_654 = vector.shape_cast %swap3A_653 : vector<1x16xf32> to vector<16xf32>
      %swap3A_655 = vector.shape_cast %div3A_650 : vector<16xf32> to vector<1x16xf32>
      tpu.vector_store %arg14[%swap3A_651, %swap3A_652], %swap3A_655 {strides = array<i32>} : memref<80x128xf32, #tpu.memory_space<vmem>>, vector<1x16xf32>,
      %get3A_656 = arith.index_cast %scan3A_614 : i32 to index
      %get3A_657 = arith.constant 32 : index
      %get3A_658 = tpu.vector_load %arg14[%get3A_656, %get3A_657] {strides = array<i32>} : memref<80x128xf32, #tpu.memory_space<vmem>>, vector<1x16xf32>,
      %get3A_659 = vector.shape_cast %get3A_658 : vector<1x16xf32> to vector<16xf32>
      %get3A_660 = arith.index_cast %scan3A_614 : i32 to index
      %get3A_661 = arith.constant 32 : index
      %get3A_662 = tpu.vector_load %arg15[%get3A_660, %get3A_661] {strides = array<i32>} : memref<80x128xf32, #tpu.memory_space<vmem>>, vector<1x16xf32>,
      %get3A_663 = vector.shape_cast %get3A_662 : vector<1x16xf32> to vector<16xf32>
      %add3A_664 = arith.addf %get3A_659, %get3A_663 : vector<16xf32>
      %neg3A_665 = arith.constant 0.000000e+00 : f32
      %neg3A_666 = vector.broadcast %neg3A_665 : f32 to vector<16xf32>
      %neg3A_667 = arith.subf %neg3A_666, %add3A_664 : vector<16xf32>
      %exp3A_668 = math.exp %neg3A_667 : vector<16xf32>
      %add3A_669 = arith.constant 1.000000e+00 : f32
      %add3A_670 = vector.broadcast %add3A_669 : f32 to vector<16xf32>
      %add3A_671 = arith.addf %add3A_670, %exp3A_668 : vector<16xf32>
      %div3A_672 = arith.divf %add3A_664, %add3A_671 : vector<16xf32>
      %swap3A_673 = arith.index_cast %scan3A_614 : i32 to index
      %swap3A_674 = arith.constant 32 : index
      %swap3A_675 = tpu.vector_load %arg14[%swap3A_673, %swap3A_674] {strides = array<i32>} : memref<80x128xf32, #tpu.memory_space<vmem>>, vector<1x16xf32>,
      %swap3A_676 = vector.shape_cast %swap3A_675 : vector<1x16xf32> to vector<16xf32>
      %swap3A_677 = vector.shape_cast %div3A_672 : vector<16xf32> to vector<1x16xf32>
      tpu.vector_store %arg14[%swap3A_673, %swap3A_674], %swap3A_677 {strides = array<i32>} : memref<80x128xf32, #tpu.memory_space<vmem>>, vector<1x16xf32>,
      %get3A_678 = arith.index_cast %scan3A_614 : i32 to index
      %get3A_679 = arith.constant 48 : index
      %get3A_680 = tpu.vector_load %arg14[%get3A_678, %get3A_679] {strides = array<i32>} : memref<80x128xf32, #tpu.memory_space<vmem>>, vector<1x16xf32>,
      %get3A_681 = vector.shape_cast %get3A_680 : vector<1x16xf32> to vector<16xf32>
      %get3A_682 = arith.index_cast %scan3A_614 : i32 to index
      %get3A_683 = arith.constant 48 : index
      %get3A_684 = tpu.vector_load %arg15[%get3A_682, %get3A_683] {strides = array<i32>} : memref<80x128xf32, #tpu.memory_space<vmem>>, vector<1x16xf32>,
      %get3A_685 = vector.shape_cast %get3A_684 : vector<1x16xf32> to vector<16xf32>
      %add3A_686 = arith.addf %get3A_681, %get3A_685 : vector<16xf32>
      %neg3A_687 = arith.constant 0.000000e+00 : f32
      %neg3A_688 = vector.broadcast %neg3A_687 : f32 to vector<16xf32>
      %neg3A_689 = arith.subf %neg3A_688, %add3A_686 : vector<16xf32>
      %exp3A_690 = math.exp %neg3A_689 : vector<16xf32>
      %add3A_691 = arith.constant 1.000000e+00 : f32
      %add3A_692 = vector.broadcast %add3A_691 : f32 to vector<16xf32>
      %add3A_693 = arith.addf %add3A_692, %exp3A_690 : vector<16xf32>
      %div3A_694 = arith.divf %add3A_686, %add3A_693 : vector<16xf32>
      %swap3A_695 = arith.index_cast %scan3A_614 : i32 to index
      %swap3A_696 = arith.constant 48 : index
      %swap3A_697 = tpu.vector_load %arg14[%swap3A_695, %swap3A_696] {strides = array<i32>} : memref<80x128xf32, #tpu.memory_space<vmem>>, vector<1x16xf32>,
      %swap3A_698 = vector.shape_cast %swap3A_697 : vector<1x16xf32> to vector<16xf32>
      %swap3A_699 = vector.shape_cast %div3A_694 : vector<16xf32> to vector<1x16xf32>
      tpu.vector_store %arg14[%swap3A_695, %swap3A_696], %swap3A_699 {strides = array<i32>} : memref<80x128xf32, #tpu.memory_space<vmem>>, vector<1x16xf32>,
      %get3A_700 = arith.index_cast %scan3A_614 : i32 to index
      %get3A_701 = arith.constant 64 : index
      %get3A_702 = tpu.vector_load %arg14[%get3A_700, %get3A_701] {strides = array<i32>} : memref<80x128xf32, #tpu.memory_space<vmem>>, vector<1x16xf32>,
      %get3A_703 = vector.shape_cast %get3A_702 : vector<1x16xf32> to vector<16xf32>
      %get3A_704 = arith.index_cast %scan3A_614 : i32 to index
      %get3A_705 = arith.constant 64 : index
      %get3A_706 = tpu.vector_load %arg15[%get3A_704, %get3A_705] {strides = array<i32>} : memref<80x128xf32, #tpu.memory_space<vmem>>, vector<1x16xf32>,
      %get3A_707 = vector.shape_cast %get3A_706 : vector<1x16xf32> to vector<16xf32>
      %add3A_708 = arith.addf %get3A_703, %get3A_707 : vector<16xf32>
      %neg3A_709 = arith.constant 0.000000e+00 : f32
      %neg3A_710 = vector.broadcast %neg3A_709 : f32 to vector<16xf32>
      %neg3A_711 = arith.subf %neg3A_710, %add3A_708 : vector<16xf32>
      %exp3A_712 = math.exp %neg3A_711 : vector<16xf32>
      %add3A_713 = arith.constant 1.000000e+00 : f32
      %add3A_714 = vector.broadcast %add3A_713 : f32 to vector<16xf32>
      %add3A_715 = arith.addf %add3A_714, %exp3A_712 : vector<16xf32>
      %div3A_716 = arith.divf %add3A_708, %add3A_715 : vector<16xf32>
      %swap3A_717 = arith.index_cast %scan3A_614 : i32 to index
      %swap3A_718 = arith.constant 64 : index
      %swap3A_719 = tpu.vector_load %arg14[%swap3A_717, %swap3A_718] {strides = array<i32>} : memref<80x128xf32, #tpu.memory_space<vmem>>, vector<1x16xf32>,
      %swap3A_720 = vector.shape_cast %swap3A_719 : vector<1x16xf32> to vector<16xf32>
      %swap3A_721 = vector.shape_cast %div3A_716 : vector<16xf32> to vector<1x16xf32>
      tpu.vector_store %arg14[%swap3A_717, %swap3A_718], %swap3A_721 {strides = array<i32>} : memref<80x128xf32, #tpu.memory_space<vmem>>, vector<1x16xf32>,
      %get3A_722 = arith.index_cast %scan3A_614 : i32 to index
      %get3A_723 = arith.constant 80 : index
      %get3A_724 = tpu.vector_load %arg14[%get3A_722, %get3A_723] {strides = array<i32>} : memref<80x128xf32, #tpu.memory_space<vmem>>, vector<1x16xf32>,
      %get3A_725 = vector.shape_cast %get3A_724 : vector<1x16xf32> to vector<16xf32>
      %get3A_726 = arith.index_cast %scan3A_614 : i32 to index
      %get3A_727 = arith.constant 80 : index
      %get3A_728 = tpu.vector_load %arg15[%get3A_726, %get3A_727] {strides = array<i32>} : memref<80x128xf32, #tpu.memory_space<vmem>>, vector<1x16xf32>,
      %get3A_729 = vector.shape_cast %get3A_728 : vector<1x16xf32> to vector<16xf32>
      %add3A_730 = arith.addf %get3A_725, %get3A_729 : vector<16xf32>
      %neg3A_731 = arith.constant 0.000000e+00 : f32
      %neg3A_732 = vector.broadcast %neg3A_731 : f32 to vector<16xf32>
      %neg3A_733 = arith.subf %neg3A_732, %add3A_730 : vector<16xf32>
      %exp3A_734 = math.exp %neg3A_733 : vector<16xf32>
      %add3A_735 = arith.constant 1.000000e+00 : f32
      %add3A_736 = vector.broadcast %add3A_735 : f32 to vector<16xf32>
      %add3A_737 = arith.addf %add3A_736, %exp3A_734 : vector<16xf32>
      %div3A_738 = arith.divf %add3A_730, %add3A_737 : vector<16xf32>
      %swap3A_739 = arith.index_cast %scan3A_614 : i32 to index
      %swap3A_740 = arith.constant 80 : index
      %swap3A_741 = tpu.vector_load %arg14[%swap3A_739, %swap3A_740] {strides = array<i32>} : memref<80x128xf32, #tpu.memory_space<vmem>>, vector<1x16xf32>,
      %swap3A_742 = vector.shape_cast %swap3A_741 : vector<1x16xf32> to vector<16xf32>
      %swap3A_743 = vector.shape_cast %div3A_738 : vector<16xf32> to vector<1x16xf32>
      tpu.vector_store %arg14[%swap3A_739, %swap3A_740], %swap3A_743 {strides = array<i32>} : memref<80x128xf32, #tpu.memory_space<vmem>>, vector<1x16xf32>,
      %get3A_744 = arith.index_cast %scan3A_614 : i32 to index
      %get3A_745 = arith.constant 96 : index
      %get3A_746 = tpu.vector_load %arg14[%get3A_744, %get3A_745] {strides = array<i32>} : memref<80x128xf32, #tpu.memory_space<vmem>>, vector<1x16xf32>,
      %get3A_747 = vector.shape_cast %get3A_746 : vector<1x16xf32> to vector<16xf32>
      %get3A_748 = arith.index_cast %scan3A_614 : i32 to index
      %get3A_749 = arith.constant 96 : index
      %get3A_750 = tpu.vector_load %arg15[%get3A_748, %get3A_749] {strides = array<i32>} : memref<80x128xf32, #tpu.memory_space<vmem>>, vector<1x16xf32>,
      %get3A_751 = vector.shape_cast %get3A_750 : vector<1x16xf32> to vector<16xf32>
      %add3A_752 = arith.addf %get3A_747, %get3A_751 : vector<16xf32>
      %neg3A_753 = arith.constant 0.000000e+00 : f32
      %neg3A_754 = vector.broadcast %neg3A_753 : f32 to vector<16xf32>
      %neg3A_755 = arith.subf %neg3A_754, %add3A_752 : vector<16xf32>
      %exp3A_756 = math.exp %neg3A_755 : vector<16xf32>
      %add3A_757 = arith.constant 1.000000e+00 : f32
      %add3A_758 = vector.broadcast %add3A_757 : f32 to vector<16xf32>
      %add3A_759 = arith.addf %add3A_758, %exp3A_756 : vector<16xf32>
      %div3A_760 = arith.divf %add3A_752, %add3A_759 : vector<16xf32>
      %swap3A_761 = arith.index_cast %scan3A_614 : i32 to index
      %swap3A_762 = arith.constant 96 : index
      %swap3A_763 = tpu.vector_load %arg14[%swap3A_761, %swap3A_762] {strides = array<i32>} : memref<80x128xf32, #tpu.memory_space<vmem>>, vector<1x16xf32>,
      %swap3A_764 = vector.shape_cast %swap3A_763 : vector<1x16xf32> to vector<16xf32>
      %swap3A_765 = vector.shape_cast %div3A_760 : vector<16xf32> to vector<1x16xf32>
      tpu.vector_store %arg14[%swap3A_761, %swap3A_762], %swap3A_765 {strides = array<i32>} : memref<80x128xf32, #tpu.memory_space<vmem>>, vector<1x16xf32>,
      %get3A_766 = arith.index_cast %scan3A_614 : i32 to index
      %get3A_767 = arith.constant 112 : index
      %get3A_768 = tpu.vector_load %arg14[%get3A_766, %get3A_767] {strides = array<i32>} : memref<80x128xf32, #tpu.memory_space<vmem>>, vector<1x16xf32>,
      %get3A_769 = vector.shape_cast %get3A_768 : vector<1x16xf32> to vector<16xf32>
      %get3A_770 = arith.index_cast %scan3A_614 : i32 to index
      %get3A_771 = arith.constant 112 : index
      %get3A_772 = tpu.vector_load %arg15[%get3A_770, %get3A_771] {strides = array<i32>} : memref<80x128xf32, #tpu.memory_space<vmem>>, vector<1x16xf32>,
      %get3A_773 = vector.shape_cast %get3A_772 : vector<1x16xf32> to vector<16xf32>
      %add3A_774 = arith.addf %get3A_769, %get3A_773 : vector<16xf32>
      %neg3A_775 = arith.constant 0.000000e+00 : f32
      %neg3A_776 = vector.broadcast %neg3A_775 : f32 to vector<16xf32>
      %neg3A_777 = arith.subf %neg3A_776, %add3A_774 : vector<16xf32>
      %exp3A_778 = math.exp %neg3A_777 : vector<16xf32>
      %add3A_779 = arith.constant 1.000000e+00 : f32
      %add3A_780 = vector.broadcast %add3A_779 : f32 to vector<16xf32>
      %add3A_781 = arith.addf %add3A_780, %exp3A_778 : vector<16xf32>
      %div3A_782 = arith.divf %add3A_774, %add3A_781 : vector<16xf32>
      %swap3A_783 = arith.index_cast %scan3A_614 : i32 to index
      %swap3A_784 = arith.constant 112 : index
      %swap3A_785 = tpu.vector_load %arg14[%swap3A_783, %swap3A_784] {strides = array<i32>} : memref<80x128xf32, #tpu.memory_space<vmem>>, vector<1x16xf32>,
      %swap3A_786 = vector.shape_cast %swap3A_785 : vector<1x16xf32> to vector<16xf32>
      %swap3A_787 = vector.shape_cast %div3A_782 : vector<16xf32> to vector<1x16xf32>
      tpu.vector_store %arg14[%swap3A_783, %swap3A_784], %swap3A_787 {strides = array<i32>} : memref<80x128xf32, #tpu.memory_space<vmem>>, vector<1x16xf32>,
      %scan3A_788 = arith.constant 0 : i32
      scf.yield %scan3A_788 : i32
    }
    %scan3A_586 = arith.constant 40 : i32
    %dma_wait3A_587 = arith.constant 0 : i32
    %dma_wait3A_588 = arith.constant 0 : i32
    %dma_wait3A_589 = tpu.memref_slice %arg14[%dma_wait3A_587, %dma_wait3A_588] : memref<80x128xf32, #tpu.memory_space<vmem>> -> memref<40x128xf32, #tpu.memory_space<vmem>>
    %dma_wait3A_590 = arith.constant 0 : i32
    %dma_wait3A_591 = arith.constant 0 : i32
    %dma_wait3A_592 = tpu.memref_slice %arg21[%dma_wait3A_590, %dma_wait3A_591] : memref<10240x128xf32, #tpu.memory_space<vmem_shared>> -> memref<10240x128xf32, #tpu.memory_space<vmem_shared>>
    tpu.wait_indirect_dma semaphore(%arg29 : memref<!tpu.dma_semaphore, #tpu.memory_space<semaphore_mem>>) src(%dma_wait3A_589 : memref<40x128xf32, #tpu.memory_space<vmem>>) dst(%dma_wait3A_592 : memref<10240x128xf32, #tpu.memory_space<vmem_shared>>)
    %dma_wait3A_593 = arith.constant 0 : i32
    %dma_wait3A_594 = tpu.memref_slice %arg22[%dma_wait3A_593] : memref<10240xf32, #tpu.memory_space<vmem_shared>> -> memref<10240xf32, #tpu.memory_space<vmem_shared>>
    tpu.wait_indirect_dma semaphore(%arg29 : memref<!tpu.dma_semaphore, #tpu.memory_space<semaphore_mem>>) src(%arg18 : memref<40xf32, #tpu.memory_space<vmem>>) dst(%dma_wait3A_594 : memref<10240xf32, #tpu.memory_space<vmem_shared>>)
    %dma_start3A_595 = arith.constant 40 : i32
    %dma_start3A_596 = arith.constant 0 : i32
    %dma_start3A_597 = tpu.memref_slice %arg14[%dma_start3A_595, %dma_start3A_596] : memref<80x128xf32, #tpu.memory_space<vmem>> -> memref<40x128xf32, #tpu.memory_space<vmem>>
    %dma_start3A_598 = arith.constant 0 : i32
    %dma_start3A_599 = arith.constant 0 : i32
    %dma_start3A_600 = tpu.memref_slice %arg21[%dma_start3A_598, %dma_start3A_599] : memref<10240x128xf32, #tpu.memory_space<vmem_shared>> -> memref<10240x128xf32, #tpu.memory_space<vmem_shared>>
    tpu.enqueue_indirect_dma source(%dma_start3A_597 : memref<40x128xf32, #tpu.memory_space<vmem>>) target(%dma_start3A_600 : memref<10240x128xf32, #tpu.memory_space<vmem_shared>>) offsets(%arg10 : memref<40xi32, #tpu.memory_space<vmem>>) semaphore(%arg29 : memref<!tpu.dma_semaphore, #tpu.memory_space<semaphore_mem>>) {add = true}
    %dma_start3A_601 = arith.constant 0 : i32
    %dma_start3A_602 = tpu.memref_slice %arg22[%dma_start3A_601] : memref<10240xf32, #tpu.memory_space<vmem_shared>> -> memref<10240xf32, #tpu.memory_space<vmem_shared>>
    tpu.enqueue_indirect_dma source(%arg18 : memref<40xf32, #tpu.memory_space<vmem>>) target(%dma_start3A_602 : memref<10240xf32, #tpu.memory_space<vmem_shared>>) offsets(%arg10 : memref<40xi32, #tpu.memory_space<vmem>>) semaphore(%arg29 : memref<!tpu.dma_semaphore, #tpu.memory_space<semaphore_mem>>) {add = true}
    %dma_wait3A_603 = arith.constant 40 : i32
    %dma_wait3A_604 = arith.constant 0 : i32
    %dma_wait3A_605 = tpu.memref_slice %arg14[%dma_wait3A_603, %dma_wait3A_604] : memref<80x128xf32, #tpu.memory_space<vmem>> -> memref<40x128xf32, #tpu.memory_space<vmem>>
    %dma_wait3A_606 = arith.constant 0 : i32
    %dma_wait3A_607 = arith.constant 0 : i32
    %dma_wait3A_608 = tpu.memref_slice %arg21[%dma_wait3A_606, %dma_wait3A_607] : memref<10240x128xf32, #tpu.memory_space<vmem_shared>> -> memref<10240x128xf32, #tpu.memory_space<vmem_shared>>
    tpu.wait_indirect_dma semaphore(%arg29 : memref<!tpu.dma_semaphore, #tpu.memory_space<semaphore_mem>>) src(%dma_wait3A_605 : memref<40x128xf32, #tpu.memory_space<vmem>>) dst(%dma_wait3A_608 : memref<10240x128xf32, #tpu.memory_space<vmem_shared>>)
    %dma_wait3A_609 = arith.constant 0 : i32
    %dma_wait3A_610 = tpu.memref_slice %arg22[%dma_wait3A_609] : memref<10240xf32, #tpu.memory_space<vmem_shared>> -> memref<10240xf32, #tpu.memory_space<vmem_shared>>
    tpu.wait_indirect_dma semaphore(%arg29 : memref<!tpu.dma_semaphore, #tpu.memory_space<semaphore_mem>>) src(%arg18 : memref<40xf32, #tpu.memory_space<vmem>>) dst(%dma_wait3A_610 : memref<10240xf32, #tpu.memory_space<vmem_shared>>)
    %barrier3A_611 = arith.constant 0 : index
    tpu.barrier barrier_id(%barrier3A_611)
    "tpu.region"() ({
      %run_scoped3A = tpu.sem_alloc : memref<!tpu.dma_semaphore, #tpu.memory_space<semaphore_mem>>
      %dma_start3A_614 = arith.constant 0 : i32
      %dma_start3A_615 = tpu.memref_slice %arg6[%arg0, %mul3A_20, %dma_start3A_614] : memref<2x10240x128xf32, #tpu.memory_space<hbm>> -> memref<1x640x128xf32, #tpu.memory_space<hbm>>
      %dma_start3A_616 = tpu.memref_squeeze %dma_start3A_615 : memref<1x640x128xf32, #tpu.memory_space<hbm>> -> memref<640x128xf32, #tpu.memory_space<hbm>>
      %dma_start3A_617 = arith.constant 0 : i32
      %dma_start3A_618 = tpu.memref_slice %arg21[%mul3A_20, %dma_start3A_617] : memref<10240x128xf32, #tpu.memory_space<vmem_shared>> -> memref<640x128xf32, #tpu.memory_space<vmem_shared>>
      tpu.enqueue_dma source(%dma_start3A_618 : memref<640x128xf32, #tpu.memory_space<vmem_shared>>) target(%dma_start3A_616 : memref<640x128xf32, #tpu.memory_space<hbm>>) target_semaphore(%run_scoped3A : memref<!tpu.dma_semaphore, #tpu.memory_space<semaphore_mem>>)
      %dma_wait3A_619 = arith.constant 0 : i32
      %dma_wait3A_620 = tpu.memref_slice %arg6[%arg0, %mul3A_20, %dma_wait3A_619] : memref<2x10240x128xf32, #tpu.memory_space<hbm>> -> memref<1x640x128xf32, #tpu.memory_space<hbm>>
      %dma_wait3A_621 = tpu.memref_squeeze %dma_wait3A_620 : memref<1x640x128xf32, #tpu.memory_space<hbm>> -> memref<640x128xf32, #tpu.memory_space<hbm>>
      %dma_wait3A_622 = arith.constant 0 : i32
      %dma_wait3A_623 = tpu.memref_slice %arg21[%mul3A_20, %dma_wait3A_622] : memref<10240x128xf32, #tpu.memory_space<vmem_shared>> -> memref<640x128xf32, #tpu.memory_space<vmem_shared>>
      tpu.wait_dma2 semaphore(%run_scoped3A : memref<!tpu.dma_semaphore, #tpu.memory_space<semaphore_mem>>) src(%dma_wait3A_623 : memref<640x128xf32, #tpu.memory_space<vmem_shared>>) dst(%dma_wait3A_621 : memref<640x128xf32, #tpu.memory_space<hbm>>)
      tpu.yield
    }) : () -> ()
    %eq3A = arith.constant 0 : i32
    %eq3A_612 = arith.cmpi eq, %arg0, %eq3A : i32
    %convert_element_type3A = arith.extui %eq3A_612 : i1 to i32
    %cond3A = arith.constant 0 : i32
    %cond3A_613 = arith.cmpi ne, %convert_element_type3A, %cond3A : i32
    scf.if %cond3A_613 {
      "tpu.region"() ({
        %run_scoped3A = tpu.sem_alloc : memref<!tpu.dma_semaphore, #tpu.memory_space<semaphore_mem>>
        %dma_start3A_621 = tpu.memref_slice %arg22[%mul3A_20] : memref<10240xf32, #tpu.memory_space<vmem_shared>> -> memref<640xf32, #tpu.memory_space<vmem_shared>>
        %dma_start3A_622 = tpu.memref_slice %arg22[%mul3A_20] : memref<10240xf32, #tpu.memory_space<vmem_shared>> -> memref<640xf32, #tpu.memory_space<vmem_shared>>
        tpu.enqueue_dma source(%dma_start3A_622 : memref<640xf32, #tpu.memory_space<vmem_shared>>) target(%arg20 : memref<640xf32, #tpu.memory_space<vmem>>) target_semaphore(%run_scoped3A : memref<!tpu.dma_semaphore, #tpu.memory_space<semaphore_mem>>)
        %dma_wait3A_623 = tpu.memref_slice %arg22[%mul3A_20] : memref<10240xf32, #tpu.memory_space<vmem_shared>> -> memref<640xf32, #tpu.memory_space<vmem_shared>>
        %dma_wait3A_624 = tpu.memref_slice %arg22[%mul3A_20] : memref<10240xf32, #tpu.memory_space<vmem_shared>> -> memref<640xf32, #tpu.memory_space<vmem_shared>>
        tpu.wait_dma2 semaphore(%run_scoped3A : memref<!tpu.dma_semaphore, #tpu.memory_space<semaphore_mem>>) src(%dma_wait3A_624 : memref<640xf32, #tpu.memory_space<vmem_shared>>) dst(%arg20 : memref<640xf32, #tpu.memory_space<vmem>>)
        tpu.yield
      }) : () -> ()
      %scan3A_614 = arith.constant 0 : i32
      %scan3A_615 = arith.constant 0 : i32
      %scan3A_616 = arith.constant 40 : i32
      %scan3A_617 = arith.addi %scan3A_615, %scan3A_616 : i32
      %scan3A_618 = arith.constant 1 : i32
      %scan3A_619 = scf.for %scan3A_621 = %scan3A_615 to %scan3A_617 step %scan3A_618 iter_args(%scan3A_622 = %scan3A_614) -> (i32)  : i32 {
        %mul3A_623 = arith.constant 16 : i32
        %mul3A_624 = arith.muli %scan3A_621, %mul3A_623 : i32
        %get3A = arith.index_cast %mul3A_624 : i32 to index
        %get3A_625 = tpu.vector_load %arg20[%get3A] {strides = array<i32>} : memref<640xf32, #tpu.memory_space<vmem>>, vector<16xf32>,
        %get3A_626 = vector.shape_cast %get3A_625 : vector<16xf32> to vector<16xf32>
        %max3A = arith.constant 1.000000e+00 : f32
        %max3A_627 = vector.broadcast %max3A : f32 to vector<16xf32>
        %max3A_628 = arith.maximumf %get3A_626, %max3A_627 : vector<16xf32>
        %div3A = arith.constant 1.000000e+00 : f32
        %div3A_629 = vector.broadcast %div3A : f32 to vector<16xf32>
        %div3A_630 = arith.divf %div3A_629, %max3A_628 : vector<16xf32>
        %swap3A_631 = arith.index_cast %mul3A_624 : i32 to index
        %swap3A_632 = tpu.vector_load %arg20[%swap3A_631] {strides = array<i32>} : memref<640xf32, #tpu.memory_space<vmem>>, vector<16xf32>,
        %swap3A_633 = vector.shape_cast %swap3A_632 : vector<16xf32> to vector<16xf32>
        %swap3A_634 = vector.shape_cast %div3A_630 : vector<16xf32> to vector<16xf32>
        tpu.vector_store %arg20[%swap3A_631], %swap3A_634 {strides = array<i32>} : memref<640xf32, #tpu.memory_space<vmem>>, vector<16xf32>,
        %scan3A_635 = arith.constant 0 : i32
        scf.yield %scan3A_635 : i32
      }
      %scan3A_620 = arith.constant 40 : i32
      "tpu.region"() ({
        %run_scoped3A = tpu.sem_alloc : memref<!tpu.dma_semaphore, #tpu.memory_space<semaphore_mem>>
        %dma_start3A_621 = tpu.memref_slice %arg7[%mul3A_20] : memref<10240xf32, #tpu.memory_space<hbm>> -> memref<640xf32, #tpu.memory_space<hbm>>
        %dma_start3A_622 = tpu.memref_slice %arg7[%mul3A_20] : memref<10240xf32, #tpu.memory_space<hbm>> -> memref<640xf32, #tpu.memory_space<hbm>>
        tpu.enqueue_dma source(%arg20 : memref<640xf32, #tpu.memory_space<vmem>>) target(%dma_start3A_622 : memref<640xf32, #tpu.memory_space<hbm>>) target_semaphore(%run_scoped3A : memref<!tpu.dma_semaphore, #tpu.memory_space<semaphore_mem>>)
        %dma_wait3A_623 = tpu.memref_slice %arg7[%mul3A_20] : memref<10240xf32, #tpu.memory_space<hbm>> -> memref<640xf32, #tpu.memory_space<hbm>>
        %dma_wait3A_624 = tpu.memref_slice %arg7[%mul3A_20] : memref<10240xf32, #tpu.memory_space<hbm>> -> memref<640xf32, #tpu.memory_space<hbm>>
        tpu.wait_dma2 semaphore(%run_scoped3A : memref<!tpu.dma_semaphore, #tpu.memory_space<semaphore_mem>>) src(%arg20 : memref<640xf32, #tpu.memory_space<vmem>>) dst(%dma_wait3A_624 : memref<640xf32, #tpu.memory_space<hbm>>)
        tpu.yield
      }) : () -> ()
    } else {
    }
    return
  }
}

module attributes {stable_mosaic.version = 14 : i64} {
  func.func @_tc_body(%arg0: i32, %arg1: memref<1000x256xf32, #tpu.memory_space<vmem>>, %arg2: memref<1000x128xf32, #tpu.memory_space<vmem>>, %arg3: memref<1000x128xf32, #tpu.memory_space<vmem>>, %arg4: memref<1000x1xf32, #tpu.memory_space<vmem>>, %arg5: memref<256x256xf32, #tpu.memory_space<vmem>>, %arg6: memref<1x256xf32, #tpu.memory_space<vmem>>, %arg7: memref<256x256xf32, #tpu.memory_space<vmem>>, %arg8: memref<1x256xf32, #tpu.memory_space<vmem>>, %arg9: memref<1000x256xf32, #tpu.memory_space<vmem>>) attributes {dimension_semantics = [#tpu.dimension_semantics<arbitrary>], iteration_bounds = array<i64: 10>, scalar_prefetch = 0 : i64, scratch_operands = 0 : i64, tpu.core_type = #tpu.core_type<tc>, window_params = [{transform_indices = @transform_0, window_bounds = array<i64: 1000, 256>}, {transform_indices = @transform_1, window_bounds = array<i64: 1000, 128>}, {transform_indices = @transform_2, window_bounds = array<i64: 1000, 128>}, {transform_indices = @transform_3, window_bounds = array<i64: 1000, 1>}, {pipeline_mode = #tpu.pipeline_mode<synchronous>, transform_indices = @transform_4, window_bounds = array<i64: 256, 256>}, {pipeline_mode = #tpu.pipeline_mode<synchronous>, transform_indices = @transform_5, window_bounds = array<i64: 1, 256>}, {pipeline_mode = #tpu.pipeline_mode<synchronous>, transform_indices = @transform_6, window_bounds = array<i64: 256, 256>}, {pipeline_mode = #tpu.pipeline_mode<synchronous>, transform_indices = @transform_7, window_bounds = array<i64: 1, 256>}, {transform_indices = @transform_8, window_bounds = array<i64: 1000, 256>}]} {
    %get3A = arith.constant 0 : index
    %get3A_0 = arith.constant 0 : index
    %get3A_1 = vector.load %arg1[%get3A, %get3A_0] : memref<1000x256xf32, #tpu.memory_space<vmem>>, vector<1000x256xf32>
    %get3A_2 = arith.constant 0 : index
    %get3A_3 = arith.constant 0 : index
    %get3A_4 = vector.load %arg2[%get3A_2, %get3A_3] : memref<1000x128xf32, #tpu.memory_space<vmem>>, vector<1000x128xf32>
    %get3A_5 = arith.constant 0 : index
    %get3A_6 = arith.constant 0 : index
    %get3A_7 = vector.load %arg3[%get3A_5, %get3A_6] : memref<1000x128xf32, #tpu.memory_space<vmem>>, vector<1000x128xf32>
    %concatenate3A = tpu.concatenate %get3A_4, %get3A_7 in 1 : vector<1000x128xf32>, vector<1000x128xf32> -> vector<1000x256xf32>
    %get3A_8 = arith.constant 0 : index
    %get3A_9 = arith.constant 0 : index
    %get3A_10 = vector.load %arg4[%get3A_8, %get3A_9] : memref<1000x1xf32, #tpu.memory_space<vmem>>, vector<1000x1xf32>
    %mul3A = vector.broadcast %get3A_10 : vector<1000x1xf32> to vector<1000x256xf32>
    %mul3A_11 = arith.mulf %concatenate3A, %mul3A : vector<1000x256xf32>
    %add3A = arith.addf %get3A_1, %mul3A_11 : vector<1000x256xf32>
    %get3A_12 = arith.constant 0 : index
    %get3A_13 = arith.constant 0 : index
    %get3A_14 = vector.load %arg5[%get3A_12, %get3A_13] : memref<256x256xf32, #tpu.memory_space<vmem>>, vector<256x256xf32>
    %dot_general3A = arith.constant dense<0.000000e+00> : vector<1000x256xf32>
    %dot_general3A_15 = tpu.matmul %add3A, %get3A_14, %dot_general3A {dimension_numbers = #tpu.dot_dimension_numbers<[1], [0], [0], [1], [0, 0, 1, 1], [], []>, transpose_lhs_hint = false} : vector<1000x256xf32>, vector<256x256xf32>, vector<1000x256xf32> -> vector<1000x256xf32>
    %get3A_16 = arith.constant 0 : index
    %get3A_17 = arith.constant 0 : index
    %get3A_18 = vector.load %arg6[%get3A_16, %get3A_17] : memref<1x256xf32, #tpu.memory_space<vmem>>, vector<1x256xf32>
    %add3A_19 = vector.broadcast %get3A_18 : vector<1x256xf32> to vector<1000x256xf32>
    %add3A_20 = arith.addf %dot_general3A_15, %add3A_19 : vector<1000x256xf32>
    %neg3A = arith.constant 0.000000e+00 : f32
    %neg3A_21 = vector.broadcast %neg3A : f32 to vector<1000x256xf32>
    %neg3A_22 = arith.subf %neg3A_21, %add3A_20 : vector<1000x256xf32>
    %exp3A = math.exp %neg3A_22 : vector<1000x256xf32>
    %add3A_23 = arith.constant 1.000000e+00 : f32
    %add3A_24 = vector.broadcast %add3A_23 : f32 to vector<1000x256xf32>
    %add3A_25 = arith.addf %add3A_24, %exp3A : vector<1000x256xf32>
    %div3A = arith.divf %add3A_20, %add3A_25 : vector<1000x256xf32>
    %get3A_26 = arith.constant 0 : index
    %get3A_27 = arith.constant 0 : index
    %get3A_28 = vector.load %arg7[%get3A_26, %get3A_27] : memref<256x256xf32, #tpu.memory_space<vmem>>, vector<256x256xf32>
    %dot_general3A_29 = arith.constant dense<0.000000e+00> : vector<1000x256xf32>
    %dot_general3A_30 = tpu.matmul %div3A, %get3A_28, %dot_general3A_29 {dimension_numbers = #tpu.dot_dimension_numbers<[1], [0], [0], [1], [0, 0, 1, 1], [], []>, transpose_lhs_hint = false} : vector<1000x256xf32>, vector<256x256xf32>, vector<1000x256xf32> -> vector<1000x256xf32>
    %get3A_31 = arith.constant 0 : index
    %get3A_32 = arith.constant 0 : index
    %get3A_33 = vector.load %arg8[%get3A_31, %get3A_32] : memref<1x256xf32, #tpu.memory_space<vmem>>, vector<1x256xf32>
    %add3A_34 = vector.broadcast %get3A_33 : vector<1x256xf32> to vector<1000x256xf32>
    %add3A_35 = arith.addf %dot_general3A_30, %add3A_34 : vector<1000x256xf32>
    %add3A_36 = arith.addf %get3A_1, %add3A_35 : vector<1000x256xf32>
    %swap3A = arith.constant 0 : index
    %swap3A_37 = arith.constant 0 : index
    %swap3A_38 = vector.load %arg9[%swap3A, %swap3A_37] : memref<1000x256xf32, #tpu.memory_space<vmem>>, vector<1000x256xf32>
    tpu.vector_store %arg9[%swap3A, %swap3A_37], %add3A_36 {strides = array<i32>} : memref<1000x256xf32, #tpu.memory_space<vmem>>, vector<1000x256xf32>,
    return
  }
  func.func @transform_0(%arg0: i32) -> (i32, i32) {
    %c0_i32 = arith.constant 0 : i32
    %c0_i32_0 = arith.constant 0 : i32
    return %arg0, %c0_i32 : i32, i32
  }
  func.func @transform_1(%arg0: i32) -> (i32, i32) {
    %c0_i32 = arith.constant 0 : i32
    %c0_i32_0 = arith.constant 0 : i32
    return %arg0, %c0_i32 : i32, i32
  }
  func.func @transform_2(%arg0: i32) -> (i32, i32) {
    %c0_i32 = arith.constant 0 : i32
    %c0_i32_0 = arith.constant 0 : i32
    return %arg0, %c0_i32 : i32, i32
  }
  func.func @transform_3(%arg0: i32) -> (i32, i32) {
    %c0_i32 = arith.constant 0 : i32
    %c0_i32_0 = arith.constant 0 : i32
    return %arg0, %c0_i32 : i32, i32
  }
  func.func @transform_4(%arg0: i32) -> (i32, i32) {
    %c0_i32 = arith.constant 0 : i32
    %c0_i32_0 = arith.constant 0 : i32
    %c0_i32_1 = arith.constant 0 : i32
    return %c0_i32, %c0_i32_0 : i32, i32
  }
  func.func @transform_5(%arg0: i32) -> (i32, i32) {
    %c0_i32 = arith.constant 0 : i32
    %c0_i32_0 = arith.constant 0 : i32
    %c0_i32_1 = arith.constant 0 : i32
    return %c0_i32, %c0_i32_0 : i32, i32
  }
  func.func @transform_6(%arg0: i32) -> (i32, i32) {
    %c0_i32 = arith.constant 0 : i32
    %c0_i32_0 = arith.constant 0 : i32
    %c0_i32_1 = arith.constant 0 : i32
    return %c0_i32, %c0_i32_0 : i32, i32
  }
  func.func @transform_7(%arg0: i32) -> (i32, i32) {
    %c0_i32 = arith.constant 0 : i32
    %c0_i32_0 = arith.constant 0 : i32
    %c0_i32_1 = arith.constant 0 : i32
    return %c0_i32, %c0_i32_0 : i32, i32
  }
  func.func @transform_8(%arg0: i32) -> (i32, i32) {
    %c0_i32 = arith.constant 0 : i32
    %c0_i32_0 = arith.constant 0 : i32
    return %arg0, %c0_i32 : i32, i32
  }
}

</mosaic_0001>

<sc_bundles>
// kernel: kernel.4.cloned.1.call-start
scs
__scs_entry_jumppad:
0x0: {  	(pc) =	sbr.rel $0x88, $3  }
0x1: {  	(tag) =	ssettag $0x0;
	lr =	simm.s32 $0x1  }
0x2: {  	[smem:$0x3F9A] =	sst lr;
	_ =	strace $0xD0000000  }
0x3: {  	_ = 	snop  }
0x4: {  	_ = 	snop  }
0x5: {  	_ = 	snop  }
0x6: {  	_ = 	snop  }
0x7: {  	_ = 	snop  }
__scs_overlays_trampoline_lowered:
0x8: {  	[smem:$0x3FA9] =	sst s0  }
0x9: {  	[smem:$0x3FAA] =	sst s1  }
0xa: {  	[smem:$0x3FAB] =	sst s2  }
0xb: {  	[smem:$0x3FAC] =	sst s3  }
0xc: {  	[smem:$0x3FAD] =	sst s4  }
0xd: {  	[smem:$0x3FAE] =	sst s5  }
0xe: {  	[smem:$0x3FAF] =	sst s6  }
0xf: {  	[smem:$0x3FB0] =	sst s7  }
0x10: {  	[smem:$0x3FB1] =	sst s8  }
0x11: {  	[smem:$0x3FB2] =	sst s9;
	s0 =	simm.s32 @!p0 $0x0  }
0x12: {  	s1 =	sld [smem:$0x3F98];
	s0 =	simm.s32 @p0 $0x1  }
0x13: {  	[smem:$0x3FB3] =	sst s0;
	s0 =	simm.s32 @!p1 $0x0  }
0x14: {  	s2 =	sld [smem:$0x3F97];
	s0 =	simm.s32 @p1 $0x1  }
0x15: {  	[smem:$0x3FB4] =	sst s0;
	s0 =	simm.s32 @!p2 $0x0  }
0x16: {  	s3 =	sld [smem:$0x3FDB];
	s0 =	simm.s32 @p2 $0x1  }
0x17: {  	s4 =	simm.s32 $0x1BF5;
	[smem:$0x3FB6] =	sst s0  }
0x18: {  	s0 =	sld [smem:$0x3F99];
	_ =	swait.ge [sflag:s4], $0x0  }
0x19: {  	s7 =	sld [smem:$0x3F9A]  }
0x1a: {  	s8 =	sadd.s32 $0xFFFFE003, lr  }
0x1b: {  	s9 =	sadd.s32 $0xFFFFFEF7, lr;
	s5 =	simm.s32 $0xFFFFFFFF;
	p2 =	slt.u32 s8, $0xFFFFF086  }
0x1c: {  	p1 =	slt.u32 s9, $0xF7A;
	s5 =	simm.s32 @!p2 $0x0  }
0x1d: {  	s5 =	simm.s32 @p1 $0x1;
	p0 =	seq.s32 s7, s2  }
0x1e: {  	s7 =	smul.u32 @!p0 $0xF7A, s2;
	p2 =	seq.s32 @!p0 s5, $0x0  }
0x1f: {  	s9 =	smul.u32 $0xF7A, s1;
	s8 =	simm.s32 @!p0 $0x1BF5;
	p2 =	por !p2, p0  }
0x20: {  	[sflag:s8] =	ssyncset.s32 @!p0 $0xFFFFF086;
	s6 =	sadd.s32 @!p0 s3, s7;
	s7 =	simm.s32 @!p0 $0x108  }
0x21: {  	s3 =	sadd.s32 s3, s9;
	s6 =	sadd.s32 @!p0 $0x88, s6;
	s7 =	simm.s32 @p2 $0x1082  }
0x22: {  	[simem:s7], [sflag:s8] =	dma.local @!p0 [hbm:s6], $0xF7A  }
0x23: {  	s9 =	sor.u32 $0xD0000000, s2;
	s6 =	simm.s32 $0x108;
	_ =	swait.ge @!p0 [sflag:s8], $0x0  }
0x24: {  	s3 =	sadd.s32 $0x88, s3;
	s6 =	simm.s32 @!p1 $0x1082;
	[sflag:s4] =	ssyncset.s32 $0xFFFFF086  }
0x25: {  	[simem:s6], [sflag:s4] =	dma.local [hbm:s3], $0xF7A  }
0x26: {  	[smem:$0x3F9A] =	sst s1;
	(tag) =	ssettag s2;
	_ =	strace s9  }
0x27: {  	s1 =	sld [smem:$0x3FAA]  }
0x28: {  	s2 =	sld [smem:$0x3FAB]  }
0x29: {  	s4 =	sld [smem:$0x3FAD]  }
0x2a: {  	p0 =	seq.s32 s5, $0x0;
	s5 =	sld [smem:$0x3FAE]  }
0x2b: {  	s6 =	sld [smem:$0x3FAF]  }
0x2c: {  	s7 =	sld [smem:$0x3FB0]  }
0x2d: {  	s3 =	simm.s32 $0x108;
	s8 =	sld [smem:$0x3FB1]  }
0x2e: {  	s3 =	simm.s32 @!p0 $0x1082;
	s9 =	sld [smem:$0x3FB2]  }
0x2f: {  	lr =	sadd.s32 s0, s3;
	s0 =	sld [smem:$0x3FA9]  }
0x30: {  	s3 =	sld [smem:$0x3FAC]  }
0x31: {  	[smem:$0x3FB5] =	sst s10  }
0x32: {  	s10 =	sld [smem:$0x3FB3];
	_ =	sdelay $0x3  }
0x33: {  	p0 =	seq.s32 s10, $0x1;
	s10 =	sld [smem:$0x3FB5];
	_ =	sdelay $0x3  }
0x34: {  	[smem:$0x3FB5] =	sst s10  }
0x35: {  	s10 =	sld [smem:$0x3FB4];
	_ =	sdelay $0x3  }
0x36: {  	p1 =	seq.s32 s10, $0x1;
	s10 =	sld [smem:$0x3FB5];
	_ =	sdelay $0x3  }
0x37: {  	[smem:$0x3FB5] =	sst s10  }
0x38: {  	s10 =	sld [smem:$0x3FB6]  }
0x39: {  	_ = 	snop;
	(pc) =	sbr.ind lr, $3  }
0x3a: {  	_ = 	snop  }
0x3b: {  	_ = 	snop  }
0x3c: {  	p2 =	seq.s32 s10, $0x1;
	s10 =	sld [smem:$0x3FB5]  }
0x3d: {  	_ =	shalt  }
0x3e: {  	_ =	shalt  }
0x3f: {  	_ =	shalt  }
0x40: {  	_ =	shalt  }
0x41: {  	_ =	shalt  }
0x42: {  	_ =	shalt  }
0x43: {  	_ =	shalt  }
0x44: {  	_ =	shalt  }
0x45: {  	_ =	shalt  }
0x46: {  	_ =	shalt  }
0x47: {  	_ =	shalt  }
0x48: {  	_ =	shalt  }
0x49: {  	_ =	shalt  }
0x4a: {  	_ =	shalt  }
0x4b: {  	_ =	shalt  }
0x4c: {  	_ =	shalt  }
0x4d: {  	_ =	shalt  }
0x4e: {  	_ =	shalt  }
0x4f: {  	_ =	shalt  }
0x50: {  	_ =	shalt  }
0x51: {  	_ =	shalt  }
0x52: {  	_ =	shalt  }
0x53: {  	_ =	shalt  }
0x54: {  	_ =	shalt  }
0x55: {  	_ =	shalt  }
0x56: {  	_ =	shalt  }
0x57: {  	_ =	shalt  }
0x58: {  	_ =	shalt  }
0x59: {  	_ =	shalt  }
0x5a: {  	_ =	shalt  }
0x5b: {  	_ =	shalt  }
0x5c: {  	_ =	shalt  }
0x5d: {  	_ =	shalt  }
0x5e: {  	_ =	shalt  }
0x5f: {  	_ =	shalt  }
0x60: {  	_ =	shalt  }
0x61: {  	_ =	shalt  }
0x62: {  	_ =	shalt  }
0x63: {  	_ =	shalt  }
0x64: {  	_ =	shalt  }
0x65: {  	_ =	shalt  }
0x66: {  	_ =	shalt  }
0x67: {  	_ =	shalt  }
0x68: {  	_ =	shalt  }
0x69: {  	_ =	shalt  }
0x6a: {  	_ =	shalt  }
0x6b: {  	_ =	shalt  }
0x6c: {  	_ =	shalt  }
0x6d: {  	_ =	shalt  }
0x6e: {  	_ =	shalt  }
0x6f: {  	_ =	shalt  }
0x70: {  	_ =	shalt  }
0x71: {  	_ =	shalt  }
0x72: {  	_ =	shalt  }
0x73: {  	_ =	shalt  }
0x74: {  	_ =	shalt  }
0x75: {  	_ =	shalt  }
0x76: {  	_ =	shalt  }
0x77: {  	_ =	shalt  }
0x78: {  	_ =	shalt  }
0x79: {  	_ =	shalt  }
0x7a: {  	_ =	shalt  }
0x7b: {  	_ =	shalt  }
0x7c: {  	_ =	shalt  }
0x7d: {  	_ =	shalt  }
0x7e: {  	_ =	shalt  }
0x7f: {  	_ =	shalt  }
0x80: {  	_ =	shalt  }
0x81: {  	_ =	shalt  }
0x82: {  	_ =	shalt  }
0x83: {  	_ =	shalt  }
0x84: {  	_ =	shalt  }
0x85: {  	_ =	shalt  }
0x86: {  	_ =	shalt  }
0x87: {  	_ =	shalt  }
.Lfunc_end0:
.L_simem_size_0:
called_computation_lowered:
.L_overlay_start_0:
0x88: {  	s2 =	sld [smem:$0x3FD9]  }
0x89: {  	s3 =	sld [smem:$0x3FFE];
	_ =	sdelay $0x1  }
0x8a: {  	s1 =	srdreg.scid  }
0x8b: {  	s0 =	sand.u32 $0x1, s1  }
0x8c: {  	s17 =	sshll.u32 s0, $0xA;
	s2 =	sadd.s32 s3, s2  }
0x8d: {  	s2 =	sadd.s32 s2, s17  }
0x8e: {  	[smem:$0x3FC1] =	sst s2  }
0x8f: {  	_ = 	snop  }
0x90: {  	s2 =	sld [smem:$0x3FC7]  }
0x91: {  	s18 =	sld [smem:$0x3FD0];
	(tm) =	ssettm $0x1  }
0x92: {  	s4 =	sld [smem:$0x3FFB];
	_ =	sdelay $0x3  }
0x93: {  	_ =	strace s4  }
0x94: {  	s4 =	sld [smem:$0x3FFC];
	_ =	sdelay $0x3  }
0x95: {  	_ =	strace s4  }
0x96: {  	s4 =	sld [smem:$0x3FFD];
	_ =	sdelay $0x3  }
0x97: {  	_ =	strace s4  }
0x98: {  	_ =	strace $0x8FFFFFFF  }
0x99: {  	s19 =	sld [smem:$0x3FDB];
	_ =	sdelay $0x1  }
0x9a: {  	s5 =	simm.s32 $_scs_section_size  }
0x9b: {  	s6 =	simm.s32 $_size__tile_overlayer_lowered;
	s7 =	simm.s32 $_tile_overlayer_lowered  }
0x9c: {  	s22 =	simm.s32 $0x1BFF;
	s21 =	sshll.u32 s7, $0x1;
	s4 =	sadd.s32 s5, s19  }
0x9d: {  	s8 =	simm.s32 $0x0;
	s20 =	sshll.u32 s6, $0x1;
	s6 =	sadd.s32 s21, s4  }
0x9e: {  	[timem:s8], [sflag:s22] =	dma.local [hbm:s6], s20  }
0x9f: {  	_ =	swait.ge [sflag:s22], s20  }
0xa0: {  	s5 =	ssub.s32 $0x0, s20;
	[sflag:s22] =	ssyncset.done $0x0  }
0xa1: {  	[sflag:s22] =	ssyncadd.s32 s5;
	_ =	sdelay $0x1  }
0xa2: {  	s23 =	simm.s32 $0x1B8B  }
0xa3: {  	_ =	swait.ge [sflag:s23], $0x1  }
0xa4: {  	[sflag:s23] =	ssyncset.done $0x0  }
0xa5: {  	s25 =	simm.s32 $0x1B8E;
	s24 =	sld [smem:$0x3FFE];
	[sflag:s23] =	ssyncadd.s32 $0xFFFFFFFF  }
0xa6: {  	s26 =	simm.s32 $execute0_lowered;
	[smem:$0x3FD2] =	sst s25  }
0xa7: {  	s6 =	sshll.u32 s26, $0x1;
	_ =	strace $0x80000046;
	[dreg:$0x1] =	wrdreg $0xFFFFFFFF  }
0xa8: {  	s28 =	simm.s32 $_size_execute0_lowered;
	s4 =	sadd.s32 s4, s6;
	[dreg:$0x0] =	wrdreg $0x0  }
0xa9: {  	s6 =	sshll.u32 s28, $0x1;
	[dreg:$0x2] =	wrdreg s4  }
0xaa: {  	[dreg:$0x3] =	wrdreg s6  }
0xab: {  	[dreg:$0x4] =	wrdreg $0xC0  }
0xac: {  	_ =	task [dreg:s8], $0x5FFFF  }
0xad: {  	[dreg:$0x1] =	wrdreg $0xFFFFFFFF  }
0xae: {  	[dreg:$0x0] =	wrdreg $0x60  }
0xaf: {  	[dreg:$0x2] =	wrdreg s18  }
0xb0: {  	[dreg:$0x3] =	wrdreg s24  }
0xb1: {  	[dreg:$0x4] =	wrdreg s2  }
0xb2: {  	[dreg:$0x5] =	wrdreg $0xAE000  }
0xb3: {  	[dreg:$0x6] =	wrdreg $0x1EE000  }
0xb4: {  	[dreg:$0x7] =	wrdreg $0x9  }
0xb5: {  	_ =	task.clear_ibuf [dreg:s8], $0x8FFFF;
	_ =	strace $0x90000046  }
0xb6: {  	s29 =	simm.s32 $0x9;
	_ =	strace $0x80000048  }
0xb7: {  	_ =	swait.ge [sflag:s29], $0x1  }
0xb8: {  	[sflag:s29] =	ssyncadd.s32 $0xFFFFFFFF  }
0xb9: {  	_ =	strace $0x90000048  }
0xba: {  	_ =	sfence  }
0xbb: {  	s30 =	sld [smem:$0x0];
	_ =	sdelay $0x2  }
0xbc: {  	s31 =	sshll.u32 s1, $0xD;
	s1 =	sshrl.u32 s1, $0x2  }
0xbd: {  	s3 =	sand.u32 $0x4000, s31;
	s1 =	sadd.s32 s1, s30  }
0xbe: {  	s0 =	sor.u32 s3, s0;
	s1 =	sshll.u32 s1, $0x11  }
0xbf: {  	s0 =	sor.u32 s1, s0  }
0xc0: {  	s0 =	sadd.s32 $0x8F2B, s0  }
0xc1: {  	[sflag:s0] =	ssyncadd.remote.s32 $0x1  }
0xc2: {  	_ =	sfence.sel $0xFFFF  }
0xc3: {  	[dreg:$0x0] =	wrdreg $0xFFFFFFFF;
	(pc) =	sbr.abs _section_cstart, $3  }
0xc4: {  	[dreg:$0x1] =	wrdreg $0xFFFFFFFF  }
0xc5: {  	_ =	task.clear_ibuf [dreg:s8], $0x2FFFF;
	_ =	strace $0x9FFFFFFF  }
0xc6: {  	(tm) =	ssettm $0x7FFFFFFF  }
0xc7: {  	_ =	shalt  }
tec
execute0_lowered:
.L_overlay_start_1:
0x0: {  	(tag) =	ssettag $0x1  }
0x1: {  	s0 =	rddreg [dreg:$0x0]  }
0x2: {  	s1 =	rddreg [dreg:$0x1]  }
0x3: {  	s17 =	rddreg [dreg:$0x2]  }
0x4: {  	s2 =	rddreg [dreg:$0x3]  }
0x5: {  	s3 =	rddreg [dreg:$0x4];
	s19 =	stileid.u32  }
0x6: {  	s4 =	srdreg.scid;
	s5 =	simm.s32 $0x0;
	s9 =	smul.u32 $0x14000, s19  }
0x7: {  	s4 =	sand.u32 $0x1, s4;
	[smem:$0x7FF] =	sst s5;
	s10 =	smul.u32 $0x280, s19  }
0x8: {  	s6 =	sadd.s32 $0x5C00, s1;
	s7 =	sadd.s32 $0xC00, s1;
	s11 =	smul.u32 $0x50000, s19  }
0x9: {  	s8 =	smul.u32 $0x140000, s4;
	_ =	strace $0x80000047;
	s20 =	ssub.s32 $0x2, s4  }
0xa: {  	s26 =	smul.u32 $0x27100, s4;
	s18 =	sshrl.u32 s10, $0x3;
	s12 =	sshrl.u32 s20, $0x1  }
0xb: {  	s13 =	sadd.s32 $0x80, s10;
	s22 =	sadd.s32 $0x100, s10;
	s23 =	sadd.s32 $0x180, s10  }
0xc: {  	s16 =	sadd.s32 $0x200, s10;
	s10 =	sadd.s32 s10, s3;
	s8 =	sadd.s32 s9, s8  }
0xd: {  	s21 =	sshll.u32 s13, $0x7;
	[dreg:$0xb] =	wrdreg s10;
	s13 =	sadd.s32 s13, s3  }
0xe: {  	s9 =	ssub.s32 s20, s12;
	s12 =	sadd.s32 s23, s3;
	[dreg:$0xc] =	wrdreg s13  }
0xf: {  	s11 =	sshrl.u32 s11, $0x2;
	s30 =	sadd.s32 s16, s3;
	[dreg:$0xe] =	wrdreg s12  }
0x10: {  	s29 =	sadd.s32 s11, s2;
	s14 =	sshll.u32 s22, $0x7;
	[dreg:$0xf] =	wrdreg s30  }
0x11: {  	s15 =	sshll.u32 s23, $0x7;
	s11 =	sadd.s32 s21, s2;
	[dreg:$0x6] =	wrdreg s29  }
0x12: {  	s25 =	sshll.u32 s16, $0x7;
	s14 =	sadd.s32 s14, s2;
	[dreg:$0x7] =	wrdreg s11  }
0x13: {  	s10 =	smul.u32 $0x2710, s19;
	s24 =	sadd.s32 s15, s2;
	[dreg:$0x8] =	wrdreg s14  }
0x14: {  	s8 =	sshrl.u32 s8, $0x3;
	s12 =	sadd.s32 $0x1000, s29;
	[dreg:$0x9] =	wrdreg s24  }
0x15: {  	s8 =	sadd.s32 s8, s1;
	s14 =	sadd.s32 s25, s2;
	[dreg:$0x1e] =	wrdreg s12  }
0x16: {  	s1 =	sadd.s32 s18, s1;
	s11 =	sadd.s32 s22, s3;
	[dreg:$0xa] =	wrdreg s14  }
0x17: {  	s13 =	sshrl.u32 s10, $0x3;
	s21 =	sadd.s32 $0x50, s10;
	[dreg:$0xd] =	wrdreg s11  }
0x18: {  	s18 =	sadd.s32 s0, s26;
	s26 =	sadd.s32 $0xA0, s10;
	[dreg:$0x13] =	wrdreg s21  }
0x19: {  	s16 =	sadd.s32 $0x28, s10;
	s30 =	sadd.s32 $0xF0, s10;
	[dreg:$0x18] =	wrdreg s26  }
0x1a: {  	s23 =	sadd.s32 $0x78, s10;
	s10 =	smax.u32 s9, $0x1;
	[dreg:$0x19] =	wrdreg s30  }
0x1b: {  	s9 =	sadd.s32 $0xA800, s29;
	[dreg:$0x1c] =	wrdreg s10  }
0x1c: {  	s12 =	sadd.s32 $0xC800, s29;
	[smem:$0x7ED] =	sst s9  }
0x1d: {  	s15 =	sadd.s32 s6, s13;
	[smem:$0x7F0] =	sst s12  }
0x1e: {  	p0 =	sne.s32 s4, $0x0;
	s20 =	sadd.s32 s7, s13;
	[dreg:$0x10] =	wrdreg s15  }
0x1f: {  	s14 =	smul.u32 $0x271000, s19;
	s11 =	sadd.s32 $0x800, s29;
	[dreg:$0x11] =	wrdreg s20  }
0x20: {  	s19 =	sshll.u32 s4, $0xA;
	s13 =	sadd.s32 $0x1800, s29;
	[dreg:$0x1d] =	wrdreg s11  }
0x21: {  	s4 =	sshrl.u32 s16, $0x3;
	s16 =	sadd.s32 $0x3000, s29;
	[dreg:$0x1f] =	wrdreg s13  }
0x22: {  	s22 =	sshrl.u32 s21, $0x3;
	s21 =	sadd.s32 $0x5000, s29;
	[smem:$0x7E0] =	sst s16  }
0x23: {  	s25 =	sshrl.u32 s23, $0x3;
	s23 =	sadd.s32 $0x6000, s29;
	[smem:$0x7E3] =	sst s21  }
0x24: {  	s26 =	sadd.s32 $0x7800, s29;
	[smem:$0x7E5] =	sst s23  }
0x25: {  	s30 =	sadd.s32 $0x8800, s29;
	[smem:$0x7E8] =	sst s26  }
0x26: {  	s10 =	sadd.s32 $0xB000, s29;
	[smem:$0x7E9] =	sst s30  }
0x27: {  	s4 =	sadd.s32 s7, s4;
	[smem:$0x7EE] =	sst s10  }
0x28: {  	s24 =	sadd.s32 s6, s22;
	[dreg:$0x12] =	wrdreg s4  }
0x29: {  	s15 =	sadd.s32 $0x2800, s29;
	[dreg:$0x15] =	wrdreg s24  }
0x2a: {  	s20 =	sadd.s32 $0x4800, s29;
	[smem:$0x7DF] =	sst s15  }
0x2b: {  	s11 =	sadd.s32 $0xB800, s29;
	[smem:$0x7E2] =	sst s20  }
0x2c: {  	s13 =	sadd.s32 $0xD000, s29;
	[smem:$0x7EF] =	sst s11  }
0x2d: {  	s16 =	sadd.s32 $0xE800, s29;
	[smem:$0x7F1] =	sst s13  }
0x2e: {  	s21 =	sadd.s32 $0x10800, s29;
	[smem:$0x7F4] =	sst s16  }
0x2f: {  	s23 =	sadd.s32 $0x11800, s29;
	[smem:$0x7F7] =	sst s21  }
0x30: {  	s26 =	sadd.s32 $0x13000, s29;
	[smem:$0x7F9] =	sst s23  }
0x31: {  	s30 =	sadd.s32 $0x13800, s29;
	[smem:$0x7FC] =	sst s26  }
0x32: {  	s28 =	simm.s32 $0x3;
	s4 =	sadd.s32 $0xAC00, s8;
	[smem:$0x7FD] =	sst s30  }
0x33: {  	s31 =	simm.s32 $0x5;
	s8 =	sadd.s32 $0x5AC00, s1;
	[dreg:$0x1a] =	wrdreg s4  }
0x34: {  	s0 =	sor.u32 s19, s14;
	s14 =	sadd.s32 $0x2000, s29;
	[dreg:$0x1b] =	wrdreg s8  }
0x35: {  	s12 =	simm.s32 $0x50;
	s24 =	sadd.s32 $0x6800, s29;
	[smem:$0x7DE] =	sst s14  }
0x36: {  	s9 =	simm.s32 $0x7;
	s1 =	sadd.s32 $0x9000, s29;
	[smem:$0x7E6] =	sst s24  }
0x37: {  	s10 =	simm.s32 $0x80;
	s15 =	sadd.s32 $0xE000, s29;
	[smem:$0x7EA] =	sst s1  }
0x38: {  	s20 =	sadd.s32 $0xF800, s29;
	s11 =	simm.s32 $0x100;
	[smem:$0x7F3] =	sst s15  }
0x39: {  	s16 =	simm.s32 $0x800;
	s4 =	sadd.s32 $0x9800, s29;
	[smem:$0x7F6] =	sst s20  }
0x3a: {  	s21 =	simm.s32 $0x200;
	s8 =	sadd.s32 $0xA000, s29;
	[smem:$0x7EB] =	sst s4  }
0x3b: {  	s13 =	simm.s32 $0x28;
	s14 =	sadd.s32 $0xD800, s29;
	[smem:$0x7EC] =	sst s8  }
0x3c: {  	s0 =	sshrl.u32 s0, $0x3;
	s24 =	sadd.s32 $0x12000, s29;
	[smem:$0x7F2] =	sst s14  }
0x3d: {  	s26 =	simm.s32 $0x4;
	s0 =	sadd.s32 s17, s0;
	[smem:$0x7FA] =	sst s24  }
0x3e: {  	s15 =	simm.s32 $0x400;
	s17 =	sadd.s32 $0x3800, s29;
	[dreg:$0x14] =	wrdreg s0  }
0x3f: {  	s20 =	simm.s32 $0x0;
	s0 =	sadd.s32 s7, s22;
	[smem:$0x7E1] =	sst s17  }
0x40: {  	s4 =	simm.s32 $0x8;
	s22 =	sadd.s32 $0x5800, s29;
	[dreg:$0x16] =	wrdreg s0  }
0x41: {  	s14 =	simm.s32 $0x300;
	s17 =	sadd.s32 $0xF000, s29;
	[smem:$0x7E4] =	sst s22  }
.Ltmp0:
0x42: {  	s0 =	sadd.s32 s7, s25;
	[smem:$0x7F5] =	sst s17;
	(pc) =	sbr.rel .LBB2_1-.Ltmp0, $4  }
0x43: {  	s24 =	simm.s32 $0x2;
	s25 =	sadd.s32 $0x7000, s29;
	[dreg:$0x17] =	wrdreg s0  }
0x44: {  	s8 =	simm.s32 $0xA300;
	s22 =	sadd.s32 $0x11000, s29;
	[smem:$0x7E7] =	sst s25  }
0x45: {  	s17 =	simm.s32 $0x1;
	[smem:$0x7F8] =	sst s22;
	s25 =	sadd.s32 $0x12800, s29  }
0x46: {  	v0 =	vimm.f32 $0.0e+00;
	v1 =	vimm.f32 $1.000000000e+00;
	s22 =	simm.s32 $0x280;
	s0 =	simm.s32 $0x6;
	[smem:$0x7FB] =	sst s25  }
.LBB2_22:
0x47: {  	s20 =	sadd.s32 $0x1, s20;
	s1 =	rddreg [dreg:$0x1c]  }
0x48: {  	p1 =	sne.s32 s20, s1  }
.Ltmp1:
0x49: {  	_ = 	snop;
	(pc) =	sbr.rel @!p1 .LBB2_23-.Ltmp1, $1  }
0x4a: {  	_ =	sdelay $0x3  }
.LBB2_1:
0x4b: {  	s1 =	sand.u32 $0x1E00, s5  }
0x4c: {  	[smem:$0x7DD] =	sst s20;
	s30 =	sand.u32 $0x70, s5;
	s23 =	sshrl.u32 s1, $0x2  }
0x4d: {  	s20 =	simm.s32 $0x0;
	s1 =	simm.s32 $0x40;
	s23 =	sor.u32 s30, s23  }
.LBB2_2:
0x4e: {  	p1 =	sne.s32 s1, $0x1FC0  }
0x4f: {  	[tilespmem:s23+$0xA380] =	vst v0;
	s20 =	sadd.s32 $0x10, s20;
	s23 =	smov.u32 s1;
	s1 =	sadd.s32 $0x40, s1  }
.Ltmp2:
0x50: {  	(pc) =	sbr.rel @p1 .LBB2_2-.Ltmp2, $4  }
0x51: {  	_ = 	snop  }
0x52: {  	s23 =	sand.u32 $0x1E00, s23  }
0x53: {  	s25 =	sand.u32 $0x70, s20;
	s23 =	sshrl.u32 s23, $0x2  }
0x54: {  	s23 =	sor.u32 s25, s23  }
0x55: {  	[tilespmem:s23+$0xA380] =	vst v0  }
0x56: {  	[tilespmem:$0xA300] =	vst v1  }
0x57: {  	[tilespmem:$0xA310] =	vst v1  }
0x58: {  	s20 =	simm.s32 $0xA380;
	s1 =	rddreg [dreg:$0x1d];
	[tilespmem:$0xA318] =	vst v1  }
0x59: {  	[spmem:s29] =	stream.linear.scatter [tilespmem:s20], [sflag:$0x8], $0x800, $0x38;
	[tilespmem:$0x1F080] =	vst v63  }
0x5a: {  	s23 =	rddreg [dreg:$0x1f]  }
0x5b: {  	[spmem:s1] =	stream.linear.scatter [tilespmem:s20], [sflag:$0x8], $0x800, $0x38;
	[tilespmem:$0x1F080] =	vst v63  }
0x5c: {  	s29 =	rddreg [dreg:$0x1e]  }
0x5d: {  	[spmem:s29] =	stream.linear.scatter [tilespmem:s20], [sflag:$0x8], $0x800, $0x38;
	[tilespmem:$0x1F080] =	vst v63  }
0x5e: {  	s25 =	sld [smem:$0x7DE]  }
0x5f: {  	[spmem:s23] =	stream.linear.scatter [tilespmem:s20], [sflag:$0x8], $0x800, $0x38;
	[tilespmem:$0x1F080] =	vst v63  }
0x60: {  	s29 =	sld [smem:$0x7DF]  }
0x61: {  	[spmem:s25] =	stream.linear.scatter [tilespmem:s20], [sflag:$0x8], $0x800, $0x38;
	[tilespmem:$0x1F080] =	vst v63  }
0x62: {  	s23 =	sld [smem:$0x7E0]  }
0x63: {  	[spmem:s29] =	stream.linear.scatter [tilespmem:s20], [sflag:$0x8], $0x800, $0x38;
	[tilespmem:$0x1F080] =	vst v63  }
0x64: {  	s25 =	sld [smem:$0x7E1]  }
0x65: {  	[spmem:s23] =	stream.linear.scatter [tilespmem:s20], [sflag:$0x8], $0x800, $0x38;
	[tilespmem:$0x1F080] =	vst v63  }
0x66: {  	s29 =	rddreg [dreg:$0x7]  }
0x67: {  	[spmem:s25] =	stream.linear.scatter [tilespmem:s20], [sflag:$0x8], $0x800, $0x38;
	[tilespmem:$0x1F080] =	vst v63  }
0x68: {  	s23 =	sld [smem:$0x7E2]  }
0x69: {  	[spmem:s29] =	stream.linear.scatter [tilespmem:s20], [sflag:$0x8], $0x800, $0x38;
	[tilespmem:$0x1F080] =	vst v63  }
0x6a: {  	s25 =	sld [smem:$0x7E3]  }
0x6b: {  	[spmem:s23] =	stream.linear.scatter [tilespmem:s20], [sflag:$0x8], $0x800, $0x38;
	[tilespmem:$0x1F080] =	vst v63  }
0x6c: {  	s29 =	sld [smem:$0x7E4]  }
0x6d: {  	[spmem:s25] =	stream.linear.scatter [tilespmem:s20], [sflag:$0x8], $0x800, $0x38;
	[tilespmem:$0x1F080] =	vst v63  }
0x6e: {  	s23 =	sld [smem:$0x7E5]  }
0x6f: {  	[spmem:s29] =	stream.linear.scatter [tilespmem:s20], [sflag:$0x8], $0x800, $0x38;
	[tilespmem:$0x1F080] =	vst v63  }
0x70: {  	s25 =	sld [smem:$0x7E6]  }
0x71: {  	[spmem:s23] =	stream.linear.scatter [tilespmem:s20], [sflag:$0x8], $0x800, $0x38;
	[tilespmem:$0x1F080] =	vst v63  }
0x72: {  	s29 =	sld [smem:$0x7E7]  }
0x73: {  	[spmem:s25] =	stream.linear.scatter [tilespmem:s20], [sflag:$0x8], $0x800, $0x38;
	[tilespmem:$0x1F080] =	vst v63  }
0x74: {  	s23 =	sld [smem:$0x7E8]  }
0x75: {  	[spmem:s29] =	stream.linear.scatter [tilespmem:s20], [sflag:$0x8], $0x800, $0x38;
	[tilespmem:$0x1F080] =	vst v63  }
0x76: {  	s25 =	rddreg [dreg:$0x8]  }
0x77: {  	[spmem:s23] =	stream.linear.scatter [tilespmem:s20], [sflag:$0x8], $0x800, $0x38;
	[tilespmem:$0x1F080] =	vst v63  }
0x78: {  	s29 =	sld [smem:$0x7E9]  }
0x79: {  	[spmem:s25] =	stream.linear.scatter [tilespmem:s20], [sflag:$0x8], $0x800, $0x38;
	[tilespmem:$0x1F080] =	vst v63  }
0x7a: {  	s23 =	sld [smem:$0x7EA]  }
0x7b: {  	[spmem:s29] =	stream.linear.scatter [tilespmem:s20], [sflag:$0x8], $0x800, $0x38;
	[tilespmem:$0x1F080] =	vst v63  }
0x7c: {  	s25 =	sld [smem:$0x7EB]  }
0x7d: {  	[spmem:s23] =	stream.linear.scatter [tilespmem:s20], [sflag:$0x8], $0x800, $0x38;
	[tilespmem:$0x1F080] =	vst v63  }
0x7e: {  	s29 =	sld [smem:$0x7EC]  }
0x7f: {  	[spmem:s25] =	stream.linear.scatter [tilespmem:s20], [sflag:$0x8], $0x800, $0x38;
	[tilespmem:$0x1F080] =	vst v63  }
0x80: {  	s23 =	sld [smem:$0x7ED]  }
0x81: {  	[spmem:s29] =	stream.linear.scatter [tilespmem:s20], [sflag:$0x8], $0x800, $0x38;
	[tilespmem:$0x1F080] =	vst v63  }
0x82: {  	s25 =	sld [smem:$0x7EE]  }
0x83: {  	[spmem:s23] =	stream.linear.scatter [tilespmem:s20], [sflag:$0x8], $0x800, $0x38;
	[tilespmem:$0x1F080] =	vst v63  }
0x84: {  	s29 =	sld [smem:$0x7EF]  }
0x85: {  	[spmem:s25] =	stream.linear.scatter [tilespmem:s20], [sflag:$0x8], $0x800, $0x38;
	[tilespmem:$0x1F080] =	vst v63  }
0x86: {  	s23 =	rddreg [dreg:$0x9]  }
0x87: {  	[spmem:s29] =	stream.linear.scatter [tilespmem:s20], [sflag:$0x8], $0x800, $0x38;
	[tilespmem:$0x1F080] =	vst v63  }
0x88: {  	s25 =	sld [smem:$0x7F0]  }
0x89: {  	[spmem:s23] =	stream.linear.scatter [tilespmem:s20], [sflag:$0x8], $0x800, $0x38;
	[tilespmem:$0x1F080] =	vst v63  }
0x8a: {  	s29 =	sld [smem:$0x7F1]  }
0x8b: {  	[spmem:s25] =	stream.linear.scatter [tilespmem:s20], [sflag:$0x8], $0x800, $0x38;
	[tilespmem:$0x1F080] =	vst v63  }
0x8c: {  	s23 =	sld [smem:$0x7F2]  }
0x8d: {  	[spmem:s29] =	stream.linear.scatter [tilespmem:s20], [sflag:$0x8], $0x800, $0x38;
	[tilespmem:$0x1F080] =	vst v63  }
0x8e: {  	s25 =	sld [smem:$0x7F3]  }
0x8f: {  	[spmem:s23] =	stream.linear.scatter [tilespmem:s20], [sflag:$0x8], $0x800, $0x38;
	[tilespmem:$0x1F080] =	vst v63  }
0x90: {  	s29 =	sld [smem:$0x7F4]  }
0x91: {  	[spmem:s25] =	stream.linear.scatter [tilespmem:s20], [sflag:$0x8], $0x800, $0x38;
	[tilespmem:$0x1F080] =	vst v63  }
0x92: {  	s23 =	sld [smem:$0x7F5]  }
0x93: {  	[spmem:s29] =	stream.linear.scatter [tilespmem:s20], [sflag:$0x8], $0x800, $0x38;
	[tilespmem:$0x1F080] =	vst v63  }
0x94: {  	s25 =	sld [smem:$0x7F6]  }
0x95: {  	[spmem:s23] =	stream.linear.scatter [tilespmem:s20], [sflag:$0x8], $0x800, $0x38;
	[tilespmem:$0x1F080] =	vst v63  }
0x96: {  	s29 =	rddreg [dreg:$0xa]  }
0x97: {  	[spmem:s25] =	stream.linear.scatter [tilespmem:s20], [sflag:$0x8], $0x800, $0x38;
	[tilespmem:$0x1F080] =	vst v63  }
0x98: {  	s23 =	sld [smem:$0x7F7]  }
0x99: {  	[spmem:s29] =	stream.linear.scatter [tilespmem:s20], [sflag:$0x8], $0x800, $0x38;
	[tilespmem:$0x1F080] =	vst v63  }
0x9a: {  	s25 =	sld [smem:$0x7F8]  }
0x9b: {  	[spmem:s23] =	stream.linear.scatter [tilespmem:s20], [sflag:$0x8], $0x800, $0x38;
	[tilespmem:$0x1F080] =	vst v63  }
0x9c: {  	s29 =	sld [smem:$0x7F9]  }
0x9d: {  	[spmem:s25] =	stream.linear.scatter [tilespmem:s20], [sflag:$0x8], $0x800, $0x38;
	[tilespmem:$0x1F080] =	vst v63  }
0x9e: {  	s23 =	sld [smem:$0x7FA]  }
0x9f: {  	[spmem:s29] =	stream.linear.scatter [tilespmem:s20], [sflag:$0x8], $0x800, $0x38;
	[tilespmem:$0x1F080] =	vst v63  }
0xa0: {  	s25 =	sld [smem:$0x7FB]  }
0xa1: {  	[spmem:s23] =	stream.linear.scatter [tilespmem:s20], [sflag:$0x8], $0x800, $0x38;
	[tilespmem:$0x1F080] =	vst v63  }
0xa2: {  	s29 =	sld [smem:$0x7FC]  }
0xa3: {  	[spmem:s25] =	stream.linear.scatter [tilespmem:s20], [sflag:$0x8], $0x800, $0x38;
	[tilespmem:$0x1F080] =	vst v63  }
0xa4: {  	s23 =	sld [smem:$0x7FD]  }
0xa5: {  	[spmem:s29] =	stream.linear.scatter [tilespmem:s20], [sflag:$0x8], $0x800, $0x38;
	[tilespmem:$0x1F080] =	vst v63  }
0xa6: {  	_ = 	snop  }
0xa7: {  	[spmem:s23] =	stream.linear.scatter [tilespmem:s20], [sflag:$0x8], $0x800, $0x38;
	[tilespmem:$0x1F080] =	vst v63  }
0xa8: {  	s25 =	rddreg [dreg:$0xb]  }
0xa9: {  	[spmem:s25] =	stream.linear.scatter [tilespmem:s20], [sflag:$0x8], $0x80, $0x38;
	[tilespmem:$0x1F080] =	vst v63  }
0xaa: {  	s29 =	rddreg [dreg:$0xc]  }
0xab: {  	[spmem:s29] =	stream.linear.scatter [tilespmem:s20], [sflag:$0x8], $0x80, $0x38;
	[tilespmem:$0x1F080] =	vst v63  }
0xac: {  	s23 =	rddreg [dreg:$0xd]  }
0xad: {  	[spmem:s23] =	stream.linear.scatter [tilespmem:s20], [sflag:$0x8], $0x80, $0x38;
	[tilespmem:$0x1F080] =	vst v63  }
0xae: {  	s25 =	rddreg [dreg:$0xe]  }
0xaf: {  	[spmem:s25] =	stream.linear.scatter [tilespmem:s20], [sflag:$0x8], $0x80, $0x38;
	[tilespmem:$0x1F080] =	vst v63  }
0xb0: {  	s29 =	rddreg [dreg:$0xf]  }
0xb1: {  	[spmem:s29] =	stream.linear.scatter [tilespmem:s20], [sflag:$0x8], $0x80, $0x38;
	[tilespmem:$0x1F080] =	vst v63  }
0xb2: {  	_ =	swait.ge [sflag:s4], $0x800  }
0xb3: {  	[sflag:s4] =	ssyncset.done $0x0  }
0xb4: {  	[sflag:s4] =	ssyncadd.s32 $0xFFFFF800  }
0xb5: {  	_ =	swait.ge [sflag:s4], $0x800  }
0xb6: {  	[sflag:s4] =	ssyncset.done $0x0  }
0xb7: {  	[sflag:s4] =	ssyncadd.s32 $0xFFFFF800  }
0xb8: {  	_ =	swait.ge [sflag:s4], $0x800  }
0xb9: {  	[sflag:s4] =	ssyncset.done $0x0  }
0xba: {  	[sflag:s4] =	ssyncadd.s32 $0xFFFFF800  }
0xbb: {  	_ =	swait.ge [sflag:s4], $0x800  }
0xbc: {  	[sflag:s4] =	ssyncset.done $0x0  }
0xbd: {  	[sflag:s4] =	ssyncadd.s32 $0xFFFFF800  }
0xbe: {  	_ =	swait.ge [sflag:s4], $0x800  }
0xbf: {  	[sflag:s4] =	ssyncset.done $0x0  }
0xc0: {  	[sflag:s4] =	ssyncadd.s32 $0xFFFFF800  }
0xc1: {  	_ =	swait.ge [sflag:s4], $0x800  }
0xc2: {  	[sflag:s4] =	ssyncset.done $0x0  }
0xc3: {  	[sflag:s4] =	ssyncadd.s32 $0xFFFFF800  }
0xc4: {  	_ =	swait.ge [sflag:s4], $0x800  }
0xc5: {  	[sflag:s4] =	ssyncset.done $0x0  }
0xc6: {  	[sflag:s4] =	ssyncadd.s32 $0xFFFFF800  }
0xc7: {  	_ =	swait.ge [sflag:s4], $0x800  }
0xc8: {  	[sflag:s4] =	ssyncset.done $0x0  }
0xc9: {  	[sflag:s4] =	ssyncadd.s32 $0xFFFFF800  }
0xca: {  	_ =	swait.ge [sflag:s4], $0x800  }
0xcb: {  	[sflag:s4] =	ssyncset.done $0x0  }
0xcc: {  	[sflag:s4] =	ssyncadd.s32 $0xFFFFF800  }
0xcd: {  	_ =	swait.ge [sflag:s4], $0x800  }
0xce: {  	[sflag:s4] =	ssyncset.done $0x0  }
0xcf: {  	[sflag:s4] =	ssyncadd.s32 $0xFFFFF800  }
0xd0: {  	_ =	swait.ge [sflag:s4], $0x800  }
0xd1: {  	[sflag:s4] =	ssyncset.done $0x0  }
0xd2: {  	[sflag:s4] =	ssyncadd.s32 $0xFFFFF800  }
0xd3: {  	_ =	swait.ge [sflag:s4], $0x800  }
0xd4: {  	[sflag:s4] =	ssyncset.done $0x0  }
0xd5: {  	[sflag:s4] =	ssyncadd.s32 $0xFFFFF800  }
0xd6: {  	_ =	swait.ge [sflag:s4], $0x800  }
0xd7: {  	[sflag:s4] =	ssyncset.done $0x0  }
0xd8: {  	[sflag:s4] =	ssyncadd.s32 $0xFFFFF800  }
0xd9: {  	_ =	swait.ge [sflag:s4], $0x800  }
0xda: {  	[sflag:s4] =	ssyncset.done $0x0  }
0xdb: {  	[sflag:s4] =	ssyncadd.s32 $0xFFFFF800  }
0xdc: {  	_ =	swait.ge [sflag:s4], $0x800  }
0xdd: {  	[sflag:s4] =	ssyncset.done $0x0  }
0xde: {  	[sflag:s4] =	ssyncadd.s32 $0xFFFFF800  }
0xdf: {  	_ =	swait.ge [sflag:s4], $0x800  }
0xe0: {  	[sflag:s4] =	ssyncset.done $0x0  }
0xe1: {  	[sflag:s4] =	ssyncadd.s32 $0xFFFFF800  }
0xe2: {  	_ =	swait.ge [sflag:s4], $0x800  }
0xe3: {  	[sflag:s4] =	ssyncset.done $0x0  }
0xe4: {  	[sflag:s4] =	ssyncadd.s32 $0xFFFFF800  }
0xe5: {  	_ =	swait.ge [sflag:s4], $0x800  }
0xe6: {  	[sflag:s4] =	ssyncset.done $0x0  }
0xe7: {  	[sflag:s4] =	ssyncadd.s32 $0xFFFFF800  }
0xe8: {  	_ =	swait.ge [sflag:s4], $0x800  }
0xe9: {  	[sflag:s4] =	ssyncset.done $0x0  }
0xea: {  	[sflag:s4] =	ssyncadd.s32 $0xFFFFF800  }
0xeb: {  	_ =	swait.ge [sflag:s4], $0x800  }
0xec: {  	[sflag:s4] =	ssyncset.done $0x0  }
0xed: {  	[sflag:s4] =	ssyncadd.s32 $0xFFFFF800  }
0xee: {  	_ =	swait.ge [sflag:s4], $0x800  }
0xef: {  	[sflag:s4] =	ssyncset.done $0x0  }
0xf0: {  	[sflag:s4] =	ssyncadd.s32 $0xFFFFF800  }
0xf1: {  	_ =	swait.ge [sflag:s4], $0x800  }
0xf2: {  	[sflag:s4] =	ssyncset.done $0x0  }
0xf3: {  	[sflag:s4] =	ssyncadd.s32 $0xFFFFF800  }
0xf4: {  	_ =	swait.ge [sflag:s4], $0x800  }
0xf5: {  	[sflag:s4] =	ssyncset.done $0x0  }
0xf6: {  	[sflag:s4] =	ssyncadd.s32 $0xFFFFF800  }
0xf7: {  	_ =	swait.ge [sflag:s4], $0x800  }
0xf8: {  	[sflag:s4] =	ssyncset.done $0x0  }
0xf9: {  	[sflag:s4] =	ssyncadd.s32 $0xFFFFF800  }
0xfa: {  	_ =	swait.ge [sflag:s4], $0x800  }
0xfb: {  	[sflag:s4] =	ssyncset.done $0x0  }
0xfc: {  	[sflag:s4] =	ssyncadd.s32 $0xFFFFF800  }
0xfd: {  	_ =	swait.ge [sflag:s4], $0x800  }
0xfe: {  	[sflag:s4] =	ssyncset.done $0x0  }
0xff: {  	[sflag:s4] =	ssyncadd.s32 $0xFFFFF800  }
0x100: {  	_ =	swait.ge [sflag:s4], $0x800  }
0x101: {  	[sflag:s4] =	ssyncset.done $0x0  }
0x102: {  	[sflag:s4] =	ssyncadd.s32 $0xFFFFF800  }
0x103: {  	_ =	swait.ge [sflag:s4], $0x800  }
0x104: {  	[sflag:s4] =	ssyncset.done $0x0  }
0x105: {  	[sflag:s4] =	ssyncadd.s32 $0xFFFFF800  }
0x106: {  	_ =	swait.ge [sflag:s4], $0x800  }
0x107: {  	[sflag:s4] =	ssyncset.done $0x0  }
0x108: {  	[sflag:s4] =	ssyncadd.s32 $0xFFFFF800  }
0x109: {  	_ =	swait.ge [sflag:s4], $0x800  }
0x10a: {  	[sflag:s4] =	ssyncset.done $0x0  }
0x10b: {  	[sflag:s4] =	ssyncadd.s32 $0xFFFFF800  }
0x10c: {  	_ =	swait.ge [sflag:s4], $0x800  }
0x10d: {  	[sflag:s4] =	ssyncset.done $0x0  }
0x10e: {  	[sflag:s4] =	ssyncadd.s32 $0xFFFFF800  }
0x10f: {  	_ =	swait.ge [sflag:s4], $0x800  }
0x110: {  	[sflag:s4] =	ssyncset.done $0x0  }
0x111: {  	[sflag:s4] =	ssyncadd.s32 $0xFFFFF800  }
0x112: {  	_ =	swait.ge [sflag:s4], $0x800  }
0x113: {  	[sflag:s4] =	ssyncset.done $0x0  }
0x114: {  	[sflag:s4] =	ssyncadd.s32 $0xFFFFF800  }
0x115: {  	_ =	swait.ge [sflag:s4], $0x800  }
0x116: {  	[sflag:s4] =	ssyncset.done $0x0  }
0x117: {  	[sflag:s4] =	ssyncadd.s32 $0xFFFFF800  }
0x118: {  	_ =	swait.ge [sflag:s4], $0x800  }
0x119: {  	[sflag:s4] =	ssyncset.done $0x0  }
0x11a: {  	[sflag:s4] =	ssyncadd.s32 $0xFFFFF800  }
0x11b: {  	_ =	swait.ge [sflag:s4], $0x800  }
0x11c: {  	[sflag:s4] =	ssyncset.done $0x0  }
0x11d: {  	[sflag:s4] =	ssyncadd.s32 $0xFFFFF800  }
0x11e: {  	_ =	swait.ge [sflag:s4], $0x800  }
0x11f: {  	[sflag:s4] =	ssyncset.done $0x0  }
0x120: {  	[sflag:s4] =	ssyncadd.s32 $0xFFFFF800  }
0x121: {  	_ =	swait.ge [sflag:s4], $0x800  }
0x122: {  	[sflag:s4] =	ssyncset.done $0x0  }
0x123: {  	[sflag:s4] =	ssyncadd.s32 $0xFFFFF800  }
0x124: {  	_ =	swait.ge [sflag:s4], $0x800  }
0x125: {  	[sflag:s4] =	ssyncset.done $0x0  }
0x126: {  	[sflag:s4] =	ssyncadd.s32 $0xFFFFF800  }
0x127: {  	_ =	swait.ge [sflag:s4], $0x800  }
0x128: {  	[sflag:s4] =	ssyncset.done $0x0  }
0x129: {  	[sflag:s4] =	ssyncadd.s32 $0xFFFFF800  }
0x12a: {  	_ =	swait.ge [sflag:s4], $0x80  }
0x12b: {  	[sflag:s4] =	ssyncset.done $0x0  }
0x12c: {  	[sflag:s4] =	ssyncadd.s32 $0xFFFFFF80  }
0x12d: {  	_ =	swait.ge [sflag:s4], $0x80  }
0x12e: {  	[sflag:s4] =	ssyncset.done $0x0  }
0x12f: {  	[sflag:s4] =	ssyncadd.s32 $0xFFFFFF80  }
0x130: {  	_ =	swait.ge [sflag:s4], $0x80  }
0x131: {  	[sflag:s4] =	ssyncset.done $0x0  }
0x132: {  	[sflag:s4] =	ssyncadd.s32 $0xFFFFFF80  }
0x133: {  	_ =	swait.ge [sflag:s4], $0x80  }
0x134: {  	[sflag:s4] =	ssyncset.done $0x0  }
0x135: {  	[sflag:s4] =	ssyncadd.s32 $0xFFFFFF80  }
0x136: {  	_ =	swait.ge [sflag:s4], $0x80  }
0x137: {  	[sflag:s4] =	ssyncset.done $0x0  }
0x138: {  	[sflag:s4] =	ssyncadd.s32 $0xFFFFFF80  }
0x139: {  	[bflag:$0x0] =	sbarrier.arrive $0xFFFF  }
0x13a: {  	s30 =	simm.s32 $0x0;
	s25 =	simm.s32 $0x9;
	s23 =	rddreg [dreg:$0x10]  }
0x13b: {  	[tilespmem:s30], [sflag:$0x9] =	stream.linear.gather [hbm4b:s23+s30], $0x50, $0x38;
	[tilespmem:$0x1F080] =	vst v63  }
0x13c: {  	_ =	swait.ge [sflag:s25], $0x50  }
0x13d: {  	[sflag:s25] =	ssyncset.done $0x0  }
0x13e: {  	s29 =	rddreg [dreg:$0x11];
	[sflag:s25] =	ssyncadd.s32 $0xFFFFFFB0  }
0x13f: {  	[tilespmem:s10], [sflag:$0x9] =	stream.linear.gather [hbm4b:s29+s30], $0x28, $0x38;
	[tilespmem:$0x1F080] =	vst v63  }
0x140: {  	_ =	swait.ge [sflag:s25], $0x28  }
0x141: {  	[sflag:s25] =	ssyncset.done $0x0  }
0x142: {  	s23 =	rddreg [dreg:$0x12];
	[sflag:s25] =	ssyncadd.s32 $0xFFFFFFD8  }
0x143: {  	[tilespmem:s11], [sflag:$0x9] =	stream.linear.gather [hbm4b:s23+s30], $0x28, $0x38;
	[tilespmem:$0x1F080] =	vst v63  }
0x144: {  	_ =	swait.ge [sflag:s25], $0x28  }
0x145: {  	[sflag:s25] =	ssyncset.done $0x0  }
0x146: {  	[sflag:s25] =	ssyncadd.s32 $0xFFFFFFD8  }
0x147: {  	[tilespmem:s14], [sflag:$0x3] =	stream.indirect.gather [hbm4b:s18+s12], $0x80, s30, s12, $0xb8;
	[tilespmem:$0x1F080] =	vst v63  }
0x148: {  	s29 =	simm.s32 $0x2B00;
	s25 =	rddreg [dreg:$0x14]  }
0x149: {  	[tilespmem:s29], [sflag:$0x5] =	stream.strided.gather [hbm4b:s25+s15], $0x2800, s16, s15, $0x38;
	[tilespmem:$0x1F080] =	vst v63  }
0x14a: {  	s20 =	rddreg [dreg:$0x15];
	s25 =	simm.s32 $0x180  }
0x14b: {  	[tilespmem:s25], [sflag:$0x2] =	stream.linear.gather [hbm4b:s20+s30], $0x50, $0x38;
	[tilespmem:$0x1F080] =	vst v63  }
0x14c: {  	s23 =	rddreg [dreg:$0x16]  }
0x14d: {  	[tilespmem:s21], [sflag:$0x2] =	stream.linear.gather [hbm4b:s23+s30], $0x28, $0x38;
	[tilespmem:$0x1F080] =	vst v63  }
0x14e: {  	s29 =	rddreg [dreg:$0x17]  }
0x14f: {  	[tilespmem:s22], [sflag:$0x2] =	stream.linear.gather [hbm4b:s29+s30], $0x28, $0x38;
	[tilespmem:$0x1F080] =	vst v63  }
.LBB2_4:
0x150: {  	_ =	swait.ge [sflag:s24], $0x50  }
0x151: {  	[sflag:s24] =	ssyncset.done $0x0  }
0x152: {  	[sflag:s24] =	ssyncadd.s32 $0xFFFFFFB0  }
0x153: {  	_ =	swait.ge [sflag:s24], $0x28  }
0x154: {  	[sflag:s24] =	ssyncset.done $0x0  }
0x155: {  	[sflag:s24] =	ssyncadd.s32 $0xFFFFFFD8  }
0x156: {  	_ =	swait.ge [sflag:s24], $0x28  }
0x157: {  	s1 =	smul.u32 $0xA0, s30;
	[sflag:s24] =	ssyncset.done $0x0  }
0x158: {  	s20 =	simm.s32 $0x5300;
	s23 =	rddreg [dreg:$0x13];
	[sflag:s24] =	ssyncadd.s32 $0xFFFFFFD8  }
0x159: {  	[tilespmem:s20], [sflag:$0x4] =	stream.indirect.gather [hbm4b:s18+s12], $0x80, s25, s12, $0xb8;
	[tilespmem:$0x1F080] =	vst v63  }
0x15a: {  	s20 =	sadd.s32 s1, s23  }
0x15b: {  	s20 =	sshll.u32 s20, $0x8  }
0x15c: {  	s20 =	sor.u32 s19, s20  }
0x15d: {  	s23 =	rddreg [dreg:$0x2];
	s20 =	sshrl.u32 s20, $0x3  }
0x15e: {  	s25 =	simm.s32 $0x7B00;
	s20 =	sadd.s32 s23, s20  }
0x15f: {  	[tilespmem:s25], [sflag:$0x6] =	stream.strided.gather [hbm4b:s20+s15], $0x2800, s16, s15, $0x38;
	[tilespmem:$0x1F080] =	vst v63  }
0x160: {  	_ =	swait.ge [sflag:s28], $0x2800  }
0x161: {  	[sflag:s28] =	ssyncset.done $0x0  }
0x162: {  	[sflag:s28] =	ssyncadd.s32 $0xFFFFD800  }
0x163: {  	_ =	swait.ge [sflag:s31], $0x2800  }
0x164: {  	[sflag:s31] =	ssyncset.done $0x0  }
0x165: {  	s23 =	simm.s32 $0x0;
	[sflag:s31] =	ssyncadd.s32 $0xFFFFD800  }
0x166: {  	v2 =	vld [tilespmem:s23+$0x2B20]  }
0x167: {  	v3 =	vld [tilespmem:s23+$0x2B40]  }
0x168: {  	v6 =	vld [tilespmem:s23+$0x2B60]  }
0x169: {  	v7 =	vld [tilespmem:s23+$0x2B70]  }
0x16a: {  	v4 =	vld [tilespmem:s23+$0x2B50]  }
0x16b: {  	v5 =	vld [tilespmem:s23+$0x350]  }
0x16c: {  	v8 =	vld [tilespmem:s23+$0x340]  }
0x16d: {  	v9 =	vld [tilespmem:s23+$0x370]  }
0x16e: {  	v10 =	vld [tilespmem:s23+$0x360]  }
0x16f: {  	v11 =	vld [tilespmem:s23+$0x320]  }
0x170: {  	v4 =	vadd.f32 v4, v5  }
0x171: {  	v5 =	vadd.f32 v3, v8  }
0x172: {  	v8 =	vadd.f32 v7, v9;
	v9 =	vld [tilespmem:s23+$0x2B30];
	v3 =	vsub.f32 $0.0e+00, v4  }
0x173: {  	v7 =	vadd.f32 v6, v10;
	v6 =	vld [tilespmem:s23+$0x330];
	v14 =	vsub.f32 $0.0e+00, v5  }
0x174: {  	v12 =	vld [tilespmem:s23+$0x2B10];
	v10 =	vmul.f32 $1.442695020e+00, v3;
	v3 =	vadd.f32 v2, v11;
	v2 =	vsub.f32 $0.0e+00, v8  }
0x175: {  	v13 =	vld [tilespmem:s23+$0x2B00];
	v15 =	vsub.f32 $0.0e+00, v7;
	v14 =	vmul.f32 $1.442695020e+00, v14  }
0x176: {  	v11 =	vld [tilespmem:s23+$0x310];
	(erf) = vpow2.f32 v10;
	v10 =	vsub.f32 $0.0e+00, v3;
	v2 =	vmul.f32 $1.442695020e+00, v2  }
0x177: {  	v16 =	vld [tilespmem:s23+$0x300];
	(erf) = vpow2.f32 v14;
	v14 =	vmul.f32 $1.442695020e+00, v15  }
0x178: {  	v9 =	vadd.f32 v9, v6;
	v10 =	vmul.f32 $1.442695020e+00, v10;
	(erf) = vpow2.f32 v2  }
0x179: {  	(erf) = vpow2.f32 v14  }
0x17a: {  	(erf) = vpow2.f32 v10;
	v10 =	vsub.f32 $0.0e+00, v9  }
0x17b: {  	v6 =	vadd.f32 v12, v11  }
0x17c: {  	v2 =	vadd.f32 v13, v16;
	v10 =	vmul.f32 $1.442695020e+00, v10  }
0x17d: {  	v11 =	vsub.f32 $0.0e+00, v6  }
0x17e: {  	v12 =	vsub.f32 $0.0e+00, v2  }
0x17f: {  	v11 =	vmul.f32 $1.442695020e+00, v11  }
0x180: {  	v12 =	vmul.f32 $1.442695020e+00, v12;
	(erf) = vpow2.f32 v10;
	v10 =	vpop (erf)  }
0x181: {  	(erf) = vpow2.f32 v11;
	v10 =	vadd.f32 $1.000000000e+00, v10  }
0x182: {  	(erf) = vpow2.f32 v12  }
0x183: {  	v11 =	vpop (erf);
	(erf) = vrcp.f32 v10  }
0x184: {  	v11 =	vadd.f32 $1.000000000e+00, v11  }
0x185: {  	v12 =	vpop (erf)  }
0x186: {  	(erf) = vrcp.f32 v11;
	v10 =	vpop (erf)  }
0x187: {  	s29 =	simm.s32 $0x400;
	s20 =	simm.s32 $0x200;
	v11 =	vadd.f32 $1.000000000e+00, v12;
	v10 =	vadd.f32 $1.000000000e+00, v10;
	v12 =	vpop (erf)  }
.LBB2_5:
0x188: {  	p1 =	sne.s32 s29, $0x4E00  }
0x189: {  	s25 =	sshra.s32 s20, $0x2;
	v12 =	vadd.f32 $1.000000000e+00, v12;
	v13 =	vpop (erf);
	(erf) = vrcp.f32 v11;
	s20 =	smov.u32 s29;
	s29 =	sadd.s32 $0x200, s29  }
0x18a: {  	v11 =	vld [tilespmem:s25+$0x2B20];
	v16 =	vadd.f32 $1.000000000e+00, v13;
	v14 =	vpop (erf);
	(erf) = vrcp.f32 v10  }
0x18b: {  	v10 =	vld [tilespmem:s25+$0x2B40];
	v14 =	vadd.f32 $1.000000000e+00, v14;
	v15 =	vpop (erf);
	(erf) = vrcp.f32 v12  }
0x18c: {  	v12 =	vld [tilespmem:s25+$0x2B60];
	v15 =	vadd.f32 $1.000000000e+00, v15;
	(erf) = vrcp.f32 v16;
	v13 =	vpop (erf)  }
0x18d: {  	v16 =	vld [tilespmem:s25+$0x2B70];
	v17 =	vmul.f32 v13, v4;
	(erf) = vrcp.f32 v14  }
0x18e: {  	v13 =	vld [tilespmem:s25+$0x2B50];
	(erf) = vrcp.f32 v15  }
0x18f: {  	v14 =	vld [tilespmem:s25+$0x2B10];
	[tilespmem:s23+$0x350] =	vst v17;
	v4 =	vpop (erf)  }
0x190: {  	v15 =	vld [tilespmem:s25+$0x350];
	v5 =	vmul.f32 v4, v5;
	_ =	sdelay $0x1  }
0x191: {  	[tilespmem:s23+$0x340] =	vst v5;
	v4 =	vpop (erf)  }
0x192: {  	v5 =	vld [tilespmem:s25+$0x340];
	v20 =	vmul.f32 v4, v8;
	v4 =	vpop (erf)  }
0x193: {  	v17 =	vld [tilespmem:s25+$0x2B00];
	v21 =	vmul.f32 v4, v7;
	v18 =	vpop (erf)  }
0x194: {  	v19 =	vld [tilespmem:s25+$0x2B30];
	v4 =	vadd.f32 v13, v15;
	v18 =	vmul.f32 v18, v3;
	[tilespmem:s23+$0x370] =	vst v20;
	v8 =	vpop (erf)  }
0x195: {  	v13 =	vld [tilespmem:s25+$0x370];
	v8 =	vmul.f32 v8, v9;
	[tilespmem:s23+$0x360] =	vst v21;
	v7 =	vpop (erf)  }
0x196: {  	v9 =	vsub.f32 $0.0e+00, v4;
	v15 =	vld [tilespmem:s25+$0x360];
	v6 =	vmul.f32 v7, v6;
	[tilespmem:s23+$0x320] =	vst v18;
	v3 =	vpop (erf)  }
0x197: {  	v18 =	vld [tilespmem:s25+$0x320];
	v5 =	vadd.f32 v10, v5;
	v2 =	vmul.f32 v3, v2;
	[tilespmem:s23+$0x330] =	vst v8  }
0x198: {  	v10 =	vld [tilespmem:s25+$0x330];
	v3 =	vmul.f32 $1.442695020e+00, v9;
	[tilespmem:s23+$0x310] =	vst v6  }
0x199: {  	v6 =	vld [tilespmem:s25+$0x310];
	v7 =	vsub.f32 $0.0e+00, v5;
	[tilespmem:s23+$0x300] =	vst v2;
	s23 =	smov.u32 s25  }
0x19a: {  	v2 =	vld [tilespmem:s23+$0x300];
	v8 =	vadd.f32 v16, v13;
	(erf) = vpow2.f32 v3  }
0x19b: {  	v13 =	vmul.f32 $1.442695020e+00, v7;
	v7 =	vadd.f32 v12, v15  }
0x19c: {  	v3 =	vadd.f32 v11, v18;
	v11 =	vsub.f32 $0.0e+00, v8  }
0x19d: {  	v9 =	vadd.f32 v19, v10;
	v10 =	vsub.f32 $0.0e+00, v7;
	(erf) = vpow2.f32 v13  }
0x19e: {  	v6 =	vadd.f32 v14, v6;
	v12 =	vsub.f32 $0.0e+00, v3;
	v11 =	vmul.f32 $1.442695020e+00, v11  }
0x19f: {  	v2 =	vadd.f32 v17, v2;
	v13 =	vsub.f32 $0.0e+00, v9;
	v10 =	vmul.f32 $1.442695020e+00, v10  }
0x1a0: {  	v14 =	vsub.f32 $0.0e+00, v6;
	v15 =	vmul.f32 $1.442695020e+00, v12;
	(erf) = vpow2.f32 v11  }
0x1a1: {  	v11 =	vsub.f32 $0.0e+00, v2;
	v13 =	vmul.f32 $1.442695020e+00, v13;
	(erf) = vpow2.f32 v10  }
0x1a2: {  	v10 =	vmul.f32 $1.442695020e+00, v14;
	(erf) = vpow2.f32 v15  }
0x1a3: {  	v11 =	vmul.f32 $1.442695020e+00, v11;
	(erf) = vpow2.f32 v13;
	v12 =	vpop (erf)  }
0x1a4: {  	v12 =	vadd.f32 $1.000000000e+00, v12;
	(erf) = vpow2.f32 v10  }
0x1a5: {  	(erf) = vpow2.f32 v11  }
0x1a6: {  	v10 =	vpop (erf);
	(erf) = vrcp.f32 v12  }
.Ltmp3:
0x1a7: {  	v11 =	vadd.f32 $1.000000000e+00, v10;
	(pc) =	sbr.rel @p1 .LBB2_5-.Ltmp3, $4  }
0x1a8: {  	_ = 	snop  }
0x1a9: {  	(erf) = vrcp.f32 v11;
	v10 =	vpop (erf)  }
0x1aa: {  	v11 =	vadd.f32 $1.000000000e+00, v10;
	v10 =	vpop (erf)  }
0x1ab: {  	v10 =	vadd.f32 $1.000000000e+00, v10;
	v12 =	vpop (erf)  }
0x1ac: {  	_ = 	snop  }
0x1ad: {  	s20 =	sshra.s32 s20, $0x2;
	v13 =	vpop (erf)  }
0x1ae: {  	(erf) = vrcp.f32 v11;
	v11 =	vld [tilespmem:s20+$0x2B20];
	v14 =	vpop (erf)  }
0x1af: {  	v15 =	vld [tilespmem:s20+$0x2B40];
	(erf) = vrcp.f32 v10;
	v10 =	vpop (erf)  }
0x1b0: {  	v16 =	vld [tilespmem:s20+$0x2B60];
	v17 =	vpop (erf)  }
0x1b1: {  	v12 =	vadd.f32 $1.000000000e+00, v12;
	v18 =	vld [tilespmem:s20+$0x2B70];
	v4 =	vmul.f32 v17, v4  }
0x1b2: {  	v62 =	vld [tilespmem:s20+$0x2B10];
	v19 =	vpop (erf)  }
0x1b3: {  	(erf) = vrcp.f32 v12;
	v12 =	vld [tilespmem:s20+$0x2B50];
	[tilespmem:s23+$0x350] =	vst v4;
	v4 =	vmul.f32 v19, v5  }
0x1b4: {  	v13 =	vadd.f32 $1.000000000e+00, v13;
	_ =	sdelay $0x1  }
0x1b5: {  	(erf) = vrcp.f32 v13;
	v13 =	vadd.f32 $1.000000000e+00, v14  }
0x1b6: {  	v10 =	vadd.f32 $1.000000000e+00, v10;
	v5 =	vld [tilespmem:s20+$0x350];
	[tilespmem:s23+$0x340] =	vst v4;
	v4 =	vpop (erf)  }
0x1b7: {  	(erf) = vrcp.f32 v13;
	v4 =	vmul.f32 v4, v8  }
0x1b8: {  	(erf) = vrcp.f32 v10  }
0x1b9: {  	v13 =	vld [tilespmem:s20+$0x340]  }
0x1ba: {  	v14 =	vld [tilespmem:s20+$0x2B30];
	v10 =	vpop (erf)  }
0x1bb: {  	v8 =	vld [tilespmem:s20+$0x2B00];
	[tilespmem:s23+$0x370] =	vst v4;
	v4 =	vpop (erf)  }
0x1bc: {  	v3 =	vmul.f32 v4, v3  }
0x1bd: {  	v7 =	vmul.f32 v10, v7  }
0x1be: {  	v4 =	vpop (erf)  }
0x1bf: {  	v10 =	vld [tilespmem:s20+$0x370];
	[tilespmem:s23+$0x360] =	vst v7;
	v4 =	vmul.f32 v4, v9  }
0x1c0: {  	v7 =	vld [tilespmem:s20+$0x360];
	[tilespmem:s23+$0x320] =	vst v3;
	v3 =	vpop (erf)  }
0x1c1: {  	v9 =	vld [tilespmem:s20+$0x320];
	[tilespmem:s23+$0x330] =	vst v4;
	v4 =	vadd.f32 v12, v5;
	v3 =	vmul.f32 v3, v6;
	v5 =	vpop (erf)  }
0x1c2: {  	v2 =	vmul.f32 v5, v2  }
0x1c3: {  	v12 =	vadd.f32 v15, v13;
	v6 =	vld [tilespmem:s20+$0x330];
	[tilespmem:s23+$0x310] =	vst v3;
	v3 =	vsub.f32 $0.0e+00, v4  }
0x1c4: {  	v5 =	vld [tilespmem:s20+$0x310];
	[tilespmem:s23+$0x300] =	vst v2  }
0x1c5: {  	v13 =	vsub.f32 $0.0e+00, v12;
	v2 =	vmul.f32 $1.442695020e+00, v3;
	v3 =	vld [tilespmem:s20+$0x300]  }
0x1c6: {  	v10 =	vadd.f32 v18, v10  }
0x1c7: {  	v7 =	vadd.f32 v16, v7;
	v13 =	vmul.f32 $1.442695020e+00, v13  }
0x1c8: {  	(erf) = vpow2.f32 v2;
	v2 =	vadd.f32 v11, v9;
	v9 =	vsub.f32 $0.0e+00, v10  }
0x1c9: {  	v6 =	vadd.f32 v14, v6;
	v11 =	vsub.f32 $0.0e+00, v7;
	(erf) = vpow2.f32 v13  }
0x1ca: {  	v13 =	vsub.f32 $0.0e+00, v2;
	v9 =	vmul.f32 $1.442695020e+00, v9;
	v3 =	vadd.f32 v8, v3  }
0x1cb: {  	v5 =	vadd.f32 v62, v5;
	v11 =	vmul.f32 $1.442695020e+00, v11;
	v8 =	vsub.f32 $0.0e+00, v6  }
0x1cc: {  	v13 =	vmul.f32 $1.442695020e+00, v13;
	(erf) = vpow2.f32 v9;
	v9 =	vsub.f32 $0.0e+00, v3  }
0x1cd: {  	v14 =	vsub.f32 $0.0e+00, v5;
	v8 =	vmul.f32 $1.442695020e+00, v8;
	(erf) = vpow2.f32 v11  }
0x1ce: {  	(erf) = vpow2.f32 v13;
	v9 =	vmul.f32 $1.442695020e+00, v9  }
0x1cf: {  	v11 =	vmul.f32 $1.442695020e+00, v14;
	(erf) = vpow2.f32 v8;
	_ =	sdelay $0x1  }
0x1d0: {  	(erf) = vpow2.f32 v11;
	v8 =	vpop (erf)  }
0x1d1: {  	(erf) = vpow2.f32 v9;
	v8 =	vadd.f32 $1.000000000e+00, v8;
	v9 =	vpop (erf)  }
0x1d2: {  	v9 =	vadd.f32 $1.000000000e+00, v9  }
0x1d3: {  	(erf) = vrcp.f32 v8  }
0x1d4: {  	v11 =	vpop (erf);
	(erf) = vrcp.f32 v9  }
0x1d5: {  	v8 =	vadd.f32 $1.000000000e+00, v11;
	v11 =	vpop (erf)  }
0x1d6: {  	v9 =	vadd.f32 $1.000000000e+00, v11;
	v11 =	vpop (erf)  }
0x1d7: {  	v11 =	vadd.f32 $1.000000000e+00, v11;
	v13 =	vpop (erf);
	(erf) = vrcp.f32 v8  }
0x1d8: {  	v8 =	vadd.f32 $1.000000000e+00, v13;
	(erf) = vrcp.f32 v9  }
0x1d9: {  	(erf) = vrcp.f32 v11  }
0x1da: {  	v13 =	vpop (erf)  }
0x1db: {  	v9 =	vadd.f32 $1.000000000e+00, v13;
	v13 =	vpop (erf)  }
0x1dc: {  	v11 =	vadd.f32 $1.000000000e+00, v13;
	(erf) = vrcp.f32 v8;
	v8 =	vpop (erf)  }
0x1dd: {  	(erf) = vrcp.f32 v9;
	v4 =	vmul.f32 v8, v4;
	v8 =	vpop (erf)  }
0x1de: {  	(erf) = vrcp.f32 v11;
	v8 =	vmul.f32 v8, v12;
	_ =	sdelay $0x1  }
0x1df: {  	v9 =	vpop (erf)  }
0x1e0: {  	[tilespmem:s20+$0x350] =	vst v4;
	v4 =	vmul.f32 v9, v10;
	v9 =	vpop (erf)  }
0x1e1: {  	[tilespmem:s20+$0x340] =	vst v8;
	v8 =	vpop (erf)  }
0x1e2: {  	v2 =	vmul.f32 v8, v2  }
0x1e3: {  	v7 =	vmul.f32 v9, v7  }
0x1e4: {  	[tilespmem:s20+$0x370] =	vst v4;
	v4 =	vpop (erf)  }
0x1e5: {  	[tilespmem:s20+$0x360] =	vst v7;
	v4 =	vmul.f32 v4, v6;
	v6 =	vpop (erf)  }
0x1e6: {  	[tilespmem:s20+$0x320] =	vst v2;
	v5 =	vmul.f32 v6, v5;
	v2 =	vpop (erf)  }
0x1e7: {  	[tilespmem:s20+$0x330] =	vst v4;
	v2 =	vmul.f32 v2, v3  }
0x1e8: {  	[tilespmem:s20+$0x310] =	vst v5  }
0x1e9: {  	[tilespmem:s20+$0x300] =	vst v2  }
0x1ea: {  	[spmem:s2] =	stream.indirect.scatter.add.f32 [tilespmem:s14], [sflag:$0x7], $0x80, s10, s13, $0xb8;
	[tilespmem:$0x1F080] =	vst v63  }
0x1eb: {  	s23 =	simm.s32 $0x0  }
0x1ec: {  	[spmem:s3] =	stream.indirect.scatter.add.f32 [tilespmem:s8], [sflag:$0x7], $0x1, s10, s13, $0xb8;
	[tilespmem:$0x1F080] =	vst v63  }
0x1ed: {  	v2 =	vld [tilespmem:s23+$0x3F20]  }
0x1ee: {  	v3 =	vld [tilespmem:s23+$0x3F40]  }
0x1ef: {  	v6 =	vld [tilespmem:s23+$0x3F60]  }
0x1f0: {  	v7 =	vld [tilespmem:s23+$0x3F70]  }
0x1f1: {  	v4 =	vld [tilespmem:s23+$0x3F50]  }
0x1f2: {  	v5 =	vld [tilespmem:s23+$0x1750]  }
0x1f3: {  	v8 =	vld [tilespmem:s23+$0x1740]  }
0x1f4: {  	v9 =	vld [tilespmem:s23+$0x1770]  }
0x1f5: {  	v10 =	vld [tilespmem:s23+$0x1760]  }
0x1f6: {  	v11 =	vld [tilespmem:s23+$0x1720]  }
0x1f7: {  	v4 =	vadd.f32 v4, v5  }
0x1f8: {  	v5 =	vadd.f32 v3, v8  }
0x1f9: {  	v8 =	vadd.f32 v7, v9;
	v9 =	vld [tilespmem:s23+$0x3F30];
	v3 =	vsub.f32 $0.0e+00, v4  }
0x1fa: {  	v7 =	vadd.f32 v6, v10;
	v6 =	vld [tilespmem:s23+$0x1730];
	v14 =	vsub.f32 $0.0e+00, v5  }
0x1fb: {  	v12 =	vld [tilespmem:s23+$0x3F10];
	v10 =	vmul.f32 $1.442695020e+00, v3;
	v3 =	vadd.f32 v2, v11;
	v2 =	vsub.f32 $0.0e+00, v8  }
0x1fc: {  	v15 =	vsub.f32 $0.0e+00, v7;
	v11 =	vld [tilespmem:s23+$0x1710];
	v14 =	vmul.f32 $1.442695020e+00, v14  }
0x1fd: {  	v13 =	vld [tilespmem:s23+$0x3F00];
	(erf) = vpow2.f32 v10;
	v10 =	vsub.f32 $0.0e+00, v3;
	v2 =	vmul.f32 $1.442695020e+00, v2  }
0x1fe: {  	v63 =	vld [tilespmem:s23+$0x1700];
	(erf) = vpow2.f32 v14;
	v14 =	vmul.f32 $1.442695020e+00, v15  }
0x1ff: {  	v9 =	vadd.f32 v9, v6;
	v10 =	vmul.f32 $1.442695020e+00, v10;
	(erf) = vpow2.f32 v2  }
0x200: {  	(erf) = vpow2.f32 v14  }
0x201: {  	v6 =	vadd.f32 v12, v11;
	(erf) = vpow2.f32 v10;
	v10 =	vsub.f32 $0.0e+00, v9;
	_ =	sdelay $0x1  }
0x202: {  	v2 =	vadd.f32 v13, v63;
	v11 =	vsub.f32 $0.0e+00, v6;
	v10 =	vmul.f32 $1.442695020e+00, v10;
	_ =	sdelay $0x1  }
0x203: {  	v12 =	vsub.f32 $0.0e+00, v2;
	v11 =	vmul.f32 $1.442695020e+00, v11;
	_ =	sdelay $0x1  }
0x204: {  	v12 =	vmul.f32 $1.442695020e+00, v12;
	(erf) = vpow2.f32 v10;
	v10 =	vpop (erf)  }
0x205: {  	(erf) = vpow2.f32 v11;
	v10 =	vadd.f32 $1.000000000e+00, v10  }
0x206: {  	v11 =	vpop (erf);
	(erf) = vpow2.f32 v12  }
0x207: {  	(erf) = vrcp.f32 v10  }
0x208: {  	v11 =	vadd.f32 $1.000000000e+00, v11  }
0x209: {  	v12 =	vpop (erf)  }
0x20a: {  	(erf) = vrcp.f32 v11;
	v10 =	vpop (erf)  }
0x20b: {  	s29 =	simm.s32 $0x400;
	s20 =	simm.s32 $0x200;
	v11 =	vadd.f32 $1.000000000e+00, v12;
	v10 =	vadd.f32 $1.000000000e+00, v10;
	v12 =	vpop (erf)  }
.LBB2_7:
0x20c: {  	p1 =	sne.s32 s29, $0x4E00  }
0x20d: {  	s25 =	sshra.s32 s20, $0x2;
	v12 =	vadd.f32 $1.000000000e+00, v12;
	v13 =	vpop (erf);
	(erf) = vrcp.f32 v11;
	s20 =	smov.u32 s29;
	s29 =	sadd.s32 $0x200, s29  }
0x20e: {  	v11 =	vld [tilespmem:s25+$0x3F20];
	v16 =	vadd.f32 $1.000000000e+00, v13;
	v14 =	vpop (erf);
	(erf) = vrcp.f32 v10  }
0x20f: {  	v10 =	vld [tilespmem:s25+$0x3F40];
	v14 =	vadd.f32 $1.000000000e+00, v14;
	v15 =	vpop (erf);
	(erf) = vrcp.f32 v12  }
0x210: {  	v12 =	vld [tilespmem:s25+$0x3F60];
	v15 =	vadd.f32 $1.000000000e+00, v15;
	(erf) = vrcp.f32 v16;
	v13 =	vpop (erf)  }
0x211: {  	v16 =	vld [tilespmem:s25+$0x3F70];
	v17 =	vmul.f32 v13, v4;
	(erf) = vrcp.f32 v14  }
0x212: {  	v13 =	vld [tilespmem:s25+$0x3F50];
	(erf) = vrcp.f32 v15  }
0x213: {  	v14 =	vld [tilespmem:s25+$0x3F10];
	[tilespmem:s23+$0x1750] =	vst v17;
	v4 =	vpop (erf)  }
0x214: {  	v15 =	vld [tilespmem:s25+$0x1750];
	v5 =	vmul.f32 v4, v5;
	_ =	sdelay $0x1  }
0x215: {  	[tilespmem:s23+$0x1740] =	vst v5;
	v4 =	vpop (erf)  }
0x216: {  	v5 =	vld [tilespmem:s25+$0x1740];
	v20 =	vmul.f32 v4, v8;
	v4 =	vpop (erf)  }
0x217: {  	v17 =	vld [tilespmem:s25+$0x3F00];
	v21 =	vmul.f32 v4, v7;
	v18 =	vpop (erf)  }
0x218: {  	v19 =	vld [tilespmem:s25+$0x3F30];
	v4 =	vadd.f32 v13, v15;
	v18 =	vmul.f32 v18, v3;
	[tilespmem:s23+$0x1770] =	vst v20;
	v8 =	vpop (erf)  }
0x219: {  	v13 =	vld [tilespmem:s25+$0x1770];
	v8 =	vmul.f32 v8, v9;
	[tilespmem:s23+$0x1760] =	vst v21;
	v7 =	vpop (erf)  }
0x21a: {  	v9 =	vsub.f32 $0.0e+00, v4;
	v15 =	vld [tilespmem:s25+$0x1760];
	v6 =	vmul.f32 v7, v6;
	[tilespmem:s23+$0x1720] =	vst v18;
	v3 =	vpop (erf)  }
0x21b: {  	v18 =	vld [tilespmem:s25+$0x1720];
	v5 =	vadd.f32 v10, v5;
	v2 =	vmul.f32 v3, v2;
	[tilespmem:s23+$0x1730] =	vst v8  }
0x21c: {  	v10 =	vld [tilespmem:s25+$0x1730];
	v3 =	vmul.f32 $1.442695020e+00, v9;
	[tilespmem:s23+$0x1710] =	vst v6  }
0x21d: {  	v6 =	vld [tilespmem:s25+$0x1710];
	v7 =	vsub.f32 $0.0e+00, v5;
	[tilespmem:s23+$0x1700] =	vst v2;
	s23 =	smov.u32 s25  }
0x21e: {  	v2 =	vld [tilespmem:s23+$0x1700];
	v8 =	vadd.f32 v16, v13;
	(erf) = vpow2.f32 v3  }
0x21f: {  	v13 =	vmul.f32 $1.442695020e+00, v7;
	v7 =	vadd.f32 v12, v15  }
0x220: {  	v3 =	vadd.f32 v11, v18;
	v11 =	vsub.f32 $0.0e+00, v8  }
0x221: {  	v9 =	vadd.f32 v19, v10;
	v10 =	vsub.f32 $0.0e+00, v7;
	(erf) = vpow2.f32 v13  }
0x222: {  	v6 =	vadd.f32 v14, v6;
	v12 =	vsub.f32 $0.0e+00, v3;
	v11 =	vmul.f32 $1.442695020e+00, v11  }
0x223: {  	v2 =	vadd.f32 v17, v2;
	v13 =	vsub.f32 $0.0e+00, v9;
	v10 =	vmul.f32 $1.442695020e+00, v10  }
0x224: {  	v14 =	vsub.f32 $0.0e+00, v6;
	v15 =	vmul.f32 $1.442695020e+00, v12;
	(erf) = vpow2.f32 v11  }
0x225: {  	v11 =	vsub.f32 $0.0e+00, v2;
	v13 =	vmul.f32 $1.442695020e+00, v13;
	(erf) = vpow2.f32 v10  }
0x226: {  	v10 =	vmul.f32 $1.442695020e+00, v14;
	(erf) = vpow2.f32 v15  }
0x227: {  	v11 =	vmul.f32 $1.442695020e+00, v11;
	(erf) = vpow2.f32 v13;
	v12 =	vpop (erf)  }
0x228: {  	v12 =	vadd.f32 $1.000000000e+00, v12;
	(erf) = vpow2.f32 v10  }
0x229: {  	(erf) = vpow2.f32 v11  }
0x22a: {  	v10 =	vpop (erf);
	(erf) = vrcp.f32 v12  }
.Ltmp4:
0x22b: {  	v11 =	vadd.f32 $1.000000000e+00, v10;
	(pc) =	sbr.rel @p1 .LBB2_7-.Ltmp4, $4  }
0x22c: {  	_ = 	snop  }
0x22d: {  	(erf) = vrcp.f32 v11;
	v10 =	vpop (erf)  }
0x22e: {  	v11 =	vadd.f32 $1.000000000e+00, v10;
	v10 =	vpop (erf)  }
0x22f: {  	v10 =	vadd.f32 $1.000000000e+00, v10;
	v12 =	vpop (erf)  }
0x230: {  	_ = 	snop  }
0x231: {  	s20 =	sshra.s32 s20, $0x2;
	v13 =	vpop (erf)  }
0x232: {  	(erf) = vrcp.f32 v11;
	v11 =	vld [tilespmem:s20+$0x3F20];
	v14 =	vpop (erf)  }
0x233: {  	v15 =	vld [tilespmem:s20+$0x3F40];
	(erf) = vrcp.f32 v10;
	v10 =	vpop (erf)  }
0x234: {  	v16 =	vld [tilespmem:s20+$0x3F60];
	v17 =	vpop (erf)  }
0x235: {  	v12 =	vadd.f32 $1.000000000e+00, v12;
	v18 =	vld [tilespmem:s20+$0x3F70];
	v4 =	vmul.f32 v17, v4  }
0x236: {  	v62 =	vld [tilespmem:s20+$0x3F10];
	v19 =	vpop (erf)  }
0x237: {  	(erf) = vrcp.f32 v12;
	v12 =	vld [tilespmem:s20+$0x3F50];
	[tilespmem:s23+$0x1750] =	vst v4;
	v4 =	vmul.f32 v19, v5  }
0x238: {  	v13 =	vadd.f32 $1.000000000e+00, v13;
	_ =	sdelay $0x1  }
0x239: {  	(erf) = vrcp.f32 v13;
	v13 =	vadd.f32 $1.000000000e+00, v14  }
0x23a: {  	v10 =	vadd.f32 $1.000000000e+00, v10;
	v5 =	vld [tilespmem:s20+$0x1750];
	[tilespmem:s23+$0x1740] =	vst v4;
	v4 =	vpop (erf)  }
0x23b: {  	(erf) = vrcp.f32 v13;
	v4 =	vmul.f32 v4, v8  }
0x23c: {  	(erf) = vrcp.f32 v10  }
0x23d: {  	v13 =	vld [tilespmem:s20+$0x1740]  }
0x23e: {  	v14 =	vld [tilespmem:s20+$0x3F30];
	v10 =	vpop (erf)  }
0x23f: {  	v8 =	vld [tilespmem:s20+$0x3F00];
	[tilespmem:s23+$0x1770] =	vst v4;
	v4 =	vpop (erf)  }
0x240: {  	v3 =	vmul.f32 v4, v3  }
0x241: {  	v7 =	vmul.f32 v10, v7  }
0x242: {  	v4 =	vpop (erf)  }
0x243: {  	v10 =	vld [tilespmem:s20+$0x1770];
	[tilespmem:s23+$0x1760] =	vst v7;
	v4 =	vmul.f32 v4, v9  }
0x244: {  	v7 =	vld [tilespmem:s20+$0x1760];
	[tilespmem:s23+$0x1720] =	vst v3;
	v3 =	vpop (erf)  }
0x245: {  	v9 =	vld [tilespmem:s20+$0x1720];
	[tilespmem:s23+$0x1730] =	vst v4;
	v4 =	vadd.f32 v12, v5;
	v3 =	vmul.f32 v3, v6;
	v5 =	vpop (erf)  }
0x246: {  	v2 =	vmul.f32 v5, v2  }
0x247: {  	v12 =	vadd.f32 v15, v13;
	v6 =	vld [tilespmem:s20+$0x1730];
	[tilespmem:s23+$0x1710] =	vst v3;
	v3 =	vsub.f32 $0.0e+00, v4  }
0x248: {  	v5 =	vld [tilespmem:s20+$0x1710];
	[tilespmem:s23+$0x1700] =	vst v2  }
0x249: {  	v13 =	vsub.f32 $0.0e+00, v12;
	v2 =	vmul.f32 $1.442695020e+00, v3;
	v3 =	vld [tilespmem:s20+$0x1700]  }
0x24a: {  	v10 =	vadd.f32 v18, v10  }
0x24b: {  	v7 =	vadd.f32 v16, v7;
	v13 =	vmul.f32 $1.442695020e+00, v13  }
0x24c: {  	(erf) = vpow2.f32 v2;
	v2 =	vadd.f32 v11, v9;
	v9 =	vsub.f32 $0.0e+00, v10  }
0x24d: {  	v6 =	vadd.f32 v14, v6;
	v11 =	vsub.f32 $0.0e+00, v7;
	(erf) = vpow2.f32 v13  }
0x24e: {  	v13 =	vsub.f32 $0.0e+00, v2;
	v9 =	vmul.f32 $1.442695020e+00, v9;
	v3 =	vadd.f32 v8, v3  }
0x24f: {  	v5 =	vadd.f32 v62, v5;
	v11 =	vmul.f32 $1.442695020e+00, v11;
	v8 =	vsub.f32 $0.0e+00, v6  }
0x250: {  	v13 =	vmul.f32 $1.442695020e+00, v13;
	(erf) = vpow2.f32 v9;
	v9 =	vsub.f32 $0.0e+00, v3  }
0x251: {  	v14 =	vsub.f32 $0.0e+00, v5;
	v8 =	vmul.f32 $1.442695020e+00, v8;
	(erf) = vpow2.f32 v11  }
0x252: {  	(erf) = vpow2.f32 v13;
	v9 =	vmul.f32 $1.442695020e+00, v9  }
0x253: {  	v11 =	vmul.f32 $1.442695020e+00, v14;
	(erf) = vpow2.f32 v8;
	_ =	sdelay $0x1  }
0x254: {  	(erf) = vpow2.f32 v11;
	v8 =	vpop (erf)  }
0x255: {  	(erf) = vpow2.f32 v9;
	v8 =	vadd.f32 $1.000000000e+00, v8;
	v9 =	vpop (erf)  }
0x256: {  	v9 =	vadd.f32 $1.000000000e+00, v9  }
0x257: {  	(erf) = vrcp.f32 v8  }
0x258: {  	v11 =	vpop (erf);
	(erf) = vrcp.f32 v9  }
0x259: {  	v8 =	vadd.f32 $1.000000000e+00, v11;
	v11 =	vpop (erf)  }
0x25a: {  	v9 =	vadd.f32 $1.000000000e+00, v11;
	v11 =	vpop (erf)  }
0x25b: {  	v11 =	vadd.f32 $1.000000000e+00, v11;
	v13 =	vpop (erf);
	(erf) = vrcp.f32 v8  }
0x25c: {  	v8 =	vadd.f32 $1.000000000e+00, v13;
	(erf) = vrcp.f32 v9  }
0x25d: {  	(erf) = vrcp.f32 v11  }
0x25e: {  	v13 =	vpop (erf)  }
0x25f: {  	v9 =	vadd.f32 $1.000000000e+00, v13;
	v13 =	vpop (erf)  }
0x260: {  	v11 =	vadd.f32 $1.000000000e+00, v13;
	(erf) = vrcp.f32 v8;
	v8 =	vpop (erf)  }
0x261: {  	(erf) = vrcp.f32 v9;
	v4 =	vmul.f32 v8, v4;
	v8 =	vpop (erf)  }
0x262: {  	(erf) = vrcp.f32 v11;
	v8 =	vmul.f32 v8, v12;
	_ =	sdelay $0x1  }
0x263: {  	v9 =	vpop (erf)  }
0x264: {  	[tilespmem:s20+$0x1750] =	vst v4;
	v4 =	vmul.f32 v9, v10;
	v9 =	vpop (erf)  }
0x265: {  	[tilespmem:s20+$0x1740] =	vst v8;
	v8 =	vpop (erf)  }
0x266: {  	v2 =	vmul.f32 v8, v2  }
0x267: {  	v7 =	vmul.f32 v9, v7  }
0x268: {  	[tilespmem:s20+$0x1770] =	vst v4;
	v4 =	vpop (erf)  }
0x269: {  	[tilespmem:s20+$0x1760] =	vst v7;
	v4 =	vmul.f32 v4, v6;
	v6 =	vpop (erf)  }
0x26a: {  	[tilespmem:s20+$0x1720] =	vst v2;
	v5 =	vmul.f32 v6, v5;
	v2 =	vpop (erf)  }
0x26b: {  	[tilespmem:s20+$0x1730] =	vst v4;
	v2 =	vmul.f32 v2, v3  }
0x26c: {  	[tilespmem:s20+$0x1710] =	vst v5  }
0x26d: {  	[tilespmem:s20+$0x1700] =	vst v2  }
0x26e: {  	_ =	swait.ge [sflag:s9], $0x1400  }
0x26f: {  	[sflag:s9] =	ssyncset.done $0x0  }
0x270: {  	[sflag:s9] =	ssyncadd.s32 $0xFFFFEC00  }
0x271: {  	_ =	swait.ge [sflag:s9], $0x28  }
0x272: {  	[sflag:s9] =	ssyncset.done $0x0  }
0x273: {  	s25 =	simm.s32 $0x1700;
	[sflag:s9] =	ssyncadd.s32 $0xFFFFFFD8  }
0x274: {  	[spmem:s2] =	stream.indirect.scatter.add.f32 [tilespmem:s25], [sflag:$0x7], $0x80, s11, s13, $0xb8;
	[tilespmem:$0x1F080] =	vst v63  }
0x275: {  	_ = 	snop  }
0x276: {  	[spmem:s3] =	stream.indirect.scatter.add.f32 [tilespmem:s8], [sflag:$0x7], $0x1, s11, s13, $0xb8;
	[tilespmem:$0x1F080] =	vst v63  }
0x277: {  	_ =	swait.ge [sflag:s9], $0x1400  }
0x278: {  	[sflag:s9] =	ssyncset.done $0x0  }
0x279: {  	[sflag:s9] =	ssyncadd.s32 $0xFFFFEC00  }
0x27a: {  	_ =	swait.ge [sflag:s9], $0x28  }
0x27b: {  	s23 =	rddreg [dreg:$0x18]  }
0x27c: {  	s20 =	sadd.s32 s1, s23  }
0x27d: {  	[sflag:s9] =	ssyncset.done $0x0;
	s23 =	sshrl.u32 s20, $0x3  }
0x27e: {  	s29 =	simm.s32 $0x0;
	[sflag:s9] =	ssyncadd.s32 $0xFFFFFFD8;
	s25 =	sadd.s32 s6, s23  }
0x27f: {  	[tilespmem:s29], [sflag:$0x1] =	stream.linear.gather [hbm4b:s25+s29], $0x50, $0x38;
	[tilespmem:$0x1F080] =	vst v63  }
0x280: {  	s23 =	sadd.s32 s7, s23;
	s25 =	sadd.s32 $0x28, s20  }
0x281: {  	[tilespmem:s10], [sflag:$0x1] =	stream.linear.gather [hbm4b:s23+s29], $0x28, $0x38;
	[tilespmem:$0x1F080] =	vst v63  }
0x282: {  	s23 =	sshrl.u32 s25, $0x3  }
0x283: {  	s23 =	sadd.s32 s7, s23  }
0x284: {  	[tilespmem:s11], [sflag:$0x1] =	stream.linear.gather [hbm4b:s23+s29], $0x28, $0x38;
	[tilespmem:$0x1F080] =	vst v63  }
0x285: {  	_ =	swait.ge [sflag:s17], $0x50  }
0x286: {  	[sflag:s17] =	ssyncset.done $0x0  }
0x287: {  	[sflag:s17] =	ssyncadd.s32 $0xFFFFFFB0  }
0x288: {  	_ =	swait.ge [sflag:s17], $0x28  }
0x289: {  	[sflag:s17] =	ssyncset.done $0x0  }
0x28a: {  	[sflag:s17] =	ssyncadd.s32 $0xFFFFFFD8  }
0x28b: {  	_ =	swait.ge [sflag:s17], $0x28  }
0x28c: {  	s20 =	sshll.u32 s20, $0x8;
	[sflag:s17] =	ssyncset.done $0x0  }
0x28d: {  	s20 =	sor.u32 s19, s20;
	[sflag:s17] =	ssyncadd.s32 $0xFFFFFFD8  }
0x28e: {  	[tilespmem:s14], [sflag:$0x3] =	stream.indirect.gather [hbm4b:s18+s12], $0x80, s29, s12, $0xb8;
	[tilespmem:$0x1F080] =	vst v63  }
0x28f: {  	s20 =	sshrl.u32 s20, $0x3;
	s25 =	rddreg [dreg:$0x2]  }
0x290: {  	s20 =	sadd.s32 s25, s20;
	s25 =	simm.s32 $0x2B00  }
0x291: {  	[tilespmem:s25], [sflag:$0x5] =	stream.strided.gather [hbm4b:s20+s15], $0x2800, s16, s15, $0x38;
	[tilespmem:$0x1F080] =	vst v63  }
0x292: {  	_ =	swait.ge [sflag:s26], $0x2800  }
0x293: {  	[sflag:s26] =	ssyncset.done $0x0  }
0x294: {  	[sflag:s26] =	ssyncadd.s32 $0xFFFFD800  }
0x295: {  	_ =	swait.ge [sflag:s0], $0x2800  }
0x296: {  	[sflag:s0] =	ssyncset.done $0x0  }
0x297: {  	s23 =	simm.s32 $0x0;
	[sflag:s0] =	ssyncadd.s32 $0xFFFFD800  }
0x298: {  	v2 =	vld [tilespmem:s23+$0x7B20]  }
0x299: {  	v3 =	vld [tilespmem:s23+$0x7B40]  }
0x29a: {  	v6 =	vld [tilespmem:s23+$0x7B60]  }
0x29b: {  	v7 =	vld [tilespmem:s23+$0x7B70]  }
0x29c: {  	v4 =	vld [tilespmem:s23+$0x7B50]  }
0x29d: {  	v5 =	vld [tilespmem:s23+$0x5350]  }
0x29e: {  	v8 =	vld [tilespmem:s23+$0x5340]  }
0x29f: {  	v9 =	vld [tilespmem:s23+$0x5370]  }
0x2a0: {  	v10 =	vld [tilespmem:s23+$0x5360]  }
0x2a1: {  	v11 =	vld [tilespmem:s23+$0x5320]  }
0x2a2: {  	v4 =	vadd.f32 v4, v5  }
0x2a3: {  	v5 =	vadd.f32 v3, v8  }
0x2a4: {  	v8 =	vadd.f32 v7, v9;
	v9 =	vld [tilespmem:s23+$0x7B30];
	v3 =	vsub.f32 $0.0e+00, v4  }
0x2a5: {  	v7 =	vadd.f32 v6, v10;
	v6 =	vld [tilespmem:s23+$0x5330];
	v14 =	vsub.f32 $0.0e+00, v5  }
0x2a6: {  	v12 =	vld [tilespmem:s23+$0x7B10];
	v10 =	vmul.f32 $1.442695020e+00, v3;
	v3 =	vadd.f32 v2, v11;
	v2 =	vsub.f32 $0.0e+00, v8  }
0x2a7: {  	v15 =	vsub.f32 $0.0e+00, v7;
	v11 =	vld [tilespmem:s23+$0x5310];
	v14 =	vmul.f32 $1.442695020e+00, v14  }
0x2a8: {  	v13 =	vld [tilespmem:s23+$0x7B00];
	(erf) = vpow2.f32 v10;
	v10 =	vsub.f32 $0.0e+00, v3;
	v2 =	vmul.f32 $1.442695020e+00, v2  }
0x2a9: {  	v63 =	vld [tilespmem:s23+$0x5300];
	(erf) = vpow2.f32 v14;
	v14 =	vmul.f32 $1.442695020e+00, v15  }
0x2aa: {  	v9 =	vadd.f32 v9, v6;
	v10 =	vmul.f32 $1.442695020e+00, v10;
	(erf) = vpow2.f32 v2  }
0x2ab: {  	(erf) = vpow2.f32 v14  }
0x2ac: {  	v6 =	vadd.f32 v12, v11;
	(erf) = vpow2.f32 v10;
	v10 =	vsub.f32 $0.0e+00, v9;
	_ =	sdelay $0x1  }
0x2ad: {  	v2 =	vadd.f32 v13, v63;
	v11 =	vsub.f32 $0.0e+00, v6;
	v10 =	vmul.f32 $1.442695020e+00, v10;
	_ =	sdelay $0x1  }
0x2ae: {  	v12 =	vsub.f32 $0.0e+00, v2;
	v11 =	vmul.f32 $1.442695020e+00, v11;
	_ =	sdelay $0x1  }
0x2af: {  	v12 =	vmul.f32 $1.442695020e+00, v12;
	(erf) = vpow2.f32 v10;
	v10 =	vpop (erf)  }
0x2b0: {  	(erf) = vpow2.f32 v11;
	v10 =	vadd.f32 $1.000000000e+00, v10  }
0x2b1: {  	v11 =	vpop (erf);
	(erf) = vpow2.f32 v12  }
0x2b2: {  	(erf) = vrcp.f32 v10  }
0x2b3: {  	v11 =	vadd.f32 $1.000000000e+00, v11  }
0x2b4: {  	v12 =	vpop (erf)  }
0x2b5: {  	(erf) = vrcp.f32 v11;
	v10 =	vpop (erf)  }
0x2b6: {  	s29 =	simm.s32 $0x400;
	s20 =	simm.s32 $0x200;
	v11 =	vadd.f32 $1.000000000e+00, v12;
	v10 =	vadd.f32 $1.000000000e+00, v10;
	v12 =	vpop (erf)  }
.LBB2_9:
0x2b7: {  	p1 =	sne.s32 s29, $0x4E00  }
0x2b8: {  	s25 =	sshra.s32 s20, $0x2;
	v12 =	vadd.f32 $1.000000000e+00, v12;
	v13 =	vpop (erf);
	(erf) = vrcp.f32 v11;
	s20 =	smov.u32 s29;
	s29 =	sadd.s32 $0x200, s29  }
0x2b9: {  	v11 =	vld [tilespmem:s25+$0x7B20];
	v16 =	vadd.f32 $1.000000000e+00, v13;
	v14 =	vpop (erf);
	(erf) = vrcp.f32 v10  }
0x2ba: {  	v10 =	vld [tilespmem:s25+$0x7B40];
	v14 =	vadd.f32 $1.000000000e+00, v14;
	v15 =	vpop (erf);
	(erf) = vrcp.f32 v12  }
0x2bb: {  	v12 =	vld [tilespmem:s25+$0x7B60];
	v15 =	vadd.f32 $1.000000000e+00, v15;
	(erf) = vrcp.f32 v16;
	v13 =	vpop (erf)  }
0x2bc: {  	v16 =	vld [tilespmem:s25+$0x7B70];
	v17 =	vmul.f32 v13, v4;
	(erf) = vrcp.f32 v14  }
0x2bd: {  	v13 =	vld [tilespmem:s25+$0x7B50];
	(erf) = vrcp.f32 v15  }
0x2be: {  	v14 =	vld [tilespmem:s25+$0x7B10];
	[tilespmem:s23+$0x5350] =	vst v17;
	v4 =	vpop (erf)  }
0x2bf: {  	v15 =	vld [tilespmem:s25+$0x5350];
	v5 =	vmul.f32 v4, v5;
	_ =	sdelay $0x1  }
0x2c0: {  	[tilespmem:s23+$0x5340] =	vst v5;
	v4 =	vpop (erf)  }
0x2c1: {  	v5 =	vld [tilespmem:s25+$0x5340];
	v20 =	vmul.f32 v4, v8;
	v4 =	vpop (erf)  }
0x2c2: {  	v17 =	vld [tilespmem:s25+$0x7B00];
	v21 =	vmul.f32 v4, v7;
	v18 =	vpop (erf)  }
0x2c3: {  	v19 =	vld [tilespmem:s25+$0x7B30];
	v4 =	vadd.f32 v13, v15;
	v18 =	vmul.f32 v18, v3;
	[tilespmem:s23+$0x5370] =	vst v20;
	v8 =	vpop (erf)  }
0x2c4: {  	v13 =	vld [tilespmem:s25+$0x5370];
	v8 =	vmul.f32 v8, v9;
	[tilespmem:s23+$0x5360] =	vst v21;
	v7 =	vpop (erf)  }
0x2c5: {  	v9 =	vsub.f32 $0.0e+00, v4;
	v15 =	vld [tilespmem:s25+$0x5360];
	v6 =	vmul.f32 v7, v6;
	[tilespmem:s23+$0x5320] =	vst v18;
	v3 =	vpop (erf)  }
0x2c6: {  	v18 =	vld [tilespmem:s25+$0x5320];
	v5 =	vadd.f32 v10, v5;
	v2 =	vmul.f32 v3, v2;
	[tilespmem:s23+$0x5330] =	vst v8  }
0x2c7: {  	v10 =	vld [tilespmem:s25+$0x5330];
	v3 =	vmul.f32 $1.442695020e+00, v9;
	[tilespmem:s23+$0x5310] =	vst v6  }
0x2c8: {  	v6 =	vld [tilespmem:s25+$0x5310];
	v7 =	vsub.f32 $0.0e+00, v5;
	[tilespmem:s23+$0x5300] =	vst v2;
	s23 =	smov.u32 s25  }
0x2c9: {  	v2 =	vld [tilespmem:s23+$0x5300];
	v8 =	vadd.f32 v16, v13;
	(erf) = vpow2.f32 v3  }
0x2ca: {  	v13 =	vmul.f32 $1.442695020e+00, v7;
	v7 =	vadd.f32 v12, v15  }
0x2cb: {  	v3 =	vadd.f32 v11, v18;
	v11 =	vsub.f32 $0.0e+00, v8  }
0x2cc: {  	v9 =	vadd.f32 v19, v10;
	v10 =	vsub.f32 $0.0e+00, v7;
	(erf) = vpow2.f32 v13  }
0x2cd: {  	v6 =	vadd.f32 v14, v6;
	v12 =	vsub.f32 $0.0e+00, v3;
	v11 =	vmul.f32 $1.442695020e+00, v11  }
0x2ce: {  	v2 =	vadd.f32 v17, v2;
	v13 =	vsub.f32 $0.0e+00, v9;
	v10 =	vmul.f32 $1.442695020e+00, v10  }
0x2cf: {  	v14 =	vsub.f32 $0.0e+00, v6;
	v15 =	vmul.f32 $1.442695020e+00, v12;
	(erf) = vpow2.f32 v11  }
0x2d0: {  	v11 =	vsub.f32 $0.0e+00, v2;
	v13 =	vmul.f32 $1.442695020e+00, v13;
	(erf) = vpow2.f32 v10  }
0x2d1: {  	v10 =	vmul.f32 $1.442695020e+00, v14;
	(erf) = vpow2.f32 v15  }
0x2d2: {  	v11 =	vmul.f32 $1.442695020e+00, v11;
	(erf) = vpow2.f32 v13;
	v12 =	vpop (erf)  }
0x2d3: {  	v12 =	vadd.f32 $1.000000000e+00, v12;
	(erf) = vpow2.f32 v10  }
0x2d4: {  	(erf) = vpow2.f32 v11  }
0x2d5: {  	v10 =	vpop (erf);
	(erf) = vrcp.f32 v12  }
.Ltmp5:
0x2d6: {  	v11 =	vadd.f32 $1.000000000e+00, v10;
	(pc) =	sbr.rel @p1 .LBB2_9-.Ltmp5, $4  }
0x2d7: {  	_ = 	snop  }
0x2d8: {  	(erf) = vrcp.f32 v11;
	v10 =	vpop (erf)  }
0x2d9: {  	v11 =	vadd.f32 $1.000000000e+00, v10;
	v10 =	vpop (erf)  }
0x2da: {  	v10 =	vadd.f32 $1.000000000e+00, v10;
	v12 =	vpop (erf)  }
0x2db: {  	_ = 	snop  }
0x2dc: {  	s20 =	sshra.s32 s20, $0x2;
	v13 =	vpop (erf)  }
0x2dd: {  	(erf) = vrcp.f32 v11;
	v11 =	vld [tilespmem:s20+$0x7B20];
	v14 =	vpop (erf)  }
0x2de: {  	v15 =	vld [tilespmem:s20+$0x7B40];
	(erf) = vrcp.f32 v10;
	v10 =	vpop (erf)  }
0x2df: {  	v16 =	vld [tilespmem:s20+$0x7B60];
	v17 =	vpop (erf)  }
0x2e0: {  	v12 =	vadd.f32 $1.000000000e+00, v12;
	v18 =	vld [tilespmem:s20+$0x7B70];
	v4 =	vmul.f32 v17, v4  }
0x2e1: {  	v62 =	vld [tilespmem:s20+$0x7B10];
	v19 =	vpop (erf)  }
0x2e2: {  	(erf) = vrcp.f32 v12;
	v12 =	vld [tilespmem:s20+$0x7B50];
	[tilespmem:s23+$0x5350] =	vst v4;
	v4 =	vmul.f32 v19, v5  }
0x2e3: {  	v13 =	vadd.f32 $1.000000000e+00, v13;
	_ =	sdelay $0x1  }
0x2e4: {  	(erf) = vrcp.f32 v13;
	v13 =	vadd.f32 $1.000000000e+00, v14  }
0x2e5: {  	v10 =	vadd.f32 $1.000000000e+00, v10;
	v5 =	vld [tilespmem:s20+$0x5350];
	[tilespmem:s23+$0x5340] =	vst v4;
	v4 =	vpop (erf)  }
0x2e6: {  	(erf) = vrcp.f32 v13;
	v4 =	vmul.f32 v4, v8  }
0x2e7: {  	(erf) = vrcp.f32 v10  }
0x2e8: {  	v13 =	vld [tilespmem:s20+$0x5340]  }
0x2e9: {  	v14 =	vld [tilespmem:s20+$0x7B30];
	v10 =	vpop (erf)  }
0x2ea: {  	v8 =	vld [tilespmem:s20+$0x7B00];
	[tilespmem:s23+$0x5370] =	vst v4;
	v4 =	vpop (erf)  }
0x2eb: {  	v3 =	vmul.f32 v4, v3  }
0x2ec: {  	v7 =	vmul.f32 v10, v7  }
0x2ed: {  	v4 =	vpop (erf)  }
0x2ee: {  	v10 =	vld [tilespmem:s20+$0x5370];
	[tilespmem:s23+$0x5360] =	vst v7;
	v4 =	vmul.f32 v4, v9  }
0x2ef: {  	v7 =	vld [tilespmem:s20+$0x5360];
	[tilespmem:s23+$0x5320] =	vst v3;
	v3 =	vpop (erf)  }
0x2f0: {  	v9 =	vld [tilespmem:s20+$0x5320];
	[tilespmem:s23+$0x5330] =	vst v4;
	v4 =	vadd.f32 v12, v5;
	v3 =	vmul.f32 v3, v6;
	v5 =	vpop (erf)  }
0x2f1: {  	v2 =	vmul.f32 v5, v2  }
0x2f2: {  	v12 =	vadd.f32 v15, v13;
	v6 =	vld [tilespmem:s20+$0x5330];
	[tilespmem:s23+$0x5310] =	vst v3;
	v3 =	vsub.f32 $0.0e+00, v4  }
0x2f3: {  	v5 =	vld [tilespmem:s20+$0x5310];
	[tilespmem:s23+$0x5300] =	vst v2  }
0x2f4: {  	v13 =	vsub.f32 $0.0e+00, v12;
	v2 =	vmul.f32 $1.442695020e+00, v3;
	v3 =	vld [tilespmem:s20+$0x5300]  }
0x2f5: {  	v10 =	vadd.f32 v18, v10  }
0x2f6: {  	v7 =	vadd.f32 v16, v7;
	v13 =	vmul.f32 $1.442695020e+00, v13  }
0x2f7: {  	(erf) = vpow2.f32 v2;
	v2 =	vadd.f32 v11, v9;
	v9 =	vsub.f32 $0.0e+00, v10  }
0x2f8: {  	v6 =	vadd.f32 v14, v6;
	v11 =	vsub.f32 $0.0e+00, v7;
	(erf) = vpow2.f32 v13  }
0x2f9: {  	v13 =	vsub.f32 $0.0e+00, v2;
	v9 =	vmul.f32 $1.442695020e+00, v9;
	v3 =	vadd.f32 v8, v3  }
0x2fa: {  	v5 =	vadd.f32 v62, v5;
	v11 =	vmul.f32 $1.442695020e+00, v11;
	v8 =	vsub.f32 $0.0e+00, v6  }
0x2fb: {  	v13 =	vmul.f32 $1.442695020e+00, v13;
	(erf) = vpow2.f32 v9;
	v9 =	vsub.f32 $0.0e+00, v3  }
0x2fc: {  	v14 =	vsub.f32 $0.0e+00, v5;
	v8 =	vmul.f32 $1.442695020e+00, v8;
	(erf) = vpow2.f32 v11  }
0x2fd: {  	(erf) = vpow2.f32 v13;
	v9 =	vmul.f32 $1.442695020e+00, v9  }
0x2fe: {  	v11 =	vmul.f32 $1.442695020e+00, v14;
	(erf) = vpow2.f32 v8;
	_ =	sdelay $0x1  }
0x2ff: {  	(erf) = vpow2.f32 v11;
	v8 =	vpop (erf)  }
0x300: {  	(erf) = vpow2.f32 v9;
	v8 =	vadd.f32 $1.000000000e+00, v8;
	v9 =	vpop (erf)  }
0x301: {  	v9 =	vadd.f32 $1.000000000e+00, v9  }
0x302: {  	(erf) = vrcp.f32 v8  }
0x303: {  	v11 =	vpop (erf);
	(erf) = vrcp.f32 v9  }
0x304: {  	v8 =	vadd.f32 $1.000000000e+00, v11;
	v11 =	vpop (erf)  }
0x305: {  	v9 =	vadd.f32 $1.000000000e+00, v11;
	v11 =	vpop (erf)  }
0x306: {  	v11 =	vadd.f32 $1.000000000e+00, v11;
	v13 =	vpop (erf);
	(erf) = vrcp.f32 v8  }
0x307: {  	v8 =	vadd.f32 $1.000000000e+00, v13;
	(erf) = vrcp.f32 v9  }
0x308: {  	(erf) = vrcp.f32 v11  }
0x309: {  	v13 =	vpop (erf)  }
0x30a: {  	v9 =	vadd.f32 $1.000000000e+00, v13;
	v13 =	vpop (erf)  }
0x30b: {  	v11 =	vadd.f32 $1.000000000e+00, v13;
	(erf) = vrcp.f32 v8;
	v8 =	vpop (erf)  }
0x30c: {  	(erf) = vrcp.f32 v9;
	v4 =	vmul.f32 v8, v4;
	v8 =	vpop (erf)  }
0x30d: {  	(erf) = vrcp.f32 v11;
	v8 =	vmul.f32 v8, v12;
	_ =	sdelay $0x1  }
0x30e: {  	v9 =	vpop (erf)  }
0x30f: {  	[tilespmem:s20+$0x5350] =	vst v4;
	v4 =	vmul.f32 v9, v10;
	v9 =	vpop (erf)  }
0x310: {  	[tilespmem:s20+$0x5340] =	vst v8;
	v8 =	vpop (erf)  }
0x311: {  	v2 =	vmul.f32 v8, v2  }
0x312: {  	v7 =	vmul.f32 v9, v7  }
0x313: {  	[tilespmem:s20+$0x5370] =	vst v4;
	v4 =	vpop (erf)  }
0x314: {  	[tilespmem:s20+$0x5360] =	vst v7;
	v4 =	vmul.f32 v4, v6;
	v6 =	vpop (erf)  }
0x315: {  	[tilespmem:s20+$0x5320] =	vst v2;
	v5 =	vmul.f32 v6, v5;
	v2 =	vpop (erf)  }
0x316: {  	[tilespmem:s20+$0x5330] =	vst v4;
	v2 =	vmul.f32 v2, v3  }
0x317: {  	[tilespmem:s20+$0x5310] =	vst v5  }
0x318: {  	s25 =	simm.s32 $0x5300;
	[tilespmem:s20+$0x5300] =	vst v2  }
0x319: {  	[spmem:s2] =	stream.indirect.scatter.add.f32 [tilespmem:s25], [sflag:$0x7], $0x80, s21, s13, $0xb8;
	[tilespmem:$0x1F080] =	vst v63  }
0x31a: {  	s23 =	simm.s32 $0x0  }
0x31b: {  	[spmem:s3] =	stream.indirect.scatter.add.f32 [tilespmem:s8], [sflag:$0x7], $0x1, s21, s13, $0xb8;
	[tilespmem:$0x1F080] =	vst v63  }
0x31c: {  	v2 =	vld [tilespmem:s23+$0x8F20]  }
0x31d: {  	v3 =	vld [tilespmem:s23+$0x8F40]  }
0x31e: {  	v6 =	vld [tilespmem:s23+$0x8F60]  }
0x31f: {  	v7 =	vld [tilespmem:s23+$0x8F70]  }
0x320: {  	v4 =	vld [tilespmem:s23+$0x8F50]  }
0x321: {  	v5 =	vld [tilespmem:s23+$0x6750]  }
0x322: {  	v8 =	vld [tilespmem:s23+$0x6740]  }
0x323: {  	v9 =	vld [tilespmem:s23+$0x6770]  }
0x324: {  	v10 =	vld [tilespmem:s23+$0x6760]  }
0x325: {  	v11 =	vld [tilespmem:s23+$0x6720]  }
0x326: {  	v4 =	vadd.f32 v4, v5  }
0x327: {  	v5 =	vadd.f32 v3, v8  }
0x328: {  	v8 =	vadd.f32 v7, v9;
	v9 =	vld [tilespmem:s23+$0x8F30];
	v3 =	vsub.f32 $0.0e+00, v4  }
0x329: {  	v7 =	vadd.f32 v6, v10;
	v6 =	vld [tilespmem:s23+$0x6730];
	v14 =	vsub.f32 $0.0e+00, v5  }
0x32a: {  	v12 =	vld [tilespmem:s23+$0x8F10];
	v10 =	vmul.f32 $1.442695020e+00, v3;
	v3 =	vadd.f32 v2, v11;
	v2 =	vsub.f32 $0.0e+00, v8  }
0x32b: {  	v15 =	vsub.f32 $0.0e+00, v7;
	v11 =	vld [tilespmem:s23+$0x6710];
	v14 =	vmul.f32 $1.442695020e+00, v14  }
0x32c: {  	v13 =	vld [tilespmem:s23+$0x8F00];
	(erf) = vpow2.f32 v10;
	v10 =	vsub.f32 $0.0e+00, v3;
	v2 =	vmul.f32 $1.442695020e+00, v2  }
0x32d: {  	v63 =	vld [tilespmem:s23+$0x6700];
	(erf) = vpow2.f32 v14;
	v14 =	vmul.f32 $1.442695020e+00, v15  }
0x32e: {  	v9 =	vadd.f32 v9, v6;
	v10 =	vmul.f32 $1.442695020e+00, v10;
	(erf) = vpow2.f32 v2  }
0x32f: {  	(erf) = vpow2.f32 v14  }
0x330: {  	v6 =	vadd.f32 v12, v11;
	(erf) = vpow2.f32 v10;
	v10 =	vsub.f32 $0.0e+00, v9;
	_ =	sdelay $0x1  }
0x331: {  	v2 =	vadd.f32 v13, v63;
	v11 =	vsub.f32 $0.0e+00, v6;
	v10 =	vmul.f32 $1.442695020e+00, v10;
	_ =	sdelay $0x1  }
0x332: {  	v12 =	vsub.f32 $0.0e+00, v2;
	v11 =	vmul.f32 $1.442695020e+00, v11;
	_ =	sdelay $0x1  }
0x333: {  	v12 =	vmul.f32 $1.442695020e+00, v12;
	(erf) = vpow2.f32 v10;
	v10 =	vpop (erf)  }
0x334: {  	(erf) = vpow2.f32 v11;
	v10 =	vadd.f32 $1.000000000e+00, v10  }
0x335: {  	v11 =	vpop (erf);
	(erf) = vpow2.f32 v12  }
0x336: {  	(erf) = vrcp.f32 v10  }
0x337: {  	v11 =	vadd.f32 $1.000000000e+00, v11  }
0x338: {  	v12 =	vpop (erf)  }
0x339: {  	(erf) = vrcp.f32 v11;
	v10 =	vpop (erf)  }
0x33a: {  	s29 =	simm.s32 $0x400;
	s20 =	simm.s32 $0x200;
	v11 =	vadd.f32 $1.000000000e+00, v12;
	v10 =	vadd.f32 $1.000000000e+00, v10;
	v12 =	vpop (erf)  }
.LBB2_11:
0x33b: {  	p1 =	sne.s32 s29, $0x4E00  }
0x33c: {  	s25 =	sshra.s32 s20, $0x2;
	v12 =	vadd.f32 $1.000000000e+00, v12;
	v13 =	vpop (erf);
	(erf) = vrcp.f32 v11;
	s20 =	smov.u32 s29;
	s29 =	sadd.s32 $0x200, s29  }
0x33d: {  	v11 =	vld [tilespmem:s25+$0x8F20];
	v16 =	vadd.f32 $1.000000000e+00, v13;
	v14 =	vpop (erf);
	(erf) = vrcp.f32 v10  }
0x33e: {  	v10 =	vld [tilespmem:s25+$0x8F40];
	v14 =	vadd.f32 $1.000000000e+00, v14;
	v15 =	vpop (erf);
	(erf) = vrcp.f32 v12  }
0x33f: {  	v12 =	vld [tilespmem:s25+$0x8F60];
	v15 =	vadd.f32 $1.000000000e+00, v15;
	(erf) = vrcp.f32 v16;
	v13 =	vpop (erf)  }
0x340: {  	v16 =	vld [tilespmem:s25+$0x8F70];
	v17 =	vmul.f32 v13, v4;
	(erf) = vrcp.f32 v14  }
0x341: {  	v13 =	vld [tilespmem:s25+$0x8F50];
	(erf) = vrcp.f32 v15  }
0x342: {  	v14 =	vld [tilespmem:s25+$0x8F10];
	[tilespmem:s23+$0x6750] =	vst v17;
	v4 =	vpop (erf)  }
0x343: {  	v15 =	vld [tilespmem:s25+$0x6750];
	v5 =	vmul.f32 v4, v5;
	_ =	sdelay $0x1  }
0x344: {  	[tilespmem:s23+$0x6740] =	vst v5;
	v4 =	vpop (erf)  }
0x345: {  	v5 =	vld [tilespmem:s25+$0x6740];
	v20 =	vmul.f32 v4, v8;
	v4 =	vpop (erf)  }
0x346: {  	v17 =	vld [tilespmem:s25+$0x8F00];
	v21 =	vmul.f32 v4, v7;
	v18 =	vpop (erf)  }
0x347: {  	v19 =	vld [tilespmem:s25+$0x8F30];
	v4 =	vadd.f32 v13, v15;
	v18 =	vmul.f32 v18, v3;
	[tilespmem:s23+$0x6770] =	vst v20;
	v8 =	vpop (erf)  }
0x348: {  	v13 =	vld [tilespmem:s25+$0x6770];
	v8 =	vmul.f32 v8, v9;
	[tilespmem:s23+$0x6760] =	vst v21;
	v7 =	vpop (erf)  }
0x349: {  	v9 =	vsub.f32 $0.0e+00, v4;
	v15 =	vld [tilespmem:s25+$0x6760];
	v6 =	vmul.f32 v7, v6;
	[tilespmem:s23+$0x6720] =	vst v18;
	v3 =	vpop (erf)  }
0x34a: {  	v18 =	vld [tilespmem:s25+$0x6720];
	v5 =	vadd.f32 v10, v5;
	v2 =	vmul.f32 v3, v2;
	[tilespmem:s23+$0x6730] =	vst v8  }
0x34b: {  	v10 =	vld [tilespmem:s25+$0x6730];
	v3 =	vmul.f32 $1.442695020e+00, v9;
	[tilespmem:s23+$0x6710] =	vst v6  }
0x34c: {  	v6 =	vld [tilespmem:s25+$0x6710];
	v7 =	vsub.f32 $0.0e+00, v5;
	[tilespmem:s23+$0x6700] =	vst v2;
	s23 =	smov.u32 s25  }
0x34d: {  	v2 =	vld [tilespmem:s23+$0x6700];
	v8 =	vadd.f32 v16, v13;
	(erf) = vpow2.f32 v3  }
0x34e: {  	v13 =	vmul.f32 $1.442695020e+00, v7;
	v7 =	vadd.f32 v12, v15  }
0x34f: {  	v3 =	vadd.f32 v11, v18;
	v11 =	vsub.f32 $0.0e+00, v8  }
0x350: {  	v9 =	vadd.f32 v19, v10;
	v10 =	vsub.f32 $0.0e+00, v7;
	(erf) = vpow2.f32 v13  }
0x351: {  	v6 =	vadd.f32 v14, v6;
	v12 =	vsub.f32 $0.0e+00, v3;
	v11 =	vmul.f32 $1.442695020e+00, v11  }
0x352: {  	v2 =	vadd.f32 v17, v2;
	v13 =	vsub.f32 $0.0e+00, v9;
	v10 =	vmul.f32 $1.442695020e+00, v10  }
0x353: {  	v14 =	vsub.f32 $0.0e+00, v6;
	v15 =	vmul.f32 $1.442695020e+00, v12;
	(erf) = vpow2.f32 v11  }
0x354: {  	v11 =	vsub.f32 $0.0e+00, v2;
	v13 =	vmul.f32 $1.442695020e+00, v13;
	(erf) = vpow2.f32 v10  }
0x355: {  	v10 =	vmul.f32 $1.442695020e+00, v14;
	(erf) = vpow2.f32 v15  }
0x356: {  	v11 =	vmul.f32 $1.442695020e+00, v11;
	(erf) = vpow2.f32 v13;
	v12 =	vpop (erf)  }
0x357: {  	v12 =	vadd.f32 $1.000000000e+00, v12;
	(erf) = vpow2.f32 v10  }
0x358: {  	(erf) = vpow2.f32 v11  }
0x359: {  	v10 =	vpop (erf);
	(erf) = vrcp.f32 v12  }
.Ltmp6:
0x35a: {  	v11 =	vadd.f32 $1.000000000e+00, v10;
	(pc) =	sbr.rel @p1 .LBB2_11-.Ltmp6, $4  }
0x35b: {  	_ = 	snop  }
0x35c: {  	(erf) = vrcp.f32 v11;
	v10 =	vpop (erf)  }
0x35d: {  	v11 =	vadd.f32 $1.000000000e+00, v10;
	v10 =	vpop (erf)  }
0x35e: {  	v10 =	vadd.f32 $1.000000000e+00, v10;
	v12 =	vpop (erf)  }
0x35f: {  	v13 =	vpop (erf);
	(erf) = vrcp.f32 v11;
	v12 =	vadd.f32 $1.000000000e+00, v12  }
0x360: {  	v14 =	vpop (erf);
	(erf) = vrcp.f32 v10  }
0x361: {  	v60 =	vpop (erf);
	(erf) = vrcp.f32 v12;
	_ =	sdelay $0x1  }
0x362: {  	s20 =	sshra.s32 s20, $0x2;
	v13 =	vadd.f32 $1.000000000e+00, v13  }
0x363: {  	v59 =	vld [tilespmem:s20+$0x8F20];
	v63 =	vadd.f32 $1.000000000e+00, v14  }
0x364: {  	v15 =	vld [tilespmem:s20+$0x8F40];
	(erf) = vrcp.f32 v13  }
0x365: {  	v16 =	vld [tilespmem:s20+$0x8F60];
	v17 =	vpop (erf);
	v10 =	vadd.f32 $1.000000000e+00, v60;
	(erf) = vrcp.f32 v63  }
0x366: {  	v18 =	vld [tilespmem:s20+$0x8F70];
	v4 =	vmul.f32 v17, v4;
	v19 =	vpop (erf)  }
0x367: {  	v61 =	vld [tilespmem:s20+$0x8F50];
	v20 =	vmul.f32 v19, v5;
	v22 =	vpop (erf);
	(erf) = vrcp.f32 v10  }
0x368: {  	v62 =	vld [tilespmem:s20+$0x8F10];
	[tilespmem:s23+$0x6750] =	vst v4;
	v25 =	vpop (erf)  }
0x369: {  	v21 =	vld [tilespmem:s20+$0x6750];
	[tilespmem:s23+$0x6740] =	vst v20;
	v27 =	vpop (erf)  }
0x36a: {  	v23 =	vld [tilespmem:s20+$0x6740];
	v4 =	vmul.f32 v22, v8;
	v3 =	vmul.f32 v27, v3  }
0x36b: {  	v24 =	vld [tilespmem:s20+$0x8F00];
	v7 =	vmul.f32 v25, v7  }
0x36c: {  	v26 =	vld [tilespmem:s20+$0x8F30];
	[tilespmem:s23+$0x6770] =	vst v4  }
0x36d: {  	v29 =	vpop (erf);
	v28 =	vld [tilespmem:s20+$0x6770];
	[tilespmem:s23+$0x6760] =	vst v7  }
0x36e: {  	v4 =	vmul.f32 v29, v9;
	v7 =	vld [tilespmem:s20+$0x6760];
	[tilespmem:s23+$0x6720] =	vst v3;
	v3 =	vpop (erf)  }
0x36f: {  	v31 =	vadd.f32 v61, v21;
	v3 =	vmul.f32 v3, v6  }
0x370: {  	v30 =	vld [tilespmem:s20+$0x6720];
	[tilespmem:s23+$0x6730] =	vst v4;
	v32 =	vpop (erf)  }
0x371: {  	v33 =	vld [tilespmem:s20+$0x6730];
	v2 =	vmul.f32 v32, v2;
	[tilespmem:s23+$0x6710] =	vst v3;
	v3 =	vsub.f32 $0.0e+00, v31  }
0x372: {  	v34 =	vadd.f32 v15, v23  }
0x373: {  	v10 =	vadd.f32 v18, v28;
	v35 =	vld [tilespmem:s20+$0x6710];
	[tilespmem:s23+$0x6700] =	vst v2;
	v2 =	vmul.f32 $1.442695020e+00, v3  }
0x374: {  	v13 =	vsub.f32 $0.0e+00, v34;
	v7 =	vadd.f32 v16, v7  }
0x375: {  	v36 =	vsub.f32 $0.0e+00, v10;
	v3 =	vld [tilespmem:s20+$0x6700];
	(erf) = vpow2.f32 v2;
	v2 =	vadd.f32 v59, v30  }
0x376: {  	v13 =	vmul.f32 $1.442695020e+00, v13;
	v37 =	vsub.f32 $0.0e+00, v7  }
0x377: {  	v9 =	vmul.f32 $1.442695020e+00, v36;
	v38 =	vsub.f32 $0.0e+00, v2  }
0x378: {  	v6 =	vadd.f32 v26, v33;
	v11 =	vmul.f32 $1.442695020e+00, v37;
	(erf) = vpow2.f32 v13  }
0x379: {  	v5 =	vadd.f32 v62, v35;
	(erf) = vpow2.f32 v9;
	v13 =	vmul.f32 $1.442695020e+00, v38  }
0x37a: {  	v39 =	vsub.f32 $0.0e+00, v6;
	(erf) = vpow2.f32 v11;
	v3 =	vadd.f32 v24, v3  }
0x37b: {  	v40 =	vsub.f32 $0.0e+00, v5;
	(erf) = vpow2.f32 v13  }
0x37c: {  	v8 =	vmul.f32 $1.442695020e+00, v39;
	v41 =	vsub.f32 $0.0e+00, v3  }
0x37d: {  	v42 =	vmul.f32 $1.442695020e+00, v40  }
0x37e: {  	(erf) = vpow2.f32 v8;
	v9 =	vmul.f32 $1.442695020e+00, v41  }
0x37f: {  	(erf) = vpow2.f32 v42  }
0x380: {  	v43 =	vpop (erf);
	(erf) = vpow2.f32 v9  }
0x381: {  	v8 =	vadd.f32 $1.000000000e+00, v43;
	v44 =	vpop (erf)  }
0x382: {  	v9 =	vadd.f32 $1.000000000e+00, v44;
	v45 =	vpop (erf)  }
0x383: {  	(erf) = vrcp.f32 v8;
	v46 =	vadd.f32 $1.000000000e+00, v45;
	v47 =	vpop (erf)  }
0x384: {  	(erf) = vrcp.f32 v9;
	v48 =	vadd.f32 $1.000000000e+00, v47;
	v49 =	vpop (erf)  }
0x385: {  	(erf) = vrcp.f32 v46;
	v11 =	vadd.f32 $1.000000000e+00, v49  }
0x386: {  	(erf) = vrcp.f32 v48  }
0x387: {  	v50 =	vpop (erf);
	(erf) = vrcp.f32 v11  }
0x388: {  	v51 =	vadd.f32 $1.000000000e+00, v50;
	v52 =	vpop (erf)  }
0x389: {  	v53 =	vadd.f32 $1.000000000e+00, v52;
	v54 =	vpop (erf)  }
0x38a: {  	(erf) = vrcp.f32 v51;
	v55 =	vadd.f32 $1.000000000e+00, v54  }
0x38b: {  	(erf) = vrcp.f32 v53  }
0x38c: {  	v56 =	vpop (erf);
	(erf) = vrcp.f32 v55  }
0x38d: {  	v57 =	vpop (erf)  }
0x38e: {  	v58 =	vpop (erf)  }
0x38f: {  	v4 =	vmul.f32 v56, v31;
	v60 =	vpop (erf)  }
0x390: {  	v8 =	vmul.f32 v57, v34;
	v61 =	vpop (erf)  }
0x391: {  	[tilespmem:s20+$0x6750] =	vst v4;
	v59 =	vmul.f32 v58, v10;
	v2 =	vmul.f32 v61, v2  }
0x392: {  	[tilespmem:s20+$0x6740] =	vst v8;
	v7 =	vmul.f32 v60, v7  }
0x393: {  	[tilespmem:s20+$0x6770] =	vst v59;
	v62 =	vpop (erf)  }
0x394: {  	[tilespmem:s20+$0x6760] =	vst v7;
	v4 =	vmul.f32 v62, v6;
	v63 =	vpop (erf)  }
0x395: {  	v5 =	vmul.f32 v63, v5;
	[tilespmem:s20+$0x6720] =	vst v2;
	v2 =	vpop (erf)  }
0x396: {  	[tilespmem:s20+$0x6730] =	vst v4;
	v2 =	vmul.f32 v2, v3  }
0x397: {  	[tilespmem:s20+$0x6710] =	vst v5  }
0x398: {  	[tilespmem:s20+$0x6700] =	vst v2  }
0x399: {  	_ =	swait.ge [sflag:s9], $0x1400  }
0x39a: {  	[sflag:s9] =	ssyncset.done $0x0  }
0x39b: {  	[sflag:s9] =	ssyncadd.s32 $0xFFFFEC00  }
0x39c: {  	_ =	swait.ge [sflag:s9], $0x28  }
0x39d: {  	[sflag:s9] =	ssyncset.done $0x0  }
0x39e: {  	s29 =	simm.s32 $0x6700;
	[sflag:s9] =	ssyncadd.s32 $0xFFFFFFD8  }
0x39f: {  	[spmem:s2] =	stream.indirect.scatter.add.f32 [tilespmem:s29], [sflag:$0x7], $0x80, s22, s13, $0xb8;
	[tilespmem:$0x1F080] =	vst v63  }
0x3a0: {  	_ = 	snop  }
0x3a1: {  	[spmem:s3] =	stream.indirect.scatter.add.f32 [tilespmem:s8], [sflag:$0x7], $0x1, s22, s13, $0xb8;
	[tilespmem:$0x1F080] =	vst v63  }
0x3a2: {  	p1 =	seq.s32 s30, $0x3D;
	_ =	swait.ge [sflag:s9], $0x1400  }
.Ltmp7:
0x3a3: {  	[sflag:s9] =	ssyncset.done $0x0;
	(pc) =	sbr.rel @p1 .LBB2_14-.Ltmp7, $4  }
0x3a4: {  	[sflag:s9] =	ssyncadd.s32 $0xFFFFEC00  }
0x3a5: {  	_ =	swait.ge [sflag:s9], $0x28  }
0x3a6: {  	[sflag:s9] =	ssyncset.done $0x0  }
0x3a7: {  	[sflag:s9] =	ssyncadd.s32 $0xFFFFFFD8  }
0x3a8: {  	s20 =	rddreg [dreg:$0x19]  }
0x3a9: {  	s1 =	sadd.s32 s1, s20  }
0x3aa: {  	s20 =	sshrl.u32 s1, $0x3  }
0x3ab: {  	s25 =	simm.s32 $0x180;
	s23 =	sadd.s32 s6, s20  }
0x3ac: {  	[tilespmem:s25], [sflag:$0x2] =	stream.linear.gather [hbm4b:s23+s5], $0x50, $0x38;
	[tilespmem:$0x1F080] =	vst v63  }
.Ltmp8:
0x3ad: {  	s1 =	sadd.s32 $0x28, s1;
	(pc) =	sbr.rel .LBB2_4-.Ltmp8, $4  }
0x3ae: {  	s20 =	sadd.s32 s7, s20;
	s1 =	sshrl.u32 s1, $0x3  }
0x3af: {  	[tilespmem:s21], [sflag:$0x2] =	stream.linear.gather [hbm4b:s20+s5], $0x28, $0x38;
	[tilespmem:$0x1F080] =	vst v63  }
0x3b0: {  	s30 =	sadd.s32 $0x1, s30;
	s1 =	sadd.s32 s7, s1  }
0x3b1: {  	[tilespmem:s22], [sflag:$0x2] =	stream.linear.gather [hbm4b:s1+s5], $0x28, $0x38;
	[tilespmem:$0x1F080] =	vst v63  }
.LBB2_14:
0x3b2: {  	_ =	swait.ge [sflag:s28], $0x2800  }
0x3b3: {  	[sflag:s28] =	ssyncset.done $0x0  }
0x3b4: {  	[sflag:s28] =	ssyncadd.s32 $0xFFFFD800  }
0x3b5: {  	_ =	swait.ge [sflag:s31], $0x2800  }
0x3b6: {  	[sflag:s31] =	ssyncset.done $0x0  }
0x3b7: {  	s1 =	simm.s32 $0x0;
	[sflag:s31] =	ssyncadd.s32 $0xFFFFD800  }
0x3b8: {  	v2 =	vld [tilespmem:s1+$0x2B20]  }
0x3b9: {  	v3 =	vld [tilespmem:s1+$0x2B40]  }
0x3ba: {  	v6 =	vld [tilespmem:s1+$0x2B60]  }
0x3bb: {  	v7 =	vld [tilespmem:s1+$0x2B70]  }
0x3bc: {  	v4 =	vld [tilespmem:s1+$0x2B50]  }
0x3bd: {  	v5 =	vld [tilespmem:s1+$0x350]  }
0x3be: {  	v8 =	vld [tilespmem:s1+$0x340]  }
0x3bf: {  	v9 =	vld [tilespmem:s1+$0x370]  }
0x3c0: {  	v10 =	vld [tilespmem:s1+$0x360]  }
0x3c1: {  	v11 =	vld [tilespmem:s1+$0x320]  }
0x3c2: {  	v4 =	vadd.f32 v4, v5  }
0x3c3: {  	v5 =	vadd.f32 v3, v8  }
0x3c4: {  	v8 =	vadd.f32 v7, v9;
	v9 =	vld [tilespmem:s1+$0x2B30];
	v3 =	vsub.f32 $0.0e+00, v4  }
0x3c5: {  	v7 =	vadd.f32 v6, v10;
	v6 =	vld [tilespmem:s1+$0x330];
	v14 =	vsub.f32 $0.0e+00, v5  }
0x3c6: {  	v12 =	vld [tilespmem:s1+$0x2B10];
	v10 =	vmul.f32 $1.442695020e+00, v3;
	v3 =	vadd.f32 v2, v11;
	v2 =	vsub.f32 $0.0e+00, v8  }
0x3c7: {  	v13 =	vld [tilespmem:s1+$0x2B00];
	v15 =	vsub.f32 $0.0e+00, v7;
	v14 =	vmul.f32 $1.442695020e+00, v14  }
0x3c8: {  	v11 =	vld [tilespmem:s1+$0x310];
	(erf) = vpow2.f32 v10;
	v10 =	vsub.f32 $0.0e+00, v3;
	v2 =	vmul.f32 $1.442695020e+00, v2  }
0x3c9: {  	v16 =	vld [tilespmem:s1+$0x300];
	(erf) = vpow2.f32 v14;
	v14 =	vmul.f32 $1.442695020e+00, v15  }
0x3ca: {  	v9 =	vadd.f32 v9, v6;
	v10 =	vmul.f32 $1.442695020e+00, v10;
	(erf) = vpow2.f32 v2  }
0x3cb: {  	(erf) = vpow2.f32 v14  }
0x3cc: {  	(erf) = vpow2.f32 v10;
	v10 =	vsub.f32 $0.0e+00, v9  }
0x3cd: {  	v6 =	vadd.f32 v12, v11  }
0x3ce: {  	v2 =	vadd.f32 v13, v16;
	v10 =	vmul.f32 $1.442695020e+00, v10  }
0x3cf: {  	v11 =	vsub.f32 $0.0e+00, v6  }
0x3d0: {  	v12 =	vsub.f32 $0.0e+00, v2  }
0x3d1: {  	v11 =	vmul.f32 $1.442695020e+00, v11  }
0x3d2: {  	v12 =	vmul.f32 $1.442695020e+00, v12;
	(erf) = vpow2.f32 v10;
	v10 =	vpop (erf)  }
0x3d3: {  	(erf) = vpow2.f32 v11;
	v10 =	vadd.f32 $1.000000000e+00, v10  }
0x3d4: {  	(erf) = vpow2.f32 v12  }
0x3d5: {  	v11 =	vpop (erf);
	(erf) = vrcp.f32 v10  }
0x3d6: {  	v11 =	vadd.f32 $1.000000000e+00, v11  }
0x3d7: {  	v12 =	vpop (erf)  }
0x3d8: {  	(erf) = vrcp.f32 v11;
	v10 =	vpop (erf)  }
0x3d9: {  	s20 =	simm.s32 $0x200;
	s23 =	simm.s32 $0x400;
	v11 =	vadd.f32 $1.000000000e+00, v12;
	v10 =	vadd.f32 $1.000000000e+00, v10;
	v12 =	vpop (erf)  }
.LBB2_15:
0x3da: {  	p1 =	sne.s32 s23, $0x4E00  }
0x3db: {  	s25 =	sshra.s32 s20, $0x2;
	v12 =	vadd.f32 $1.000000000e+00, v12;
	v13 =	vpop (erf);
	(erf) = vrcp.f32 v11;
	s20 =	smov.u32 s23;
	s23 =	sadd.s32 $0x200, s23  }
0x3dc: {  	v11 =	vld [tilespmem:s25+$0x2B20];
	v16 =	vadd.f32 $1.000000000e+00, v13;
	v14 =	vpop (erf);
	(erf) = vrcp.f32 v10  }
0x3dd: {  	v10 =	vld [tilespmem:s25+$0x2B40];
	v14 =	vadd.f32 $1.000000000e+00, v14;
	v15 =	vpop (erf);
	(erf) = vrcp.f32 v12  }
0x3de: {  	v12 =	vld [tilespmem:s25+$0x2B60];
	v15 =	vadd.f32 $1.000000000e+00, v15;
	(erf) = vrcp.f32 v16;
	v13 =	vpop (erf)  }
0x3df: {  	v16 =	vld [tilespmem:s25+$0x2B70];
	v17 =	vmul.f32 v13, v4;
	(erf) = vrcp.f32 v14  }
0x3e0: {  	v13 =	vld [tilespmem:s25+$0x2B50];
	(erf) = vrcp.f32 v15  }
0x3e1: {  	v14 =	vld [tilespmem:s25+$0x2B10];
	[tilespmem:s1+$0x350] =	vst v17;
	v4 =	vpop (erf)  }
0x3e2: {  	v15 =	vld [tilespmem:s25+$0x350];
	v5 =	vmul.f32 v4, v5;
	_ =	sdelay $0x1  }
0x3e3: {  	[tilespmem:s1+$0x340] =	vst v5;
	v4 =	vpop (erf)  }
0x3e4: {  	v5 =	vld [tilespmem:s25+$0x340];
	v20 =	vmul.f32 v4, v8;
	v4 =	vpop (erf)  }
0x3e5: {  	v17 =	vld [tilespmem:s25+$0x2B00];
	v21 =	vmul.f32 v4, v7;
	v18 =	vpop (erf)  }
0x3e6: {  	v19 =	vld [tilespmem:s25+$0x2B30];
	v4 =	vadd.f32 v13, v15;
	v18 =	vmul.f32 v18, v3;
	[tilespmem:s1+$0x370] =	vst v20;
	v8 =	vpop (erf)  }
0x3e7: {  	v13 =	vld [tilespmem:s25+$0x370];
	v8 =	vmul.f32 v8, v9;
	[tilespmem:s1+$0x360] =	vst v21;
	v7 =	vpop (erf)  }
0x3e8: {  	v9 =	vsub.f32 $0.0e+00, v4;
	v15 =	vld [tilespmem:s25+$0x360];
	v6 =	vmul.f32 v7, v6;
	[tilespmem:s1+$0x320] =	vst v18;
	v3 =	vpop (erf)  }
0x3e9: {  	v18 =	vld [tilespmem:s25+$0x320];
	v5 =	vadd.f32 v10, v5;
	v2 =	vmul.f32 v3, v2;
	[tilespmem:s1+$0x330] =	vst v8  }
0x3ea: {  	v10 =	vld [tilespmem:s25+$0x330];
	v3 =	vmul.f32 $1.442695020e+00, v9;
	[tilespmem:s1+$0x310] =	vst v6  }
0x3eb: {  	v6 =	vld [tilespmem:s25+$0x310];
	v7 =	vsub.f32 $0.0e+00, v5;
	[tilespmem:s1+$0x300] =	vst v2;
	s1 =	smov.u32 s25  }
0x3ec: {  	v2 =	vld [tilespmem:s1+$0x300];
	v8 =	vadd.f32 v16, v13;
	(erf) = vpow2.f32 v3  }
0x3ed: {  	v13 =	vmul.f32 $1.442695020e+00, v7;
	v7 =	vadd.f32 v12, v15  }
0x3ee: {  	v3 =	vadd.f32 v11, v18;
	v11 =	vsub.f32 $0.0e+00, v8  }
0x3ef: {  	v9 =	vadd.f32 v19, v10;
	v10 =	vsub.f32 $0.0e+00, v7;
	(erf) = vpow2.f32 v13  }
0x3f0: {  	v6 =	vadd.f32 v14, v6;
	v12 =	vsub.f32 $0.0e+00, v3;
	v11 =	vmul.f32 $1.442695020e+00, v11  }
0x3f1: {  	v2 =	vadd.f32 v17, v2;
	v13 =	vsub.f32 $0.0e+00, v9;
	v10 =	vmul.f32 $1.442695020e+00, v10  }
0x3f2: {  	v14 =	vsub.f32 $0.0e+00, v6;
	v15 =	vmul.f32 $1.442695020e+00, v12;
	(erf) = vpow2.f32 v11  }
0x3f3: {  	v11 =	vsub.f32 $0.0e+00, v2;
	v13 =	vmul.f32 $1.442695020e+00, v13;
	(erf) = vpow2.f32 v10  }
0x3f4: {  	v10 =	vmul.f32 $1.442695020e+00, v14;
	(erf) = vpow2.f32 v15  }
0x3f5: {  	v11 =	vmul.f32 $1.442695020e+00, v11;
	(erf) = vpow2.f32 v13;
	v12 =	vpop (erf)  }
0x3f6: {  	v12 =	vadd.f32 $1.000000000e+00, v12;
	(erf) = vpow2.f32 v10  }
0x3f7: {  	(erf) = vpow2.f32 v11  }
0x3f8: {  	v10 =	vpop (erf);
	(erf) = vrcp.f32 v12  }
.Ltmp9:
0x3f9: {  	v11 =	vadd.f32 $1.000000000e+00, v10;
	(pc) =	sbr.rel @p1 .LBB2_15-.Ltmp9, $4  }
0x3fa: {  	_ = 	snop  }
0x3fb: {  	(erf) = vrcp.f32 v11;
	v10 =	vpop (erf)  }
0x3fc: {  	v11 =	vadd.f32 $1.000000000e+00, v10;
	v10 =	vpop (erf)  }
0x3fd: {  	v10 =	vadd.f32 $1.000000000e+00, v10;
	v12 =	vpop (erf)  }
0x3fe: {  	_ = 	snop  }
0x3ff: {  	s20 =	sshra.s32 s20, $0x2;
	v13 =	vpop (erf)  }
0x400: {  	(erf) = vrcp.f32 v11;
	v11 =	vld [tilespmem:s20+$0x2B20];
	v14 =	vpop (erf)  }
0x401: {  	v15 =	vld [tilespmem:s20+$0x2B40];
	(erf) = vrcp.f32 v10;
	v10 =	vpop (erf)  }
0x402: {  	v16 =	vld [tilespmem:s20+$0x2B60];
	v17 =	vpop (erf)  }
0x403: {  	v12 =	vadd.f32 $1.000000000e+00, v12;
	v18 =	vld [tilespmem:s20+$0x2B70];
	v4 =	vmul.f32 v17, v4  }
0x404: {  	v62 =	vld [tilespmem:s20+$0x2B10];
	v19 =	vpop (erf)  }
0x405: {  	(erf) = vrcp.f32 v12;
	v12 =	vld [tilespmem:s20+$0x2B50];
	[tilespmem:s1+$0x350] =	vst v4;
	v4 =	vmul.f32 v19, v5  }
0x406: {  	v13 =	vadd.f32 $1.000000000e+00, v13;
	_ =	sdelay $0x1  }
0x407: {  	(erf) = vrcp.f32 v13;
	v13 =	vadd.f32 $1.000000000e+00, v14  }
0x408: {  	v10 =	vadd.f32 $1.000000000e+00, v10;
	v5 =	vld [tilespmem:s20+$0x350];
	[tilespmem:s1+$0x340] =	vst v4;
	v4 =	vpop (erf)  }
0x409: {  	(erf) = vrcp.f32 v13;
	v4 =	vmul.f32 v4, v8  }
0x40a: {  	(erf) = vrcp.f32 v10  }
0x40b: {  	v13 =	vld [tilespmem:s20+$0x340]  }
0x40c: {  	v14 =	vld [tilespmem:s20+$0x2B30];
	v10 =	vpop (erf)  }
0x40d: {  	v8 =	vld [tilespmem:s20+$0x2B00];
	[tilespmem:s1+$0x370] =	vst v4;
	v4 =	vpop (erf)  }
0x40e: {  	v3 =	vmul.f32 v4, v3  }
0x40f: {  	v7 =	vmul.f32 v10, v7  }
0x410: {  	v4 =	vpop (erf)  }
0x411: {  	v10 =	vld [tilespmem:s20+$0x370];
	[tilespmem:s1+$0x360] =	vst v7;
	v4 =	vmul.f32 v4, v9  }
0x412: {  	v7 =	vld [tilespmem:s20+$0x360];
	[tilespmem:s1+$0x320] =	vst v3;
	v3 =	vpop (erf)  }
0x413: {  	v9 =	vld [tilespmem:s20+$0x320];
	[tilespmem:s1+$0x330] =	vst v4;
	v4 =	vadd.f32 v12, v5;
	v3 =	vmul.f32 v3, v6;
	v5 =	vpop (erf)  }
0x414: {  	v2 =	vmul.f32 v5, v2  }
0x415: {  	v12 =	vadd.f32 v15, v13;
	v6 =	vld [tilespmem:s20+$0x330];
	[tilespmem:s1+$0x310] =	vst v3;
	v3 =	vsub.f32 $0.0e+00, v4  }
0x416: {  	v5 =	vld [tilespmem:s20+$0x310];
	[tilespmem:s1+$0x300] =	vst v2  }
0x417: {  	v13 =	vsub.f32 $0.0e+00, v12;
	v2 =	vmul.f32 $1.442695020e+00, v3;
	v3 =	vld [tilespmem:s20+$0x300]  }
0x418: {  	v10 =	vadd.f32 v18, v10  }
0x419: {  	v7 =	vadd.f32 v16, v7;
	v13 =	vmul.f32 $1.442695020e+00, v13  }
0x41a: {  	(erf) = vpow2.f32 v2;
	v2 =	vadd.f32 v11, v9;
	v9 =	vsub.f32 $0.0e+00, v10  }
0x41b: {  	v6 =	vadd.f32 v14, v6;
	v11 =	vsub.f32 $0.0e+00, v7;
	(erf) = vpow2.f32 v13  }
0x41c: {  	v13 =	vsub.f32 $0.0e+00, v2;
	v9 =	vmul.f32 $1.442695020e+00, v9;
	v3 =	vadd.f32 v8, v3  }
0x41d: {  	v5 =	vadd.f32 v62, v5;
	v11 =	vmul.f32 $1.442695020e+00, v11;
	v8 =	vsub.f32 $0.0e+00, v6  }
0x41e: {  	v13 =	vmul.f32 $1.442695020e+00, v13;
	(erf) = vpow2.f32 v9;
	v9 =	vsub.f32 $0.0e+00, v3  }
0x41f: {  	v14 =	vsub.f32 $0.0e+00, v5;
	v8 =	vmul.f32 $1.442695020e+00, v8;
	(erf) = vpow2.f32 v11  }
0x420: {  	(erf) = vpow2.f32 v13;
	v9 =	vmul.f32 $1.442695020e+00, v9  }
0x421: {  	v11 =	vmul.f32 $1.442695020e+00, v14;
	(erf) = vpow2.f32 v8;
	_ =	sdelay $0x1  }
0x422: {  	(erf) = vpow2.f32 v11;
	v8 =	vpop (erf)  }
0x423: {  	(erf) = vpow2.f32 v9;
	v8 =	vadd.f32 $1.000000000e+00, v8;
	v9 =	vpop (erf)  }
0x424: {  	v9 =	vadd.f32 $1.000000000e+00, v9  }
0x425: {  	(erf) = vrcp.f32 v8  }
0x426: {  	v11 =	vpop (erf);
	(erf) = vrcp.f32 v9  }
0x427: {  	v8 =	vadd.f32 $1.000000000e+00, v11;
	v11 =	vpop (erf)  }
0x428: {  	v9 =	vadd.f32 $1.000000000e+00, v11;
	v11 =	vpop (erf)  }
0x429: {  	v11 =	vadd.f32 $1.000000000e+00, v11;
	v13 =	vpop (erf);
	(erf) = vrcp.f32 v8  }
0x42a: {  	v8 =	vadd.f32 $1.000000000e+00, v13;
	(erf) = vrcp.f32 v9  }
0x42b: {  	(erf) = vrcp.f32 v11  }
0x42c: {  	v13 =	vpop (erf)  }
0x42d: {  	v9 =	vadd.f32 $1.000000000e+00, v13;
	v13 =	vpop (erf)  }
0x42e: {  	v11 =	vadd.f32 $1.000000000e+00, v13;
	(erf) = vrcp.f32 v8;
	v8 =	vpop (erf)  }
0x42f: {  	(erf) = vrcp.f32 v9;
	v4 =	vmul.f32 v8, v4;
	v8 =	vpop (erf)  }
0x430: {  	(erf) = vrcp.f32 v11;
	v8 =	vmul.f32 v8, v12;
	_ =	sdelay $0x1  }
0x431: {  	v9 =	vpop (erf)  }
0x432: {  	[tilespmem:s20+$0x350] =	vst v4;
	v4 =	vmul.f32 v9, v10;
	v9 =	vpop (erf)  }
0x433: {  	[tilespmem:s20+$0x340] =	vst v8;
	v8 =	vpop (erf)  }
0x434: {  	v2 =	vmul.f32 v8, v2  }
0x435: {  	v7 =	vmul.f32 v9, v7  }
0x436: {  	[tilespmem:s20+$0x370] =	vst v4;
	v4 =	vpop (erf)  }
0x437: {  	[tilespmem:s20+$0x360] =	vst v7;
	v4 =	vmul.f32 v4, v6;
	v6 =	vpop (erf)  }
0x438: {  	[tilespmem:s20+$0x320] =	vst v2;
	v5 =	vmul.f32 v6, v5;
	v2 =	vpop (erf)  }
0x439: {  	[tilespmem:s20+$0x330] =	vst v4;
	v2 =	vmul.f32 v2, v3  }
0x43a: {  	[tilespmem:s20+$0x310] =	vst v5  }
0x43b: {  	[tilespmem:s20+$0x300] =	vst v2  }
0x43c: {  	[spmem:s2] =	stream.indirect.scatter.add.f32 [tilespmem:s14], [sflag:$0x7], $0x80, s10, s13, $0xb8;
	[tilespmem:$0x1F080] =	vst v63  }
0x43d: {  	s1 =	simm.s32 $0x0  }
0x43e: {  	[spmem:s3] =	stream.indirect.scatter.add.f32 [tilespmem:s8], [sflag:$0x7], $0x1, s10, s13, $0xb8;
	[tilespmem:$0x1F080] =	vst v63  }
0x43f: {  	v2 =	vld [tilespmem:s1+$0x3F20]  }
0x440: {  	v3 =	vld [tilespmem:s1+$0x3F40]  }
0x441: {  	v6 =	vld [tilespmem:s1+$0x3F60]  }
0x442: {  	v7 =	vld [tilespmem:s1+$0x3F70]  }
0x443: {  	v4 =	vld [tilespmem:s1+$0x3F50]  }
0x444: {  	v5 =	vld [tilespmem:s1+$0x1750]  }
0x445: {  	v8 =	vld [tilespmem:s1+$0x1740]  }
0x446: {  	v9 =	vld [tilespmem:s1+$0x1770]  }
0x447: {  	v10 =	vld [tilespmem:s1+$0x1760]  }
0x448: {  	v11 =	vld [tilespmem:s1+$0x1720]  }
0x449: {  	v4 =	vadd.f32 v4, v5  }
0x44a: {  	v5 =	vadd.f32 v3, v8  }
0x44b: {  	v8 =	vadd.f32 v7, v9;
	v9 =	vld [tilespmem:s1+$0x3F30];
	v3 =	vsub.f32 $0.0e+00, v4  }
0x44c: {  	v7 =	vadd.f32 v6, v10;
	v6 =	vld [tilespmem:s1+$0x1730];
	v14 =	vsub.f32 $0.0e+00, v5  }
0x44d: {  	v12 =	vld [tilespmem:s1+$0x3F10];
	v10 =	vmul.f32 $1.442695020e+00, v3;
	v3 =	vadd.f32 v2, v11;
	v2 =	vsub.f32 $0.0e+00, v8  }
0x44e: {  	v15 =	vsub.f32 $0.0e+00, v7;
	v11 =	vld [tilespmem:s1+$0x1710];
	v14 =	vmul.f32 $1.442695020e+00, v14  }
0x44f: {  	v13 =	vld [tilespmem:s1+$0x3F00];
	(erf) = vpow2.f32 v10;
	v10 =	vsub.f32 $0.0e+00, v3;
	v2 =	vmul.f32 $1.442695020e+00, v2  }
0x450: {  	v63 =	vld [tilespmem:s1+$0x1700];
	(erf) = vpow2.f32 v14;
	v14 =	vmul.f32 $1.442695020e+00, v15  }
0x451: {  	v9 =	vadd.f32 v9, v6;
	v10 =	vmul.f32 $1.442695020e+00, v10;
	(erf) = vpow2.f32 v2  }
0x452: {  	(erf) = vpow2.f32 v14  }
0x453: {  	v6 =	vadd.f32 v12, v11;
	(erf) = vpow2.f32 v10;
	v10 =	vsub.f32 $0.0e+00, v9;
	_ =	sdelay $0x1  }
0x454: {  	v2 =	vadd.f32 v13, v63;
	v11 =	vsub.f32 $0.0e+00, v6;
	v10 =	vmul.f32 $1.442695020e+00, v10;
	_ =	sdelay $0x1  }
0x455: {  	v12 =	vsub.f32 $0.0e+00, v2;
	v11 =	vmul.f32 $1.442695020e+00, v11;
	_ =	sdelay $0x1  }
0x456: {  	v12 =	vmul.f32 $1.442695020e+00, v12;
	(erf) = vpow2.f32 v10;
	v10 =	vpop (erf)  }
0x457: {  	(erf) = vpow2.f32 v11;
	v10 =	vadd.f32 $1.000000000e+00, v10  }
0x458: {  	v11 =	vpop (erf);
	(erf) = vpow2.f32 v12  }
0x459: {  	(erf) = vrcp.f32 v10  }
0x45a: {  	v11 =	vadd.f32 $1.000000000e+00, v11  }
0x45b: {  	v12 =	vpop (erf)  }
0x45c: {  	(erf) = vrcp.f32 v11;
	v10 =	vpop (erf)  }
0x45d: {  	s23 =	simm.s32 $0x400;
	s29 =	rddreg [dreg:$0x6];
	s20 =	simm.s32 $0x200;
	v11 =	vadd.f32 $1.000000000e+00, v12;
	v10 =	vadd.f32 $1.000000000e+00, v10;
	v12 =	vpop (erf)  }
.LBB2_17:
0x45e: {  	p1 =	sne.s32 s23, $0x4E00  }
0x45f: {  	s25 =	sshra.s32 s20, $0x2;
	v12 =	vadd.f32 $1.000000000e+00, v12;
	v13 =	vpop (erf);
	(erf) = vrcp.f32 v11;
	s20 =	smov.u32 s23;
	s23 =	sadd.s32 $0x200, s23  }
0x460: {  	v11 =	vld [tilespmem:s25+$0x3F20];
	v16 =	vadd.f32 $1.000000000e+00, v13;
	v14 =	vpop (erf);
	(erf) = vrcp.f32 v10  }
0x461: {  	v10 =	vld [tilespmem:s25+$0x3F40];
	v14 =	vadd.f32 $1.000000000e+00, v14;
	v15 =	vpop (erf);
	(erf) = vrcp.f32 v12  }
0x462: {  	v12 =	vld [tilespmem:s25+$0x3F60];
	v15 =	vadd.f32 $1.000000000e+00, v15;
	(erf) = vrcp.f32 v16;
	v13 =	vpop (erf)  }
0x463: {  	v16 =	vld [tilespmem:s25+$0x3F70];
	v17 =	vmul.f32 v13, v4;
	(erf) = vrcp.f32 v14  }
0x464: {  	v13 =	vld [tilespmem:s25+$0x3F50];
	(erf) = vrcp.f32 v15  }
0x465: {  	v14 =	vld [tilespmem:s25+$0x3F10];
	[tilespmem:s1+$0x1750] =	vst v17;
	v4 =	vpop (erf)  }
0x466: {  	v15 =	vld [tilespmem:s25+$0x1750];
	v5 =	vmul.f32 v4, v5;
	_ =	sdelay $0x1  }
0x467: {  	[tilespmem:s1+$0x1740] =	vst v5;
	v4 =	vpop (erf)  }
0x468: {  	v5 =	vld [tilespmem:s25+$0x1740];
	v20 =	vmul.f32 v4, v8;
	v4 =	vpop (erf)  }
0x469: {  	v17 =	vld [tilespmem:s25+$0x3F00];
	v21 =	vmul.f32 v4, v7;
	v18 =	vpop (erf)  }
0x46a: {  	v19 =	vld [tilespmem:s25+$0x3F30];
	v4 =	vadd.f32 v13, v15;
	v18 =	vmul.f32 v18, v3;
	[tilespmem:s1+$0x1770] =	vst v20;
	v8 =	vpop (erf)  }
0x46b: {  	v13 =	vld [tilespmem:s25+$0x1770];
	v8 =	vmul.f32 v8, v9;
	[tilespmem:s1+$0x1760] =	vst v21;
	v7 =	vpop (erf)  }
0x46c: {  	v9 =	vsub.f32 $0.0e+00, v4;
	v15 =	vld [tilespmem:s25+$0x1760];
	v6 =	vmul.f32 v7, v6;
	[tilespmem:s1+$0x1720] =	vst v18;
	v3 =	vpop (erf)  }
0x46d: {  	v18 =	vld [tilespmem:s25+$0x1720];
	v5 =	vadd.f32 v10, v5;
	v2 =	vmul.f32 v3, v2;
	[tilespmem:s1+$0x1730] =	vst v8  }
0x46e: {  	v10 =	vld [tilespmem:s25+$0x1730];
	v3 =	vmul.f32 $1.442695020e+00, v9;
	[tilespmem:s1+$0x1710] =	vst v6  }
0x46f: {  	v6 =	vld [tilespmem:s25+$0x1710];
	v7 =	vsub.f32 $0.0e+00, v5;
	[tilespmem:s1+$0x1700] =	vst v2;
	s1 =	smov.u32 s25  }
0x470: {  	v2 =	vld [tilespmem:s1+$0x1700];
	v8 =	vadd.f32 v16, v13;
	(erf) = vpow2.f32 v3  }
0x471: {  	v13 =	vmul.f32 $1.442695020e+00, v7;
	v7 =	vadd.f32 v12, v15  }
0x472: {  	v3 =	vadd.f32 v11, v18;
	v11 =	vsub.f32 $0.0e+00, v8  }
0x473: {  	v9 =	vadd.f32 v19, v10;
	v10 =	vsub.f32 $0.0e+00, v7;
	(erf) = vpow2.f32 v13  }
0x474: {  	v6 =	vadd.f32 v14, v6;
	v12 =	vsub.f32 $0.0e+00, v3;
	v11 =	vmul.f32 $1.442695020e+00, v11  }
0x475: {  	v2 =	vadd.f32 v17, v2;
	v13 =	vsub.f32 $0.0e+00, v9;
	v10 =	vmul.f32 $1.442695020e+00, v10  }
0x476: {  	v14 =	vsub.f32 $0.0e+00, v6;
	v15 =	vmul.f32 $1.442695020e+00, v12;
	(erf) = vpow2.f32 v11  }
0x477: {  	v11 =	vsub.f32 $0.0e+00, v2;
	v13 =	vmul.f32 $1.442695020e+00, v13;
	(erf) = vpow2.f32 v10  }
0x478: {  	v10 =	vmul.f32 $1.442695020e+00, v14;
	(erf) = vpow2.f32 v15  }
0x479: {  	v11 =	vmul.f32 $1.442695020e+00, v11;
	(erf) = vpow2.f32 v13;
	v12 =	vpop (erf)  }
0x47a: {  	v12 =	vadd.f32 $1.000000000e+00, v12;
	(erf) = vpow2.f32 v10  }
0x47b: {  	(erf) = vpow2.f32 v11  }
0x47c: {  	v10 =	vpop (erf);
	(erf) = vrcp.f32 v12  }
.Ltmp10:
0x47d: {  	v11 =	vadd.f32 $1.000000000e+00, v10;
	(pc) =	sbr.rel @p1 .LBB2_17-.Ltmp10, $4  }
0x47e: {  	_ = 	snop  }
0x47f: {  	(erf) = vrcp.f32 v11;
	v10 =	vpop (erf)  }
0x480: {  	v11 =	vadd.f32 $1.000000000e+00, v10;
	v10 =	vpop (erf)  }
0x481: {  	v10 =	vadd.f32 $1.000000000e+00, v10;
	v12 =	vpop (erf)  }
0x482: {  	v13 =	vpop (erf);
	(erf) = vrcp.f32 v11;
	v12 =	vadd.f32 $1.000000000e+00, v12  }
0x483: {  	v14 =	vpop (erf);
	(erf) = vrcp.f32 v10  }
0x484: {  	v60 =	vpop (erf);
	(erf) = vrcp.f32 v12;
	_ =	sdelay $0x1  }
0x485: {  	s20 =	sshra.s32 s20, $0x2;
	v13 =	vadd.f32 $1.000000000e+00, v13  }
0x486: {  	v59 =	vld [tilespmem:s20+$0x3F20];
	v63 =	vadd.f32 $1.000000000e+00, v14  }
0x487: {  	v15 =	vld [tilespmem:s20+$0x3F40];
	(erf) = vrcp.f32 v13  }
0x488: {  	v16 =	vld [tilespmem:s20+$0x3F60];
	v17 =	vpop (erf);
	v10 =	vadd.f32 $1.000000000e+00, v60;
	(erf) = vrcp.f32 v63  }
0x489: {  	v18 =	vld [tilespmem:s20+$0x3F70];
	v4 =	vmul.f32 v17, v4;
	v19 =	vpop (erf)  }
0x48a: {  	v61 =	vld [tilespmem:s20+$0x3F50];
	v20 =	vmul.f32 v19, v5;
	v22 =	vpop (erf);
	(erf) = vrcp.f32 v10  }
0x48b: {  	v62 =	vld [tilespmem:s20+$0x3F10];
	[tilespmem:s1+$0x1750] =	vst v4;
	v25 =	vpop (erf)  }
0x48c: {  	v21 =	vld [tilespmem:s20+$0x1750];
	[tilespmem:s1+$0x1740] =	vst v20;
	v27 =	vpop (erf)  }
0x48d: {  	v23 =	vld [tilespmem:s20+$0x1740];
	v4 =	vmul.f32 v22, v8;
	v3 =	vmul.f32 v27, v3  }
0x48e: {  	v24 =	vld [tilespmem:s20+$0x3F00];
	v7 =	vmul.f32 v25, v7  }
0x48f: {  	v26 =	vld [tilespmem:s20+$0x3F30];
	[tilespmem:s1+$0x1770] =	vst v4  }
0x490: {  	v29 =	vpop (erf);
	v28 =	vld [tilespmem:s20+$0x1770];
	[tilespmem:s1+$0x1760] =	vst v7  }
0x491: {  	v4 =	vmul.f32 v29, v9;
	v7 =	vld [tilespmem:s20+$0x1760];
	[tilespmem:s1+$0x1720] =	vst v3;
	v3 =	vpop (erf)  }
0x492: {  	v31 =	vadd.f32 v61, v21;
	v3 =	vmul.f32 v3, v6  }
0x493: {  	v30 =	vld [tilespmem:s20+$0x1720];
	[tilespmem:s1+$0x1730] =	vst v4;
	v32 =	vpop (erf)  }
0x494: {  	v33 =	vld [tilespmem:s20+$0x1730];
	v2 =	vmul.f32 v32, v2;
	[tilespmem:s1+$0x1710] =	vst v3;
	v3 =	vsub.f32 $0.0e+00, v31  }
0x495: {  	v34 =	vadd.f32 v15, v23  }
0x496: {  	v10 =	vadd.f32 v18, v28;
	v35 =	vld [tilespmem:s20+$0x1710];
	[tilespmem:s1+$0x1700] =	vst v2;
	v2 =	vmul.f32 $1.442695020e+00, v3  }
0x497: {  	v13 =	vsub.f32 $0.0e+00, v34;
	v7 =	vadd.f32 v16, v7  }
0x498: {  	v36 =	vsub.f32 $0.0e+00, v10;
	v3 =	vld [tilespmem:s20+$0x1700];
	(erf) = vpow2.f32 v2;
	v2 =	vadd.f32 v59, v30  }
0x499: {  	v13 =	vmul.f32 $1.442695020e+00, v13;
	v37 =	vsub.f32 $0.0e+00, v7  }
0x49a: {  	v9 =	vmul.f32 $1.442695020e+00, v36;
	v38 =	vsub.f32 $0.0e+00, v2  }
0x49b: {  	v6 =	vadd.f32 v26, v33;
	v11 =	vmul.f32 $1.442695020e+00, v37;
	(erf) = vpow2.f32 v13  }
0x49c: {  	v5 =	vadd.f32 v62, v35;
	(erf) = vpow2.f32 v9;
	v13 =	vmul.f32 $1.442695020e+00, v38  }
0x49d: {  	v39 =	vsub.f32 $0.0e+00, v6;
	(erf) = vpow2.f32 v11;
	v3 =	vadd.f32 v24, v3  }
0x49e: {  	v40 =	vsub.f32 $0.0e+00, v5;
	(erf) = vpow2.f32 v13  }
0x49f: {  	v8 =	vmul.f32 $1.442695020e+00, v39;
	v41 =	vsub.f32 $0.0e+00, v3  }
0x4a0: {  	v42 =	vmul.f32 $1.442695020e+00, v40  }
0x4a1: {  	(erf) = vpow2.f32 v8;
	v9 =	vmul.f32 $1.442695020e+00, v41  }
0x4a2: {  	(erf) = vpow2.f32 v42  }
0x4a3: {  	v43 =	vpop (erf);
	(erf) = vpow2.f32 v9  }
0x4a4: {  	v8 =	vadd.f32 $1.000000000e+00, v43;
	v44 =	vpop (erf)  }
0x4a5: {  	v9 =	vadd.f32 $1.000000000e+00, v44;
	v45 =	vpop (erf)  }
0x4a6: {  	(erf) = vrcp.f32 v8;
	v46 =	vadd.f32 $1.000000000e+00, v45;
	v47 =	vpop (erf)  }
0x4a7: {  	(erf) = vrcp.f32 v9;
	v48 =	vadd.f32 $1.000000000e+00, v47;
	v49 =	vpop (erf)  }
0x4a8: {  	(erf) = vrcp.f32 v46;
	v11 =	vadd.f32 $1.000000000e+00, v49  }
0x4a9: {  	(erf) = vrcp.f32 v48  }
0x4aa: {  	v50 =	vpop (erf);
	(erf) = vrcp.f32 v11  }
0x4ab: {  	v51 =	vadd.f32 $1.000000000e+00, v50;
	v52 =	vpop (erf)  }
0x4ac: {  	v53 =	vadd.f32 $1.000000000e+00, v52;
	v54 =	vpop (erf)  }
0x4ad: {  	(erf) = vrcp.f32 v51;
	v55 =	vadd.f32 $1.000000000e+00, v54  }
0x4ae: {  	(erf) = vrcp.f32 v53  }
0x4af: {  	v56 =	vpop (erf);
	(erf) = vrcp.f32 v55  }
0x4b0: {  	v57 =	vpop (erf)  }
0x4b1: {  	v58 =	vpop (erf)  }
0x4b2: {  	v4 =	vmul.f32 v56, v31;
	v60 =	vpop (erf)  }
0x4b3: {  	v8 =	vmul.f32 v57, v34;
	v61 =	vpop (erf)  }
0x4b4: {  	[tilespmem:s20+$0x1750] =	vst v4;
	v59 =	vmul.f32 v58, v10;
	v2 =	vmul.f32 v61, v2  }
0x4b5: {  	[tilespmem:s20+$0x1740] =	vst v8;
	v7 =	vmul.f32 v60, v7  }
0x4b6: {  	[tilespmem:s20+$0x1770] =	vst v59;
	v62 =	vpop (erf)  }
0x4b7: {  	[tilespmem:s20+$0x1760] =	vst v7;
	v4 =	vmul.f32 v62, v6;
	v63 =	vpop (erf)  }
0x4b8: {  	v5 =	vmul.f32 v63, v5;
	[tilespmem:s20+$0x1720] =	vst v2;
	v2 =	vpop (erf)  }
0x4b9: {  	[tilespmem:s20+$0x1730] =	vst v4;
	v2 =	vmul.f32 v2, v3  }
0x4ba: {  	[tilespmem:s20+$0x1710] =	vst v5  }
0x4bb: {  	[tilespmem:s20+$0x1700] =	vst v2  }
0x4bc: {  	_ =	swait.ge [sflag:s9], $0x1400  }
0x4bd: {  	[sflag:s9] =	ssyncset.done $0x0  }
0x4be: {  	[sflag:s9] =	ssyncadd.s32 $0xFFFFEC00  }
0x4bf: {  	_ =	swait.ge [sflag:s9], $0x28  }
0x4c0: {  	[sflag:s9] =	ssyncset.done $0x0  }
0x4c1: {  	s20 =	simm.s32 $0x1700;
	[sflag:s9] =	ssyncadd.s32 $0xFFFFFFD8  }
0x4c2: {  	[spmem:s2] =	stream.indirect.scatter.add.f32 [tilespmem:s20], [sflag:$0x7], $0x80, s11, s13, $0xb8;
	[tilespmem:$0x1F080] =	vst v63  }
0x4c3: {  	_ = 	snop  }
0x4c4: {  	[spmem:s3] =	stream.indirect.scatter.add.f32 [tilespmem:s8], [sflag:$0x7], $0x1, s11, s13, $0xb8;
	[tilespmem:$0x1F080] =	vst v63  }
0x4c5: {  	_ =	swait.ge [sflag:s9], $0x1400  }
0x4c6: {  	[sflag:s9] =	ssyncset.done $0x0  }
0x4c7: {  	[sflag:s9] =	ssyncadd.s32 $0xFFFFEC00  }
0x4c8: {  	_ =	swait.ge [sflag:s9], $0x28  }
0x4c9: {  	[sflag:s9] =	ssyncset.done $0x0  }
0x4ca: {  	s23 =	stileid.u32;
	[sflag:s9] =	ssyncadd.s32 $0xFFFFFFD8  }
0x4cb: {  	s1 =	sshll.u32 s23, $0x6;
	[bflag:$0x0] =	sbarrier.arrive $0xFFFF  }
0x4cc: {  	s25 =	sshrl.u32 s29, $0x3;
	s1 =	sor.u32 $0x1C09, s1;
	s23 =	rddreg [dreg:$0x1a]  }
0x4cd: {  	[hbm:s23], [sflag:s1] =	dma.local [spmem:s25], $0x2800  }
.Ltmp11:
0x4ce: {  	s30 =	simm.s32 $0x9;
	(pc) =	sbr.rel @p0 .LBB2_22-.Ltmp11, $4  }
0x4cf: {  	_ =	swait.ge [sflag:s30], $0x2800  }
0x4d0: {  	s20 =	sld [smem:$0x7DD]  }
0x4d1: {  	[sflag:s30] =	ssyncset.done $0x0  }
0x4d2: {  	[sflag:s30] =	ssyncadd.s32 $0xFFFFD800  }
0x4d3: {  	s1 =	rddreg [dreg:$0xb];
	s20 =	simm.s32 $0xAB80;
	s30 =	simm.s32 $0x9  }
0x4d4: {  	[tilespmem:s20], [sflag:$0x9] =	stream.linear.gather [spmem:s1], $0x280, $0x38;
	[tilespmem:$0x1F080] =	vst v63  }
0x4d5: {  	_ =	swait.ge [sflag:s30], $0x280  }
0x4d6: {  	[sflag:s30] =	ssyncset.done $0x0  }
0x4d7: {  	s1 =	simm.s32 $0x0;
	s20 =	simm.s32 $0x40;
	[sflag:s30] =	ssyncadd.s32 $0xFFFFFD80  }
.LBB2_20:
0x4d8: {  	p1 =	sne.s32 s20, $0x9C0;
	v2 =	vld [tilespmem:s1+$0xAB80];
	_ =	sdelay $0x4  }
0x4d9: {  	v2 =	vmax.f32 v2, $1.000000000e+00  }
0x4da: {  	(erf) = vrcp.f32 v2;
	_ =	sdelay $0x5  }
.Ltmp12:
0x4db: {  	(pc) =	sbr.rel @p1 .LBB2_20-.Ltmp12, $3  }
0x4dc: {  	_ =	sdelay $0x1  }
0x4dd: {  	v2 =	vpop (erf)  }
0x4de: {  	[tilespmem:s1+$0xAB80] =	vst v2;
	s1 =	sshra.s32 s20, $0x2;
	s20 =	sadd.s32 $0x40, s20  }
0x4df: {  	v2 =	vld [tilespmem:s1+$0xAB80];
	_ =	sdelay $0x4  }
0x4e0: {  	v2 =	vmax.f32 v2, $1.000000000e+00  }
0x4e1: {  	(erf) = vrcp.f32 v2;
	_ =	sdelay $0x8  }
0x4e2: {  	v2 =	vpop (erf)  }
0x4e3: {  	s25 =	rddreg [dreg:$0x1b];
	s20 =	simm.s32 $0xAB80;
	[tilespmem:s1+$0xAB80] =	vst v2  }
0x4e4: {  	[hbm4b:s25+s5] =	stream.linear.scatter [tilespmem:s20], [sflag:$0x9], $0x280, $0x38;
	[tilespmem:$0x1F080] =	vst v63  }
.Ltmp13:
0x4e5: {  	s30 =	simm.s32 $0x9;
	(pc) =	sbr.rel .LBB2_22-.Ltmp13, $4  }
0x4e6: {  	_ =	swait.ge [sflag:s30], $0x280  }
0x4e7: {  	s20 =	sld [smem:$0x7DD]  }
0x4e8: {  	[sflag:s30] =	ssyncset.done $0x0  }
0x4e9: {  	[sflag:s30] =	ssyncadd.s32 $0xFFFFFD80  }
.LBB2_23:
0x4ea: {  	_ =	sfence.sel $0x180000  }
0x4eb: {  	[bflag:$0x0] =	sbarrier.arrive $0xFFFF  }
0x4ec: {  	_ =	strace $0x90000047  }
0x4ed: {  	s0 =	stileid.u32;
	[bflag:$0x2] =	sbarrier.arrive $0xFFFF  }
0x4ee: {  	p0 =	sne.s32 s0, $0x0;
	s0 =	rddreg [dreg:$0x5]  }
0x4ef: {  	s0 =	sadd.s32 @!p0 $0x100000, s0  }
0x4f0: {  	[sflag:s0] =	ssyncadd.tile.s32 @!p0 $0x1;
	_ =	shalt  }
.Lfunc_end2:
_tile_overlayer_lowered:
.L_overlay_start_2:
0x4f1: {  	(tag) =	ssettag $0x2  }
0x4f2: {  	s0 =	rddreg [dreg:$0x0];
	s2 =	stileid.u32  }
0x4f3: {  	s1 =	rddreg [dreg:$0x1];
	p0 =	sne.s32 s2, $0x0  }
0x4f4: {  	s3 =	rddreg [dreg:$0x2];
	[bflag:$0x3] =	sbarrier.arrive $0xFFFF;
	s2 =	simm.s32 @!p0 $0x1C09  }
0x4f5: {  	[timem:s3], [sflag:s2] =	dma.local @!p0 [hbm:s0], s1  }
0x4f6: {  	s0 =	simm.s32 @!p0 $0x9  }
0x4f7: {  	_ =	swait.ge @!p0 [sflag:s0], s1  }
0x4f8: {  	s1 =	ssub.s32 @!p0 $0x0, s1;
	[sflag:s0] =	ssyncset.done @!p0 $0x0  }
0x4f9: {  	[sflag:s0] =	ssyncadd.s32 @!p0 s1  }
0x4fa: {  	[bflag:$0x3] =	sbarrier.arrive $0xFFFF  }
0x4fb: {  	_ =	shalt  }

</sc_bundles>
